<compile_context>
chip_gen: v7x
topology: tpu7x:2x2x1
jax: 0.10.2.dev20260603
libtpu: 0.0.44.dev20260713+nightly
codegen_flags: <defaults>
</compile_context>

<pallas_src>
import functools

import jax
import jax.numpy as jnp
from jax import lax
from jax.experimental import pallas as pl
from jax.experimental.pallas import tpu as pltpu
from jax.experimental.pallas import tpu_sc as plsc

N_NODES = 10000
D_FEAT = 128
UNITS = 128
N_EDGES = 320000

NC = 2
NS = 16
H = UNITS // NC

E_PER_TILE = N_EDGES // NS
CH = 128
N_CHUNKS = E_PER_TILE // CH
CT = E_PER_TILE - N_CHUNKS * CH
NBUF = 6
R_PER_TILE = 624
R_TAIL = N_NODES - NS * R_PER_TILE
RB = 48


def _mm_body(x_ref, w_ref, o0_ref, o1_ref):
    xw = jnp.dot(x_ref[...], w_ref[...], preferred_element_type=jnp.float32)
    o0_ref[...] = xw[:, :H].astype(jnp.bfloat16)
    o1_ref[...] = xw[:, H:].astype(jnp.bfloat16)


_matmul = pl.pallas_call(
    _mm_body,
    grid=(10,),
    in_specs=[
        pl.BlockSpec((1000, D_FEAT), lambda i: (i, 0)),
        pl.BlockSpec((D_FEAT, UNITS), lambda i: (0, 0)),
    ],
    out_specs=[
        pl.BlockSpec((1000, H), lambda i: (i, 0)),
        pl.BlockSpec((1000, H), lambda i: (i, 0)),
    ],
    out_shape=[
        jax.ShapeDtypeStruct((N_NODES, H), jnp.bfloat16),
        jax.ShapeDtypeStruct((N_NODES, H), jnp.bfloat16),
    ],
)


_sc_mesh = plsc.VectorSubcoreMesh(core_axis_name="c", subcore_axis_name="s")


@functools.partial(
    pl.kernel,
    out_type=jax.ShapeDtypeStruct((N_NODES, UNITS), jnp.bfloat16),
    mesh=_sc_mesh,
    scratch_types=[
        pltpu.VMEM((E_PER_TILE,), jnp.int32),
        [pltpu.VMEM((CH,), jnp.int32) for _ in range(NBUF)],
        [pltpu.VMEM((CH, H), jnp.bfloat16) for _ in range(NBUF)],
        pltpu.VMEM((CT,), jnp.int32),
        pltpu.VMEM((CT, H), jnp.bfloat16),
        pltpu.VMEM((H,), jnp.bfloat16),
        pltpu.VMEM((RB, H), jnp.bfloat16),
        pltpu.VMEM_SHARED((N_NODES, H), jnp.bfloat16),
        [pltpu.SemaphoreType.DMA for _ in range(NBUF)],
        [pltpu.SemaphoreType.DMA for _ in range(NBUF)],
        [pltpu.SemaphoreType.DMA for _ in range(NBUF)],
    ],
    compiler_params=pltpu.CompilerParams(use_tc_tiling_on_sc=False),
)
def _sc_agg(xw0, xw1, ei_hbm, b_hbm, out_hbm,
            sidx_all, didxbufs, rowbufs, didx_t, rows_t, bvec, bblk, acc,
            gsems, dsems, ssems):
    c = lax.axis_index("c")
    s = lax.axis_index("s")

    pltpu.sync_copy(b_hbm.at[pl.ds(c * H, H)], bvec)
    for j in range(H // 32):
        v = bvec[pl.ds(j * 32, 32)]

        def fill(i, carry, v=v, j=j):
            bblk[i, pl.ds(j * 32, 32)] = v
            return carry

        lax.fori_loop(0, RB, fill, 0)
    for k in range(R_PER_TILE // RB):
        pltpu.sync_copy(bblk, acc.at[pl.ds(s * R_PER_TILE + k * RB, RB)])

    @pl.when(s == NS - 1)
    def _():
        pltpu.sync_copy(bblk.at[pl.ds(0, R_TAIL)],
                        acc.at[pl.ds(NS * R_PER_TILE, R_TAIL)])

    plsc.subcore_barrier()

    def _process(xw_ref):
        pltpu.sync_copy(ei_hbm.at[0, pl.ds(s * E_PER_TILE, E_PER_TILE)],
                        sidx_all)

        def issue_gather(ci, b):
            pltpu.async_copy(
                ei_hbm.at[1, pl.ds(s * E_PER_TILE + ci * CH, CH)],
                didxbufs[b], dsems[b])
            pltpu.async_copy(
                xw_ref.at[sidx_all.at[pl.ds(ci * CH, CH)]],
                rowbufs[b], gsems[b])

        def wait_gather(b):
            pltpu.make_async_copy(ei_hbm.at[1, pl.ds(0, CH)],
                                  didxbufs[b], dsems[b]).wait()
            pltpu.make_async_copy(
                xw_ref.at[sidx_all.at[pl.ds(0, CH)]],
                rowbufs[b], gsems[b]).wait()

        def issue_scatter(ci, b):
            pltpu.async_copy(rowbufs[b], acc.at[didxbufs[b]],
                             ssems[b], add=True)

        def wait_scatter(b):
            pltpu.make_async_copy(rowbufs[b], acc.at[didxbufs[b]],
                                  ssems[b]).wait()

        M = 4

        def stepfn(ci, b, do_swait, do_gissue):
            wait_gather(b)
            issue_scatter(ci, b)
            if do_gissue:
                bg = (b + M) % NBUF
                if do_swait:
                    wait_scatter(bg)
                issue_gather(ci + M, bg)

        for b in range(M):
            issue_gather(b, b)
        for b in range(NBUF):
            stepfn(b, b, do_swait=(b + M >= NBUF), do_gissue=True)

        def body(r, carry):
            for b in range(NBUF):
                stepfn(NBUF * r + b, b, do_swait=True, do_gissue=True)
            return carry

        lax.fori_loop(1, N_CHUNKS // NBUF - 1, body, 0)
        base = N_CHUNKS - NBUF
        for b in range(NBUF):
            stepfn(base + b, b, do_swait=True,
                   do_gissue=(base + b + M <= N_CHUNKS - 1))
        for b in range(NBUF):
            wait_scatter(b)

        pltpu.sync_copy(
            ei_hbm.at[1, pl.ds(s * E_PER_TILE + N_CHUNKS * CH, CT)],
            didx_t)
        pltpu.async_copy(
            xw_ref.at[sidx_all.at[pl.ds(N_CHUNKS * CH, CT)]],
            rows_t, gsems[0]).wait()
        pltpu.sync_copy(rows_t, acc.at[didx_t], add=True)

    @pl.when(c == 0)
    def _():
        _process(xw0)

    @pl.when(c == 1)
    def _():
        _process(xw1)

    plsc.subcore_barrier()
    r0 = s * R_PER_TILE
    pltpu.sync_copy(
        acc.at[pl.ds(r0, R_PER_TILE)],
        out_hbm.at[pl.ds(r0, R_PER_TILE), pl.ds(c * H, H)],
    )

    @pl.when(s == NS - 1)
    def _():
        pltpu.sync_copy(
            acc.at[pl.ds(NS * R_PER_TILE, R_TAIL)],
            out_hbm.at[pl.ds(NS * R_PER_TILE, R_TAIL), pl.ds(c * H, H)],
        )


def kernel(x, edge_index, W, b):
    ei = edge_index.astype(jnp.int32)
    xw0, xw1 = _matmul(x, W)
    out16 = _sc_agg(xw0, xw1, ei, b.astype(jnp.bfloat16))
    return out16.astype(jnp.float32)

# --- scband reference (transcript-rebuilt; emitter-appended) ---
"""Pipeline reference for scband-graph-convolution-57690000720131 (READ-ONLY COPY).

The authoritative reference and input builder live on the scoring server;
editing this copy changes nothing except your own understanding.
"""

import jax, jax.numpy as jnp
import numpy as np

N_NODES = 10000
N_EDGES = 320000
D_FEAT = 128
UNITS = 128

def setup_inputs(seed: int = 0) -> dict:
    key = jax.random.key(seed)
    k1, k2, k3, k4 = jax.random.split(key, 4)
    x = jax.random.normal(k1, (N_NODES, D_FEAT), dtype=jnp.float32)
    edge_index = jax.random.randint(k2, (2, N_EDGES), 0, N_NODES, dtype=jnp.int64)
    # glorot uniform kernel for support=1
    limit = float(np.sqrt(6.0 / (D_FEAT + UNITS)))
    W = jax.random.uniform(k3, (D_FEAT, UNITS), dtype=jnp.float32, minval=-limit, maxval=limit)
    b = jnp.zeros((UNITS,), dtype=jnp.float32)
    return {"x": x, "edge_index": edge_index, "W": W, "b": b}

def reference(x, edge_index, W, b):
    # GraphConvolution (Kipf & Welling, support=1):
    # out = A @ (X @ W) + b, with sparse adjacency given as edge list.
    xw = x @ W  # [N, units]
    src = edge_index[0]
    dst = edge_index[1]
    gathered = jnp.take(xw, src, axis=0)  # [E, units]
    aggregated = jnp.zeros((x.shape[0], W.shape[1]), dtype=xw.dtype).at[dst].add(gathered)
    out = aggregated + b  # use_bias=True, activation=None (linear)
    return out

if __name__ == "__main__":
    import jax
    _d = setup_inputs()
    print(jax.jit(kernel)(*tuple(_d.values())))

</pallas_src>

<mosaic_0001>
#map = affine_map<(d0, d1) -> (0, 0)>
#map1 = affine_map<(d0, d1) -> (0)>
module attributes {stable_mosaic.version = 14 : i64} {
  func.func @_sc_agg(%arg0: i32, %arg1: i32, %arg2: memref<10000x64xbf16, #tpu.memory_space<hbm>>, %arg3: memref<10000x64xbf16, #tpu.memory_space<hbm>>, %arg4: memref<2x320000xi32, #tpu.memory_space<hbm>>, %arg5: memref<128xbf16, #tpu.memory_space<hbm>>, %arg6: memref<10000x128xbf16, #tpu.memory_space<hbm>>, %arg7: memref<20000xi32, #tpu.memory_space<vmem>>, %arg8: memref<128xi32, #tpu.memory_space<vmem>>, %arg9: memref<128xi32, #tpu.memory_space<vmem>>, %arg10: memref<128xi32, #tpu.memory_space<vmem>>, %arg11: memref<128xi32, #tpu.memory_space<vmem>>, %arg12: memref<128xi32, #tpu.memory_space<vmem>>, %arg13: memref<128xi32, #tpu.memory_space<vmem>>, %arg14: memref<128x64xbf16, #tpu.memory_space<vmem>>, %arg15: memref<128x64xbf16, #tpu.memory_space<vmem>>, %arg16: memref<128x64xbf16, #tpu.memory_space<vmem>>, %arg17: memref<128x64xbf16, #tpu.memory_space<vmem>>, %arg18: memref<128x64xbf16, #tpu.memory_space<vmem>>, %arg19: memref<128x64xbf16, #tpu.memory_space<vmem>>, %arg20: memref<32xi32, #tpu.memory_space<vmem>>, %arg21: memref<32x64xbf16, #tpu.memory_space<vmem>>, %arg22: memref<64xbf16, #tpu.memory_space<vmem>>, %arg23: memref<48x64xbf16, #tpu.memory_space<vmem>>, %arg24: memref<10000x64xbf16, #tpu.memory_space<vmem_shared>>, %arg25: memref<!tpu.dma_semaphore, #tpu.memory_space<semaphore_mem>>, %arg26: memref<!tpu.dma_semaphore, #tpu.memory_space<semaphore_mem>>, %arg27: memref<!tpu.dma_semaphore, #tpu.memory_space<semaphore_mem>>, %arg28: memref<!tpu.dma_semaphore, #tpu.memory_space<semaphore_mem>>, %arg29: memref<!tpu.dma_semaphore, #tpu.memory_space<semaphore_mem>>, %arg30: memref<!tpu.dma_semaphore, #tpu.memory_space<semaphore_mem>>, %arg31: memref<!tpu.dma_semaphore, #tpu.memory_space<semaphore_mem>>, %arg32: memref<!tpu.dma_semaphore, #tpu.memory_space<semaphore_mem>>, %arg33: memref<!tpu.dma_semaphore, #tpu.memory_space<semaphore_mem>>, %arg34: memref<!tpu.dma_semaphore, #tpu.memory_space<semaphore_mem>>, %arg35: memref<!tpu.dma_semaphore, #tpu.memory_space<semaphore_mem>>, %arg36: memref<!tpu.dma_semaphore, #tpu.memory_space<semaphore_mem>>, %arg37: memref<!tpu.dma_semaphore, #tpu.memory_space<semaphore_mem>>, %arg38: memref<!tpu.dma_semaphore, #tpu.memory_space<semaphore_mem>>, %arg39: memref<!tpu.dma_semaphore, #tpu.memory_space<semaphore_mem>>, %arg40: memref<!tpu.dma_semaphore, #tpu.memory_space<semaphore_mem>>, %arg41: memref<!tpu.dma_semaphore, #tpu.memory_space<semaphore_mem>>, %arg42: memref<!tpu.dma_semaphore, #tpu.memory_space<semaphore_mem>>) attributes {dimension_semantics = [#tpu.dimension_semantics<core_parallel>, #tpu.dimension_semantics<subcore_parallel>], iteration_bounds = array<i64: 2, 16>, scalar_prefetch = 0 : i64, scratch_operands = 36 : i64, tpu.core_type = #tpu.core_type<sc_vector_subcore>, window_params = [{transform_indices = #map}, {transform_indices = #map}, {transform_indices = #map}, {transform_indices = #map1}, {transform_indices = #map}]} {
    %mul3A = arith.constant 64 : i32
    %mul3A_0 = arith.muli %arg0, %mul3A : i32
    "tpu.region"() ({
      %run_scoped3A = tpu.sem_alloc : memref<!tpu.dma_semaphore, #tpu.memory_space<semaphore_mem>>
      %dma_start3A = tpu.memref_slice %arg5[%mul3A_0] : memref<128xbf16, #tpu.memory_space<hbm>> -> memref<64xbf16, #tpu.memory_space<hbm>>
      %dma_start3A_90 = tpu.memref_slice %arg5[%mul3A_0] : memref<128xbf16, #tpu.memory_space<hbm>> -> memref<64xbf16, #tpu.memory_space<hbm>>
      tpu.enqueue_dma source(%dma_start3A_90 : memref<64xbf16, #tpu.memory_space<hbm>>) target(%arg22 : memref<64xbf16, #tpu.memory_space<vmem>>) target_semaphore(%run_scoped3A : memref<!tpu.dma_semaphore, #tpu.memory_space<semaphore_mem>>)
      %dma_wait3A = tpu.memref_slice %arg5[%mul3A_0] : memref<128xbf16, #tpu.memory_space<hbm>> -> memref<64xbf16, #tpu.memory_space<hbm>>
      %dma_wait3A_91 = tpu.memref_slice %arg5[%mul3A_0] : memref<128xbf16, #tpu.memory_space<hbm>> -> memref<64xbf16, #tpu.memory_space<hbm>>
      tpu.wait_dma2 semaphore(%run_scoped3A : memref<!tpu.dma_semaphore, #tpu.memory_space<semaphore_mem>>) src(%dma_wait3A_91 : memref<64xbf16, #tpu.memory_space<hbm>>) dst(%arg22 : memref<64xbf16, #tpu.memory_space<vmem>>)
      tpu.yield
    }) : () -> ()
    %get3A = arith.constant 0 : index
    %get3A_1 = tpu.vector_load %arg22[%get3A] {strides = array<i32>} : memref<64xbf16, #tpu.memory_space<vmem>>, vector<32xbf16>,
    %get3A_2 = vector.shape_cast %get3A_1 : vector<32xbf16> to vector<32xbf16>
    %scan3A = arith.constant 0 : i32
    %scan3A_3 = arith.constant 0 : i32
    %scan3A_4 = arith.constant 48 : i32
    %scan3A_5 = arith.addi %scan3A_3, %scan3A_4 : i32
    %scan3A_6 = arith.constant 1 : i32
    scf.for %scan3A_90 = %scan3A_3 to %scan3A_5 step %scan3A_6  : i32 {
      %swap3A = arith.index_cast %scan3A_90 : i32 to index
      %swap3A_91 = arith.constant 0 : index
      %swap3A_92 = tpu.vector_load %arg23[%swap3A, %swap3A_91] {strides = array<i32>} : memref<48x64xbf16, #tpu.memory_space<vmem>>, vector<1x32xbf16>,
      %swap3A_93 = vector.shape_cast %swap3A_92 : vector<1x32xbf16> to vector<32xbf16>
      %swap3A_94 = vector.shape_cast %get3A_2 : vector<32xbf16> to vector<1x32xbf16>
      tpu.vector_store %arg23[%swap3A, %swap3A_91], %swap3A_94 {strides = array<i32>} : memref<48x64xbf16, #tpu.memory_space<vmem>>, vector<1x32xbf16>,
    }
    %scan3A_7 = arith.constant 48 : i32
    %get3A_8 = arith.constant 32 : index
    %get3A_9 = tpu.vector_load %arg22[%get3A_8] {strides = array<i32>} : memref<64xbf16, #tpu.memory_space<vmem>>, vector<32xbf16>,
    %get3A_10 = vector.shape_cast %get3A_9 : vector<32xbf16> to vector<32xbf16>
    %scan3A_11 = arith.constant 0 : i32
    %scan3A_12 = arith.constant 0 : i32
    %scan3A_13 = arith.constant 48 : i32
    %scan3A_14 = arith.addi %scan3A_12, %scan3A_13 : i32
    %scan3A_15 = arith.constant 1 : i32
    scf.for %scan3A_90 = %scan3A_12 to %scan3A_14 step %scan3A_15  : i32 {
      %swap3A = arith.index_cast %scan3A_90 : i32 to index
      %swap3A_91 = arith.constant 32 : index
      %swap3A_92 = tpu.vector_load %arg23[%swap3A, %swap3A_91] {strides = array<i32>} : memref<48x64xbf16, #tpu.memory_space<vmem>>, vector<1x32xbf16>,
      %swap3A_93 = vector.shape_cast %swap3A_92 : vector<1x32xbf16> to vector<32xbf16>
      %swap3A_94 = vector.shape_cast %get3A_10 : vector<32xbf16> to vector<1x32xbf16>
      tpu.vector_store %arg23[%swap3A, %swap3A_91], %swap3A_94 {strides = array<i32>} : memref<48x64xbf16, #tpu.memory_space<vmem>>, vector<1x32xbf16>,
    }
    %scan3A_16 = arith.constant 48 : i32
    %mul3A_17 = arith.constant 624 : i32
    %mul3A_18 = arith.muli %arg1, %mul3A_17 : i32
    %add3A = arith.constant 0 : i32
    %add3A_19 = arith.addi %mul3A_18, %add3A : i32
    "tpu.region"() ({
      %run_scoped3A = tpu.sem_alloc : memref<!tpu.dma_semaphore, #tpu.memory_space<semaphore_mem>>
      %dma_start3A = arith.constant 0 : i32
      %dma_start3A_90 = tpu.memref_slice %arg24[%add3A_19, %dma_start3A] : memref<10000x64xbf16, #tpu.memory_space<vmem_shared>> -> memref<48x64xbf16, #tpu.memory_space<vmem_shared>>
      %dma_start3A_91 = arith.constant 0 : i32
      %dma_start3A_92 = tpu.memref_slice %arg24[%add3A_19, %dma_start3A_91] : memref<10000x64xbf16, #tpu.memory_space<vmem_shared>> -> memref<48x64xbf16, #tpu.memory_space<vmem_shared>>
      tpu.enqueue_dma source(%arg23 : memref<48x64xbf16, #tpu.memory_space<vmem>>) target(%dma_start3A_92 : memref<48x64xbf16, #tpu.memory_space<vmem_shared>>) target_semaphore(%run_scoped3A : memref<!tpu.dma_semaphore, #tpu.memory_space<semaphore_mem>>)
      %dma_wait3A = arith.constant 0 : i32
      %dma_wait3A_93 = tpu.memref_slice %arg24[%add3A_19, %dma_wait3A] : memref<10000x64xbf16, #tpu.memory_space<vmem_shared>> -> memref<48x64xbf16, #tpu.memory_space<vmem_shared>>
      %dma_wait3A_94 = arith.constant 0 : i32
      %dma_wait3A_95 = tpu.memref_slice %arg24[%add3A_19, %dma_wait3A_94] : memref<10000x64xbf16, #tpu.memory_space<vmem_shared>> -> memref<48x64xbf16, #tpu.memory_space<vmem_shared>>
      tpu.wait_dma2 semaphore(%run_scoped3A : memref<!tpu.dma_semaphore, #tpu.memory_space<semaphore_mem>>) src(%arg23 : memref<48x64xbf16, #tpu.memory_space<vmem>>) dst(%dma_wait3A_95 : memref<48x64xbf16, #tpu.memory_space<vmem_shared>>)
      tpu.yield
    }) : () -> ()
    %mul3A_20 = arith.constant 624 : i32
    %mul3A_21 = arith.muli %arg1, %mul3A_20 : i32
    %add3A_22 = arith.constant 48 : i32
    %add3A_23 = arith.addi %mul3A_21, %add3A_22 : i32
    "tpu.region"() ({
      %run_scoped3A = tpu.sem_alloc : memref<!tpu.dma_semaphore, #tpu.memory_space<semaphore_mem>>
      %dma_start3A = arith.constant 0 : i32
      %dma_start3A_90 = tpu.memref_slice %arg24[%add3A_23, %dma_start3A] : memref<10000x64xbf16, #tpu.memory_space<vmem_shared>> -> memref<48x64xbf16, #tpu.memory_space<vmem_shared>>
      %dma_start3A_91 = arith.constant 0 : i32
      %dma_start3A_92 = tpu.memref_slice %arg24[%add3A_23, %dma_start3A_91] : memref<10000x64xbf16, #tpu.memory_space<vmem_shared>> -> memref<48x64xbf16, #tpu.memory_space<vmem_shared>>
      tpu.enqueue_dma source(%arg23 : memref<48x64xbf16, #tpu.memory_space<vmem>>) target(%dma_start3A_92 : memref<48x64xbf16, #tpu.memory_space<vmem_shared>>) target_semaphore(%run_scoped3A : memref<!tpu.dma_semaphore, #tpu.memory_space<semaphore_mem>>)
      %dma_wait3A = arith.constant 0 : i32
      %dma_wait3A_93 = tpu.memref_slice %arg24[%add3A_23, %dma_wait3A] : memref<10000x64xbf16, #tpu.memory_space<vmem_shared>> -> memref<48x64xbf16, #tpu.memory_space<vmem_shared>>
      %dma_wait3A_94 = arith.constant 0 : i32
      %dma_wait3A_95 = tpu.memref_slice %arg24[%add3A_23, %dma_wait3A_94] : memref<10000x64xbf16, #tpu.memory_space<vmem_shared>> -> memref<48x64xbf16, #tpu.memory_space<vmem_shared>>
      tpu.wait_dma2 semaphore(%run_scoped3A : memref<!tpu.dma_semaphore, #tpu.memory_space<semaphore_mem>>) src(%arg23 : memref<48x64xbf16, #tpu.memory_space<vmem>>) dst(%dma_wait3A_95 : memref<48x64xbf16, #tpu.memory_space<vmem_shared>>)
      tpu.yield
    }) : () -> ()
    %mul3A_24 = arith.constant 624 : i32
    %mul3A_25 = arith.muli %arg1, %mul3A_24 : i32
    %add3A_26 = arith.constant 96 : i32
    %add3A_27 = arith.addi %mul3A_25, %add3A_26 : i32
    "tpu.region"() ({
      %run_scoped3A = tpu.sem_alloc : memref<!tpu.dma_semaphore, #tpu.memory_space<semaphore_mem>>
      %dma_start3A = arith.constant 0 : i32
      %dma_start3A_90 = tpu.memref_slice %arg24[%add3A_27, %dma_start3A] : memref<10000x64xbf16, #tpu.memory_space<vmem_shared>> -> memref<48x64xbf16, #tpu.memory_space<vmem_shared>>
      %dma_start3A_91 = arith.constant 0 : i32
      %dma_start3A_92 = tpu.memref_slice %arg24[%add3A_27, %dma_start3A_91] : memref<10000x64xbf16, #tpu.memory_space<vmem_shared>> -> memref<48x64xbf16, #tpu.memory_space<vmem_shared>>
      tpu.enqueue_dma source(%arg23 : memref<48x64xbf16, #tpu.memory_space<vmem>>) target(%dma_start3A_92 : memref<48x64xbf16, #tpu.memory_space<vmem_shared>>) target_semaphore(%run_scoped3A : memref<!tpu.dma_semaphore, #tpu.memory_space<semaphore_mem>>)
      %dma_wait3A = arith.constant 0 : i32
      %dma_wait3A_93 = tpu.memref_slice %arg24[%add3A_27, %dma_wait3A] : memref<10000x64xbf16, #tpu.memory_space<vmem_shared>> -> memref<48x64xbf16, #tpu.memory_space<vmem_shared>>
      %dma_wait3A_94 = arith.constant 0 : i32
      %dma_wait3A_95 = tpu.memref_slice %arg24[%add3A_27, %dma_wait3A_94] : memref<10000x64xbf16, #tpu.memory_space<vmem_shared>> -> memref<48x64xbf16, #tpu.memory_space<vmem_shared>>
      tpu.wait_dma2 semaphore(%run_scoped3A : memref<!tpu.dma_semaphore, #tpu.memory_space<semaphore_mem>>) src(%arg23 : memref<48x64xbf16, #tpu.memory_space<vmem>>) dst(%dma_wait3A_95 : memref<48x64xbf16, #tpu.memory_space<vmem_shared>>)
      tpu.yield
    }) : () -> ()
    %mul3A_28 = arith.constant 624 : i32
    %mul3A_29 = arith.muli %arg1, %mul3A_28 : i32
    %add3A_30 = arith.constant 144 : i32
    %add3A_31 = arith.addi %mul3A_29, %add3A_30 : i32
    "tpu.region"() ({
      %run_scoped3A = tpu.sem_alloc : memref<!tpu.dma_semaphore, #tpu.memory_space<semaphore_mem>>
      %dma_start3A = arith.constant 0 : i32
      %dma_start3A_90 = tpu.memref_slice %arg24[%add3A_31, %dma_start3A] : memref<10000x64xbf16, #tpu.memory_space<vmem_shared>> -> memref<48x64xbf16, #tpu.memory_space<vmem_shared>>
      %dma_start3A_91 = arith.constant 0 : i32
      %dma_start3A_92 = tpu.memref_slice %arg24[%add3A_31, %dma_start3A_91] : memref<10000x64xbf16, #tpu.memory_space<vmem_shared>> -> memref<48x64xbf16, #tpu.memory_space<vmem_shared>>
      tpu.enqueue_dma source(%arg23 : memref<48x64xbf16, #tpu.memory_space<vmem>>) target(%dma_start3A_92 : memref<48x64xbf16, #tpu.memory_space<vmem_shared>>) target_semaphore(%run_scoped3A : memref<!tpu.dma_semaphore, #tpu.memory_space<semaphore_mem>>)
      %dma_wait3A = arith.constant 0 : i32
      %dma_wait3A_93 = tpu.memref_slice %arg24[%add3A_31, %dma_wait3A] : memref<10000x64xbf16, #tpu.memory_space<vmem_shared>> -> memref<48x64xbf16, #tpu.memory_space<vmem_shared>>
      %dma_wait3A_94 = arith.constant 0 : i32
      %dma_wait3A_95 = tpu.memref_slice %arg24[%add3A_31, %dma_wait3A_94] : memref<10000x64xbf16, #tpu.memory_space<vmem_shared>> -> memref<48x64xbf16, #tpu.memory_space<vmem_shared>>
      tpu.wait_dma2 semaphore(%run_scoped3A : memref<!tpu.dma_semaphore, #tpu.memory_space<semaphore_mem>>) src(%arg23 : memref<48x64xbf16, #tpu.memory_space<vmem>>) dst(%dma_wait3A_95 : memref<48x64xbf16, #tpu.memory_space<vmem_shared>>)
      tpu.yield
    }) : () -> ()
    %mul3A_32 = arith.constant 624 : i32
    %mul3A_33 = arith.muli %arg1, %mul3A_32 : i32
    %add3A_34 = arith.constant 192 : i32
    %add3A_35 = arith.addi %mul3A_33, %add3A_34 : i32
    "tpu.region"() ({
      %run_scoped3A = tpu.sem_alloc : memref<!tpu.dma_semaphore, #tpu.memory_space<semaphore_mem>>
      %dma_start3A = arith.constant 0 : i32
      %dma_start3A_90 = tpu.memref_slice %arg24[%add3A_35, %dma_start3A] : memref<10000x64xbf16, #tpu.memory_space<vmem_shared>> -> memref<48x64xbf16, #tpu.memory_space<vmem_shared>>
      %dma_start3A_91 = arith.constant 0 : i32
      %dma_start3A_92 = tpu.memref_slice %arg24[%add3A_35, %dma_start3A_91] : memref<10000x64xbf16, #tpu.memory_space<vmem_shared>> -> memref<48x64xbf16, #tpu.memory_space<vmem_shared>>
      tpu.enqueue_dma source(%arg23 : memref<48x64xbf16, #tpu.memory_space<vmem>>) target(%dma_start3A_92 : memref<48x64xbf16, #tpu.memory_space<vmem_shared>>) target_semaphore(%run_scoped3A : memref<!tpu.dma_semaphore, #tpu.memory_space<semaphore_mem>>)
      %dma_wait3A = arith.constant 0 : i32
      %dma_wait3A_93 = tpu.memref_slice %arg24[%add3A_35, %dma_wait3A] : memref<10000x64xbf16, #tpu.memory_space<vmem_shared>> -> memref<48x64xbf16, #tpu.memory_space<vmem_shared>>
      %dma_wait3A_94 = arith.constant 0 : i32
      %dma_wait3A_95 = tpu.memref_slice %arg24[%add3A_35, %dma_wait3A_94] : memref<10000x64xbf16, #tpu.memory_space<vmem_shared>> -> memref<48x64xbf16, #tpu.memory_space<vmem_shared>>
      tpu.wait_dma2 semaphore(%run_scoped3A : memref<!tpu.dma_semaphore, #tpu.memory_space<semaphore_mem>>) src(%arg23 : memref<48x64xbf16, #tpu.memory_space<vmem>>) dst(%dma_wait3A_95 : memref<48x64xbf16, #tpu.memory_space<vmem_shared>>)
      tpu.yield
    }) : () -> ()
    %mul3A_36 = arith.constant 624 : i32
    %mul3A_37 = arith.muli %arg1, %mul3A_36 : i32
    %add3A_38 = arith.constant 240 : i32
    %add3A_39 = arith.addi %mul3A_37, %add3A_38 : i32
    "tpu.region"() ({
      %run_scoped3A = tpu.sem_alloc : memref<!tpu.dma_semaphore, #tpu.memory_space<semaphore_mem>>
      %dma_start3A = arith.constant 0 : i32
      %dma_start3A_90 = tpu.memref_slice %arg24[%add3A_39, %dma_start3A] : memref<10000x64xbf16, #tpu.memory_space<vmem_shared>> -> memref<48x64xbf16, #tpu.memory_space<vmem_shared>>
      %dma_start3A_91 = arith.constant 0 : i32
      %dma_start3A_92 = tpu.memref_slice %arg24[%add3A_39, %dma_start3A_91] : memref<10000x64xbf16, #tpu.memory_space<vmem_shared>> -> memref<48x64xbf16, #tpu.memory_space<vmem_shared>>
      tpu.enqueue_dma source(%arg23 : memref<48x64xbf16, #tpu.memory_space<vmem>>) target(%dma_start3A_92 : memref<48x64xbf16, #tpu.memory_space<vmem_shared>>) target_semaphore(%run_scoped3A : memref<!tpu.dma_semaphore, #tpu.memory_space<semaphore_mem>>)
      %dma_wait3A = arith.constant 0 : i32
      %dma_wait3A_93 = tpu.memref_slice %arg24[%add3A_39, %dma_wait3A] : memref<10000x64xbf16, #tpu.memory_space<vmem_shared>> -> memref<48x64xbf16, #tpu.memory_space<vmem_shared>>
      %dma_wait3A_94 = arith.constant 0 : i32
      %dma_wait3A_95 = tpu.memref_slice %arg24[%add3A_39, %dma_wait3A_94] : memref<10000x64xbf16, #tpu.memory_space<vmem_shared>> -> memref<48x64xbf16, #tpu.memory_space<vmem_shared>>
      tpu.wait_dma2 semaphore(%run_scoped3A : memref<!tpu.dma_semaphore, #tpu.memory_space<semaphore_mem>>) src(%arg23 : memref<48x64xbf16, #tpu.memory_space<vmem>>) dst(%dma_wait3A_95 : memref<48x64xbf16, #tpu.memory_space<vmem_shared>>)
      tpu.yield
    }) : () -> ()
    %mul3A_40 = arith.constant 624 : i32
    %mul3A_41 = arith.muli %arg1, %mul3A_40 : i32
    %add3A_42 = arith.constant 288 : i32
    %add3A_43 = arith.addi %mul3A_41, %add3A_42 : i32
    "tpu.region"() ({
      %run_scoped3A = tpu.sem_alloc : memref<!tpu.dma_semaphore, #tpu.memory_space<semaphore_mem>>
      %dma_start3A = arith.constant 0 : i32
      %dma_start3A_90 = tpu.memref_slice %arg24[%add3A_43, %dma_start3A] : memref<10000x64xbf16, #tpu.memory_space<vmem_shared>> -> memref<48x64xbf16, #tpu.memory_space<vmem_shared>>
      %dma_start3A_91 = arith.constant 0 : i32
      %dma_start3A_92 = tpu.memref_slice %arg24[%add3A_43, %dma_start3A_91] : memref<10000x64xbf16, #tpu.memory_space<vmem_shared>> -> memref<48x64xbf16, #tpu.memory_space<vmem_shared>>
      tpu.enqueue_dma source(%arg23 : memref<48x64xbf16, #tpu.memory_space<vmem>>) target(%dma_start3A_92 : memref<48x64xbf16, #tpu.memory_space<vmem_shared>>) target_semaphore(%run_scoped3A : memref<!tpu.dma_semaphore, #tpu.memory_space<semaphore_mem>>)
      %dma_wait3A = arith.constant 0 : i32
      %dma_wait3A_93 = tpu.memref_slice %arg24[%add3A_43, %dma_wait3A] : memref<10000x64xbf16, #tpu.memory_space<vmem_shared>> -> memref<48x64xbf16, #tpu.memory_space<vmem_shared>>
      %dma_wait3A_94 = arith.constant 0 : i32
      %dma_wait3A_95 = tpu.memref_slice %arg24[%add3A_43, %dma_wait3A_94] : memref<10000x64xbf16, #tpu.memory_space<vmem_shared>> -> memref<48x64xbf16, #tpu.memory_space<vmem_shared>>
      tpu.wait_dma2 semaphore(%run_scoped3A : memref<!tpu.dma_semaphore, #tpu.memory_space<semaphore_mem>>) src(%arg23 : memref<48x64xbf16, #tpu.memory_space<vmem>>) dst(%dma_wait3A_95 : memref<48x64xbf16, #tpu.memory_space<vmem_shared>>)
      tpu.yield
    }) : () -> ()
    %mul3A_44 = arith.constant 624 : i32
    %mul3A_45 = arith.muli %arg1, %mul3A_44 : i32
    %add3A_46 = arith.constant 336 : i32
    %add3A_47 = arith.addi %mul3A_45, %add3A_46 : i32
    "tpu.region"() ({
      %run_scoped3A = tpu.sem_alloc : memref<!tpu.dma_semaphore, #tpu.memory_space<semaphore_mem>>
      %dma_start3A = arith.constant 0 : i32
      %dma_start3A_90 = tpu.memref_slice %arg24[%add3A_47, %dma_start3A] : memref<10000x64xbf16, #tpu.memory_space<vmem_shared>> -> memref<48x64xbf16, #tpu.memory_space<vmem_shared>>
      %dma_start3A_91 = arith.constant 0 : i32
      %dma_start3A_92 = tpu.memref_slice %arg24[%add3A_47, %dma_start3A_91] : memref<10000x64xbf16, #tpu.memory_space<vmem_shared>> -> memref<48x64xbf16, #tpu.memory_space<vmem_shared>>
      tpu.enqueue_dma source(%arg23 : memref<48x64xbf16, #tpu.memory_space<vmem>>) target(%dma_start3A_92 : memref<48x64xbf16, #tpu.memory_space<vmem_shared>>) target_semaphore(%run_scoped3A : memref<!tpu.dma_semaphore, #tpu.memory_space<semaphore_mem>>)
      %dma_wait3A = arith.constant 0 : i32
      %dma_wait3A_93 = tpu.memref_slice %arg24[%add3A_47, %dma_wait3A] : memref<10000x64xbf16, #tpu.memory_space<vmem_shared>> -> memref<48x64xbf16, #tpu.memory_space<vmem_shared>>
      %dma_wait3A_94 = arith.constant 0 : i32
      %dma_wait3A_95 = tpu.memref_slice %arg24[%add3A_47, %dma_wait3A_94] : memref<10000x64xbf16, #tpu.memory_space<vmem_shared>> -> memref<48x64xbf16, #tpu.memory_space<vmem_shared>>
      tpu.wait_dma2 semaphore(%run_scoped3A : memref<!tpu.dma_semaphore, #tpu.memory_space<semaphore_mem>>) src(%arg23 : memref<48x64xbf16, #tpu.memory_space<vmem>>) dst(%dma_wait3A_95 : memref<48x64xbf16, #tpu.memory_space<vmem_shared>>)
      tpu.yield
    }) : () -> ()
    %mul3A_48 = arith.constant 624 : i32
    %mul3A_49 = arith.muli %arg1, %mul3A_48 : i32
    %add3A_50 = arith.constant 384 : i32
    %add3A_51 = arith.addi %mul3A_49, %add3A_50 : i32
    "tpu.region"() ({
      %run_scoped3A = tpu.sem_alloc : memref<!tpu.dma_semaphore, #tpu.memory_space<semaphore_mem>>
      %dma_start3A = arith.constant 0 : i32
      %dma_start3A_90 = tpu.memref_slice %arg24[%add3A_51, %dma_start3A] : memref<10000x64xbf16, #tpu.memory_space<vmem_shared>> -> memref<48x64xbf16, #tpu.memory_space<vmem_shared>>
      %dma_start3A_91 = arith.constant 0 : i32
      %dma_start3A_92 = tpu.memref_slice %arg24[%add3A_51, %dma_start3A_91] : memref<10000x64xbf16, #tpu.memory_space<vmem_shared>> -> memref<48x64xbf16, #tpu.memory_space<vmem_shared>>
      tpu.enqueue_dma source(%arg23 : memref<48x64xbf16, #tpu.memory_space<vmem>>) target(%dma_start3A_92 : memref<48x64xbf16, #tpu.memory_space<vmem_shared>>) target_semaphore(%run_scoped3A : memref<!tpu.dma_semaphore, #tpu.memory_space<semaphore_mem>>)
      %dma_wait3A = arith.constant 0 : i32
      %dma_wait3A_93 = tpu.memref_slice %arg24[%add3A_51, %dma_wait3A] : memref<10000x64xbf16, #tpu.memory_space<vmem_shared>> -> memref<48x64xbf16, #tpu.memory_space<vmem_shared>>
      %dma_wait3A_94 = arith.constant 0 : i32
      %dma_wait3A_95 = tpu.memref_slice %arg24[%add3A_51, %dma_wait3A_94] : memref<10000x64xbf16, #tpu.memory_space<vmem_shared>> -> memref<48x64xbf16, #tpu.memory_space<vmem_shared>>
      tpu.wait_dma2 semaphore(%run_scoped3A : memref<!tpu.dma_semaphore, #tpu.memory_space<semaphore_mem>>) src(%arg23 : memref<48x64xbf16, #tpu.memory_space<vmem>>) dst(%dma_wait3A_95 : memref<48x64xbf16, #tpu.memory_space<vmem_shared>>)
      tpu.yield
    }) : () -> ()
    %mul3A_52 = arith.constant 624 : i32
    %mul3A_53 = arith.muli %arg1, %mul3A_52 : i32
    %add3A_54 = arith.constant 432 : i32
    %add3A_55 = arith.addi %mul3A_53, %add3A_54 : i32
    "tpu.region"() ({
      %run_scoped3A = tpu.sem_alloc : memref<!tpu.dma_semaphore, #tpu.memory_space<semaphore_mem>>
      %dma_start3A = arith.constant 0 : i32
      %dma_start3A_90 = tpu.memref_slice %arg24[%add3A_55, %dma_start3A] : memref<10000x64xbf16, #tpu.memory_space<vmem_shared>> -> memref<48x64xbf16, #tpu.memory_space<vmem_shared>>
      %dma_start3A_91 = arith.constant 0 : i32
      %dma_start3A_92 = tpu.memref_slice %arg24[%add3A_55, %dma_start3A_91] : memref<10000x64xbf16, #tpu.memory_space<vmem_shared>> -> memref<48x64xbf16, #tpu.memory_space<vmem_shared>>
      tpu.enqueue_dma source(%arg23 : memref<48x64xbf16, #tpu.memory_space<vmem>>) target(%dma_start3A_92 : memref<48x64xbf16, #tpu.memory_space<vmem_shared>>) target_semaphore(%run_scoped3A : memref<!tpu.dma_semaphore, #tpu.memory_space<semaphore_mem>>)
      %dma_wait3A = arith.constant 0 : i32
      %dma_wait3A_93 = tpu.memref_slice %arg24[%add3A_55, %dma_wait3A] : memref<10000x64xbf16, #tpu.memory_space<vmem_shared>> -> memref<48x64xbf16, #tpu.memory_space<vmem_shared>>
      %dma_wait3A_94 = arith.constant 0 : i32
      %dma_wait3A_95 = tpu.memref_slice %arg24[%add3A_55, %dma_wait3A_94] : memref<10000x64xbf16, #tpu.memory_space<vmem_shared>> -> memref<48x64xbf16, #tpu.memory_space<vmem_shared>>
      tpu.wait_dma2 semaphore(%run_scoped3A : memref<!tpu.dma_semaphore, #tpu.memory_space<semaphore_mem>>) src(%arg23 : memref<48x64xbf16, #tpu.memory_space<vmem>>) dst(%dma_wait3A_95 : memref<48x64xbf16, #tpu.memory_space<vmem_shared>>)
      tpu.yield
    }) : () -> ()
    %mul3A_56 = arith.constant 624 : i32
    %mul3A_57 = arith.muli %arg1, %mul3A_56 : i32
    %add3A_58 = arith.constant 480 : i32
    %add3A_59 = arith.addi %mul3A_57, %add3A_58 : i32
    "tpu.region"() ({
      %run_scoped3A = tpu.sem_alloc : memref<!tpu.dma_semaphore, #tpu.memory_space<semaphore_mem>>
      %dma_start3A = arith.constant 0 : i32
      %dma_start3A_90 = tpu.memref_slice %arg24[%add3A_59, %dma_start3A] : memref<10000x64xbf16, #tpu.memory_space<vmem_shared>> -> memref<48x64xbf16, #tpu.memory_space<vmem_shared>>
      %dma_start3A_91 = arith.constant 0 : i32
      %dma_start3A_92 = tpu.memref_slice %arg24[%add3A_59, %dma_start3A_91] : memref<10000x64xbf16, #tpu.memory_space<vmem_shared>> -> memref<48x64xbf16, #tpu.memory_space<vmem_shared>>
      tpu.enqueue_dma source(%arg23 : memref<48x64xbf16, #tpu.memory_space<vmem>>) target(%dma_start3A_92 : memref<48x64xbf16, #tpu.memory_space<vmem_shared>>) target_semaphore(%run_scoped3A : memref<!tpu.dma_semaphore, #tpu.memory_space<semaphore_mem>>)
      %dma_wait3A = arith.constant 0 : i32
      %dma_wait3A_93 = tpu.memref_slice %arg24[%add3A_59, %dma_wait3A] : memref<10000x64xbf16, #tpu.memory_space<vmem_shared>> -> memref<48x64xbf16, #tpu.memory_space<vmem_shared>>
      %dma_wait3A_94 = arith.constant 0 : i32
      %dma_wait3A_95 = tpu.memref_slice %arg24[%add3A_59, %dma_wait3A_94] : memref<10000x64xbf16, #tpu.memory_space<vmem_shared>> -> memref<48x64xbf16, #tpu.memory_space<vmem_shared>>
      tpu.wait_dma2 semaphore(%run_scoped3A : memref<!tpu.dma_semaphore, #tpu.memory_space<semaphore_mem>>) src(%arg23 : memref<48x64xbf16, #tpu.memory_space<vmem>>) dst(%dma_wait3A_95 : memref<48x64xbf16, #tpu.memory_space<vmem_shared>>)
      tpu.yield
    }) : () -> ()
    %mul3A_60 = arith.constant 624 : i32
    %mul3A_61 = arith.muli %arg1, %mul3A_60 : i32
    %add3A_62 = arith.constant 528 : i32
    %add3A_63 = arith.addi %mul3A_61, %add3A_62 : i32
    "tpu.region"() ({
      %run_scoped3A = tpu.sem_alloc : memref<!tpu.dma_semaphore, #tpu.memory_space<semaphore_mem>>
      %dma_start3A = arith.constant 0 : i32
      %dma_start3A_90 = tpu.memref_slice %arg24[%add3A_63, %dma_start3A] : memref<10000x64xbf16, #tpu.memory_space<vmem_shared>> -> memref<48x64xbf16, #tpu.memory_space<vmem_shared>>
      %dma_start3A_91 = arith.constant 0 : i32
      %dma_start3A_92 = tpu.memref_slice %arg24[%add3A_63, %dma_start3A_91] : memref<10000x64xbf16, #tpu.memory_space<vmem_shared>> -> memref<48x64xbf16, #tpu.memory_space<vmem_shared>>
      tpu.enqueue_dma source(%arg23 : memref<48x64xbf16, #tpu.memory_space<vmem>>) target(%dma_start3A_92 : memref<48x64xbf16, #tpu.memory_space<vmem_shared>>) target_semaphore(%run_scoped3A : memref<!tpu.dma_semaphore, #tpu.memory_space<semaphore_mem>>)
      %dma_wait3A = arith.constant 0 : i32
      %dma_wait3A_93 = tpu.memref_slice %arg24[%add3A_63, %dma_wait3A] : memref<10000x64xbf16, #tpu.memory_space<vmem_shared>> -> memref<48x64xbf16, #tpu.memory_space<vmem_shared>>
      %dma_wait3A_94 = arith.constant 0 : i32
      %dma_wait3A_95 = tpu.memref_slice %arg24[%add3A_63, %dma_wait3A_94] : memref<10000x64xbf16, #tpu.memory_space<vmem_shared>> -> memref<48x64xbf16, #tpu.memory_space<vmem_shared>>
      tpu.wait_dma2 semaphore(%run_scoped3A : memref<!tpu.dma_semaphore, #tpu.memory_space<semaphore_mem>>) src(%arg23 : memref<48x64xbf16, #tpu.memory_space<vmem>>) dst(%dma_wait3A_95 : memref<48x64xbf16, #tpu.memory_space<vmem_shared>>)
      tpu.yield
    }) : () -> ()
    %mul3A_64 = arith.constant 624 : i32
    %mul3A_65 = arith.muli %arg1, %mul3A_64 : i32
    %add3A_66 = arith.constant 576 : i32
    %add3A_67 = arith.addi %mul3A_65, %add3A_66 : i32
    "tpu.region"() ({
      %run_scoped3A = tpu.sem_alloc : memref<!tpu.dma_semaphore, #tpu.memory_space<semaphore_mem>>
      %dma_start3A = arith.constant 0 : i32
      %dma_start3A_90 = tpu.memref_slice %arg24[%add3A_67, %dma_start3A] : memref<10000x64xbf16, #tpu.memory_space<vmem_shared>> -> memref<48x64xbf16, #tpu.memory_space<vmem_shared>>
      %dma_start3A_91 = arith.constant 0 : i32
      %dma_start3A_92 = tpu.memref_slice %arg24[%add3A_67, %dma_start3A_91] : memref<10000x64xbf16, #tpu.memory_space<vmem_shared>> -> memref<48x64xbf16, #tpu.memory_space<vmem_shared>>
      tpu.enqueue_dma source(%arg23 : memref<48x64xbf16, #tpu.memory_space<vmem>>) target(%dma_start3A_92 : memref<48x64xbf16, #tpu.memory_space<vmem_shared>>) target_semaphore(%run_scoped3A : memref<!tpu.dma_semaphore, #tpu.memory_space<semaphore_mem>>)
      %dma_wait3A = arith.constant 0 : i32
      %dma_wait3A_93 = tpu.memref_slice %arg24[%add3A_67, %dma_wait3A] : memref<10000x64xbf16, #tpu.memory_space<vmem_shared>> -> memref<48x64xbf16, #tpu.memory_space<vmem_shared>>
      %dma_wait3A_94 = arith.constant 0 : i32
      %dma_wait3A_95 = tpu.memref_slice %arg24[%add3A_67, %dma_wait3A_94] : memref<10000x64xbf16, #tpu.memory_space<vmem_shared>> -> memref<48x64xbf16, #tpu.memory_space<vmem_shared>>
      tpu.wait_dma2 semaphore(%run_scoped3A : memref<!tpu.dma_semaphore, #tpu.memory_space<semaphore_mem>>) src(%arg23 : memref<48x64xbf16, #tpu.memory_space<vmem>>) dst(%dma_wait3A_95 : memref<48x64xbf16, #tpu.memory_space<vmem_shared>>)
      tpu.yield
    }) : () -> ()
    %eq3A = arith.constant 15 : i32
    %eq3A_68 = arith.cmpi eq, %arg1, %eq3A : i32
    %convert_element_type3A = arith.extui %eq3A_68 : i1 to i32
    %cond3A = arith.constant 0 : i32
    %cond3A_69 = arith.cmpi ne, %convert_element_type3A, %cond3A : i32
    scf.if %cond3A_69 {
      "tpu.region"() ({
        %run_scoped3A = tpu.sem_alloc : memref<!tpu.dma_semaphore, #tpu.memory_space<semaphore_mem>>
        %dma_start3A = arith.constant 0 : i32
        %dma_start3A_90 = arith.constant 0 : i32
        %dma_start3A_91 = tpu.memref_slice %arg23[%dma_start3A, %dma_start3A_90] : memref<48x64xbf16, #tpu.memory_space<vmem>> -> memref<16x64xbf16, #tpu.memory_space<vmem>>
        %dma_start3A_92 = arith.constant 9984 : i32
        %dma_start3A_93 = arith.constant 0 : i32
        %dma_start3A_94 = tpu.memref_slice %arg24[%dma_start3A_92, %dma_start3A_93] : memref<10000x64xbf16, #tpu.memory_space<vmem_shared>> -> memref<16x64xbf16, #tpu.memory_space<vmem_shared>>
        %dma_start3A_95 = arith.constant 9984 : i32
        %dma_start3A_96 = arith.constant 0 : i32
        %dma_start3A_97 = tpu.memref_slice %arg24[%dma_start3A_95, %dma_start3A_96] : memref<10000x64xbf16, #tpu.memory_space<vmem_shared>> -> memref<16x64xbf16, #tpu.memory_space<vmem_shared>>
        %dma_start3A_98 = arith.constant 0 : i32
        %dma_start3A_99 = arith.constant 0 : i32
        %dma_start3A_100 = tpu.memref_slice %arg23[%dma_start3A_98, %dma_start3A_99] : memref<48x64xbf16, #tpu.memory_space<vmem>> -> memref<16x64xbf16, #tpu.memory_space<vmem>>
        tpu.enqueue_dma source(%dma_start3A_100 : memref<16x64xbf16, #tpu.memory_space<vmem>>) target(%dma_start3A_97 : memref<16x64xbf16, #tpu.memory_space<vmem_shared>>) target_semaphore(%run_scoped3A : memref<!tpu.dma_semaphore, #tpu.memory_space<semaphore_mem>>)
        %dma_wait3A = arith.constant 0 : i32
        %dma_wait3A_101 = arith.constant 0 : i32
        %dma_wait3A_102 = tpu.memref_slice %arg23[%dma_wait3A, %dma_wait3A_101] : memref<48x64xbf16, #tpu.memory_space<vmem>> -> memref<16x64xbf16, #tpu.memory_space<vmem>>
        %dma_wait3A_103 = arith.constant 9984 : i32
        %dma_wait3A_104 = arith.constant 0 : i32
        %dma_wait3A_105 = tpu.memref_slice %arg24[%dma_wait3A_103, %dma_wait3A_104] : memref<10000x64xbf16, #tpu.memory_space<vmem_shared>> -> memref<16x64xbf16, #tpu.memory_space<vmem_shared>>
        %dma_wait3A_106 = arith.constant 9984 : i32
        %dma_wait3A_107 = arith.constant 0 : i32
        %dma_wait3A_108 = tpu.memref_slice %arg24[%dma_wait3A_106, %dma_wait3A_107] : memref<10000x64xbf16, #tpu.memory_space<vmem_shared>> -> memref<16x64xbf16, #tpu.memory_space<vmem_shared>>
        %dma_wait3A_109 = arith.constant 0 : i32
        %dma_wait3A_110 = arith.constant 0 : i32
        %dma_wait3A_111 = tpu.memref_slice %arg23[%dma_wait3A_109, %dma_wait3A_110] : memref<48x64xbf16, #tpu.memory_space<vmem>> -> memref<16x64xbf16, #tpu.memory_space<vmem>>
        tpu.wait_dma2 semaphore(%run_scoped3A : memref<!tpu.dma_semaphore, #tpu.memory_space<semaphore_mem>>) src(%dma_wait3A_111 : memref<16x64xbf16, #tpu.memory_space<vmem>>) dst(%dma_wait3A_108 : memref<16x64xbf16, #tpu.memory_space<vmem_shared>>)
        tpu.yield
      }) : () -> ()
    } else {
    }
    %barrier3A = arith.constant 0 : index
    tpu.barrier barrier_id(%barrier3A)
    %eq3A_70 = arith.constant 0 : i32
    %eq3A_71 = arith.cmpi eq, %arg0, %eq3A_70 : i32
    %convert_element_type3A_72 = arith.extui %eq3A_71 : i1 to i32
    %cond3A_73 = arith.constant 0 : i32
    %cond3A_74 = arith.cmpi ne, %convert_element_type3A_72, %cond3A_73 : i32
    scf.if %cond3A_74 {
      %mul3A_90 = arith.constant 20000 : i32
      %mul3A_91 = arith.muli %arg1, %mul3A_90 : i32
      %run_scoped3A = arith.constant 0 : i32
      "tpu.region"() ({
        %run_scoped3A_495 = tpu.sem_alloc : memref<!tpu.dma_semaphore, #tpu.memory_space<semaphore_mem>>
        %dma_start3A_496 = tpu.memref_slice %arg4[%run_scoped3A, %mul3A_91] : memref<2x320000xi32, #tpu.memory_space<hbm>> -> memref<1x20000xi32, #tpu.memory_space<hbm>>
        %dma_start3A_497 = tpu.memref_squeeze %dma_start3A_496 : memref<1x20000xi32, #tpu.memory_space<hbm>> -> memref<20000xi32, #tpu.memory_space<hbm>>
        %dma_start3A_498 = tpu.memref_slice %arg4[%run_scoped3A, %mul3A_91] : memref<2x320000xi32, #tpu.memory_space<hbm>> -> memref<1x20000xi32, #tpu.memory_space<hbm>>
        %dma_start3A_499 = tpu.memref_squeeze %dma_start3A_498 : memref<1x20000xi32, #tpu.memory_space<hbm>> -> memref<20000xi32, #tpu.memory_space<hbm>>
        tpu.enqueue_dma source(%dma_start3A_499 : memref<20000xi32, #tpu.memory_space<hbm>>) target(%arg7 : memref<20000xi32, #tpu.memory_space<vmem>>) target_semaphore(%run_scoped3A_495 : memref<!tpu.dma_semaphore, #tpu.memory_space<semaphore_mem>>)
        %dma_wait3A_500 = tpu.memref_slice %arg4[%run_scoped3A, %mul3A_91] : memref<2x320000xi32, #tpu.memory_space<hbm>> -> memref<1x20000xi32, #tpu.memory_space<hbm>>
        %dma_wait3A_501 = tpu.memref_squeeze %dma_wait3A_500 : memref<1x20000xi32, #tpu.memory_space<hbm>> -> memref<20000xi32, #tpu.memory_space<hbm>>
        %dma_wait3A_502 = tpu.memref_slice %arg4[%run_scoped3A, %mul3A_91] : memref<2x320000xi32, #tpu.memory_space<hbm>> -> memref<1x20000xi32, #tpu.memory_space<hbm>>
        %dma_wait3A_503 = tpu.memref_squeeze %dma_wait3A_502 : memref<1x20000xi32, #tpu.memory_space<hbm>> -> memref<20000xi32, #tpu.memory_space<hbm>>
        tpu.wait_dma2 semaphore(%run_scoped3A_495 : memref<!tpu.dma_semaphore, #tpu.memory_space<semaphore_mem>>) src(%dma_wait3A_503 : memref<20000xi32, #tpu.memory_space<hbm>>) dst(%arg7 : memref<20000xi32, #tpu.memory_space<vmem>>)
        tpu.yield
      }) : () -> ()
      %mul3A_92 = arith.constant 20000 : i32
      %mul3A_93 = arith.muli %arg1, %mul3A_92 : i32
      %add3A_94 = arith.constant 0 : i32
      %add3A_95 = arith.addi %mul3A_93, %add3A_94 : i32
      %dma_start3A = arith.constant 1 : i32
      %dma_start3A_96 = tpu.memref_slice %arg4[%dma_start3A, %add3A_95] : memref<2x320000xi32, #tpu.memory_space<hbm>> -> memref<1x128xi32, #tpu.memory_space<hbm>>
      %dma_start3A_97 = tpu.memref_squeeze %dma_start3A_96 : memref<1x128xi32, #tpu.memory_space<hbm>> -> memref<128xi32, #tpu.memory_space<hbm>>
      %dma_start3A_98 = tpu.memref_slice %arg4[%dma_start3A, %add3A_95] : memref<2x320000xi32, #tpu.memory_space<hbm>> -> memref<1x128xi32, #tpu.memory_space<hbm>>
      %dma_start3A_99 = tpu.memref_squeeze %dma_start3A_98 : memref<1x128xi32, #tpu.memory_space<hbm>> -> memref<128xi32, #tpu.memory_space<hbm>>
      tpu.enqueue_dma source(%dma_start3A_99 : memref<128xi32, #tpu.memory_space<hbm>>) target(%arg8 : memref<128xi32, #tpu.memory_space<vmem>>) target_semaphore(%arg31 : memref<!tpu.dma_semaphore, #tpu.memory_space<semaphore_mem>>)
      %dma_start3A_100 = arith.constant 0 : i32
      %dma_start3A_101 = tpu.memref_slice %arg7[%dma_start3A_100] : memref<20000xi32, #tpu.memory_space<vmem>> -> memref<128xi32, #tpu.memory_space<vmem>>
      %dma_start3A_102 = arith.constant 0 : i32
      %dma_start3A_103 = arith.constant 0 : i32
      %dma_start3A_104 = tpu.memref_slice %arg2[%dma_start3A_102, %dma_start3A_103] : memref<10000x64xbf16, #tpu.memory_space<hbm>> -> memref<10000x64xbf16, #tpu.memory_space<hbm>>
      tpu.enqueue_indirect_dma source(%dma_start3A_104 : memref<10000x64xbf16, #tpu.memory_space<hbm>>) target(%arg14 : memref<128x64xbf16, #tpu.memory_space<vmem>>) offsets(%dma_start3A_101 : memref<128xi32, #tpu.memory_space<vmem>>) semaphore(%arg25 : memref<!tpu.dma_semaphore, #tpu.memory_space<semaphore_mem>>)
      %mul3A_105 = arith.constant 20000 : i32
      %mul3A_106 = arith.muli %arg1, %mul3A_105 : i32
      %add3A_107 = arith.constant 128 : i32
      %add3A_108 = arith.addi %mul3A_106, %add3A_107 : i32
      %dma_start3A_109 = arith.constant 1 : i32
      %dma_start3A_110 = tpu.memref_slice %arg4[%dma_start3A_109, %add3A_108] : memref<2x320000xi32, #tpu.memory_space<hbm>> -> memref<1x128xi32, #tpu.memory_space<hbm>>
      %dma_start3A_111 = tpu.memref_squeeze %dma_start3A_110 : memref<1x128xi32, #tpu.memory_space<hbm>> -> memref<128xi32, #tpu.memory_space<hbm>>
      %dma_start3A_112 = tpu.memref_slice %arg4[%dma_start3A_109, %add3A_108] : memref<2x320000xi32, #tpu.memory_space<hbm>> -> memref<1x128xi32, #tpu.memory_space<hbm>>
      %dma_start3A_113 = tpu.memref_squeeze %dma_start3A_112 : memref<1x128xi32, #tpu.memory_space<hbm>> -> memref<128xi32, #tpu.memory_space<hbm>>
      tpu.enqueue_dma source(%dma_start3A_113 : memref<128xi32, #tpu.memory_space<hbm>>) target(%arg9 : memref<128xi32, #tpu.memory_space<vmem>>) target_semaphore(%arg32 : memref<!tpu.dma_semaphore, #tpu.memory_space<semaphore_mem>>)
      %dma_start3A_114 = arith.constant 128 : i32
      %dma_start3A_115 = tpu.memref_slice %arg7[%dma_start3A_114] : memref<20000xi32, #tpu.memory_space<vmem>> -> memref<128xi32, #tpu.memory_space<vmem>>
      %dma_start3A_116 = arith.constant 0 : i32
      %dma_start3A_117 = arith.constant 0 : i32
      %dma_start3A_118 = tpu.memref_slice %arg2[%dma_start3A_116, %dma_start3A_117] : memref<10000x64xbf16, #tpu.memory_space<hbm>> -> memref<10000x64xbf16, #tpu.memory_space<hbm>>
      tpu.enqueue_indirect_dma source(%dma_start3A_118 : memref<10000x64xbf16, #tpu.memory_space<hbm>>) target(%arg15 : memref<128x64xbf16, #tpu.memory_space<vmem>>) offsets(%dma_start3A_115 : memref<128xi32, #tpu.memory_space<vmem>>) semaphore(%arg26 : memref<!tpu.dma_semaphore, #tpu.memory_space<semaphore_mem>>)
      %mul3A_119 = arith.constant 20000 : i32
      %mul3A_120 = arith.muli %arg1, %mul3A_119 : i32
      %add3A_121 = arith.constant 256 : i32
      %add3A_122 = arith.addi %mul3A_120, %add3A_121 : i32
      %dma_start3A_123 = arith.constant 1 : i32
      %dma_start3A_124 = tpu.memref_slice %arg4[%dma_start3A_123, %add3A_122] : memref<2x320000xi32, #tpu.memory_space<hbm>> -> memref<1x128xi32, #tpu.memory_space<hbm>>
      %dma_start3A_125 = tpu.memref_squeeze %dma_start3A_124 : memref<1x128xi32, #tpu.memory_space<hbm>> -> memref<128xi32, #tpu.memory_space<hbm>>
      %dma_start3A_126 = tpu.memref_slice %arg4[%dma_start3A_123, %add3A_122] : memref<2x320000xi32, #tpu.memory_space<hbm>> -> memref<1x128xi32, #tpu.memory_space<hbm>>
      %dma_start3A_127 = tpu.memref_squeeze %dma_start3A_126 : memref<1x128xi32, #tpu.memory_space<hbm>> -> memref<128xi32, #tpu.memory_space<hbm>>
      tpu.enqueue_dma source(%dma_start3A_127 : memref<128xi32, #tpu.memory_space<hbm>>) target(%arg10 : memref<128xi32, #tpu.memory_space<vmem>>) target_semaphore(%arg33 : memref<!tpu.dma_semaphore, #tpu.memory_space<semaphore_mem>>)
      %dma_start3A_128 = arith.constant 256 : i32
      %dma_start3A_129 = tpu.memref_slice %arg7[%dma_start3A_128] : memref<20000xi32, #tpu.memory_space<vmem>> -> memref<128xi32, #tpu.memory_space<vmem>>
      %dma_start3A_130 = arith.constant 0 : i32
      %dma_start3A_131 = arith.constant 0 : i32
      %dma_start3A_132 = tpu.memref_slice %arg2[%dma_start3A_130, %dma_start3A_131] : memref<10000x64xbf16, #tpu.memory_space<hbm>> -> memref<10000x64xbf16, #tpu.memory_space<hbm>>
      tpu.enqueue_indirect_dma source(%dma_start3A_132 : memref<10000x64xbf16, #tpu.memory_space<hbm>>) target(%arg16 : memref<128x64xbf16, #tpu.memory_space<vmem>>) offsets(%dma_start3A_129 : memref<128xi32, #tpu.memory_space<vmem>>) semaphore(%arg27 : memref<!tpu.dma_semaphore, #tpu.memory_space<semaphore_mem>>)
      %mul3A_133 = arith.constant 20000 : i32
      %mul3A_134 = arith.muli %arg1, %mul3A_133 : i32
      %add3A_135 = arith.constant 384 : i32
      %add3A_136 = arith.addi %mul3A_134, %add3A_135 : i32
      %dma_start3A_137 = arith.constant 1 : i32
      %dma_start3A_138 = tpu.memref_slice %arg4[%dma_start3A_137, %add3A_136] : memref<2x320000xi32, #tpu.memory_space<hbm>> -> memref<1x128xi32, #tpu.memory_space<hbm>>
      %dma_start3A_139 = tpu.memref_squeeze %dma_start3A_138 : memref<1x128xi32, #tpu.memory_space<hbm>> -> memref<128xi32, #tpu.memory_space<hbm>>
      %dma_start3A_140 = tpu.memref_slice %arg4[%dma_start3A_137, %add3A_136] : memref<2x320000xi32, #tpu.memory_space<hbm>> -> memref<1x128xi32, #tpu.memory_space<hbm>>
      %dma_start3A_141 = tpu.memref_squeeze %dma_start3A_140 : memref<1x128xi32, #tpu.memory_space<hbm>> -> memref<128xi32, #tpu.memory_space<hbm>>
      tpu.enqueue_dma source(%dma_start3A_141 : memref<128xi32, #tpu.memory_space<hbm>>) target(%arg11 : memref<128xi32, #tpu.memory_space<vmem>>) target_semaphore(%arg34 : memref<!tpu.dma_semaphore, #tpu.memory_space<semaphore_mem>>)
      %dma_start3A_142 = arith.constant 384 : i32
      %dma_start3A_143 = tpu.memref_slice %arg7[%dma_start3A_142] : memref<20000xi32, #tpu.memory_space<vmem>> -> memref<128xi32, #tpu.memory_space<vmem>>
      %dma_start3A_144 = arith.constant 0 : i32
      %dma_start3A_145 = arith.constant 0 : i32
      %dma_start3A_146 = tpu.memref_slice %arg2[%dma_start3A_144, %dma_start3A_145] : memref<10000x64xbf16, #tpu.memory_space<hbm>> -> memref<10000x64xbf16, #tpu.memory_space<hbm>>
      tpu.enqueue_indirect_dma source(%dma_start3A_146 : memref<10000x64xbf16, #tpu.memory_space<hbm>>) target(%arg17 : memref<128x64xbf16, #tpu.memory_space<vmem>>) offsets(%dma_start3A_143 : memref<128xi32, #tpu.memory_space<vmem>>) semaphore(%arg28 : memref<!tpu.dma_semaphore, #tpu.memory_space<semaphore_mem>>)
      %dma_wait3A = arith.constant 1 : i32
      %dma_wait3A_147 = arith.constant 0 : i32
      %dma_wait3A_148 = tpu.memref_slice %arg4[%dma_wait3A, %dma_wait3A_147] : memref<2x320000xi32, #tpu.memory_space<hbm>> -> memref<1x128xi32, #tpu.memory_space<hbm>>
      %dma_wait3A_149 = tpu.memref_squeeze %dma_wait3A_148 : memref<1x128xi32, #tpu.memory_space<hbm>> -> memref<128xi32, #tpu.memory_space<hbm>>
      %dma_wait3A_150 = arith.constant 0 : i32
      %dma_wait3A_151 = tpu.memref_slice %arg4[%dma_wait3A, %dma_wait3A_150] : memref<2x320000xi32, #tpu.memory_space<hbm>> -> memref<1x128xi32, #tpu.memory_space<hbm>>
      %dma_wait3A_152 = tpu.memref_squeeze %dma_wait3A_151 : memref<1x128xi32, #tpu.memory_space<hbm>> -> memref<128xi32, #tpu.memory_space<hbm>>
      tpu.wait_dma2 semaphore(%arg31 : memref<!tpu.dma_semaphore, #tpu.memory_space<semaphore_mem>>) src(%dma_wait3A_152 : memref<128xi32, #tpu.memory_space<hbm>>) dst(%arg8 : memref<128xi32, #tpu.memory_space<vmem>>)
      %dma_wait3A_153 = arith.constant 0 : i32
      %dma_wait3A_154 = tpu.memref_slice %arg7[%dma_wait3A_153] : memref<20000xi32, #tpu.memory_space<vmem>> -> memref<128xi32, #tpu.memory_space<vmem>>
      %dma_wait3A_155 = arith.constant 0 : i32
      %dma_wait3A_156 = arith.constant 0 : i32
      %dma_wait3A_157 = tpu.memref_slice %arg2[%dma_wait3A_155, %dma_wait3A_156] : memref<10000x64xbf16, #tpu.memory_space<hbm>> -> memref<10000x64xbf16, #tpu.memory_space<hbm>>
      tpu.wait_indirect_dma semaphore(%arg25 : memref<!tpu.dma_semaphore, #tpu.memory_space<semaphore_mem>>) src(%dma_wait3A_157 : memref<10000x64xbf16, #tpu.memory_space<hbm>>) dst(%arg14 : memref<128x64xbf16, #tpu.memory_space<vmem>>)
      %dma_start3A_158 = arith.constant 0 : i32
      %dma_start3A_159 = arith.constant 0 : i32
      %dma_start3A_160 = tpu.memref_slice %arg24[%dma_start3A_158, %dma_start3A_159] : memref<10000x64xbf16, #tpu.memory_space<vmem_shared>> -> memref<10000x64xbf16, #tpu.memory_space<vmem_shared>>
      tpu.enqueue_indirect_dma source(%arg14 : memref<128x64xbf16, #tpu.memory_space<vmem>>) target(%dma_start3A_160 : memref<10000x64xbf16, #tpu.memory_space<vmem_shared>>) offsets(%arg8 : memref<128xi32, #tpu.memory_space<vmem>>) semaphore(%arg37 : memref<!tpu.dma_semaphore, #tpu.memory_space<semaphore_mem>>) {add = true}
      %mul3A_161 = arith.constant 20000 : i32
      %mul3A_162 = arith.muli %arg1, %mul3A_161 : i32
      %add3A_163 = arith.constant 512 : i32
      %add3A_164 = arith.addi %mul3A_162, %add3A_163 : i32
      %dma_start3A_165 = arith.constant 1 : i32
      %dma_start3A_166 = tpu.memref_slice %arg4[%dma_start3A_165, %add3A_164] : memref<2x320000xi32, #tpu.memory_space<hbm>> -> memref<1x128xi32, #tpu.memory_space<hbm>>
      %dma_start3A_167 = tpu.memref_squeeze %dma_start3A_166 : memref<1x128xi32, #tpu.memory_space<hbm>> -> memref<128xi32, #tpu.memory_space<hbm>>
      %dma_start3A_168 = tpu.memref_slice %arg4[%dma_start3A_165, %add3A_164] : memref<2x320000xi32, #tpu.memory_space<hbm>> -> memref<1x128xi32, #tpu.memory_space<hbm>>
      %dma_start3A_169 = tpu.memref_squeeze %dma_start3A_168 : memref<1x128xi32, #tpu.memory_space<hbm>> -> memref<128xi32, #tpu.memory_space<hbm>>
      tpu.enqueue_dma source(%dma_start3A_169 : memref<128xi32, #tpu.memory_space<hbm>>) target(%arg12 : memref<128xi32, #tpu.memory_space<vmem>>) target_semaphore(%arg35 : memref<!tpu.dma_semaphore, #tpu.memory_space<semaphore_mem>>)
      %dma_start3A_170 = arith.constant 512 : i32
      %dma_start3A_171 = tpu.memref_slice %arg7[%dma_start3A_170] : memref<20000xi32, #tpu.memory_space<vmem>> -> memref<128xi32, #tpu.memory_space<vmem>>
      %dma_start3A_172 = arith.constant 0 : i32
      %dma_start3A_173 = arith.constant 0 : i32
      %dma_start3A_174 = tpu.memref_slice %arg2[%dma_start3A_172, %dma_start3A_173] : memref<10000x64xbf16, #tpu.memory_space<hbm>> -> memref<10000x64xbf16, #tpu.memory_space<hbm>>
      tpu.enqueue_indirect_dma source(%dma_start3A_174 : memref<10000x64xbf16, #tpu.memory_space<hbm>>) target(%arg18 : memref<128x64xbf16, #tpu.memory_space<vmem>>) offsets(%dma_start3A_171 : memref<128xi32, #tpu.memory_space<vmem>>) semaphore(%arg29 : memref<!tpu.dma_semaphore, #tpu.memory_space<semaphore_mem>>)
      %dma_wait3A_175 = arith.constant 1 : i32
      %dma_wait3A_176 = arith.constant 0 : i32
      %dma_wait3A_177 = tpu.memref_slice %arg4[%dma_wait3A_175, %dma_wait3A_176] : memref<2x320000xi32, #tpu.memory_space<hbm>> -> memref<1x128xi32, #tpu.memory_space<hbm>>
      %dma_wait3A_178 = tpu.memref_squeeze %dma_wait3A_177 : memref<1x128xi32, #tpu.memory_space<hbm>> -> memref<128xi32, #tpu.memory_space<hbm>>
      %dma_wait3A_179 = arith.constant 0 : i32
      %dma_wait3A_180 = tpu.memref_slice %arg4[%dma_wait3A_175, %dma_wait3A_179] : memref<2x320000xi32, #tpu.memory_space<hbm>> -> memref<1x128xi32, #tpu.memory_space<hbm>>
      %dma_wait3A_181 = tpu.memref_squeeze %dma_wait3A_180 : memref<1x128xi32, #tpu.memory_space<hbm>> -> memref<128xi32, #tpu.memory_space<hbm>>
      tpu.wait_dma2 semaphore(%arg32 : memref<!tpu.dma_semaphore, #tpu.memory_space<semaphore_mem>>) src(%dma_wait3A_181 : memref<128xi32, #tpu.memory_space<hbm>>) dst(%arg9 : memref<128xi32, #tpu.memory_space<vmem>>)
      %dma_wait3A_182 = arith.constant 0 : i32
      %dma_wait3A_183 = tpu.memref_slice %arg7[%dma_wait3A_182] : memref<20000xi32, #tpu.memory_space<vmem>> -> memref<128xi32, #tpu.memory_space<vmem>>
      %dma_wait3A_184 = arith.constant 0 : i32
      %dma_wait3A_185 = arith.constant 0 : i32
      %dma_wait3A_186 = tpu.memref_slice %arg2[%dma_wait3A_184, %dma_wait3A_185] : memref<10000x64xbf16, #tpu.memory_space<hbm>> -> memref<10000x64xbf16, #tpu.memory_space<hbm>>
      tpu.wait_indirect_dma semaphore(%arg26 : memref<!tpu.dma_semaphore, #tpu.memory_space<semaphore_mem>>) src(%dma_wait3A_186 : memref<10000x64xbf16, #tpu.memory_space<hbm>>) dst(%arg15 : memref<128x64xbf16, #tpu.memory_space<vmem>>)
      %dma_start3A_187 = arith.constant 0 : i32
      %dma_start3A_188 = arith.constant 0 : i32
      %dma_start3A_189 = tpu.memref_slice %arg24[%dma_start3A_187, %dma_start3A_188] : memref<10000x64xbf16, #tpu.memory_space<vmem_shared>> -> memref<10000x64xbf16, #tpu.memory_space<vmem_shared>>
      tpu.enqueue_indirect_dma source(%arg15 : memref<128x64xbf16, #tpu.memory_space<vmem>>) target(%dma_start3A_189 : memref<10000x64xbf16, #tpu.memory_space<vmem_shared>>) offsets(%arg9 : memref<128xi32, #tpu.memory_space<vmem>>) semaphore(%arg38 : memref<!tpu.dma_semaphore, #tpu.memory_space<semaphore_mem>>) {add = true}
      %mul3A_190 = arith.constant 20000 : i32
      %mul3A_191 = arith.muli %arg1, %mul3A_190 : i32
      %add3A_192 = arith.constant 640 : i32
      %add3A_193 = arith.addi %mul3A_191, %add3A_192 : i32
      %dma_start3A_194 = arith.constant 1 : i32
      %dma_start3A_195 = tpu.memref_slice %arg4[%dma_start3A_194, %add3A_193] : memref<2x320000xi32, #tpu.memory_space<hbm>> -> memref<1x128xi32, #tpu.memory_space<hbm>>
      %dma_start3A_196 = tpu.memref_squeeze %dma_start3A_195 : memref<1x128xi32, #tpu.memory_space<hbm>> -> memref<128xi32, #tpu.memory_space<hbm>>
      %dma_start3A_197 = tpu.memref_slice %arg4[%dma_start3A_194, %add3A_193] : memref<2x320000xi32, #tpu.memory_space<hbm>> -> memref<1x128xi32, #tpu.memory_space<hbm>>
      %dma_start3A_198 = tpu.memref_squeeze %dma_start3A_197 : memref<1x128xi32, #tpu.memory_space<hbm>> -> memref<128xi32, #tpu.memory_space<hbm>>
      tpu.enqueue_dma source(%dma_start3A_198 : memref<128xi32, #tpu.memory_space<hbm>>) target(%arg13 : memref<128xi32, #tpu.memory_space<vmem>>) target_semaphore(%arg36 : memref<!tpu.dma_semaphore, #tpu.memory_space<semaphore_mem>>)
      %dma_start3A_199 = arith.constant 640 : i32
      %dma_start3A_200 = tpu.memref_slice %arg7[%dma_start3A_199] : memref<20000xi32, #tpu.memory_space<vmem>> -> memref<128xi32, #tpu.memory_space<vmem>>
      %dma_start3A_201 = arith.constant 0 : i32
      %dma_start3A_202 = arith.constant 0 : i32
      %dma_start3A_203 = tpu.memref_slice %arg2[%dma_start3A_201, %dma_start3A_202] : memref<10000x64xbf16, #tpu.memory_space<hbm>> -> memref<10000x64xbf16, #tpu.memory_space<hbm>>
      tpu.enqueue_indirect_dma source(%dma_start3A_203 : memref<10000x64xbf16, #tpu.memory_space<hbm>>) target(%arg19 : memref<128x64xbf16, #tpu.memory_space<vmem>>) offsets(%dma_start3A_200 : memref<128xi32, #tpu.memory_space<vmem>>) semaphore(%arg30 : memref<!tpu.dma_semaphore, #tpu.memory_space<semaphore_mem>>)
      %dma_wait3A_204 = arith.constant 1 : i32
      %dma_wait3A_205 = arith.constant 0 : i32
      %dma_wait3A_206 = tpu.memref_slice %arg4[%dma_wait3A_204, %dma_wait3A_205] : memref<2x320000xi32, #tpu.memory_space<hbm>> -> memref<1x128xi32, #tpu.memory_space<hbm>>
      %dma_wait3A_207 = tpu.memref_squeeze %dma_wait3A_206 : memref<1x128xi32, #tpu.memory_space<hbm>> -> memref<128xi32, #tpu.memory_space<hbm>>
      %dma_wait3A_208 = arith.constant 0 : i32
      %dma_wait3A_209 = tpu.memref_slice %arg4[%dma_wait3A_204, %dma_wait3A_208] : memref<2x320000xi32, #tpu.memory_space<hbm>> -> memref<1x128xi32, #tpu.memory_space<hbm>>
      %dma_wait3A_210 = tpu.memref_squeeze %dma_wait3A_209 : memref<1x128xi32, #tpu.memory_space<hbm>> -> memref<128xi32, #tpu.memory_space<hbm>>
      tpu.wait_dma2 semaphore(%arg33 : memref<!tpu.dma_semaphore, #tpu.memory_space<semaphore_mem>>) src(%dma_wait3A_210 : memref<128xi32, #tpu.memory_space<hbm>>) dst(%arg10 : memref<128xi32, #tpu.memory_space<vmem>>)
      %dma_wait3A_211 = arith.constant 0 : i32
      %dma_wait3A_212 = tpu.memref_slice %arg7[%dma_wait3A_211] : memref<20000xi32, #tpu.memory_space<vmem>> -> memref<128xi32, #tpu.memory_space<vmem>>
      %dma_wait3A_213 = arith.constant 0 : i32
      %dma_wait3A_214 = arith.constant 0 : i32
      %dma_wait3A_215 = tpu.memref_slice %arg2[%dma_wait3A_213, %dma_wait3A_214] : memref<10000x64xbf16, #tpu.memory_space<hbm>> -> memref<10000x64xbf16, #tpu.memory_space<hbm>>
      tpu.wait_indirect_dma semaphore(%arg27 : memref<!tpu.dma_semaphore, #tpu.memory_space<semaphore_mem>>) src(%dma_wait3A_215 : memref<10000x64xbf16, #tpu.memory_space<hbm>>) dst(%arg16 : memref<128x64xbf16, #tpu.memory_space<vmem>>)
      %dma_start3A_216 = arith.constant 0 : i32
      %dma_start3A_217 = arith.constant 0 : i32
      %dma_start3A_218 = tpu.memref_slice %arg24[%dma_start3A_216, %dma_start3A_217] : memref<10000x64xbf16, #tpu.memory_space<vmem_shared>> -> memref<10000x64xbf16, #tpu.memory_space<vmem_shared>>
      tpu.enqueue_indirect_dma source(%arg16 : memref<128x64xbf16, #tpu.memory_space<vmem>>) target(%dma_start3A_218 : memref<10000x64xbf16, #tpu.memory_space<vmem_shared>>) offsets(%arg10 : memref<128xi32, #tpu.memory_space<vmem>>) semaphore(%arg39 : memref<!tpu.dma_semaphore, #tpu.memory_space<semaphore_mem>>) {add = true}
      %dma_wait3A_219 = arith.constant 0 : i32
      %dma_wait3A_220 = arith.constant 0 : i32
      %dma_wait3A_221 = tpu.memref_slice %arg24[%dma_wait3A_219, %dma_wait3A_220] : memref<10000x64xbf16, #tpu.memory_space<vmem_shared>> -> memref<10000x64xbf16, #tpu.memory_space<vmem_shared>>
      tpu.wait_indirect_dma semaphore(%arg37 : memref<!tpu.dma_semaphore, #tpu.memory_space<semaphore_mem>>) src(%arg14 : memref<128x64xbf16, #tpu.memory_space<vmem>>) dst(%dma_wait3A_221 : memref<10000x64xbf16, #tpu.memory_space<vmem_shared>>)
      %mul3A_222 = arith.constant 20000 : i32
      %mul3A_223 = arith.muli %arg1, %mul3A_222 : i32
      %add3A_224 = arith.constant 768 : i32
      %add3A_225 = arith.addi %mul3A_223, %add3A_224 : i32
      %dma_start3A_226 = arith.constant 1 : i32
      %dma_start3A_227 = tpu.memref_slice %arg4[%dma_start3A_226, %add3A_225] : memref<2x320000xi32, #tpu.memory_space<hbm>> -> memref<1x128xi32, #tpu.memory_space<hbm>>
      %dma_start3A_228 = tpu.memref_squeeze %dma_start3A_227 : memref<1x128xi32, #tpu.memory_space<hbm>> -> memref<128xi32, #tpu.memory_space<hbm>>
      %dma_start3A_229 = tpu.memref_slice %arg4[%dma_start3A_226, %add3A_225] : memref<2x320000xi32, #tpu.memory_space<hbm>> -> memref<1x128xi32, #tpu.memory_space<hbm>>
      %dma_start3A_230 = tpu.memref_squeeze %dma_start3A_229 : memref<1x128xi32, #tpu.memory_space<hbm>> -> memref<128xi32, #tpu.memory_space<hbm>>
      tpu.enqueue_dma source(%dma_start3A_230 : memref<128xi32, #tpu.memory_space<hbm>>) target(%arg8 : memref<128xi32, #tpu.memory_space<vmem>>) target_semaphore(%arg31 : memref<!tpu.dma_semaphore, #tpu.memory_space<semaphore_mem>>)
      %dma_start3A_231 = arith.constant 768 : i32
      %dma_start3A_232 = tpu.memref_slice %arg7[%dma_start3A_231] : memref<20000xi32, #tpu.memory_space<vmem>> -> memref<128xi32, #tpu.memory_space<vmem>>
      %dma_start3A_233 = arith.constant 0 : i32
      %dma_start3A_234 = arith.constant 0 : i32
      %dma_start3A_235 = tpu.memref_slice %arg2[%dma_start3A_233, %dma_start3A_234] : memref<10000x64xbf16, #tpu.memory_space<hbm>> -> memref<10000x64xbf16, #tpu.memory_space<hbm>>
      tpu.enqueue_indirect_dma source(%dma_start3A_235 : memref<10000x64xbf16, #tpu.memory_space<hbm>>) target(%arg14 : memref<128x64xbf16, #tpu.memory_space<vmem>>) offsets(%dma_start3A_232 : memref<128xi32, #tpu.memory_space<vmem>>) semaphore(%arg25 : memref<!tpu.dma_semaphore, #tpu.memory_space<semaphore_mem>>)
      %dma_wait3A_236 = arith.constant 1 : i32
      %dma_wait3A_237 = arith.constant 0 : i32
      %dma_wait3A_238 = tpu.memref_slice %arg4[%dma_wait3A_236, %dma_wait3A_237] : memref<2x320000xi32, #tpu.memory_space<hbm>> -> memref<1x128xi32, #tpu.memory_space<hbm>>
      %dma_wait3A_239 = tpu.memref_squeeze %dma_wait3A_238 : memref<1x128xi32, #tpu.memory_space<hbm>> -> memref<128xi32, #tpu.memory_space<hbm>>
      %dma_wait3A_240 = arith.constant 0 : i32
      %dma_wait3A_241 = tpu.memref_slice %arg4[%dma_wait3A_236, %dma_wait3A_240] : memref<2x320000xi32, #tpu.memory_space<hbm>> -> memref<1x128xi32, #tpu.memory_space<hbm>>
      %dma_wait3A_242 = tpu.memref_squeeze %dma_wait3A_241 : memref<1x128xi32, #tpu.memory_space<hbm>> -> memref<128xi32, #tpu.memory_space<hbm>>
      tpu.wait_dma2 semaphore(%arg34 : memref<!tpu.dma_semaphore, #tpu.memory_space<semaphore_mem>>) src(%dma_wait3A_242 : memref<128xi32, #tpu.memory_space<hbm>>) dst(%arg11 : memref<128xi32, #tpu.memory_space<vmem>>)
      %dma_wait3A_243 = arith.constant 0 : i32
      %dma_wait3A_244 = tpu.memref_slice %arg7[%dma_wait3A_243] : memref<20000xi32, #tpu.memory_space<vmem>> -> memref<128xi32, #tpu.memory_space<vmem>>
      %dma_wait3A_245 = arith.constant 0 : i32
      %dma_wait3A_246 = arith.constant 0 : i32
      %dma_wait3A_247 = tpu.memref_slice %arg2[%dma_wait3A_245, %dma_wait3A_246] : memref<10000x64xbf16, #tpu.memory_space<hbm>> -> memref<10000x64xbf16, #tpu.memory_space<hbm>>
      tpu.wait_indirect_dma semaphore(%arg28 : memref<!tpu.dma_semaphore, #tpu.memory_space<semaphore_mem>>) src(%dma_wait3A_247 : memref<10000x64xbf16, #tpu.memory_space<hbm>>) dst(%arg17 : memref<128x64xbf16, #tpu.memory_space<vmem>>)
      %dma_start3A_248 = arith.constant 0 : i32
      %dma_start3A_249 = arith.constant 0 : i32
      %dma_start3A_250 = tpu.memref_slice %arg24[%dma_start3A_248, %dma_start3A_249] : memref<10000x64xbf16, #tpu.memory_space<vmem_shared>> -> memref<10000x64xbf16, #tpu.memory_space<vmem_shared>>
      tpu.enqueue_indirect_dma source(%arg17 : memref<128x64xbf16, #tpu.memory_space<vmem>>) target(%dma_start3A_250 : memref<10000x64xbf16, #tpu.memory_space<vmem_shared>>) offsets(%arg11 : memref<128xi32, #tpu.memory_space<vmem>>) semaphore(%arg40 : memref<!tpu.dma_semaphore, #tpu.memory_space<semaphore_mem>>) {add = true}
      %dma_wait3A_251 = arith.constant 0 : i32
      %dma_wait3A_252 = arith.constant 0 : i32
      %dma_wait3A_253 = tpu.memref_slice %arg24[%dma_wait3A_251, %dma_wait3A_252] : memref<10000x64xbf16, #tpu.memory_space<vmem_shared>> -> memref<10000x64xbf16, #tpu.memory_space<vmem_shared>>
      tpu.wait_indirect_dma semaphore(%arg38 : memref<!tpu.dma_semaphore, #tpu.memory_space<semaphore_mem>>) src(%arg15 : memref<128x64xbf16, #tpu.memory_space<vmem>>) dst(%dma_wait3A_253 : memref<10000x64xbf16, #tpu.memory_space<vmem_shared>>)
      %mul3A_254 = arith.constant 20000 : i32
      %mul3A_255 = arith.muli %arg1, %mul3A_254 : i32
      %add3A_256 = arith.constant 896 : i32
      %add3A_257 = arith.addi %mul3A_255, %add3A_256 : i32
      %dma_start3A_258 = arith.constant 1 : i32
      %dma_start3A_259 = tpu.memref_slice %arg4[%dma_start3A_258, %add3A_257] : memref<2x320000xi32, #tpu.memory_space<hbm>> -> memref<1x128xi32, #tpu.memory_space<hbm>>
      %dma_start3A_260 = tpu.memref_squeeze %dma_start3A_259 : memref<1x128xi32, #tpu.memory_space<hbm>> -> memref<128xi32, #tpu.memory_space<hbm>>
      %dma_start3A_261 = tpu.memref_slice %arg4[%dma_start3A_258, %add3A_257] : memref<2x320000xi32, #tpu.memory_space<hbm>> -> memref<1x128xi32, #tpu.memory_space<hbm>>
      %dma_start3A_262 = tpu.memref_squeeze %dma_start3A_261 : memref<1x128xi32, #tpu.memory_space<hbm>> -> memref<128xi32, #tpu.memory_space<hbm>>
      tpu.enqueue_dma source(%dma_start3A_262 : memref<128xi32, #tpu.memory_space<hbm>>) target(%arg9 : memref<128xi32, #tpu.memory_space<vmem>>) target_semaphore(%arg32 : memref<!tpu.dma_semaphore, #tpu.memory_space<semaphore_mem>>)
      %dma_start3A_263 = arith.constant 896 : i32
      %dma_start3A_264 = tpu.memref_slice %arg7[%dma_start3A_263] : memref<20000xi32, #tpu.memory_space<vmem>> -> memref<128xi32, #tpu.memory_space<vmem>>
      %dma_start3A_265 = arith.constant 0 : i32
      %dma_start3A_266 = arith.constant 0 : i32
      %dma_start3A_267 = tpu.memref_slice %arg2[%dma_start3A_265, %dma_start3A_266] : memref<10000x64xbf16, #tpu.memory_space<hbm>> -> memref<10000x64xbf16, #tpu.memory_space<hbm>>
      tpu.enqueue_indirect_dma source(%dma_start3A_267 : memref<10000x64xbf16, #tpu.memory_space<hbm>>) target(%arg15 : memref<128x64xbf16, #tpu.memory_space<vmem>>) offsets(%dma_start3A_264 : memref<128xi32, #tpu.memory_space<vmem>>) semaphore(%arg26 : memref<!tpu.dma_semaphore, #tpu.memory_space<semaphore_mem>>)
      %dma_wait3A_268 = arith.constant 1 : i32
      %dma_wait3A_269 = arith.constant 0 : i32
      %dma_wait3A_270 = tpu.memref_slice %arg4[%dma_wait3A_268, %dma_wait3A_269] : memref<2x320000xi32, #tpu.memory_space<hbm>> -> memref<1x128xi32, #tpu.memory_space<hbm>>
      %dma_wait3A_271 = tpu.memref_squeeze %dma_wait3A_270 : memref<1x128xi32, #tpu.memory_space<hbm>> -> memref<128xi32, #tpu.memory_space<hbm>>
      %dma_wait3A_272 = arith.constant 0 : i32
      %dma_wait3A_273 = tpu.memref_slice %arg4[%dma_wait3A_268, %dma_wait3A_272] : memref<2x320000xi32, #tpu.memory_space<hbm>> -> memref<1x128xi32, #tpu.memory_space<hbm>>
      %dma_wait3A_274 = tpu.memref_squeeze %dma_wait3A_273 : memref<1x128xi32, #tpu.memory_space<hbm>> -> memref<128xi32, #tpu.memory_space<hbm>>
      tpu.wait_dma2 semaphore(%arg35 : memref<!tpu.dma_semaphore, #tpu.memory_space<semaphore_mem>>) src(%dma_wait3A_274 : memref<128xi32, #tpu.memory_space<hbm>>) dst(%arg12 : memref<128xi32, #tpu.memory_space<vmem>>)
      %dma_wait3A_275 = arith.constant 0 : i32
      %dma_wait3A_276 = tpu.memref_slice %arg7[%dma_wait3A_275] : memref<20000xi32, #tpu.memory_space<vmem>> -> memref<128xi32, #tpu.memory_space<vmem>>
      %dma_wait3A_277 = arith.constant 0 : i32
      %dma_wait3A_278 = arith.constant 0 : i32
      %dma_wait3A_279 = tpu.memref_slice %arg2[%dma_wait3A_277, %dma_wait3A_278] : memref<10000x64xbf16, #tpu.memory_space<hbm>> -> memref<10000x64xbf16, #tpu.memory_space<hbm>>
      tpu.wait_indirect_dma semaphore(%arg29 : memref<!tpu.dma_semaphore, #tpu.memory_space<semaphore_mem>>) src(%dma_wait3A_279 : memref<10000x64xbf16, #tpu.memory_space<hbm>>) dst(%arg18 : memref<128x64xbf16, #tpu.memory_space<vmem>>)
      %dma_start3A_280 = arith.constant 0 : i32
      %dma_start3A_281 = arith.constant 0 : i32
      %dma_start3A_282 = tpu.memref_slice %arg24[%dma_start3A_280, %dma_start3A_281] : memref<10000x64xbf16, #tpu.memory_space<vmem_shared>> -> memref<10000x64xbf16, #tpu.memory_space<vmem_shared>>
      tpu.enqueue_indirect_dma source(%arg18 : memref<128x64xbf16, #tpu.memory_space<vmem>>) target(%dma_start3A_282 : memref<10000x64xbf16, #tpu.memory_space<vmem_shared>>) offsets(%arg12 : memref<128xi32, #tpu.memory_space<vmem>>) semaphore(%arg41 : memref<!tpu.dma_semaphore, #tpu.memory_space<semaphore_mem>>) {add = true}
      %dma_wait3A_283 = arith.constant 0 : i32
      %dma_wait3A_284 = arith.constant 0 : i32
      %dma_wait3A_285 = tpu.memref_slice %arg24[%dma_wait3A_283, %dma_wait3A_284] : memref<10000x64xbf16, #tpu.memory_space<vmem_shared>> -> memref<10000x64xbf16, #tpu.memory_space<vmem_shared>>
      tpu.wait_indirect_dma semaphore(%arg39 : memref<!tpu.dma_semaphore, #tpu.memory_space<semaphore_mem>>) src(%arg16 : memref<128x64xbf16, #tpu.memory_space<vmem>>) dst(%dma_wait3A_285 : memref<10000x64xbf16, #tpu.memory_space<vmem_shared>>)
      %mul3A_286 = arith.constant 20000 : i32
      %mul3A_287 = arith.muli %arg1, %mul3A_286 : i32
      %add3A_288 = arith.constant 1024 : i32
      %add3A_289 = arith.addi %mul3A_287, %add3A_288 : i32
      %dma_start3A_290 = arith.constant 1 : i32
      %dma_start3A_291 = tpu.memref_slice %arg4[%dma_start3A_290, %add3A_289] : memref<2x320000xi32, #tpu.memory_space<hbm>> -> memref<1x128xi32, #tpu.memory_space<hbm>>
      %dma_start3A_292 = tpu.memref_squeeze %dma_start3A_291 : memref<1x128xi32, #tpu.memory_space<hbm>> -> memref<128xi32, #tpu.memory_space<hbm>>
      %dma_start3A_293 = tpu.memref_slice %arg4[%dma_start3A_290, %add3A_289] : memref<2x320000xi32, #tpu.memory_space<hbm>> -> memref<1x128xi32, #tpu.memory_space<hbm>>
      %dma_start3A_294 = tpu.memref_squeeze %dma_start3A_293 : memref<1x128xi32, #tpu.memory_space<hbm>> -> memref<128xi32, #tpu.memory_space<hbm>>
      tpu.enqueue_dma source(%dma_start3A_294 : memref<128xi32, #tpu.memory_space<hbm>>) target(%arg10 : memref<128xi32, #tpu.memory_space<vmem>>) target_semaphore(%arg33 : memref<!tpu.dma_semaphore, #tpu.memory_space<semaphore_mem>>)
      %dma_start3A_295 = arith.constant 1024 : i32
      %dma_start3A_296 = tpu.memref_slice %arg7[%dma_start3A_295] : memref<20000xi32, #tpu.memory_space<vmem>> -> memref<128xi32, #tpu.memory_space<vmem>>
      %dma_start3A_297 = arith.constant 0 : i32
      %dma_start3A_298 = arith.constant 0 : i32
      %dma_start3A_299 = tpu.memref_slice %arg2[%dma_start3A_297, %dma_start3A_298] : memref<10000x64xbf16, #tpu.memory_space<hbm>> -> memref<10000x64xbf16, #tpu.memory_space<hbm>>
      tpu.enqueue_indirect_dma source(%dma_start3A_299 : memref<10000x64xbf16, #tpu.memory_space<hbm>>) target(%arg16 : memref<128x64xbf16, #tpu.memory_space<vmem>>) offsets(%dma_start3A_296 : memref<128xi32, #tpu.memory_space<vmem>>) semaphore(%arg27 : memref<!tpu.dma_semaphore, #tpu.memory_space<semaphore_mem>>)
      %dma_wait3A_300 = arith.constant 1 : i32
      %dma_wait3A_301 = arith.constant 0 : i32
      %dma_wait3A_302 = tpu.memref_slice %arg4[%dma_wait3A_300, %dma_wait3A_301] : memref<2x320000xi32, #tpu.memory_space<hbm>> -> memref<1x128xi32, #tpu.memory_space<hbm>>
      %dma_wait3A_303 = tpu.memref_squeeze %dma_wait3A_302 : memref<1x128xi32, #tpu.memory_space<hbm>> -> memref<128xi32, #tpu.memory_space<hbm>>
      %dma_wait3A_304 = arith.constant 0 : i32
      %dma_wait3A_305 = tpu.memref_slice %arg4[%dma_wait3A_300, %dma_wait3A_304] : memref<2x320000xi32, #tpu.memory_space<hbm>> -> memref<1x128xi32, #tpu.memory_space<hbm>>
      %dma_wait3A_306 = tpu.memref_squeeze %dma_wait3A_305 : memref<1x128xi32, #tpu.memory_space<hbm>> -> memref<128xi32, #tpu.memory_space<hbm>>
      tpu.wait_dma2 semaphore(%arg36 : memref<!tpu.dma_semaphore, #tpu.memory_space<semaphore_mem>>) src(%dma_wait3A_306 : memref<128xi32, #tpu.memory_space<hbm>>) dst(%arg13 : memref<128xi32, #tpu.memory_space<vmem>>)
      %dma_wait3A_307 = arith.constant 0 : i32
      %dma_wait3A_308 = tpu.memref_slice %arg7[%dma_wait3A_307] : memref<20000xi32, #tpu.memory_space<vmem>> -> memref<128xi32, #tpu.memory_space<vmem>>
      %dma_wait3A_309 = arith.constant 0 : i32
      %dma_wait3A_310 = arith.constant 0 : i32
      %dma_wait3A_311 = tpu.memref_slice %arg2[%dma_wait3A_309, %dma_wait3A_310] : memref<10000x64xbf16, #tpu.memory_space<hbm>> -> memref<10000x64xbf16, #tpu.memory_space<hbm>>
      tpu.wait_indirect_dma semaphore(%arg30 : memref<!tpu.dma_semaphore, #tpu.memory_space<semaphore_mem>>) src(%dma_wait3A_311 : memref<10000x64xbf16, #tpu.memory_space<hbm>>) dst(%arg19 : memref<128x64xbf16, #tpu.memory_space<vmem>>)
      %dma_start3A_312 = arith.constant 0 : i32
      %dma_start3A_313 = arith.constant 0 : i32
      %dma_start3A_314 = tpu.memref_slice %arg24[%dma_start3A_312, %dma_start3A_313] : memref<10000x64xbf16, #tpu.memory_space<vmem_shared>> -> memref<10000x64xbf16, #tpu.memory_space<vmem_shared>>
      tpu.enqueue_indirect_dma source(%arg19 : memref<128x64xbf16, #tpu.memory_space<vmem>>) target(%dma_start3A_314 : memref<10000x64xbf16, #tpu.memory_space<vmem_shared>>) offsets(%arg13 : memref<128xi32, #tpu.memory_space<vmem>>) semaphore(%arg42 : memref<!tpu.dma_semaphore, #tpu.memory_space<semaphore_mem>>) {add = true}
      %dma_wait3A_315 = arith.constant 0 : i32
      %dma_wait3A_316 = arith.constant 0 : i32
      %dma_wait3A_317 = tpu.memref_slice %arg24[%dma_wait3A_315, %dma_wait3A_316] : memref<10000x64xbf16, #tpu.memory_space<vmem_shared>> -> memref<10000x64xbf16, #tpu.memory_space<vmem_shared>>
      tpu.wait_indirect_dma semaphore(%arg40 : memref<!tpu.dma_semaphore, #tpu.memory_space<semaphore_mem>>) src(%arg17 : memref<128x64xbf16, #tpu.memory_space<vmem>>) dst(%dma_wait3A_317 : memref<10000x64xbf16, #tpu.memory_space<vmem_shared>>)
      %mul3A_318 = arith.constant 20000 : i32
      %mul3A_319 = arith.muli %arg1, %mul3A_318 : i32
      %add3A_320 = arith.constant 1152 : i32
      %add3A_321 = arith.addi %mul3A_319, %add3A_320 : i32
      %dma_start3A_322 = arith.constant 1 : i32
      %dma_start3A_323 = tpu.memref_slice %arg4[%dma_start3A_322, %add3A_321] : memref<2x320000xi32, #tpu.memory_space<hbm>> -> memref<1x128xi32, #tpu.memory_space<hbm>>
      %dma_start3A_324 = tpu.memref_squeeze %dma_start3A_323 : memref<1x128xi32, #tpu.memory_space<hbm>> -> memref<128xi32, #tpu.memory_space<hbm>>
      %dma_start3A_325 = tpu.memref_slice %arg4[%dma_start3A_322, %add3A_321] : memref<2x320000xi32, #tpu.memory_space<hbm>> -> memref<1x128xi32, #tpu.memory_space<hbm>>
      %dma_start3A_326 = tpu.memref_squeeze %dma_start3A_325 : memref<1x128xi32, #tpu.memory_space<hbm>> -> memref<128xi32, #tpu.memory_space<hbm>>
      tpu.enqueue_dma source(%dma_start3A_326 : memref<128xi32, #tpu.memory_space<hbm>>) target(%arg11 : memref<128xi32, #tpu.memory_space<vmem>>) target_semaphore(%arg34 : memref<!tpu.dma_semaphore, #tpu.memory_space<semaphore_mem>>)
      %dma_start3A_327 = arith.constant 1152 : i32
      %dma_start3A_328 = tpu.memref_slice %arg7[%dma_start3A_327] : memref<20000xi32, #tpu.memory_space<vmem>> -> memref<128xi32, #tpu.memory_space<vmem>>
      %dma_start3A_329 = arith.constant 0 : i32
      %dma_start3A_330 = arith.constant 0 : i32
      %dma_start3A_331 = tpu.memref_slice %arg2[%dma_start3A_329, %dma_start3A_330] : memref<10000x64xbf16, #tpu.memory_space<hbm>> -> memref<10000x64xbf16, #tpu.memory_space<hbm>>
      tpu.enqueue_indirect_dma source(%dma_start3A_331 : memref<10000x64xbf16, #tpu.memory_space<hbm>>) target(%arg17 : memref<128x64xbf16, #tpu.memory_space<vmem>>) offsets(%dma_start3A_328 : memref<128xi32, #tpu.memory_space<vmem>>) semaphore(%arg28 : memref<!tpu.dma_semaphore, #tpu.memory_space<semaphore_mem>>)
      %scan3A_332 = arith.constant 0 : i32
      %scan3A_333 = arith.constant 1 : i32
      %scan3A_334 = arith.constant 24 : i32
      %scan3A_335 = arith.addi %scan3A_333, %scan3A_334 : i32
      %scan3A_336 = arith.constant 1 : i32
      scf.for %scan3A_495 = %scan3A_333 to %scan3A_335 step %scan3A_336  : i32 {
        %mul3A_496 = arith.constant 6 : i32
        %mul3A_497 = arith.muli %mul3A_496, %scan3A_495 : i32
        %add3A_498 = arith.constant 0 : i32
        %add3A_499 = arith.addi %mul3A_497, %add3A_498 : i32
        %dma_wait3A_500 = arith.constant 1 : i32
        %dma_wait3A_501 = arith.constant 0 : i32
        %dma_wait3A_502 = tpu.memref_slice %arg4[%dma_wait3A_500, %dma_wait3A_501] : memref<2x320000xi32, #tpu.memory_space<hbm>> -> memref<1x128xi32, #tpu.memory_space<hbm>>
        %dma_wait3A_503 = tpu.memref_squeeze %dma_wait3A_502 : memref<1x128xi32, #tpu.memory_space<hbm>> -> memref<128xi32, #tpu.memory_space<hbm>>
        %dma_wait3A_504 = arith.constant 0 : i32
        %dma_wait3A_505 = tpu.memref_slice %arg4[%dma_wait3A_500, %dma_wait3A_504] : memref<2x320000xi32, #tpu.memory_space<hbm>> -> memref<1x128xi32, #tpu.memory_space<hbm>>
        %dma_wait3A_506 = tpu.memref_squeeze %dma_wait3A_505 : memref<1x128xi32, #tpu.memory_space<hbm>> -> memref<128xi32, #tpu.memory_space<hbm>>
        tpu.wait_dma2 semaphore(%arg31 : memref<!tpu.dma_semaphore, #tpu.memory_space<semaphore_mem>>) src(%dma_wait3A_506 : memref<128xi32, #tpu.memory_space<hbm>>) dst(%arg8 : memref<128xi32, #tpu.memory_space<vmem>>)
        %dma_wait3A_507 = arith.constant 0 : i32
        %dma_wait3A_508 = tpu.memref_slice %arg7[%dma_wait3A_507] : memref<20000xi32, #tpu.memory_space<vmem>> -> memref<128xi32, #tpu.memory_space<vmem>>
        %dma_wait3A_509 = arith.constant 0 : i32
        %dma_wait3A_510 = arith.constant 0 : i32
        %dma_wait3A_511 = tpu.memref_slice %arg2[%dma_wait3A_509, %dma_wait3A_510] : memref<10000x64xbf16, #tpu.memory_space<hbm>> -> memref<10000x64xbf16, #tpu.memory_space<hbm>>
        tpu.wait_indirect_dma semaphore(%arg25 : memref<!tpu.dma_semaphore, #tpu.memory_space<semaphore_mem>>) src(%dma_wait3A_511 : memref<10000x64xbf16, #tpu.memory_space<hbm>>) dst(%arg14 : memref<128x64xbf16, #tpu.memory_space<vmem>>)
        %dma_start3A_512 = arith.constant 0 : i32
        %dma_start3A_513 = arith.constant 0 : i32
        %dma_start3A_514 = tpu.memref_slice %arg24[%dma_start3A_512, %dma_start3A_513] : memref<10000x64xbf16, #tpu.memory_space<vmem_shared>> -> memref<10000x64xbf16, #tpu.memory_space<vmem_shared>>
        tpu.enqueue_indirect_dma source(%arg14 : memref<128x64xbf16, #tpu.memory_space<vmem>>) target(%dma_start3A_514 : memref<10000x64xbf16, #tpu.memory_space<vmem_shared>>) offsets(%arg8 : memref<128xi32, #tpu.memory_space<vmem>>) semaphore(%arg37 : memref<!tpu.dma_semaphore, #tpu.memory_space<semaphore_mem>>) {add = true}
        %dma_wait3A_515 = arith.constant 0 : i32
        %dma_wait3A_516 = arith.constant 0 : i32
        %dma_wait3A_517 = tpu.memref_slice %arg24[%dma_wait3A_515, %dma_wait3A_516] : memref<10000x64xbf16, #tpu.memory_space<vmem_shared>> -> memref<10000x64xbf16, #tpu.memory_space<vmem_shared>>
        tpu.wait_indirect_dma semaphore(%arg41 : memref<!tpu.dma_semaphore, #tpu.memory_space<semaphore_mem>>) src(%arg18 : memref<128x64xbf16, #tpu.memory_space<vmem>>) dst(%dma_wait3A_517 : memref<10000x64xbf16, #tpu.memory_space<vmem_shared>>)
        %add3A_518 = arith.constant 4 : i32
        %add3A_519 = arith.addi %add3A_499, %add3A_518 : i32
        %mul3A_520 = arith.constant 20000 : i32
        %mul3A_521 = arith.muli %arg1, %mul3A_520 : i32
        %mul3A_522 = arith.constant 128 : i32
        %mul3A_523 = arith.muli %add3A_519, %mul3A_522 : i32
        %add3A_524 = arith.addi %mul3A_521, %mul3A_523 : i32
        %dma_start3A_525 = arith.constant 1 : i32
        %dma_start3A_526 = tpu.memref_slice %arg4[%dma_start3A_525, %add3A_524] : memref<2x320000xi32, #tpu.memory_space<hbm>> -> memref<1x128xi32, #tpu.memory_space<hbm>>
        %dma_start3A_527 = tpu.memref_squeeze %dma_start3A_526 : memref<1x128xi32, #tpu.memory_space<hbm>> -> memref<128xi32, #tpu.memory_space<hbm>>
        %dma_start3A_528 = tpu.memref_slice %arg4[%dma_start3A_525, %add3A_524] : memref<2x320000xi32, #tpu.memory_space<hbm>> -> memref<1x128xi32, #tpu.memory_space<hbm>>
        %dma_start3A_529 = tpu.memref_squeeze %dma_start3A_528 : memref<1x128xi32, #tpu.memory_space<hbm>> -> memref<128xi32, #tpu.memory_space<hbm>>
        tpu.enqueue_dma source(%dma_start3A_529 : memref<128xi32, #tpu.memory_space<hbm>>) target(%arg12 : memref<128xi32, #tpu.memory_space<vmem>>) target_semaphore(%arg35 : memref<!tpu.dma_semaphore, #tpu.memory_space<semaphore_mem>>)
        %mul3A_530 = arith.constant 128 : i32
        %mul3A_531 = arith.muli %add3A_519, %mul3A_530 : i32
        %dma_start3A_532 = tpu.memref_slice %arg7[%mul3A_531] : memref<20000xi32, #tpu.memory_space<vmem>> -> memref<128xi32, #tpu.memory_space<vmem>>
        %dma_start3A_533 = arith.constant 0 : i32
        %dma_start3A_534 = arith.constant 0 : i32
        %dma_start3A_535 = tpu.memref_slice %arg2[%dma_start3A_533, %dma_start3A_534] : memref<10000x64xbf16, #tpu.memory_space<hbm>> -> memref<10000x64xbf16, #tpu.memory_space<hbm>>
        tpu.enqueue_indirect_dma source(%dma_start3A_535 : memref<10000x64xbf16, #tpu.memory_space<hbm>>) target(%arg18 : memref<128x64xbf16, #tpu.memory_space<vmem>>) offsets(%dma_start3A_532 : memref<128xi32, #tpu.memory_space<vmem>>) semaphore(%arg29 : memref<!tpu.dma_semaphore, #tpu.memory_space<semaphore_mem>>)
        %mul3A_536 = arith.constant 6 : i32
        %mul3A_537 = arith.muli %mul3A_536, %scan3A_495 : i32
        %add3A_538 = arith.constant 1 : i32
        %add3A_539 = arith.addi %mul3A_537, %add3A_538 : i32
        %dma_wait3A_540 = arith.constant 1 : i32
        %dma_wait3A_541 = arith.constant 0 : i32
        %dma_wait3A_542 = tpu.memref_slice %arg4[%dma_wait3A_540, %dma_wait3A_541] : memref<2x320000xi32, #tpu.memory_space<hbm>> -> memref<1x128xi32, #tpu.memory_space<hbm>>
        %dma_wait3A_543 = tpu.memref_squeeze %dma_wait3A_542 : memref<1x128xi32, #tpu.memory_space<hbm>> -> memref<128xi32, #tpu.memory_space<hbm>>
        %dma_wait3A_544 = arith.constant 0 : i32
        %dma_wait3A_545 = tpu.memref_slice %arg4[%dma_wait3A_540, %dma_wait3A_544] : memref<2x320000xi32, #tpu.memory_space<hbm>> -> memref<1x128xi32, #tpu.memory_space<hbm>>
        %dma_wait3A_546 = tpu.memref_squeeze %dma_wait3A_545 : memref<1x128xi32, #tpu.memory_space<hbm>> -> memref<128xi32, #tpu.memory_space<hbm>>
        tpu.wait_dma2 semaphore(%arg32 : memref<!tpu.dma_semaphore, #tpu.memory_space<semaphore_mem>>) src(%dma_wait3A_546 : memref<128xi32, #tpu.memory_space<hbm>>) dst(%arg9 : memref<128xi32, #tpu.memory_space<vmem>>)
        %dma_wait3A_547 = arith.constant 0 : i32
        %dma_wait3A_548 = tpu.memref_slice %arg7[%dma_wait3A_547] : memref<20000xi32, #tpu.memory_space<vmem>> -> memref<128xi32, #tpu.memory_space<vmem>>
        %dma_wait3A_549 = arith.constant 0 : i32
        %dma_wait3A_550 = arith.constant 0 : i32
        %dma_wait3A_551 = tpu.memref_slice %arg2[%dma_wait3A_549, %dma_wait3A_550] : memref<10000x64xbf16, #tpu.memory_space<hbm>> -> memref<10000x64xbf16, #tpu.memory_space<hbm>>
        tpu.wait_indirect_dma semaphore(%arg26 : memref<!tpu.dma_semaphore, #tpu.memory_space<semaphore_mem>>) src(%dma_wait3A_551 : memref<10000x64xbf16, #tpu.memory_space<hbm>>) dst(%arg15 : memref<128x64xbf16, #tpu.memory_space<vmem>>)
        %dma_start3A_552 = arith.constant 0 : i32
        %dma_start3A_553 = arith.constant 0 : i32
        %dma_start3A_554 = tpu.memref_slice %arg24[%dma_start3A_552, %dma_start3A_553] : memref<10000x64xbf16, #tpu.memory_space<vmem_shared>> -> memref<10000x64xbf16, #tpu.memory_space<vmem_shared>>
        tpu.enqueue_indirect_dma source(%arg15 : memref<128x64xbf16, #tpu.memory_space<vmem>>) target(%dma_start3A_554 : memref<10000x64xbf16, #tpu.memory_space<vmem_shared>>) offsets(%arg9 : memref<128xi32, #tpu.memory_space<vmem>>) semaphore(%arg38 : memref<!tpu.dma_semaphore, #tpu.memory_space<semaphore_mem>>) {add = true}
        %dma_wait3A_555 = arith.constant 0 : i32
        %dma_wait3A_556 = arith.constant 0 : i32
        %dma_wait3A_557 = tpu.memref_slice %arg24[%dma_wait3A_555, %dma_wait3A_556] : memref<10000x64xbf16, #tpu.memory_space<vmem_shared>> -> memref<10000x64xbf16, #tpu.memory_space<vmem_shared>>
        tpu.wait_indirect_dma semaphore(%arg42 : memref<!tpu.dma_semaphore, #tpu.memory_space<semaphore_mem>>) src(%arg19 : memref<128x64xbf16, #tpu.memory_space<vmem>>) dst(%dma_wait3A_557 : memref<10000x64xbf16, #tpu.memory_space<vmem_shared>>)
        %add3A_558 = arith.constant 4 : i32
        %add3A_559 = arith.addi %add3A_539, %add3A_558 : i32
        %mul3A_560 = arith.constant 20000 : i32
        %mul3A_561 = arith.muli %arg1, %mul3A_560 : i32
        %mul3A_562 = arith.constant 128 : i32
        %mul3A_563 = arith.muli %add3A_559, %mul3A_562 : i32
        %add3A_564 = arith.addi %mul3A_561, %mul3A_563 : i32
        %dma_start3A_565 = arith.constant 1 : i32
        %dma_start3A_566 = tpu.memref_slice %arg4[%dma_start3A_565, %add3A_564] : memref<2x320000xi32, #tpu.memory_space<hbm>> -> memref<1x128xi32, #tpu.memory_space<hbm>>
        %dma_start3A_567 = tpu.memref_squeeze %dma_start3A_566 : memref<1x128xi32, #tpu.memory_space<hbm>> -> memref<128xi32, #tpu.memory_space<hbm>>
        %dma_start3A_568 = tpu.memref_slice %arg4[%dma_start3A_565, %add3A_564] : memref<2x320000xi32, #tpu.memory_space<hbm>> -> memref<1x128xi32, #tpu.memory_space<hbm>>
        %dma_start3A_569 = tpu.memref_squeeze %dma_start3A_568 : memref<1x128xi32, #tpu.memory_space<hbm>> -> memref<128xi32, #tpu.memory_space<hbm>>
        tpu.enqueue_dma source(%dma_start3A_569 : memref<128xi32, #tpu.memory_space<hbm>>) target(%arg13 : memref<128xi32, #tpu.memory_space<vmem>>) target_semaphore(%arg36 : memref<!tpu.dma_semaphore, #tpu.memory_space<semaphore_mem>>)
        %mul3A_570 = arith.constant 128 : i32
        %mul3A_571 = arith.muli %add3A_559, %mul3A_570 : i32
        %dma_start3A_572 = tpu.memref_slice %arg7[%mul3A_571] : memref<20000xi32, #tpu.memory_space<vmem>> -> memref<128xi32, #tpu.memory_space<vmem>>
        %dma_start3A_573 = arith.constant 0 : i32
        %dma_start3A_574 = arith.constant 0 : i32
        %dma_start3A_575 = tpu.memref_slice %arg2[%dma_start3A_573, %dma_start3A_574] : memref<10000x64xbf16, #tpu.memory_space<hbm>> -> memref<10000x64xbf16, #tpu.memory_space<hbm>>
        tpu.enqueue_indirect_dma source(%dma_start3A_575 : memref<10000x64xbf16, #tpu.memory_space<hbm>>) target(%arg19 : memref<128x64xbf16, #tpu.memory_space<vmem>>) offsets(%dma_start3A_572 : memref<128xi32, #tpu.memory_space<vmem>>) semaphore(%arg30 : memref<!tpu.dma_semaphore, #tpu.memory_space<semaphore_mem>>)
        %mul3A_576 = arith.constant 6 : i32
        %mul3A_577 = arith.muli %mul3A_576, %scan3A_495 : i32
        %add3A_578 = arith.constant 2 : i32
        %add3A_579 = arith.addi %mul3A_577, %add3A_578 : i32
        %dma_wait3A_580 = arith.constant 1 : i32
        %dma_wait3A_581 = arith.constant 0 : i32
        %dma_wait3A_582 = tpu.memref_slice %arg4[%dma_wait3A_580, %dma_wait3A_581] : memref<2x320000xi32, #tpu.memory_space<hbm>> -> memref<1x128xi32, #tpu.memory_space<hbm>>
        %dma_wait3A_583 = tpu.memref_squeeze %dma_wait3A_582 : memref<1x128xi32, #tpu.memory_space<hbm>> -> memref<128xi32, #tpu.memory_space<hbm>>
        %dma_wait3A_584 = arith.constant 0 : i32
        %dma_wait3A_585 = tpu.memref_slice %arg4[%dma_wait3A_580, %dma_wait3A_584] : memref<2x320000xi32, #tpu.memory_space<hbm>> -> memref<1x128xi32, #tpu.memory_space<hbm>>
        %dma_wait3A_586 = tpu.memref_squeeze %dma_wait3A_585 : memref<1x128xi32, #tpu.memory_space<hbm>> -> memref<128xi32, #tpu.memory_space<hbm>>
        tpu.wait_dma2 semaphore(%arg33 : memref<!tpu.dma_semaphore, #tpu.memory_space<semaphore_mem>>) src(%dma_wait3A_586 : memref<128xi32, #tpu.memory_space<hbm>>) dst(%arg10 : memref<128xi32, #tpu.memory_space<vmem>>)
        %dma_wait3A_587 = arith.constant 0 : i32
        %dma_wait3A_588 = tpu.memref_slice %arg7[%dma_wait3A_587] : memref<20000xi32, #tpu.memory_space<vmem>> -> memref<128xi32, #tpu.memory_space<vmem>>
        %dma_wait3A_589 = arith.constant 0 : i32
        %dma_wait3A_590 = arith.constant 0 : i32
        %dma_wait3A_591 = tpu.memref_slice %arg2[%dma_wait3A_589, %dma_wait3A_590] : memref<10000x64xbf16, #tpu.memory_space<hbm>> -> memref<10000x64xbf16, #tpu.memory_space<hbm>>
        tpu.wait_indirect_dma semaphore(%arg27 : memref<!tpu.dma_semaphore, #tpu.memory_space<semaphore_mem>>) src(%dma_wait3A_591 : memref<10000x64xbf16, #tpu.memory_space<hbm>>) dst(%arg16 : memref<128x64xbf16, #tpu.memory_space<vmem>>)
        %dma_start3A_592 = arith.constant 0 : i32
        %dma_start3A_593 = arith.constant 0 : i32
        %dma_start3A_594 = tpu.memref_slice %arg24[%dma_start3A_592, %dma_start3A_593] : memref<10000x64xbf16, #tpu.memory_space<vmem_shared>> -> memref<10000x64xbf16, #tpu.memory_space<vmem_shared>>
        tpu.enqueue_indirect_dma source(%arg16 : memref<128x64xbf16, #tpu.memory_space<vmem>>) target(%dma_start3A_594 : memref<10000x64xbf16, #tpu.memory_space<vmem_shared>>) offsets(%arg10 : memref<128xi32, #tpu.memory_space<vmem>>) semaphore(%arg39 : memref<!tpu.dma_semaphore, #tpu.memory_space<semaphore_mem>>) {add = true}
        %dma_wait3A_595 = arith.constant 0 : i32
        %dma_wait3A_596 = arith.constant 0 : i32
        %dma_wait3A_597 = tpu.memref_slice %arg24[%dma_wait3A_595, %dma_wait3A_596] : memref<10000x64xbf16, #tpu.memory_space<vmem_shared>> -> memref<10000x64xbf16, #tpu.memory_space<vmem_shared>>
        tpu.wait_indirect_dma semaphore(%arg37 : memref<!tpu.dma_semaphore, #tpu.memory_space<semaphore_mem>>) src(%arg14 : memref<128x64xbf16, #tpu.memory_space<vmem>>) dst(%dma_wait3A_597 : memref<10000x64xbf16, #tpu.memory_space<vmem_shared>>)
        %add3A_598 = arith.constant 4 : i32
        %add3A_599 = arith.addi %add3A_579, %add3A_598 : i32
        %mul3A_600 = arith.constant 20000 : i32
        %mul3A_601 = arith.muli %arg1, %mul3A_600 : i32
        %mul3A_602 = arith.constant 128 : i32
        %mul3A_603 = arith.muli %add3A_599, %mul3A_602 : i32
        %add3A_604 = arith.addi %mul3A_601, %mul3A_603 : i32
        %dma_start3A_605 = arith.constant 1 : i32
        %dma_start3A_606 = tpu.memref_slice %arg4[%dma_start3A_605, %add3A_604] : memref<2x320000xi32, #tpu.memory_space<hbm>> -> memref<1x128xi32, #tpu.memory_space<hbm>>
        %dma_start3A_607 = tpu.memref_squeeze %dma_start3A_606 : memref<1x128xi32, #tpu.memory_space<hbm>> -> memref<128xi32, #tpu.memory_space<hbm>>
        %dma_start3A_608 = tpu.memref_slice %arg4[%dma_start3A_605, %add3A_604] : memref<2x320000xi32, #tpu.memory_space<hbm>> -> memref<1x128xi32, #tpu.memory_space<hbm>>
        %dma_start3A_609 = tpu.memref_squeeze %dma_start3A_608 : memref<1x128xi32, #tpu.memory_space<hbm>> -> memref<128xi32, #tpu.memory_space<hbm>>
        tpu.enqueue_dma source(%dma_start3A_609 : memref<128xi32, #tpu.memory_space<hbm>>) target(%arg8 : memref<128xi32, #tpu.memory_space<vmem>>) target_semaphore(%arg31 : memref<!tpu.dma_semaphore, #tpu.memory_space<semaphore_mem>>)
        %mul3A_610 = arith.constant 128 : i32
        %mul3A_611 = arith.muli %add3A_599, %mul3A_610 : i32
        %dma_start3A_612 = tpu.memref_slice %arg7[%mul3A_611] : memref<20000xi32, #tpu.memory_space<vmem>> -> memref<128xi32, #tpu.memory_space<vmem>>
        %dma_start3A_613 = arith.constant 0 : i32
        %dma_start3A_614 = arith.constant 0 : i32
        %dma_start3A_615 = tpu.memref_slice %arg2[%dma_start3A_613, %dma_start3A_614] : memref<10000x64xbf16, #tpu.memory_space<hbm>> -> memref<10000x64xbf16, #tpu.memory_space<hbm>>
        tpu.enqueue_indirect_dma source(%dma_start3A_615 : memref<10000x64xbf16, #tpu.memory_space<hbm>>) target(%arg14 : memref<128x64xbf16, #tpu.memory_space<vmem>>) offsets(%dma_start3A_612 : memref<128xi32, #tpu.memory_space<vmem>>) semaphore(%arg25 : memref<!tpu.dma_semaphore, #tpu.memory_space<semaphore_mem>>)
        %mul3A_616 = arith.constant 6 : i32
        %mul3A_617 = arith.muli %mul3A_616, %scan3A_495 : i32
        %add3A_618 = arith.constant 3 : i32
        %add3A_619 = arith.addi %mul3A_617, %add3A_618 : i32
        %dma_wait3A_620 = arith.constant 1 : i32
        %dma_wait3A_621 = arith.constant 0 : i32
        %dma_wait3A_622 = tpu.memref_slice %arg4[%dma_wait3A_620, %dma_wait3A_621] : memref<2x320000xi32, #tpu.memory_space<hbm>> -> memref<1x128xi32, #tpu.memory_space<hbm>>
        %dma_wait3A_623 = tpu.memref_squeeze %dma_wait3A_622 : memref<1x128xi32, #tpu.memory_space<hbm>> -> memref<128xi32, #tpu.memory_space<hbm>>
        %dma_wait3A_624 = arith.constant 0 : i32
        %dma_wait3A_625 = tpu.memref_slice %arg4[%dma_wait3A_620, %dma_wait3A_624] : memref<2x320000xi32, #tpu.memory_space<hbm>> -> memref<1x128xi32, #tpu.memory_space<hbm>>
        %dma_wait3A_626 = tpu.memref_squeeze %dma_wait3A_625 : memref<1x128xi32, #tpu.memory_space<hbm>> -> memref<128xi32, #tpu.memory_space<hbm>>
        tpu.wait_dma2 semaphore(%arg34 : memref<!tpu.dma_semaphore, #tpu.memory_space<semaphore_mem>>) src(%dma_wait3A_626 : memref<128xi32, #tpu.memory_space<hbm>>) dst(%arg11 : memref<128xi32, #tpu.memory_space<vmem>>)
        %dma_wait3A_627 = arith.constant 0 : i32
        %dma_wait3A_628 = tpu.memref_slice %arg7[%dma_wait3A_627] : memref<20000xi32, #tpu.memory_space<vmem>> -> memref<128xi32, #tpu.memory_space<vmem>>
        %dma_wait3A_629 = arith.constant 0 : i32
        %dma_wait3A_630 = arith.constant 0 : i32
        %dma_wait3A_631 = tpu.memref_slice %arg2[%dma_wait3A_629, %dma_wait3A_630] : memref<10000x64xbf16, #tpu.memory_space<hbm>> -> memref<10000x64xbf16, #tpu.memory_space<hbm>>
        tpu.wait_indirect_dma semaphore(%arg28 : memref<!tpu.dma_semaphore, #tpu.memory_space<semaphore_mem>>) src(%dma_wait3A_631 : memref<10000x64xbf16, #tpu.memory_space<hbm>>) dst(%arg17 : memref<128x64xbf16, #tpu.memory_space<vmem>>)
        %dma_start3A_632 = arith.constant 0 : i32
        %dma_start3A_633 = arith.constant 0 : i32
        %dma_start3A_634 = tpu.memref_slice %arg24[%dma_start3A_632, %dma_start3A_633] : memref<10000x64xbf16, #tpu.memory_space<vmem_shared>> -> memref<10000x64xbf16, #tpu.memory_space<vmem_shared>>
        tpu.enqueue_indirect_dma source(%arg17 : memref<128x64xbf16, #tpu.memory_space<vmem>>) target(%dma_start3A_634 : memref<10000x64xbf16, #tpu.memory_space<vmem_shared>>) offsets(%arg11 : memref<128xi32, #tpu.memory_space<vmem>>) semaphore(%arg40 : memref<!tpu.dma_semaphore, #tpu.memory_space<semaphore_mem>>) {add = true}
        %dma_wait3A_635 = arith.constant 0 : i32
        %dma_wait3A_636 = arith.constant 0 : i32
        %dma_wait3A_637 = tpu.memref_slice %arg24[%dma_wait3A_635, %dma_wait3A_636] : memref<10000x64xbf16, #tpu.memory_space<vmem_shared>> -> memref<10000x64xbf16, #tpu.memory_space<vmem_shared>>
        tpu.wait_indirect_dma semaphore(%arg38 : memref<!tpu.dma_semaphore, #tpu.memory_space<semaphore_mem>>) src(%arg15 : memref<128x64xbf16, #tpu.memory_space<vmem>>) dst(%dma_wait3A_637 : memref<10000x64xbf16, #tpu.memory_space<vmem_shared>>)
        %add3A_638 = arith.constant 4 : i32
        %add3A_639 = arith.addi %add3A_619, %add3A_638 : i32
        %mul3A_640 = arith.constant 20000 : i32
        %mul3A_641 = arith.muli %arg1, %mul3A_640 : i32
        %mul3A_642 = arith.constant 128 : i32
        %mul3A_643 = arith.muli %add3A_639, %mul3A_642 : i32
        %add3A_644 = arith.addi %mul3A_641, %mul3A_643 : i32
        %dma_start3A_645 = arith.constant 1 : i32
        %dma_start3A_646 = tpu.memref_slice %arg4[%dma_start3A_645, %add3A_644] : memref<2x320000xi32, #tpu.memory_space<hbm>> -> memref<1x128xi32, #tpu.memory_space<hbm>>
        %dma_start3A_647 = tpu.memref_squeeze %dma_start3A_646 : memref<1x128xi32, #tpu.memory_space<hbm>> -> memref<128xi32, #tpu.memory_space<hbm>>
        %dma_start3A_648 = tpu.memref_slice %arg4[%dma_start3A_645, %add3A_644] : memref<2x320000xi32, #tpu.memory_space<hbm>> -> memref<1x128xi32, #tpu.memory_space<hbm>>
        %dma_start3A_649 = tpu.memref_squeeze %dma_start3A_648 : memref<1x128xi32, #tpu.memory_space<hbm>> -> memref<128xi32, #tpu.memory_space<hbm>>
        tpu.enqueue_dma source(%dma_start3A_649 : memref<128xi32, #tpu.memory_space<hbm>>) target(%arg9 : memref<128xi32, #tpu.memory_space<vmem>>) target_semaphore(%arg32 : memref<!tpu.dma_semaphore, #tpu.memory_space<semaphore_mem>>)
        %mul3A_650 = arith.constant 128 : i32
        %mul3A_651 = arith.muli %add3A_639, %mul3A_650 : i32
        %dma_start3A_652 = tpu.memref_slice %arg7[%mul3A_651] : memref<20000xi32, #tpu.memory_space<vmem>> -> memref<128xi32, #tpu.memory_space<vmem>>
        %dma_start3A_653 = arith.constant 0 : i32
        %dma_start3A_654 = arith.constant 0 : i32
        %dma_start3A_655 = tpu.memref_slice %arg2[%dma_start3A_653, %dma_start3A_654] : memref<10000x64xbf16, #tpu.memory_space<hbm>> -> memref<10000x64xbf16, #tpu.memory_space<hbm>>
        tpu.enqueue_indirect_dma source(%dma_start3A_655 : memref<10000x64xbf16, #tpu.memory_space<hbm>>) target(%arg15 : memref<128x64xbf16, #tpu.memory_space<vmem>>) offsets(%dma_start3A_652 : memref<128xi32, #tpu.memory_space<vmem>>) semaphore(%arg26 : memref<!tpu.dma_semaphore, #tpu.memory_space<semaphore_mem>>)
        %mul3A_656 = arith.constant 6 : i32
        %mul3A_657 = arith.muli %mul3A_656, %scan3A_495 : i32
        %add3A_658 = arith.constant 4 : i32
        %add3A_659 = arith.addi %mul3A_657, %add3A_658 : i32
        %dma_wait3A_660 = arith.constant 1 : i32
        %dma_wait3A_661 = arith.constant 0 : i32
        %dma_wait3A_662 = tpu.memref_slice %arg4[%dma_wait3A_660, %dma_wait3A_661] : memref<2x320000xi32, #tpu.memory_space<hbm>> -> memref<1x128xi32, #tpu.memory_space<hbm>>
        %dma_wait3A_663 = tpu.memref_squeeze %dma_wait3A_662 : memref<1x128xi32, #tpu.memory_space<hbm>> -> memref<128xi32, #tpu.memory_space<hbm>>
        %dma_wait3A_664 = arith.constant 0 : i32
        %dma_wait3A_665 = tpu.memref_slice %arg4[%dma_wait3A_660, %dma_wait3A_664] : memref<2x320000xi32, #tpu.memory_space<hbm>> -> memref<1x128xi32, #tpu.memory_space<hbm>>
        %dma_wait3A_666 = tpu.memref_squeeze %dma_wait3A_665 : memref<1x128xi32, #tpu.memory_space<hbm>> -> memref<128xi32, #tpu.memory_space<hbm>>
        tpu.wait_dma2 semaphore(%arg35 : memref<!tpu.dma_semaphore, #tpu.memory_space<semaphore_mem>>) src(%dma_wait3A_666 : memref<128xi32, #tpu.memory_space<hbm>>) dst(%arg12 : memref<128xi32, #tpu.memory_space<vmem>>)
        %dma_wait3A_667 = arith.constant 0 : i32
        %dma_wait3A_668 = tpu.memref_slice %arg7[%dma_wait3A_667] : memref<20000xi32, #tpu.memory_space<vmem>> -> memref<128xi32, #tpu.memory_space<vmem>>
        %dma_wait3A_669 = arith.constant 0 : i32
        %dma_wait3A_670 = arith.constant 0 : i32
        %dma_wait3A_671 = tpu.memref_slice %arg2[%dma_wait3A_669, %dma_wait3A_670] : memref<10000x64xbf16, #tpu.memory_space<hbm>> -> memref<10000x64xbf16, #tpu.memory_space<hbm>>
        tpu.wait_indirect_dma semaphore(%arg29 : memref<!tpu.dma_semaphore, #tpu.memory_space<semaphore_mem>>) src(%dma_wait3A_671 : memref<10000x64xbf16, #tpu.memory_space<hbm>>) dst(%arg18 : memref<128x64xbf16, #tpu.memory_space<vmem>>)
        %dma_start3A_672 = arith.constant 0 : i32
        %dma_start3A_673 = arith.constant 0 : i32
        %dma_start3A_674 = tpu.memref_slice %arg24[%dma_start3A_672, %dma_start3A_673] : memref<10000x64xbf16, #tpu.memory_space<vmem_shared>> -> memref<10000x64xbf16, #tpu.memory_space<vmem_shared>>
        tpu.enqueue_indirect_dma source(%arg18 : memref<128x64xbf16, #tpu.memory_space<vmem>>) target(%dma_start3A_674 : memref<10000x64xbf16, #tpu.memory_space<vmem_shared>>) offsets(%arg12 : memref<128xi32, #tpu.memory_space<vmem>>) semaphore(%arg41 : memref<!tpu.dma_semaphore, #tpu.memory_space<semaphore_mem>>) {add = true}
        %dma_wait3A_675 = arith.constant 0 : i32
        %dma_wait3A_676 = arith.constant 0 : i32
        %dma_wait3A_677 = tpu.memref_slice %arg24[%dma_wait3A_675, %dma_wait3A_676] : memref<10000x64xbf16, #tpu.memory_space<vmem_shared>> -> memref<10000x64xbf16, #tpu.memory_space<vmem_shared>>
        tpu.wait_indirect_dma semaphore(%arg39 : memref<!tpu.dma_semaphore, #tpu.memory_space<semaphore_mem>>) src(%arg16 : memref<128x64xbf16, #tpu.memory_space<vmem>>) dst(%dma_wait3A_677 : memref<10000x64xbf16, #tpu.memory_space<vmem_shared>>)
        %add3A_678 = arith.constant 4 : i32
        %add3A_679 = arith.addi %add3A_659, %add3A_678 : i32
        %mul3A_680 = arith.constant 20000 : i32
        %mul3A_681 = arith.muli %arg1, %mul3A_680 : i32
        %mul3A_682 = arith.constant 128 : i32
        %mul3A_683 = arith.muli %add3A_679, %mul3A_682 : i32
        %add3A_684 = arith.addi %mul3A_681, %mul3A_683 : i32
        %dma_start3A_685 = arith.constant 1 : i32
        %dma_start3A_686 = tpu.memref_slice %arg4[%dma_start3A_685, %add3A_684] : memref<2x320000xi32, #tpu.memory_space<hbm>> -> memref<1x128xi32, #tpu.memory_space<hbm>>
        %dma_start3A_687 = tpu.memref_squeeze %dma_start3A_686 : memref<1x128xi32, #tpu.memory_space<hbm>> -> memref<128xi32, #tpu.memory_space<hbm>>
        %dma_start3A_688 = tpu.memref_slice %arg4[%dma_start3A_685, %add3A_684] : memref<2x320000xi32, #tpu.memory_space<hbm>> -> memref<1x128xi32, #tpu.memory_space<hbm>>
        %dma_start3A_689 = tpu.memref_squeeze %dma_start3A_688 : memref<1x128xi32, #tpu.memory_space<hbm>> -> memref<128xi32, #tpu.memory_space<hbm>>
        tpu.enqueue_dma source(%dma_start3A_689 : memref<128xi32, #tpu.memory_space<hbm>>) target(%arg10 : memref<128xi32, #tpu.memory_space<vmem>>) target_semaphore(%arg33 : memref<!tpu.dma_semaphore, #tpu.memory_space<semaphore_mem>>)
        %mul3A_690 = arith.constant 128 : i32
        %mul3A_691 = arith.muli %add3A_679, %mul3A_690 : i32
        %dma_start3A_692 = tpu.memref_slice %arg7[%mul3A_691] : memref<20000xi32, #tpu.memory_space<vmem>> -> memref<128xi32, #tpu.memory_space<vmem>>
        %dma_start3A_693 = arith.constant 0 : i32
        %dma_start3A_694 = arith.constant 0 : i32
        %dma_start3A_695 = tpu.memref_slice %arg2[%dma_start3A_693, %dma_start3A_694] : memref<10000x64xbf16, #tpu.memory_space<hbm>> -> memref<10000x64xbf16, #tpu.memory_space<hbm>>
        tpu.enqueue_indirect_dma source(%dma_start3A_695 : memref<10000x64xbf16, #tpu.memory_space<hbm>>) target(%arg16 : memref<128x64xbf16, #tpu.memory_space<vmem>>) offsets(%dma_start3A_692 : memref<128xi32, #tpu.memory_space<vmem>>) semaphore(%arg27 : memref<!tpu.dma_semaphore, #tpu.memory_space<semaphore_mem>>)
        %mul3A_696 = arith.constant 6 : i32
        %mul3A_697 = arith.muli %mul3A_696, %scan3A_495 : i32
        %add3A_698 = arith.constant 5 : i32
        %add3A_699 = arith.addi %mul3A_697, %add3A_698 : i32
        %dma_wait3A_700 = arith.constant 1 : i32
        %dma_wait3A_701 = arith.constant 0 : i32
        %dma_wait3A_702 = tpu.memref_slice %arg4[%dma_wait3A_700, %dma_wait3A_701] : memref<2x320000xi32, #tpu.memory_space<hbm>> -> memref<1x128xi32, #tpu.memory_space<hbm>>
        %dma_wait3A_703 = tpu.memref_squeeze %dma_wait3A_702 : memref<1x128xi32, #tpu.memory_space<hbm>> -> memref<128xi32, #tpu.memory_space<hbm>>
        %dma_wait3A_704 = arith.constant 0 : i32
        %dma_wait3A_705 = tpu.memref_slice %arg4[%dma_wait3A_700, %dma_wait3A_704] : memref<2x320000xi32, #tpu.memory_space<hbm>> -> memref<1x128xi32, #tpu.memory_space<hbm>>
        %dma_wait3A_706 = tpu.memref_squeeze %dma_wait3A_705 : memref<1x128xi32, #tpu.memory_space<hbm>> -> memref<128xi32, #tpu.memory_space<hbm>>
        tpu.wait_dma2 semaphore(%arg36 : memref<!tpu.dma_semaphore, #tpu.memory_space<semaphore_mem>>) src(%dma_wait3A_706 : memref<128xi32, #tpu.memory_space<hbm>>) dst(%arg13 : memref<128xi32, #tpu.memory_space<vmem>>)
        %dma_wait3A_707 = arith.constant 0 : i32
        %dma_wait3A_708 = tpu.memref_slice %arg7[%dma_wait3A_707] : memref<20000xi32, #tpu.memory_space<vmem>> -> memref<128xi32, #tpu.memory_space<vmem>>
        %dma_wait3A_709 = arith.constant 0 : i32
        %dma_wait3A_710 = arith.constant 0 : i32
        %dma_wait3A_711 = tpu.memref_slice %arg2[%dma_wait3A_709, %dma_wait3A_710] : memref<10000x64xbf16, #tpu.memory_space<hbm>> -> memref<10000x64xbf16, #tpu.memory_space<hbm>>
        tpu.wait_indirect_dma semaphore(%arg30 : memref<!tpu.dma_semaphore, #tpu.memory_space<semaphore_mem>>) src(%dma_wait3A_711 : memref<10000x64xbf16, #tpu.memory_space<hbm>>) dst(%arg19 : memref<128x64xbf16, #tpu.memory_space<vmem>>)
        %dma_start3A_712 = arith.constant 0 : i32
        %dma_start3A_713 = arith.constant 0 : i32
        %dma_start3A_714 = tpu.memref_slice %arg24[%dma_start3A_712, %dma_start3A_713] : memref<10000x64xbf16, #tpu.memory_space<vmem_shared>> -> memref<10000x64xbf16, #tpu.memory_space<vmem_shared>>
        tpu.enqueue_indirect_dma source(%arg19 : memref<128x64xbf16, #tpu.memory_space<vmem>>) target(%dma_start3A_714 : memref<10000x64xbf16, #tpu.memory_space<vmem_shared>>) offsets(%arg13 : memref<128xi32, #tpu.memory_space<vmem>>) semaphore(%arg42 : memref<!tpu.dma_semaphore, #tpu.memory_space<semaphore_mem>>) {add = true}
        %dma_wait3A_715 = arith.constant 0 : i32
        %dma_wait3A_716 = arith.constant 0 : i32
        %dma_wait3A_717 = tpu.memref_slice %arg24[%dma_wait3A_715, %dma_wait3A_716] : memref<10000x64xbf16, #tpu.memory_space<vmem_shared>> -> memref<10000x64xbf16, #tpu.memory_space<vmem_shared>>
        tpu.wait_indirect_dma semaphore(%arg40 : memref<!tpu.dma_semaphore, #tpu.memory_space<semaphore_mem>>) src(%arg17 : memref<128x64xbf16, #tpu.memory_space<vmem>>) dst(%dma_wait3A_717 : memref<10000x64xbf16, #tpu.memory_space<vmem_shared>>)
        %add3A_718 = arith.constant 4 : i32
        %add3A_719 = arith.addi %add3A_699, %add3A_718 : i32
        %mul3A_720 = arith.constant 20000 : i32
        %mul3A_721 = arith.muli %arg1, %mul3A_720 : i32
        %mul3A_722 = arith.constant 128 : i32
        %mul3A_723 = arith.muli %add3A_719, %mul3A_722 : i32
        %add3A_724 = arith.addi %mul3A_721, %mul3A_723 : i32
        %dma_start3A_725 = arith.constant 1 : i32
        %dma_start3A_726 = tpu.memref_slice %arg4[%dma_start3A_725, %add3A_724] : memref<2x320000xi32, #tpu.memory_space<hbm>> -> memref<1x128xi32, #tpu.memory_space<hbm>>
        %dma_start3A_727 = tpu.memref_squeeze %dma_start3A_726 : memref<1x128xi32, #tpu.memory_space<hbm>> -> memref<128xi32, #tpu.memory_space<hbm>>
        %dma_start3A_728 = tpu.memref_slice %arg4[%dma_start3A_725, %add3A_724] : memref<2x320000xi32, #tpu.memory_space<hbm>> -> memref<1x128xi32, #tpu.memory_space<hbm>>
        %dma_start3A_729 = tpu.memref_squeeze %dma_start3A_728 : memref<1x128xi32, #tpu.memory_space<hbm>> -> memref<128xi32, #tpu.memory_space<hbm>>
        tpu.enqueue_dma source(%dma_start3A_729 : memref<128xi32, #tpu.memory_space<hbm>>) target(%arg11 : memref<128xi32, #tpu.memory_space<vmem>>) target_semaphore(%arg34 : memref<!tpu.dma_semaphore, #tpu.memory_space<semaphore_mem>>)
        %mul3A_730 = arith.constant 128 : i32
        %mul3A_731 = arith.muli %add3A_719, %mul3A_730 : i32
        %dma_start3A_732 = tpu.memref_slice %arg7[%mul3A_731] : memref<20000xi32, #tpu.memory_space<vmem>> -> memref<128xi32, #tpu.memory_space<vmem>>
        %dma_start3A_733 = arith.constant 0 : i32
        %dma_start3A_734 = arith.constant 0 : i32
        %dma_start3A_735 = tpu.memref_slice %arg2[%dma_start3A_733, %dma_start3A_734] : memref<10000x64xbf16, #tpu.memory_space<hbm>> -> memref<10000x64xbf16, #tpu.memory_space<hbm>>
        tpu.enqueue_indirect_dma source(%dma_start3A_735 : memref<10000x64xbf16, #tpu.memory_space<hbm>>) target(%arg17 : memref<128x64xbf16, #tpu.memory_space<vmem>>) offsets(%dma_start3A_732 : memref<128xi32, #tpu.memory_space<vmem>>) semaphore(%arg28 : memref<!tpu.dma_semaphore, #tpu.memory_space<semaphore_mem>>)
      }
      %scan3A_337 = arith.constant 24 : i32
      %dma_wait3A_338 = arith.constant 1 : i32
      %dma_wait3A_339 = arith.constant 0 : i32
      %dma_wait3A_340 = tpu.memref_slice %arg4[%dma_wait3A_338, %dma_wait3A_339] : memref<2x320000xi32, #tpu.memory_space<hbm>> -> memref<1x128xi32, #tpu.memory_space<hbm>>
      %dma_wait3A_341 = tpu.memref_squeeze %dma_wait3A_340 : memref<1x128xi32, #tpu.memory_space<hbm>> -> memref<128xi32, #tpu.memory_space<hbm>>
      %dma_wait3A_342 = arith.constant 0 : i32
      %dma_wait3A_343 = tpu.memref_slice %arg4[%dma_wait3A_338, %dma_wait3A_342] : memref<2x320000xi32, #tpu.memory_space<hbm>> -> memref<1x128xi32, #tpu.memory_space<hbm>>
      %dma_wait3A_344 = tpu.memref_squeeze %dma_wait3A_343 : memref<1x128xi32, #tpu.memory_space<hbm>> -> memref<128xi32, #tpu.memory_space<hbm>>
      tpu.wait_dma2 semaphore(%arg31 : memref<!tpu.dma_semaphore, #tpu.memory_space<semaphore_mem>>) src(%dma_wait3A_344 : memref<128xi32, #tpu.memory_space<hbm>>) dst(%arg8 : memref<128xi32, #tpu.memory_space<vmem>>)
      %dma_wait3A_345 = arith.constant 0 : i32
      %dma_wait3A_346 = tpu.memref_slice %arg7[%dma_wait3A_345] : memref<20000xi32, #tpu.memory_space<vmem>> -> memref<128xi32, #tpu.memory_space<vmem>>
      %dma_wait3A_347 = arith.constant 0 : i32
      %dma_wait3A_348 = arith.constant 0 : i32
      %dma_wait3A_349 = tpu.memref_slice %arg2[%dma_wait3A_347, %dma_wait3A_348] : memref<10000x64xbf16, #tpu.memory_space<hbm>> -> memref<10000x64xbf16, #tpu.memory_space<hbm>>
      tpu.wait_indirect_dma semaphore(%arg25 : memref<!tpu.dma_semaphore, #tpu.memory_space<semaphore_mem>>) src(%dma_wait3A_349 : memref<10000x64xbf16, #tpu.memory_space<hbm>>) dst(%arg14 : memref<128x64xbf16, #tpu.memory_space<vmem>>)
      %dma_start3A_350 = arith.constant 0 : i32
      %dma_start3A_351 = arith.constant 0 : i32
      %dma_start3A_352 = tpu.memref_slice %arg24[%dma_start3A_350, %dma_start3A_351] : memref<10000x64xbf16, #tpu.memory_space<vmem_shared>> -> memref<10000x64xbf16, #tpu.memory_space<vmem_shared>>
      tpu.enqueue_indirect_dma source(%arg14 : memref<128x64xbf16, #tpu.memory_space<vmem>>) target(%dma_start3A_352 : memref<10000x64xbf16, #tpu.memory_space<vmem_shared>>) offsets(%arg8 : memref<128xi32, #tpu.memory_space<vmem>>) semaphore(%arg37 : memref<!tpu.dma_semaphore, #tpu.memory_space<semaphore_mem>>) {add = true}
      %dma_wait3A_353 = arith.constant 0 : i32
      %dma_wait3A_354 = arith.constant 0 : i32
      %dma_wait3A_355 = tpu.memref_slice %arg24[%dma_wait3A_353, %dma_wait3A_354] : memref<10000x64xbf16, #tpu.memory_space<vmem_shared>> -> memref<10000x64xbf16, #tpu.memory_space<vmem_shared>>
      tpu.wait_indirect_dma semaphore(%arg41 : memref<!tpu.dma_semaphore, #tpu.memory_space<semaphore_mem>>) src(%arg18 : memref<128x64xbf16, #tpu.memory_space<vmem>>) dst(%dma_wait3A_355 : memref<10000x64xbf16, #tpu.memory_space<vmem_shared>>)
      %mul3A_356 = arith.constant 20000 : i32
      %mul3A_357 = arith.muli %arg1, %mul3A_356 : i32
      %add3A_358 = arith.constant 19712 : i32
      %add3A_359 = arith.addi %mul3A_357, %add3A_358 : i32
      %dma_start3A_360 = arith.constant 1 : i32
      %dma_start3A_361 = tpu.memref_slice %arg4[%dma_start3A_360, %add3A_359] : memref<2x320000xi32, #tpu.memory_space<hbm>> -> memref<1x128xi32, #tpu.memory_space<hbm>>
      %dma_start3A_362 = tpu.memref_squeeze %dma_start3A_361 : memref<1x128xi32, #tpu.memory_space<hbm>> -> memref<128xi32, #tpu.memory_space<hbm>>
      %dma_start3A_363 = tpu.memref_slice %arg4[%dma_start3A_360, %add3A_359] : memref<2x320000xi32, #tpu.memory_space<hbm>> -> memref<1x128xi32, #tpu.memory_space<hbm>>
      %dma_start3A_364 = tpu.memref_squeeze %dma_start3A_363 : memref<1x128xi32, #tpu.memory_space<hbm>> -> memref<128xi32, #tpu.memory_space<hbm>>
      tpu.enqueue_dma source(%dma_start3A_364 : memref<128xi32, #tpu.memory_space<hbm>>) target(%arg12 : memref<128xi32, #tpu.memory_space<vmem>>) target_semaphore(%arg35 : memref<!tpu.dma_semaphore, #tpu.memory_space<semaphore_mem>>)
      %dma_start3A_365 = arith.constant 19712 : i32
      %dma_start3A_366 = tpu.memref_slice %arg7[%dma_start3A_365] : memref<20000xi32, #tpu.memory_space<vmem>> -> memref<128xi32, #tpu.memory_space<vmem>>
      %dma_start3A_367 = arith.constant 0 : i32
      %dma_start3A_368 = arith.constant 0 : i32
      %dma_start3A_369 = tpu.memref_slice %arg2[%dma_start3A_367, %dma_start3A_368] : memref<10000x64xbf16, #tpu.memory_space<hbm>> -> memref<10000x64xbf16, #tpu.memory_space<hbm>>
      tpu.enqueue_indirect_dma source(%dma_start3A_369 : memref<10000x64xbf16, #tpu.memory_space<hbm>>) target(%arg18 : memref<128x64xbf16, #tpu.memory_space<vmem>>) offsets(%dma_start3A_366 : memref<128xi32, #tpu.memory_space<vmem>>) semaphore(%arg29 : memref<!tpu.dma_semaphore, #tpu.memory_space<semaphore_mem>>)
      %dma_wait3A_370 = arith.constant 1 : i32
      %dma_wait3A_371 = arith.constant 0 : i32
      %dma_wait3A_372 = tpu.memref_slice %arg4[%dma_wait3A_370, %dma_wait3A_371] : memref<2x320000xi32, #tpu.memory_space<hbm>> -> memref<1x128xi32, #tpu.memory_space<hbm>>
      %dma_wait3A_373 = tpu.memref_squeeze %dma_wait3A_372 : memref<1x128xi32, #tpu.memory_space<hbm>> -> memref<128xi32, #tpu.memory_space<hbm>>
      %dma_wait3A_374 = arith.constant 0 : i32
      %dma_wait3A_375 = tpu.memref_slice %arg4[%dma_wait3A_370, %dma_wait3A_374] : memref<2x320000xi32, #tpu.memory_space<hbm>> -> memref<1x128xi32, #tpu.memory_space<hbm>>
      %dma_wait3A_376 = tpu.memref_squeeze %dma_wait3A_375 : memref<1x128xi32, #tpu.memory_space<hbm>> -> memref<128xi32, #tpu.memory_space<hbm>>
      tpu.wait_dma2 semaphore(%arg32 : memref<!tpu.dma_semaphore, #tpu.memory_space<semaphore_mem>>) src(%dma_wait3A_376 : memref<128xi32, #tpu.memory_space<hbm>>) dst(%arg9 : memref<128xi32, #tpu.memory_space<vmem>>)
      %dma_wait3A_377 = arith.constant 0 : i32
      %dma_wait3A_378 = tpu.memref_slice %arg7[%dma_wait3A_377] : memref<20000xi32, #tpu.memory_space<vmem>> -> memref<128xi32, #tpu.memory_space<vmem>>
      %dma_wait3A_379 = arith.constant 0 : i32
      %dma_wait3A_380 = arith.constant 0 : i32
      %dma_wait3A_381 = tpu.memref_slice %arg2[%dma_wait3A_379, %dma_wait3A_380] : memref<10000x64xbf16, #tpu.memory_space<hbm>> -> memref<10000x64xbf16, #tpu.memory_space<hbm>>
      tpu.wait_indirect_dma semaphore(%arg26 : memref<!tpu.dma_semaphore, #tpu.memory_space<semaphore_mem>>) src(%dma_wait3A_381 : memref<10000x64xbf16, #tpu.memory_space<hbm>>) dst(%arg15 : memref<128x64xbf16, #tpu.memory_space<vmem>>)
      %dma_start3A_382 = arith.constant 0 : i32
      %dma_start3A_383 = arith.constant 0 : i32
      %dma_start3A_384 = tpu.memref_slice %arg24[%dma_start3A_382, %dma_start3A_383] : memref<10000x64xbf16, #tpu.memory_space<vmem_shared>> -> memref<10000x64xbf16, #tpu.memory_space<vmem_shared>>
      tpu.enqueue_indirect_dma source(%arg15 : memref<128x64xbf16, #tpu.memory_space<vmem>>) target(%dma_start3A_384 : memref<10000x64xbf16, #tpu.memory_space<vmem_shared>>) offsets(%arg9 : memref<128xi32, #tpu.memory_space<vmem>>) semaphore(%arg38 : memref<!tpu.dma_semaphore, #tpu.memory_space<semaphore_mem>>) {add = true}
      %dma_wait3A_385 = arith.constant 0 : i32
      %dma_wait3A_386 = arith.constant 0 : i32
      %dma_wait3A_387 = tpu.memref_slice %arg24[%dma_wait3A_385, %dma_wait3A_386] : memref<10000x64xbf16, #tpu.memory_space<vmem_shared>> -> memref<10000x64xbf16, #tpu.memory_space<vmem_shared>>
      tpu.wait_indirect_dma semaphore(%arg42 : memref<!tpu.dma_semaphore, #tpu.memory_space<semaphore_mem>>) src(%arg19 : memref<128x64xbf16, #tpu.memory_space<vmem>>) dst(%dma_wait3A_387 : memref<10000x64xbf16, #tpu.memory_space<vmem_shared>>)
      %mul3A_388 = arith.constant 20000 : i32
      %mul3A_389 = arith.muli %arg1, %mul3A_388 : i32
      %add3A_390 = arith.constant 19840 : i32
      %add3A_391 = arith.addi %mul3A_389, %add3A_390 : i32
      %dma_start3A_392 = arith.constant 1 : i32
      %dma_start3A_393 = tpu.memref_slice %arg4[%dma_start3A_392, %add3A_391] : memref<2x320000xi32, #tpu.memory_space<hbm>> -> memref<1x128xi32, #tpu.memory_space<hbm>>
      %dma_start3A_394 = tpu.memref_squeeze %dma_start3A_393 : memref<1x128xi32, #tpu.memory_space<hbm>> -> memref<128xi32, #tpu.memory_space<hbm>>
      %dma_start3A_395 = tpu.memref_slice %arg4[%dma_start3A_392, %add3A_391] : memref<2x320000xi32, #tpu.memory_space<hbm>> -> memref<1x128xi32, #tpu.memory_space<hbm>>
      %dma_start3A_396 = tpu.memref_squeeze %dma_start3A_395 : memref<1x128xi32, #tpu.memory_space<hbm>> -> memref<128xi32, #tpu.memory_space<hbm>>
      tpu.enqueue_dma source(%dma_start3A_396 : memref<128xi32, #tpu.memory_space<hbm>>) target(%arg13 : memref<128xi32, #tpu.memory_space<vmem>>) target_semaphore(%arg36 : memref<!tpu.dma_semaphore, #tpu.memory_space<semaphore_mem>>)
      %dma_start3A_397 = arith.constant 19840 : i32
      %dma_start3A_398 = tpu.memref_slice %arg7[%dma_start3A_397] : memref<20000xi32, #tpu.memory_space<vmem>> -> memref<128xi32, #tpu.memory_space<vmem>>
      %dma_start3A_399 = arith.constant 0 : i32
      %dma_start3A_400 = arith.constant 0 : i32
      %dma_start3A_401 = tpu.memref_slice %arg2[%dma_start3A_399, %dma_start3A_400] : memref<10000x64xbf16, #tpu.memory_space<hbm>> -> memref<10000x64xbf16, #tpu.memory_space<hbm>>
      tpu.enqueue_indirect_dma source(%dma_start3A_401 : memref<10000x64xbf16, #tpu.memory_space<hbm>>) target(%arg19 : memref<128x64xbf16, #tpu.memory_space<vmem>>) offsets(%dma_start3A_398 : memref<128xi32, #tpu.memory_space<vmem>>) semaphore(%arg30 : memref<!tpu.dma_semaphore, #tpu.memory_space<semaphore_mem>>)
      %dma_wait3A_402 = arith.constant 1 : i32
      %dma_wait3A_403 = arith.constant 0 : i32
      %dma_wait3A_404 = tpu.memref_slice %arg4[%dma_wait3A_402, %dma_wait3A_403] : memref<2x320000xi32, #tpu.memory_space<hbm>> -> memref<1x128xi32, #tpu.memory_space<hbm>>
      %dma_wait3A_405 = tpu.memref_squeeze %dma_wait3A_404 : memref<1x128xi32, #tpu.memory_space<hbm>> -> memref<128xi32, #tpu.memory_space<hbm>>
      %dma_wait3A_406 = arith.constant 0 : i32
      %dma_wait3A_407 = tpu.memref_slice %arg4[%dma_wait3A_402, %dma_wait3A_406] : memref<2x320000xi32, #tpu.memory_space<hbm>> -> memref<1x128xi32, #tpu.memory_space<hbm>>
      %dma_wait3A_408 = tpu.memref_squeeze %dma_wait3A_407 : memref<1x128xi32, #tpu.memory_space<hbm>> -> memref<128xi32, #tpu.memory_space<hbm>>
      tpu.wait_dma2 semaphore(%arg33 : memref<!tpu.dma_semaphore, #tpu.memory_space<semaphore_mem>>) src(%dma_wait3A_408 : memref<128xi32, #tpu.memory_space<hbm>>) dst(%arg10 : memref<128xi32, #tpu.memory_space<vmem>>)
      %dma_wait3A_409 = arith.constant 0 : i32
      %dma_wait3A_410 = tpu.memref_slice %arg7[%dma_wait3A_409] : memref<20000xi32, #tpu.memory_space<vmem>> -> memref<128xi32, #tpu.memory_space<vmem>>
      %dma_wait3A_411 = arith.constant 0 : i32
      %dma_wait3A_412 = arith.constant 0 : i32
      %dma_wait3A_413 = tpu.memref_slice %arg2[%dma_wait3A_411, %dma_wait3A_412] : memref<10000x64xbf16, #tpu.memory_space<hbm>> -> memref<10000x64xbf16, #tpu.memory_space<hbm>>
      tpu.wait_indirect_dma semaphore(%arg27 : memref<!tpu.dma_semaphore, #tpu.memory_space<semaphore_mem>>) src(%dma_wait3A_413 : memref<10000x64xbf16, #tpu.memory_space<hbm>>) dst(%arg16 : memref<128x64xbf16, #tpu.memory_space<vmem>>)
      %dma_start3A_414 = arith.constant 0 : i32
      %dma_start3A_415 = arith.constant 0 : i32
      %dma_start3A_416 = tpu.memref_slice %arg24[%dma_start3A_414, %dma_start3A_415] : memref<10000x64xbf16, #tpu.memory_space<vmem_shared>> -> memref<10000x64xbf16, #tpu.memory_space<vmem_shared>>
      tpu.enqueue_indirect_dma source(%arg16 : memref<128x64xbf16, #tpu.memory_space<vmem>>) target(%dma_start3A_416 : memref<10000x64xbf16, #tpu.memory_space<vmem_shared>>) offsets(%arg10 : memref<128xi32, #tpu.memory_space<vmem>>) semaphore(%arg39 : memref<!tpu.dma_semaphore, #tpu.memory_space<semaphore_mem>>) {add = true}
      %dma_wait3A_417 = arith.constant 1 : i32
      %dma_wait3A_418 = arith.constant 0 : i32
      %dma_wait3A_419 = tpu.memref_slice %arg4[%dma_wait3A_417, %dma_wait3A_418] : memref<2x320000xi32, #tpu.memory_space<hbm>> -> memref<1x128xi32, #tpu.memory_space<hbm>>
      %dma_wait3A_420 = tpu.memref_squeeze %dma_wait3A_419 : memref<1x128xi32, #tpu.memory_space<hbm>> -> memref<128xi32, #tpu.memory_space<hbm>>
      %dma_wait3A_421 = arith.constant 0 : i32
      %dma_wait3A_422 = tpu.memref_slice %arg4[%dma_wait3A_417, %dma_wait3A_421] : memref<2x320000xi32, #tpu.memory_space<hbm>> -> memref<1x128xi32, #tpu.memory_space<hbm>>
      %dma_wait3A_423 = tpu.memref_squeeze %dma_wait3A_422 : memref<1x128xi32, #tpu.memory_space<hbm>> -> memref<128xi32, #tpu.memory_space<hbm>>
      tpu.wait_dma2 semaphore(%arg34 : memref<!tpu.dma_semaphore, #tpu.memory_space<semaphore_mem>>) src(%dma_wait3A_423 : memref<128xi32, #tpu.memory_space<hbm>>) dst(%arg11 : memref<128xi32, #tpu.memory_space<vmem>>)
      %dma_wait3A_424 = arith.constant 0 : i32
      %dma_wait3A_425 = tpu.memref_slice %arg7[%dma_wait3A_424] : memref<20000xi32, #tpu.memory_space<vmem>> -> memref<128xi32, #tpu.memory_space<vmem>>
      %dma_wait3A_426 = arith.constant 0 : i32
      %dma_wait3A_427 = arith.constant 0 : i32
      %dma_wait3A_428 = tpu.memref_slice %arg2[%dma_wait3A_426, %dma_wait3A_427] : memref<10000x64xbf16, #tpu.memory_space<hbm>> -> memref<10000x64xbf16, #tpu.memory_space<hbm>>
      tpu.wait_indirect_dma semaphore(%arg28 : memref<!tpu.dma_semaphore, #tpu.memory_space<semaphore_mem>>) src(%dma_wait3A_428 : memref<10000x64xbf16, #tpu.memory_space<hbm>>) dst(%arg17 : memref<128x64xbf16, #tpu.memory_space<vmem>>)
      %dma_start3A_429 = arith.constant 0 : i32
      %dma_start3A_430 = arith.constant 0 : i32
      %dma_start3A_431 = tpu.memref_slice %arg24[%dma_start3A_429, %dma_start3A_430] : memref<10000x64xbf16, #tpu.memory_space<vmem_shared>> -> memref<10000x64xbf16, #tpu.memory_space<vmem_shared>>
      tpu.enqueue_indirect_dma source(%arg17 : memref<128x64xbf16, #tpu.memory_space<vmem>>) target(%dma_start3A_431 : memref<10000x64xbf16, #tpu.memory_space<vmem_shared>>) offsets(%arg11 : memref<128xi32, #tpu.memory_space<vmem>>) semaphore(%arg40 : memref<!tpu.dma_semaphore, #tpu.memory_space<semaphore_mem>>) {add = true}
      %dma_wait3A_432 = arith.constant 1 : i32
      %dma_wait3A_433 = arith.constant 0 : i32
      %dma_wait3A_434 = tpu.memref_slice %arg4[%dma_wait3A_432, %dma_wait3A_433] : memref<2x320000xi32, #tpu.memory_space<hbm>> -> memref<1x128xi32, #tpu.memory_space<hbm>>
      %dma_wait3A_435 = tpu.memref_squeeze %dma_wait3A_434 : memref<1x128xi32, #tpu.memory_space<hbm>> -> memref<128xi32, #tpu.memory_space<hbm>>
      %dma_wait3A_436 = arith.constant 0 : i32
      %dma_wait3A_437 = tpu.memref_slice %arg4[%dma_wait3A_432, %dma_wait3A_436] : memref<2x320000xi32, #tpu.memory_space<hbm>> -> memref<1x128xi32, #tpu.memory_space<hbm>>
      %dma_wait3A_438 = tpu.memref_squeeze %dma_wait3A_437 : memref<1x128xi32, #tpu.memory_space<hbm>> -> memref<128xi32, #tpu.memory_space<hbm>>
      tpu.wait_dma2 semaphore(%arg35 : memref<!tpu.dma_semaphore, #tpu.memory_space<semaphore_mem>>) src(%dma_wait3A_438 : memref<128xi32, #tpu.memory_space<hbm>>) dst(%arg12 : memref<128xi32, #tpu.memory_space<vmem>>)
      %dma_wait3A_439 = arith.constant 0 : i32
      %dma_wait3A_440 = tpu.memref_slice %arg7[%dma_wait3A_439] : memref<20000xi32, #tpu.memory_space<vmem>> -> memref<128xi32, #tpu.memory_space<vmem>>
      %dma_wait3A_441 = arith.constant 0 : i32
      %dma_wait3A_442 = arith.constant 0 : i32
      %dma_wait3A_443 = tpu.memref_slice %arg2[%dma_wait3A_441, %dma_wait3A_442] : memref<10000x64xbf16, #tpu.memory_space<hbm>> -> memref<10000x64xbf16, #tpu.memory_space<hbm>>
      tpu.wait_indirect_dma semaphore(%arg29 : memref<!tpu.dma_semaphore, #tpu.memory_space<semaphore_mem>>) src(%dma_wait3A_443 : memref<10000x64xbf16, #tpu.memory_space<hbm>>) dst(%arg18 : memref<128x64xbf16, #tpu.memory_space<vmem>>)
      %dma_start3A_444 = arith.constant 0 : i32
      %dma_start3A_445 = arith.constant 0 : i32
      %dma_start3A_446 = tpu.memref_slice %arg24[%dma_start3A_444, %dma_start3A_445] : memref<10000x64xbf16, #tpu.memory_space<vmem_shared>> -> memref<10000x64xbf16, #tpu.memory_space<vmem_shared>>
      tpu.enqueue_indirect_dma source(%arg18 : memref<128x64xbf16, #tpu.memory_space<vmem>>) target(%dma_start3A_446 : memref<10000x64xbf16, #tpu.memory_space<vmem_shared>>) offsets(%arg12 : memref<128xi32, #tpu.memory_space<vmem>>) semaphore(%arg41 : memref<!tpu.dma_semaphore, #tpu.memory_space<semaphore_mem>>) {add = true}
      %dma_wait3A_447 = arith.constant 1 : i32
      %dma_wait3A_448 = arith.constant 0 : i32
      %dma_wait3A_449 = tpu.memref_slice %arg4[%dma_wait3A_447, %dma_wait3A_448] : memref<2x320000xi32, #tpu.memory_space<hbm>> -> memref<1x128xi32, #tpu.memory_space<hbm>>
      %dma_wait3A_450 = tpu.memref_squeeze %dma_wait3A_449 : memref<1x128xi32, #tpu.memory_space<hbm>> -> memref<128xi32, #tpu.memory_space<hbm>>
      %dma_wait3A_451 = arith.constant 0 : i32
      %dma_wait3A_452 = tpu.memref_slice %arg4[%dma_wait3A_447, %dma_wait3A_451] : memref<2x320000xi32, #tpu.memory_space<hbm>> -> memref<1x128xi32, #tpu.memory_space<hbm>>
      %dma_wait3A_453 = tpu.memref_squeeze %dma_wait3A_452 : memref<1x128xi32, #tpu.memory_space<hbm>> -> memref<128xi32, #tpu.memory_space<hbm>>
      tpu.wait_dma2 semaphore(%arg36 : memref<!tpu.dma_semaphore, #tpu.memory_space<semaphore_mem>>) src(%dma_wait3A_453 : memref<128xi32, #tpu.memory_space<hbm>>) dst(%arg13 : memref<128xi32, #tpu.memory_space<vmem>>)
      %dma_wait3A_454 = arith.constant 0 : i32
      %dma_wait3A_455 = tpu.memref_slice %arg7[%dma_wait3A_454] : memref<20000xi32, #tpu.memory_space<vmem>> -> memref<128xi32, #tpu.memory_space<vmem>>
      %dma_wait3A_456 = arith.constant 0 : i32
      %dma_wait3A_457 = arith.constant 0 : i32
      %dma_wait3A_458 = tpu.memref_slice %arg2[%dma_wait3A_456, %dma_wait3A_457] : memref<10000x64xbf16, #tpu.memory_space<hbm>> -> memref<10000x64xbf16, #tpu.memory_space<hbm>>
      tpu.wait_indirect_dma semaphore(%arg30 : memref<!tpu.dma_semaphore, #tpu.memory_space<semaphore_mem>>) src(%dma_wait3A_458 : memref<10000x64xbf16, #tpu.memory_space<hbm>>) dst(%arg19 : memref<128x64xbf16, #tpu.memory_space<vmem>>)
      %dma_start3A_459 = arith.constant 0 : i32
      %dma_start3A_460 = arith.constant 0 : i32
      %dma_start3A_461 = tpu.memref_slice %arg24[%dma_start3A_459, %dma_start3A_460] : memref<10000x64xbf16, #tpu.memory_space<vmem_shared>> -> memref<10000x64xbf16, #tpu.memory_space<vmem_shared>>
      tpu.enqueue_indirect_dma source(%arg19 : memref<128x64xbf16, #tpu.memory_space<vmem>>) target(%dma_start3A_461 : memref<10000x64xbf16, #tpu.memory_space<vmem_shared>>) offsets(%arg13 : memref<128xi32, #tpu.memory_space<vmem>>) semaphore(%arg42 : memref<!tpu.dma_semaphore, #tpu.memory_space<semaphore_mem>>) {add = true}
      %dma_wait3A_462 = arith.constant 0 : i32
      %dma_wait3A_463 = arith.constant 0 : i32
      %dma_wait3A_464 = tpu.memref_slice %arg24[%dma_wait3A_462, %dma_wait3A_463] : memref<10000x64xbf16, #tpu.memory_space<vmem_shared>> -> memref<10000x64xbf16, #tpu.memory_space<vmem_shared>>
      tpu.wait_indirect_dma semaphore(%arg37 : memref<!tpu.dma_semaphore, #tpu.memory_space<semaphore_mem>>) src(%arg14 : memref<128x64xbf16, #tpu.memory_space<vmem>>) dst(%dma_wait3A_464 : memref<10000x64xbf16, #tpu.memory_space<vmem_shared>>)
      %dma_wait3A_465 = arith.constant 0 : i32
      %dma_wait3A_466 = arith.constant 0 : i32
      %dma_wait3A_467 = tpu.memref_slice %arg24[%dma_wait3A_465, %dma_wait3A_466] : memref<10000x64xbf16, #tpu.memory_space<vmem_shared>> -> memref<10000x64xbf16, #tpu.memory_space<vmem_shared>>
      tpu.wait_indirect_dma semaphore(%arg38 : memref<!tpu.dma_semaphore, #tpu.memory_space<semaphore_mem>>) src(%arg15 : memref<128x64xbf16, #tpu.memory_space<vmem>>) dst(%dma_wait3A_467 : memref<10000x64xbf16, #tpu.memory_space<vmem_shared>>)
      %dma_wait3A_468 = arith.constant 0 : i32
      %dma_wait3A_469 = arith.constant 0 : i32
      %dma_wait3A_470 = tpu.memref_slice %arg24[%dma_wait3A_468, %dma_wait3A_469] : memref<10000x64xbf16, #tpu.memory_space<vmem_shared>> -> memref<10000x64xbf16, #tpu.memory_space<vmem_shared>>
      tpu.wait_indirect_dma semaphore(%arg39 : memref<!tpu.dma_semaphore, #tpu.memory_space<semaphore_mem>>) src(%arg16 : memref<128x64xbf16, #tpu.memory_space<vmem>>) dst(%dma_wait3A_470 : memref<10000x64xbf16, #tpu.memory_space<vmem_shared>>)
      %dma_wait3A_471 = arith.constant 0 : i32
      %dma_wait3A_472 = arith.constant 0 : i32
      %dma_wait3A_473 = tpu.memref_slice %arg24[%dma_wait3A_471, %dma_wait3A_472] : memref<10000x64xbf16, #tpu.memory_space<vmem_shared>> -> memref<10000x64xbf16, #tpu.memory_space<vmem_shared>>
      tpu.wait_indirect_dma semaphore(%arg40 : memref<!tpu.dma_semaphore, #tpu.memory_space<semaphore_mem>>) src(%arg17 : memref<128x64xbf16, #tpu.memory_space<vmem>>) dst(%dma_wait3A_473 : memref<10000x64xbf16, #tpu.memory_space<vmem_shared>>)
      %dma_wait3A_474 = arith.constant 0 : i32
      %dma_wait3A_475 = arith.constant 0 : i32
      %dma_wait3A_476 = tpu.memref_slice %arg24[%dma_wait3A_474, %dma_wait3A_475] : memref<10000x64xbf16, #tpu.memory_space<vmem_shared>> -> memref<10000x64xbf16, #tpu.memory_space<vmem_shared>>
      tpu.wait_indirect_dma semaphore(%arg41 : memref<!tpu.dma_semaphore, #tpu.memory_space<semaphore_mem>>) src(%arg18 : memref<128x64xbf16, #tpu.memory_space<vmem>>) dst(%dma_wait3A_476 : memref<10000x64xbf16, #tpu.memory_space<vmem_shared>>)
      %dma_wait3A_477 = arith.constant 0 : i32
      %dma_wait3A_478 = arith.constant 0 : i32
      %dma_wait3A_479 = tpu.memref_slice %arg24[%dma_wait3A_477, %dma_wait3A_478] : memref<10000x64xbf16, #tpu.memory_space<vmem_shared>> -> memref<10000x64xbf16, #tpu.memory_space<vmem_shared>>
      tpu.wait_indirect_dma semaphore(%arg42 : memref<!tpu.dma_semaphore, #tpu.memory_space<semaphore_mem>>) src(%arg19 : memref<128x64xbf16, #tpu.memory_space<vmem>>) dst(%dma_wait3A_479 : memref<10000x64xbf16, #tpu.memory_space<vmem_shared>>)
      %mul3A_480 = arith.constant 20000 : i32
      %mul3A_481 = arith.muli %arg1, %mul3A_480 : i32
      %add3A_482 = arith.constant 19968 : i32
      %add3A_483 = arith.addi %mul3A_481, %add3A_482 : i32
      %run_scoped3A_484 = arith.constant 1 : i32
      "tpu.region"() ({
        %run_scoped3A_495 = tpu.sem_alloc : memref<!tpu.dma_semaphore, #tpu.memory_space<semaphore_mem>>
        %dma_start3A_496 = tpu.memref_slice %arg4[%run_scoped3A_484, %add3A_483] : memref<2x320000xi32, #tpu.memory_space<hbm>> -> memref<1x32xi32, #tpu.memory_space<hbm>>
        %dma_start3A_497 = tpu.memref_squeeze %dma_start3A_496 : memref<1x32xi32, #tpu.memory_space<hbm>> -> memref<32xi32, #tpu.memory_space<hbm>>
        %dma_start3A_498 = tpu.memref_slice %arg4[%run_scoped3A_484, %add3A_483] : memref<2x320000xi32, #tpu.memory_space<hbm>> -> memref<1x32xi32, #tpu.memory_space<hbm>>
        %dma_start3A_499 = tpu.memref_squeeze %dma_start3A_498 : memref<1x32xi32, #tpu.memory_space<hbm>> -> memref<32xi32, #tpu.memory_space<hbm>>
        tpu.enqueue_dma source(%dma_start3A_499 : memref<32xi32, #tpu.memory_space<hbm>>) target(%arg20 : memref<32xi32, #tpu.memory_space<vmem>>) target_semaphore(%run_scoped3A_495 : memref<!tpu.dma_semaphore, #tpu.memory_space<semaphore_mem>>)
        %dma_wait3A_500 = tpu.memref_slice %arg4[%run_scoped3A_484, %add3A_483] : memref<2x320000xi32, #tpu.memory_space<hbm>> -> memref<1x32xi32, #tpu.memory_space<hbm>>
        %dma_wait3A_501 = tpu.memref_squeeze %dma_wait3A_500 : memref<1x32xi32, #tpu.memory_space<hbm>> -> memref<32xi32, #tpu.memory_space<hbm>>
        %dma_wait3A_502 = tpu.memref_slice %arg4[%run_scoped3A_484, %add3A_483] : memref<2x320000xi32, #tpu.memory_space<hbm>> -> memref<1x32xi32, #tpu.memory_space<hbm>>
        %dma_wait3A_503 = tpu.memref_squeeze %dma_wait3A_502 : memref<1x32xi32, #tpu.memory_space<hbm>> -> memref<32xi32, #tpu.memory_space<hbm>>
        tpu.wait_dma2 semaphore(%run_scoped3A_495 : memref<!tpu.dma_semaphore, #tpu.memory_space<semaphore_mem>>) src(%dma_wait3A_503 : memref<32xi32, #tpu.memory_space<hbm>>) dst(%arg20 : memref<32xi32, #tpu.memory_space<vmem>>)
        tpu.yield
      }) : () -> ()
      %dma_start3A_485 = arith.constant 19968 : i32
      %dma_start3A_486 = tpu.memref_slice %arg7[%dma_start3A_485] : memref<20000xi32, #tpu.memory_space<vmem>> -> memref<32xi32, #tpu.memory_space<vmem>>
      %dma_start3A_487 = arith.constant 0 : i32
      %dma_start3A_488 = arith.constant 0 : i32
      %dma_start3A_489 = tpu.memref_slice %arg2[%dma_start3A_487, %dma_start3A_488] : memref<10000x64xbf16, #tpu.memory_space<hbm>> -> memref<10000x64xbf16, #tpu.memory_space<hbm>>
      tpu.enqueue_indirect_dma source(%dma_start3A_489 : memref<10000x64xbf16, #tpu.memory_space<hbm>>) target(%arg21 : memref<32x64xbf16, #tpu.memory_space<vmem>>) offsets(%dma_start3A_486 : memref<32xi32, #tpu.memory_space<vmem>>) semaphore(%arg25 : memref<!tpu.dma_semaphore, #tpu.memory_space<semaphore_mem>>)
      %dma_wait3A_490 = arith.constant 19968 : i32
      %dma_wait3A_491 = tpu.memref_slice %arg7[%dma_wait3A_490] : memref<20000xi32, #tpu.memory_space<vmem>> -> memref<32xi32, #tpu.memory_space<vmem>>
      %dma_wait3A_492 = arith.constant 0 : i32
      %dma_wait3A_493 = arith.constant 0 : i32
      %dma_wait3A_494 = tpu.memref_slice %arg2[%dma_wait3A_492, %dma_wait3A_493] : memref<10000x64xbf16, #tpu.memory_space<hbm>> -> memref<10000x64xbf16, #tpu.memory_space<hbm>>
      tpu.wait_indirect_dma semaphore(%arg25 : memref<!tpu.dma_semaphore, #tpu.memory_space<semaphore_mem>>) src(%dma_wait3A_494 : memref<10000x64xbf16, #tpu.memory_space<hbm>>) dst(%arg21 : memref<32x64xbf16, #tpu.memory_space<vmem>>)
      "tpu.region"() ({
        %run_scoped3A_495 = tpu.sem_alloc : memref<!tpu.dma_semaphore, #tpu.memory_space<semaphore_mem>>
        %dma_start3A_496 = arith.constant 0 : i32
        %dma_start3A_497 = arith.constant 0 : i32
        %dma_start3A_498 = tpu.memref_slice %arg24[%dma_start3A_496, %dma_start3A_497] : memref<10000x64xbf16, #tpu.memory_space<vmem_shared>> -> memref<10000x64xbf16, #tpu.memory_space<vmem_shared>>
        tpu.enqueue_indirect_dma source(%arg21 : memref<32x64xbf16, #tpu.memory_space<vmem>>) target(%dma_start3A_498 : memref<10000x64xbf16, #tpu.memory_space<vmem_shared>>) offsets(%arg20 : memref<32xi32, #tpu.memory_space<vmem>>) semaphore(%run_scoped3A_495 : memref<!tpu.dma_semaphore, #tpu.memory_space<semaphore_mem>>) {add = true}
        %dma_wait3A_499 = arith.constant 0 : i32
        %dma_wait3A_500 = arith.constant 0 : i32
        %dma_wait3A_501 = tpu.memref_slice %arg24[%dma_wait3A_499, %dma_wait3A_500] : memref<10000x64xbf16, #tpu.memory_space<vmem_shared>> -> memref<10000x64xbf16, #tpu.memory_space<vmem_shared>>
        tpu.wait_indirect_dma semaphore(%run_scoped3A_495 : memref<!tpu.dma_semaphore, #tpu.memory_space<semaphore_mem>>) src(%arg21 : memref<32x64xbf16, #tpu.memory_space<vmem>>) dst(%dma_wait3A_501 : memref<10000x64xbf16, #tpu.memory_space<vmem_shared>>)
        tpu.yield
      }) : () -> ()
    } else {
    }
    %eq3A_75 = arith.constant 1 : i32
    %eq3A_76 = arith.cmpi eq, %arg0, %eq3A_75 : i32
    %convert_element_type3A_77 = arith.extui %eq3A_76 : i1 to i32
    %cond3A_78 = arith.constant 0 : i32
    %cond3A_79 = arith.cmpi ne, %convert_element_type3A_77, %cond3A_78 : i32
    scf.if %cond3A_79 {
      %mul3A_90 = arith.constant 20000 : i32
      %mul3A_91 = arith.muli %arg1, %mul3A_90 : i32
      %run_scoped3A = arith.constant 0 : i32
      "tpu.region"() ({
        %run_scoped3A_495 = tpu.sem_alloc : memref<!tpu.dma_semaphore, #tpu.memory_space<semaphore_mem>>
        %dma_start3A_496 = tpu.memref_slice %arg4[%run_scoped3A, %mul3A_91] : memref<2x320000xi32, #tpu.memory_space<hbm>> -> memref<1x20000xi32, #tpu.memory_space<hbm>>
        %dma_start3A_497 = tpu.memref_squeeze %dma_start3A_496 : memref<1x20000xi32, #tpu.memory_space<hbm>> -> memref<20000xi32, #tpu.memory_space<hbm>>
        %dma_start3A_498 = tpu.memref_slice %arg4[%run_scoped3A, %mul3A_91] : memref<2x320000xi32, #tpu.memory_space<hbm>> -> memref<1x20000xi32, #tpu.memory_space<hbm>>
        %dma_start3A_499 = tpu.memref_squeeze %dma_start3A_498 : memref<1x20000xi32, #tpu.memory_space<hbm>> -> memref<20000xi32, #tpu.memory_space<hbm>>
        tpu.enqueue_dma source(%dma_start3A_499 : memref<20000xi32, #tpu.memory_space<hbm>>) target(%arg7 : memref<20000xi32, #tpu.memory_space<vmem>>) target_semaphore(%run_scoped3A_495 : memref<!tpu.dma_semaphore, #tpu.memory_space<semaphore_mem>>)
        %dma_wait3A_500 = tpu.memref_slice %arg4[%run_scoped3A, %mul3A_91] : memref<2x320000xi32, #tpu.memory_space<hbm>> -> memref<1x20000xi32, #tpu.memory_space<hbm>>
        %dma_wait3A_501 = tpu.memref_squeeze %dma_wait3A_500 : memref<1x20000xi32, #tpu.memory_space<hbm>> -> memref<20000xi32, #tpu.memory_space<hbm>>
        %dma_wait3A_502 = tpu.memref_slice %arg4[%run_scoped3A, %mul3A_91] : memref<2x320000xi32, #tpu.memory_space<hbm>> -> memref<1x20000xi32, #tpu.memory_space<hbm>>
        %dma_wait3A_503 = tpu.memref_squeeze %dma_wait3A_502 : memref<1x20000xi32, #tpu.memory_space<hbm>> -> memref<20000xi32, #tpu.memory_space<hbm>>
        tpu.wait_dma2 semaphore(%run_scoped3A_495 : memref<!tpu.dma_semaphore, #tpu.memory_space<semaphore_mem>>) src(%dma_wait3A_503 : memref<20000xi32, #tpu.memory_space<hbm>>) dst(%arg7 : memref<20000xi32, #tpu.memory_space<vmem>>)
        tpu.yield
      }) : () -> ()
      %mul3A_92 = arith.constant 20000 : i32
      %mul3A_93 = arith.muli %arg1, %mul3A_92 : i32
      %add3A_94 = arith.constant 0 : i32
      %add3A_95 = arith.addi %mul3A_93, %add3A_94 : i32
      %dma_start3A = arith.constant 1 : i32
      %dma_start3A_96 = tpu.memref_slice %arg4[%dma_start3A, %add3A_95] : memref<2x320000xi32, #tpu.memory_space<hbm>> -> memref<1x128xi32, #tpu.memory_space<hbm>>
      %dma_start3A_97 = tpu.memref_squeeze %dma_start3A_96 : memref<1x128xi32, #tpu.memory_space<hbm>> -> memref<128xi32, #tpu.memory_space<hbm>>
      %dma_start3A_98 = tpu.memref_slice %arg4[%dma_start3A, %add3A_95] : memref<2x320000xi32, #tpu.memory_space<hbm>> -> memref<1x128xi32, #tpu.memory_space<hbm>>
      %dma_start3A_99 = tpu.memref_squeeze %dma_start3A_98 : memref<1x128xi32, #tpu.memory_space<hbm>> -> memref<128xi32, #tpu.memory_space<hbm>>
      tpu.enqueue_dma source(%dma_start3A_99 : memref<128xi32, #tpu.memory_space<hbm>>) target(%arg8 : memref<128xi32, #tpu.memory_space<vmem>>) target_semaphore(%arg31 : memref<!tpu.dma_semaphore, #tpu.memory_space<semaphore_mem>>)
      %dma_start3A_100 = arith.constant 0 : i32
      %dma_start3A_101 = tpu.memref_slice %arg7[%dma_start3A_100] : memref<20000xi32, #tpu.memory_space<vmem>> -> memref<128xi32, #tpu.memory_space<vmem>>
      %dma_start3A_102 = arith.constant 0 : i32
      %dma_start3A_103 = arith.constant 0 : i32
      %dma_start3A_104 = tpu.memref_slice %arg3[%dma_start3A_102, %dma_start3A_103] : memref<10000x64xbf16, #tpu.memory_space<hbm>> -> memref<10000x64xbf16, #tpu.memory_space<hbm>>
      tpu.enqueue_indirect_dma source(%dma_start3A_104 : memref<10000x64xbf16, #tpu.memory_space<hbm>>) target(%arg14 : memref<128x64xbf16, #tpu.memory_space<vmem>>) offsets(%dma_start3A_101 : memref<128xi32, #tpu.memory_space<vmem>>) semaphore(%arg25 : memref<!tpu.dma_semaphore, #tpu.memory_space<semaphore_mem>>)
      %mul3A_105 = arith.constant 20000 : i32
      %mul3A_106 = arith.muli %arg1, %mul3A_105 : i32
      %add3A_107 = arith.constant 128 : i32
      %add3A_108 = arith.addi %mul3A_106, %add3A_107 : i32
      %dma_start3A_109 = arith.constant 1 : i32
      %dma_start3A_110 = tpu.memref_slice %arg4[%dma_start3A_109, %add3A_108] : memref<2x320000xi32, #tpu.memory_space<hbm>> -> memref<1x128xi32, #tpu.memory_space<hbm>>
      %dma_start3A_111 = tpu.memref_squeeze %dma_start3A_110 : memref<1x128xi32, #tpu.memory_space<hbm>> -> memref<128xi32, #tpu.memory_space<hbm>>
      %dma_start3A_112 = tpu.memref_slice %arg4[%dma_start3A_109, %add3A_108] : memref<2x320000xi32, #tpu.memory_space<hbm>> -> memref<1x128xi32, #tpu.memory_space<hbm>>
      %dma_start3A_113 = tpu.memref_squeeze %dma_start3A_112 : memref<1x128xi32, #tpu.memory_space<hbm>> -> memref<128xi32, #tpu.memory_space<hbm>>
      tpu.enqueue_dma source(%dma_start3A_113 : memref<128xi32, #tpu.memory_space<hbm>>) target(%arg9 : memref<128xi32, #tpu.memory_space<vmem>>) target_semaphore(%arg32 : memref<!tpu.dma_semaphore, #tpu.memory_space<semaphore_mem>>)
      %dma_start3A_114 = arith.constant 128 : i32
      %dma_start3A_115 = tpu.memref_slice %arg7[%dma_start3A_114] : memref<20000xi32, #tpu.memory_space<vmem>> -> memref<128xi32, #tpu.memory_space<vmem>>
      %dma_start3A_116 = arith.constant 0 : i32
      %dma_start3A_117 = arith.constant 0 : i32
      %dma_start3A_118 = tpu.memref_slice %arg3[%dma_start3A_116, %dma_start3A_117] : memref<10000x64xbf16, #tpu.memory_space<hbm>> -> memref<10000x64xbf16, #tpu.memory_space<hbm>>
      tpu.enqueue_indirect_dma source(%dma_start3A_118 : memref<10000x64xbf16, #tpu.memory_space<hbm>>) target(%arg15 : memref<128x64xbf16, #tpu.memory_space<vmem>>) offsets(%dma_start3A_115 : memref<128xi32, #tpu.memory_space<vmem>>) semaphore(%arg26 : memref<!tpu.dma_semaphore, #tpu.memory_space<semaphore_mem>>)
      %mul3A_119 = arith.constant 20000 : i32
      %mul3A_120 = arith.muli %arg1, %mul3A_119 : i32
      %add3A_121 = arith.constant 256 : i32
      %add3A_122 = arith.addi %mul3A_120, %add3A_121 : i32
      %dma_start3A_123 = arith.constant 1 : i32
      %dma_start3A_124 = tpu.memref_slice %arg4[%dma_start3A_123, %add3A_122] : memref<2x320000xi32, #tpu.memory_space<hbm>> -> memref<1x128xi32, #tpu.memory_space<hbm>>
      %dma_start3A_125 = tpu.memref_squeeze %dma_start3A_124 : memref<1x128xi32, #tpu.memory_space<hbm>> -> memref<128xi32, #tpu.memory_space<hbm>>
      %dma_start3A_126 = tpu.memref_slice %arg4[%dma_start3A_123, %add3A_122] : memref<2x320000xi32, #tpu.memory_space<hbm>> -> memref<1x128xi32, #tpu.memory_space<hbm>>
      %dma_start3A_127 = tpu.memref_squeeze %dma_start3A_126 : memref<1x128xi32, #tpu.memory_space<hbm>> -> memref<128xi32, #tpu.memory_space<hbm>>
      tpu.enqueue_dma source(%dma_start3A_127 : memref<128xi32, #tpu.memory_space<hbm>>) target(%arg10 : memref<128xi32, #tpu.memory_space<vmem>>) target_semaphore(%arg33 : memref<!tpu.dma_semaphore, #tpu.memory_space<semaphore_mem>>)
      %dma_start3A_128 = arith.constant 256 : i32
      %dma_start3A_129 = tpu.memref_slice %arg7[%dma_start3A_128] : memref<20000xi32, #tpu.memory_space<vmem>> -> memref<128xi32, #tpu.memory_space<vmem>>
      %dma_start3A_130 = arith.constant 0 : i32
      %dma_start3A_131 = arith.constant 0 : i32
      %dma_start3A_132 = tpu.memref_slice %arg3[%dma_start3A_130, %dma_start3A_131] : memref<10000x64xbf16, #tpu.memory_space<hbm>> -> memref<10000x64xbf16, #tpu.memory_space<hbm>>
      tpu.enqueue_indirect_dma source(%dma_start3A_132 : memref<10000x64xbf16, #tpu.memory_space<hbm>>) target(%arg16 : memref<128x64xbf16, #tpu.memory_space<vmem>>) offsets(%dma_start3A_129 : memref<128xi32, #tpu.memory_space<vmem>>) semaphore(%arg27 : memref<!tpu.dma_semaphore, #tpu.memory_space<semaphore_mem>>)
      %mul3A_133 = arith.constant 20000 : i32
      %mul3A_134 = arith.muli %arg1, %mul3A_133 : i32
      %add3A_135 = arith.constant 384 : i32
      %add3A_136 = arith.addi %mul3A_134, %add3A_135 : i32
      %dma_start3A_137 = arith.constant 1 : i32
      %dma_start3A_138 = tpu.memref_slice %arg4[%dma_start3A_137, %add3A_136] : memref<2x320000xi32, #tpu.memory_space<hbm>> -> memref<1x128xi32, #tpu.memory_space<hbm>>
      %dma_start3A_139 = tpu.memref_squeeze %dma_start3A_138 : memref<1x128xi32, #tpu.memory_space<hbm>> -> memref<128xi32, #tpu.memory_space<hbm>>
      %dma_start3A_140 = tpu.memref_slice %arg4[%dma_start3A_137, %add3A_136] : memref<2x320000xi32, #tpu.memory_space<hbm>> -> memref<1x128xi32, #tpu.memory_space<hbm>>
      %dma_start3A_141 = tpu.memref_squeeze %dma_start3A_140 : memref<1x128xi32, #tpu.memory_space<hbm>> -> memref<128xi32, #tpu.memory_space<hbm>>
      tpu.enqueue_dma source(%dma_start3A_141 : memref<128xi32, #tpu.memory_space<hbm>>) target(%arg11 : memref<128xi32, #tpu.memory_space<vmem>>) target_semaphore(%arg34 : memref<!tpu.dma_semaphore, #tpu.memory_space<semaphore_mem>>)
      %dma_start3A_142 = arith.constant 384 : i32
      %dma_start3A_143 = tpu.memref_slice %arg7[%dma_start3A_142] : memref<20000xi32, #tpu.memory_space<vmem>> -> memref<128xi32, #tpu.memory_space<vmem>>
      %dma_start3A_144 = arith.constant 0 : i32
      %dma_start3A_145 = arith.constant 0 : i32
      %dma_start3A_146 = tpu.memref_slice %arg3[%dma_start3A_144, %dma_start3A_145] : memref<10000x64xbf16, #tpu.memory_space<hbm>> -> memref<10000x64xbf16, #tpu.memory_space<hbm>>
      tpu.enqueue_indirect_dma source(%dma_start3A_146 : memref<10000x64xbf16, #tpu.memory_space<hbm>>) target(%arg17 : memref<128x64xbf16, #tpu.memory_space<vmem>>) offsets(%dma_start3A_143 : memref<128xi32, #tpu.memory_space<vmem>>) semaphore(%arg28 : memref<!tpu.dma_semaphore, #tpu.memory_space<semaphore_mem>>)
      %dma_wait3A = arith.constant 1 : i32
      %dma_wait3A_147 = arith.constant 0 : i32
      %dma_wait3A_148 = tpu.memref_slice %arg4[%dma_wait3A, %dma_wait3A_147] : memref<2x320000xi32, #tpu.memory_space<hbm>> -> memref<1x128xi32, #tpu.memory_space<hbm>>
      %dma_wait3A_149 = tpu.memref_squeeze %dma_wait3A_148 : memref<1x128xi32, #tpu.memory_space<hbm>> -> memref<128xi32, #tpu.memory_space<hbm>>
      %dma_wait3A_150 = arith.constant 0 : i32
      %dma_wait3A_151 = tpu.memref_slice %arg4[%dma_wait3A, %dma_wait3A_150] : memref<2x320000xi32, #tpu.memory_space<hbm>> -> memref<1x128xi32, #tpu.memory_space<hbm>>
      %dma_wait3A_152 = tpu.memref_squeeze %dma_wait3A_151 : memref<1x128xi32, #tpu.memory_space<hbm>> -> memref<128xi32, #tpu.memory_space<hbm>>
      tpu.wait_dma2 semaphore(%arg31 : memref<!tpu.dma_semaphore, #tpu.memory_space<semaphore_mem>>) src(%dma_wait3A_152 : memref<128xi32, #tpu.memory_space<hbm>>) dst(%arg8 : memref<128xi32, #tpu.memory_space<vmem>>)
      %dma_wait3A_153 = arith.constant 0 : i32
      %dma_wait3A_154 = tpu.memref_slice %arg7[%dma_wait3A_153] : memref<20000xi32, #tpu.memory_space<vmem>> -> memref<128xi32, #tpu.memory_space<vmem>>
      %dma_wait3A_155 = arith.constant 0 : i32
      %dma_wait3A_156 = arith.constant 0 : i32
      %dma_wait3A_157 = tpu.memref_slice %arg3[%dma_wait3A_155, %dma_wait3A_156] : memref<10000x64xbf16, #tpu.memory_space<hbm>> -> memref<10000x64xbf16, #tpu.memory_space<hbm>>
      tpu.wait_indirect_dma semaphore(%arg25 : memref<!tpu.dma_semaphore, #tpu.memory_space<semaphore_mem>>) src(%dma_wait3A_157 : memref<10000x64xbf16, #tpu.memory_space<hbm>>) dst(%arg14 : memref<128x64xbf16, #tpu.memory_space<vmem>>)
      %dma_start3A_158 = arith.constant 0 : i32
      %dma_start3A_159 = arith.constant 0 : i32
      %dma_start3A_160 = tpu.memref_slice %arg24[%dma_start3A_158, %dma_start3A_159] : memref<10000x64xbf16, #tpu.memory_space<vmem_shared>> -> memref<10000x64xbf16, #tpu.memory_space<vmem_shared>>
      tpu.enqueue_indirect_dma source(%arg14 : memref<128x64xbf16, #tpu.memory_space<vmem>>) target(%dma_start3A_160 : memref<10000x64xbf16, #tpu.memory_space<vmem_shared>>) offsets(%arg8 : memref<128xi32, #tpu.memory_space<vmem>>) semaphore(%arg37 : memref<!tpu.dma_semaphore, #tpu.memory_space<semaphore_mem>>) {add = true}
      %mul3A_161 = arith.constant 20000 : i32
      %mul3A_162 = arith.muli %arg1, %mul3A_161 : i32
      %add3A_163 = arith.constant 512 : i32
      %add3A_164 = arith.addi %mul3A_162, %add3A_163 : i32
      %dma_start3A_165 = arith.constant 1 : i32
      %dma_start3A_166 = tpu.memref_slice %arg4[%dma_start3A_165, %add3A_164] : memref<2x320000xi32, #tpu.memory_space<hbm>> -> memref<1x128xi32, #tpu.memory_space<hbm>>
      %dma_start3A_167 = tpu.memref_squeeze %dma_start3A_166 : memref<1x128xi32, #tpu.memory_space<hbm>> -> memref<128xi32, #tpu.memory_space<hbm>>
      %dma_start3A_168 = tpu.memref_slice %arg4[%dma_start3A_165, %add3A_164] : memref<2x320000xi32, #tpu.memory_space<hbm>> -> memref<1x128xi32, #tpu.memory_space<hbm>>
      %dma_start3A_169 = tpu.memref_squeeze %dma_start3A_168 : memref<1x128xi32, #tpu.memory_space<hbm>> -> memref<128xi32, #tpu.memory_space<hbm>>
      tpu.enqueue_dma source(%dma_start3A_169 : memref<128xi32, #tpu.memory_space<hbm>>) target(%arg12 : memref<128xi32, #tpu.memory_space<vmem>>) target_semaphore(%arg35 : memref<!tpu.dma_semaphore, #tpu.memory_space<semaphore_mem>>)
      %dma_start3A_170 = arith.constant 512 : i32
      %dma_start3A_171 = tpu.memref_slice %arg7[%dma_start3A_170] : memref<20000xi32, #tpu.memory_space<vmem>> -> memref<128xi32, #tpu.memory_space<vmem>>
      %dma_start3A_172 = arith.constant 0 : i32
      %dma_start3A_173 = arith.constant 0 : i32
      %dma_start3A_174 = tpu.memref_slice %arg3[%dma_start3A_172, %dma_start3A_173] : memref<10000x64xbf16, #tpu.memory_space<hbm>> -> memref<10000x64xbf16, #tpu.memory_space<hbm>>
      tpu.enqueue_indirect_dma source(%dma_start3A_174 : memref<10000x64xbf16, #tpu.memory_space<hbm>>) target(%arg18 : memref<128x64xbf16, #tpu.memory_space<vmem>>) offsets(%dma_start3A_171 : memref<128xi32, #tpu.memory_space<vmem>>) semaphore(%arg29 : memref<!tpu.dma_semaphore, #tpu.memory_space<semaphore_mem>>)
      %dma_wait3A_175 = arith.constant 1 : i32
      %dma_wait3A_176 = arith.constant 0 : i32
      %dma_wait3A_177 = tpu.memref_slice %arg4[%dma_wait3A_175, %dma_wait3A_176] : memref<2x320000xi32, #tpu.memory_space<hbm>> -> memref<1x128xi32, #tpu.memory_space<hbm>>
      %dma_wait3A_178 = tpu.memref_squeeze %dma_wait3A_177 : memref<1x128xi32, #tpu.memory_space<hbm>> -> memref<128xi32, #tpu.memory_space<hbm>>
      %dma_wait3A_179 = arith.constant 0 : i32
      %dma_wait3A_180 = tpu.memref_slice %arg4[%dma_wait3A_175, %dma_wait3A_179] : memref<2x320000xi32, #tpu.memory_space<hbm>> -> memref<1x128xi32, #tpu.memory_space<hbm>>
      %dma_wait3A_181 = tpu.memref_squeeze %dma_wait3A_180 : memref<1x128xi32, #tpu.memory_space<hbm>> -> memref<128xi32, #tpu.memory_space<hbm>>
      tpu.wait_dma2 semaphore(%arg32 : memref<!tpu.dma_semaphore, #tpu.memory_space<semaphore_mem>>) src(%dma_wait3A_181 : memref<128xi32, #tpu.memory_space<hbm>>) dst(%arg9 : memref<128xi32, #tpu.memory_space<vmem>>)
      %dma_wait3A_182 = arith.constant 0 : i32
      %dma_wait3A_183 = tpu.memref_slice %arg7[%dma_wait3A_182] : memref<20000xi32, #tpu.memory_space<vmem>> -> memref<128xi32, #tpu.memory_space<vmem>>
      %dma_wait3A_184 = arith.constant 0 : i32
      %dma_wait3A_185 = arith.constant 0 : i32
      %dma_wait3A_186 = tpu.memref_slice %arg3[%dma_wait3A_184, %dma_wait3A_185] : memref<10000x64xbf16, #tpu.memory_space<hbm>> -> memref<10000x64xbf16, #tpu.memory_space<hbm>>
      tpu.wait_indirect_dma semaphore(%arg26 : memref<!tpu.dma_semaphore, #tpu.memory_space<semaphore_mem>>) src(%dma_wait3A_186 : memref<10000x64xbf16, #tpu.memory_space<hbm>>) dst(%arg15 : memref<128x64xbf16, #tpu.memory_space<vmem>>)
      %dma_start3A_187 = arith.constant 0 : i32
      %dma_start3A_188 = arith.constant 0 : i32
      %dma_start3A_189 = tpu.memref_slice %arg24[%dma_start3A_187, %dma_start3A_188] : memref<10000x64xbf16, #tpu.memory_space<vmem_shared>> -> memref<10000x64xbf16, #tpu.memory_space<vmem_shared>>
      tpu.enqueue_indirect_dma source(%arg15 : memref<128x64xbf16, #tpu.memory_space<vmem>>) target(%dma_start3A_189 : memref<10000x64xbf16, #tpu.memory_space<vmem_shared>>) offsets(%arg9 : memref<128xi32, #tpu.memory_space<vmem>>) semaphore(%arg38 : memref<!tpu.dma_semaphore, #tpu.memory_space<semaphore_mem>>) {add = true}
      %mul3A_190 = arith.constant 20000 : i32
      %mul3A_191 = arith.muli %arg1, %mul3A_190 : i32
      %add3A_192 = arith.constant 640 : i32
      %add3A_193 = arith.addi %mul3A_191, %add3A_192 : i32
      %dma_start3A_194 = arith.constant 1 : i32
      %dma_start3A_195 = tpu.memref_slice %arg4[%dma_start3A_194, %add3A_193] : memref<2x320000xi32, #tpu.memory_space<hbm>> -> memref<1x128xi32, #tpu.memory_space<hbm>>
      %dma_start3A_196 = tpu.memref_squeeze %dma_start3A_195 : memref<1x128xi32, #tpu.memory_space<hbm>> -> memref<128xi32, #tpu.memory_space<hbm>>
      %dma_start3A_197 = tpu.memref_slice %arg4[%dma_start3A_194, %add3A_193] : memref<2x320000xi32, #tpu.memory_space<hbm>> -> memref<1x128xi32, #tpu.memory_space<hbm>>
      %dma_start3A_198 = tpu.memref_squeeze %dma_start3A_197 : memref<1x128xi32, #tpu.memory_space<hbm>> -> memref<128xi32, #tpu.memory_space<hbm>>
      tpu.enqueue_dma source(%dma_start3A_198 : memref<128xi32, #tpu.memory_space<hbm>>) target(%arg13 : memref<128xi32, #tpu.memory_space<vmem>>) target_semaphore(%arg36 : memref<!tpu.dma_semaphore, #tpu.memory_space<semaphore_mem>>)
      %dma_start3A_199 = arith.constant 640 : i32
      %dma_start3A_200 = tpu.memref_slice %arg7[%dma_start3A_199] : memref<20000xi32, #tpu.memory_space<vmem>> -> memref<128xi32, #tpu.memory_space<vmem>>
      %dma_start3A_201 = arith.constant 0 : i32
      %dma_start3A_202 = arith.constant 0 : i32
      %dma_start3A_203 = tpu.memref_slice %arg3[%dma_start3A_201, %dma_start3A_202] : memref<10000x64xbf16, #tpu.memory_space<hbm>> -> memref<10000x64xbf16, #tpu.memory_space<hbm>>
      tpu.enqueue_indirect_dma source(%dma_start3A_203 : memref<10000x64xbf16, #tpu.memory_space<hbm>>) target(%arg19 : memref<128x64xbf16, #tpu.memory_space<vmem>>) offsets(%dma_start3A_200 : memref<128xi32, #tpu.memory_space<vmem>>) semaphore(%arg30 : memref<!tpu.dma_semaphore, #tpu.memory_space<semaphore_mem>>)
      %dma_wait3A_204 = arith.constant 1 : i32
      %dma_wait3A_205 = arith.constant 0 : i32
      %dma_wait3A_206 = tpu.memref_slice %arg4[%dma_wait3A_204, %dma_wait3A_205] : memref<2x320000xi32, #tpu.memory_space<hbm>> -> memref<1x128xi32, #tpu.memory_space<hbm>>
      %dma_wait3A_207 = tpu.memref_squeeze %dma_wait3A_206 : memref<1x128xi32, #tpu.memory_space<hbm>> -> memref<128xi32, #tpu.memory_space<hbm>>
      %dma_wait3A_208 = arith.constant 0 : i32
      %dma_wait3A_209 = tpu.memref_slice %arg4[%dma_wait3A_204, %dma_wait3A_208] : memref<2x320000xi32, #tpu.memory_space<hbm>> -> memref<1x128xi32, #tpu.memory_space<hbm>>
      %dma_wait3A_210 = tpu.memref_squeeze %dma_wait3A_209 : memref<1x128xi32, #tpu.memory_space<hbm>> -> memref<128xi32, #tpu.memory_space<hbm>>
      tpu.wait_dma2 semaphore(%arg33 : memref<!tpu.dma_semaphore, #tpu.memory_space<semaphore_mem>>) src(%dma_wait3A_210 : memref<128xi32, #tpu.memory_space<hbm>>) dst(%arg10 : memref<128xi32, #tpu.memory_space<vmem>>)
      %dma_wait3A_211 = arith.constant 0 : i32
      %dma_wait3A_212 = tpu.memref_slice %arg7[%dma_wait3A_211] : memref<20000xi32, #tpu.memory_space<vmem>> -> memref<128xi32, #tpu.memory_space<vmem>>
      %dma_wait3A_213 = arith.constant 0 : i32
      %dma_wait3A_214 = arith.constant 0 : i32
      %dma_wait3A_215 = tpu.memref_slice %arg3[%dma_wait3A_213, %dma_wait3A_214] : memref<10000x64xbf16, #tpu.memory_space<hbm>> -> memref<10000x64xbf16, #tpu.memory_space<hbm>>
      tpu.wait_indirect_dma semaphore(%arg27 : memref<!tpu.dma_semaphore, #tpu.memory_space<semaphore_mem>>) src(%dma_wait3A_215 : memref<10000x64xbf16, #tpu.memory_space<hbm>>) dst(%arg16 : memref<128x64xbf16, #tpu.memory_space<vmem>>)
      %dma_start3A_216 = arith.constant 0 : i32
      %dma_start3A_217 = arith.constant 0 : i32
      %dma_start3A_218 = tpu.memref_slice %arg24[%dma_start3A_216, %dma_start3A_217] : memref<10000x64xbf16, #tpu.memory_space<vmem_shared>> -> memref<10000x64xbf16, #tpu.memory_space<vmem_shared>>
      tpu.enqueue_indirect_dma source(%arg16 : memref<128x64xbf16, #tpu.memory_space<vmem>>) target(%dma_start3A_218 : memref<10000x64xbf16, #tpu.memory_space<vmem_shared>>) offsets(%arg10 : memref<128xi32, #tpu.memory_space<vmem>>) semaphore(%arg39 : memref<!tpu.dma_semaphore, #tpu.memory_space<semaphore_mem>>) {add = true}
      %dma_wait3A_219 = arith.constant 0 : i32
      %dma_wait3A_220 = arith.constant 0 : i32
      %dma_wait3A_221 = tpu.memref_slice %arg24[%dma_wait3A_219, %dma_wait3A_220] : memref<10000x64xbf16, #tpu.memory_space<vmem_shared>> -> memref<10000x64xbf16, #tpu.memory_space<vmem_shared>>
      tpu.wait_indirect_dma semaphore(%arg37 : memref<!tpu.dma_semaphore, #tpu.memory_space<semaphore_mem>>) src(%arg14 : memref<128x64xbf16, #tpu.memory_space<vmem>>) dst(%dma_wait3A_221 : memref<10000x64xbf16, #tpu.memory_space<vmem_shared>>)
      %mul3A_222 = arith.constant 20000 : i32
      %mul3A_223 = arith.muli %arg1, %mul3A_222 : i32
      %add3A_224 = arith.constant 768 : i32
      %add3A_225 = arith.addi %mul3A_223, %add3A_224 : i32
      %dma_start3A_226 = arith.constant 1 : i32
      %dma_start3A_227 = tpu.memref_slice %arg4[%dma_start3A_226, %add3A_225] : memref<2x320000xi32, #tpu.memory_space<hbm>> -> memref<1x128xi32, #tpu.memory_space<hbm>>
      %dma_start3A_228 = tpu.memref_squeeze %dma_start3A_227 : memref<1x128xi32, #tpu.memory_space<hbm>> -> memref<128xi32, #tpu.memory_space<hbm>>
      %dma_start3A_229 = tpu.memref_slice %arg4[%dma_start3A_226, %add3A_225] : memref<2x320000xi32, #tpu.memory_space<hbm>> -> memref<1x128xi32, #tpu.memory_space<hbm>>
      %dma_start3A_230 = tpu.memref_squeeze %dma_start3A_229 : memref<1x128xi32, #tpu.memory_space<hbm>> -> memref<128xi32, #tpu.memory_space<hbm>>
      tpu.enqueue_dma source(%dma_start3A_230 : memref<128xi32, #tpu.memory_space<hbm>>) target(%arg8 : memref<128xi32, #tpu.memory_space<vmem>>) target_semaphore(%arg31 : memref<!tpu.dma_semaphore, #tpu.memory_space<semaphore_mem>>)
      %dma_start3A_231 = arith.constant 768 : i32
      %dma_start3A_232 = tpu.memref_slice %arg7[%dma_start3A_231] : memref<20000xi32, #tpu.memory_space<vmem>> -> memref<128xi32, #tpu.memory_space<vmem>>
      %dma_start3A_233 = arith.constant 0 : i32
      %dma_start3A_234 = arith.constant 0 : i32
      %dma_start3A_235 = tpu.memref_slice %arg3[%dma_start3A_233, %dma_start3A_234] : memref<10000x64xbf16, #tpu.memory_space<hbm>> -> memref<10000x64xbf16, #tpu.memory_space<hbm>>
      tpu.enqueue_indirect_dma source(%dma_start3A_235 : memref<10000x64xbf16, #tpu.memory_space<hbm>>) target(%arg14 : memref<128x64xbf16, #tpu.memory_space<vmem>>) offsets(%dma_start3A_232 : memref<128xi32, #tpu.memory_space<vmem>>) semaphore(%arg25 : memref<!tpu.dma_semaphore, #tpu.memory_space<semaphore_mem>>)
      %dma_wait3A_236 = arith.constant 1 : i32
      %dma_wait3A_237 = arith.constant 0 : i32
      %dma_wait3A_238 = tpu.memref_slice %arg4[%dma_wait3A_236, %dma_wait3A_237] : memref<2x320000xi32, #tpu.memory_space<hbm>> -> memref<1x128xi32, #tpu.memory_space<hbm>>
      %dma_wait3A_239 = tpu.memref_squeeze %dma_wait3A_238 : memref<1x128xi32, #tpu.memory_space<hbm>> -> memref<128xi32, #tpu.memory_space<hbm>>
      %dma_wait3A_240 = arith.constant 0 : i32
      %dma_wait3A_241 = tpu.memref_slice %arg4[%dma_wait3A_236, %dma_wait3A_240] : memref<2x320000xi32, #tpu.memory_space<hbm>> -> memref<1x128xi32, #tpu.memory_space<hbm>>
      %dma_wait3A_242 = tpu.memref_squeeze %dma_wait3A_241 : memref<1x128xi32, #tpu.memory_space<hbm>> -> memref<128xi32, #tpu.memory_space<hbm>>
      tpu.wait_dma2 semaphore(%arg34 : memref<!tpu.dma_semaphore, #tpu.memory_space<semaphore_mem>>) src(%dma_wait3A_242 : memref<128xi32, #tpu.memory_space<hbm>>) dst(%arg11 : memref<128xi32, #tpu.memory_space<vmem>>)
      %dma_wait3A_243 = arith.constant 0 : i32
      %dma_wait3A_244 = tpu.memref_slice %arg7[%dma_wait3A_243] : memref<20000xi32, #tpu.memory_space<vmem>> -> memref<128xi32, #tpu.memory_space<vmem>>
      %dma_wait3A_245 = arith.constant 0 : i32
      %dma_wait3A_246 = arith.constant 0 : i32
      %dma_wait3A_247 = tpu.memref_slice %arg3[%dma_wait3A_245, %dma_wait3A_246] : memref<10000x64xbf16, #tpu.memory_space<hbm>> -> memref<10000x64xbf16, #tpu.memory_space<hbm>>
      tpu.wait_indirect_dma semaphore(%arg28 : memref<!tpu.dma_semaphore, #tpu.memory_space<semaphore_mem>>) src(%dma_wait3A_247 : memref<10000x64xbf16, #tpu.memory_space<hbm>>) dst(%arg17 : memref<128x64xbf16, #tpu.memory_space<vmem>>)
      %dma_start3A_248 = arith.constant 0 : i32
      %dma_start3A_249 = arith.constant 0 : i32
      %dma_start3A_250 = tpu.memref_slice %arg24[%dma_start3A_248, %dma_start3A_249] : memref<10000x64xbf16, #tpu.memory_space<vmem_shared>> -> memref<10000x64xbf16, #tpu.memory_space<vmem_shared>>
      tpu.enqueue_indirect_dma source(%arg17 : memref<128x64xbf16, #tpu.memory_space<vmem>>) target(%dma_start3A_250 : memref<10000x64xbf16, #tpu.memory_space<vmem_shared>>) offsets(%arg11 : memref<128xi32, #tpu.memory_space<vmem>>) semaphore(%arg40 : memref<!tpu.dma_semaphore, #tpu.memory_space<semaphore_mem>>) {add = true}
      %dma_wait3A_251 = arith.constant 0 : i32
      %dma_wait3A_252 = arith.constant 0 : i32
      %dma_wait3A_253 = tpu.memref_slice %arg24[%dma_wait3A_251, %dma_wait3A_252] : memref<10000x64xbf16, #tpu.memory_space<vmem_shared>> -> memref<10000x64xbf16, #tpu.memory_space<vmem_shared>>
      tpu.wait_indirect_dma semaphore(%arg38 : memref<!tpu.dma_semaphore, #tpu.memory_space<semaphore_mem>>) src(%arg15 : memref<128x64xbf16, #tpu.memory_space<vmem>>) dst(%dma_wait3A_253 : memref<10000x64xbf16, #tpu.memory_space<vmem_shared>>)
      %mul3A_254 = arith.constant 20000 : i32
      %mul3A_255 = arith.muli %arg1, %mul3A_254 : i32
      %add3A_256 = arith.constant 896 : i32
      %add3A_257 = arith.addi %mul3A_255, %add3A_256 : i32
      %dma_start3A_258 = arith.constant 1 : i32
      %dma_start3A_259 = tpu.memref_slice %arg4[%dma_start3A_258, %add3A_257] : memref<2x320000xi32, #tpu.memory_space<hbm>> -> memref<1x128xi32, #tpu.memory_space<hbm>>
      %dma_start3A_260 = tpu.memref_squeeze %dma_start3A_259 : memref<1x128xi32, #tpu.memory_space<hbm>> -> memref<128xi32, #tpu.memory_space<hbm>>
      %dma_start3A_261 = tpu.memref_slice %arg4[%dma_start3A_258, %add3A_257] : memref<2x320000xi32, #tpu.memory_space<hbm>> -> memref<1x128xi32, #tpu.memory_space<hbm>>
      %dma_start3A_262 = tpu.memref_squeeze %dma_start3A_261 : memref<1x128xi32, #tpu.memory_space<hbm>> -> memref<128xi32, #tpu.memory_space<hbm>>
      tpu.enqueue_dma source(%dma_start3A_262 : memref<128xi32, #tpu.memory_space<hbm>>) target(%arg9 : memref<128xi32, #tpu.memory_space<vmem>>) target_semaphore(%arg32 : memref<!tpu.dma_semaphore, #tpu.memory_space<semaphore_mem>>)
      %dma_start3A_263 = arith.constant 896 : i32
      %dma_start3A_264 = tpu.memref_slice %arg7[%dma_start3A_263] : memref<20000xi32, #tpu.memory_space<vmem>> -> memref<128xi32, #tpu.memory_space<vmem>>
      %dma_start3A_265 = arith.constant 0 : i32
      %dma_start3A_266 = arith.constant 0 : i32
      %dma_start3A_267 = tpu.memref_slice %arg3[%dma_start3A_265, %dma_start3A_266] : memref<10000x64xbf16, #tpu.memory_space<hbm>> -> memref<10000x64xbf16, #tpu.memory_space<hbm>>
      tpu.enqueue_indirect_dma source(%dma_start3A_267 : memref<10000x64xbf16, #tpu.memory_space<hbm>>) target(%arg15 : memref<128x64xbf16, #tpu.memory_space<vmem>>) offsets(%dma_start3A_264 : memref<128xi32, #tpu.memory_space<vmem>>) semaphore(%arg26 : memref<!tpu.dma_semaphore, #tpu.memory_space<semaphore_mem>>)
      %dma_wait3A_268 = arith.constant 1 : i32
      %dma_wait3A_269 = arith.constant 0 : i32
      %dma_wait3A_270 = tpu.memref_slice %arg4[%dma_wait3A_268, %dma_wait3A_269] : memref<2x320000xi32, #tpu.memory_space<hbm>> -> memref<1x128xi32, #tpu.memory_space<hbm>>
      %dma_wait3A_271 = tpu.memref_squeeze %dma_wait3A_270 : memref<1x128xi32, #tpu.memory_space<hbm>> -> memref<128xi32, #tpu.memory_space<hbm>>
      %dma_wait3A_272 = arith.constant 0 : i32
      %dma_wait3A_273 = tpu.memref_slice %arg4[%dma_wait3A_268, %dma_wait3A_272] : memref<2x320000xi32, #tpu.memory_space<hbm>> -> memref<1x128xi32, #tpu.memory_space<hbm>>
      %dma_wait3A_274 = tpu.memref_squeeze %dma_wait3A_273 : memref<1x128xi32, #tpu.memory_space<hbm>> -> memref<128xi32, #tpu.memory_space<hbm>>
      tpu.wait_dma2 semaphore(%arg35 : memref<!tpu.dma_semaphore, #tpu.memory_space<semaphore_mem>>) src(%dma_wait3A_274 : memref<128xi32, #tpu.memory_space<hbm>>) dst(%arg12 : memref<128xi32, #tpu.memory_space<vmem>>)
      %dma_wait3A_275 = arith.constant 0 : i32
      %dma_wait3A_276 = tpu.memref_slice %arg7[%dma_wait3A_275] : memref<20000xi32, #tpu.memory_space<vmem>> -> memref<128xi32, #tpu.memory_space<vmem>>
      %dma_wait3A_277 = arith.constant 0 : i32
      %dma_wait3A_278 = arith.constant 0 : i32
      %dma_wait3A_279 = tpu.memref_slice %arg3[%dma_wait3A_277, %dma_wait3A_278] : memref<10000x64xbf16, #tpu.memory_space<hbm>> -> memref<10000x64xbf16, #tpu.memory_space<hbm>>
      tpu.wait_indirect_dma semaphore(%arg29 : memref<!tpu.dma_semaphore, #tpu.memory_space<semaphore_mem>>) src(%dma_wait3A_279 : memref<10000x64xbf16, #tpu.memory_space<hbm>>) dst(%arg18 : memref<128x64xbf16, #tpu.memory_space<vmem>>)
      %dma_start3A_280 = arith.constant 0 : i32
      %dma_start3A_281 = arith.constant 0 : i32
      %dma_start3A_282 = tpu.memref_slice %arg24[%dma_start3A_280, %dma_start3A_281] : memref<10000x64xbf16, #tpu.memory_space<vmem_shared>> -> memref<10000x64xbf16, #tpu.memory_space<vmem_shared>>
      tpu.enqueue_indirect_dma source(%arg18 : memref<128x64xbf16, #tpu.memory_space<vmem>>) target(%dma_start3A_282 : memref<10000x64xbf16, #tpu.memory_space<vmem_shared>>) offsets(%arg12 : memref<128xi32, #tpu.memory_space<vmem>>) semaphore(%arg41 : memref<!tpu.dma_semaphore, #tpu.memory_space<semaphore_mem>>) {add = true}
      %dma_wait3A_283 = arith.constant 0 : i32
      %dma_wait3A_284 = arith.constant 0 : i32
      %dma_wait3A_285 = tpu.memref_slice %arg24[%dma_wait3A_283, %dma_wait3A_284] : memref<10000x64xbf16, #tpu.memory_space<vmem_shared>> -> memref<10000x64xbf16, #tpu.memory_space<vmem_shared>>
      tpu.wait_indirect_dma semaphore(%arg39 : memref<!tpu.dma_semaphore, #tpu.memory_space<semaphore_mem>>) src(%arg16 : memref<128x64xbf16, #tpu.memory_space<vmem>>) dst(%dma_wait3A_285 : memref<10000x64xbf16, #tpu.memory_space<vmem_shared>>)
      %mul3A_286 = arith.constant 20000 : i32
      %mul3A_287 = arith.muli %arg1, %mul3A_286 : i32
      %add3A_288 = arith.constant 1024 : i32
      %add3A_289 = arith.addi %mul3A_287, %add3A_288 : i32
      %dma_start3A_290 = arith.constant 1 : i32
      %dma_start3A_291 = tpu.memref_slice %arg4[%dma_start3A_290, %add3A_289] : memref<2x320000xi32, #tpu.memory_space<hbm>> -> memref<1x128xi32, #tpu.memory_space<hbm>>
      %dma_start3A_292 = tpu.memref_squeeze %dma_start3A_291 : memref<1x128xi32, #tpu.memory_space<hbm>> -> memref<128xi32, #tpu.memory_space<hbm>>
      %dma_start3A_293 = tpu.memref_slice %arg4[%dma_start3A_290, %add3A_289] : memref<2x320000xi32, #tpu.memory_space<hbm>> -> memref<1x128xi32, #tpu.memory_space<hbm>>
      %dma_start3A_294 = tpu.memref_squeeze %dma_start3A_293 : memref<1x128xi32, #tpu.memory_space<hbm>> -> memref<128xi32, #tpu.memory_space<hbm>>
      tpu.enqueue_dma source(%dma_start3A_294 : memref<128xi32, #tpu.memory_space<hbm>>) target(%arg10 : memref<128xi32, #tpu.memory_space<vmem>>) target_semaphore(%arg33 : memref<!tpu.dma_semaphore, #tpu.memory_space<semaphore_mem>>)
      %dma_start3A_295 = arith.constant 1024 : i32
      %dma_start3A_296 = tpu.memref_slice %arg7[%dma_start3A_295] : memref<20000xi32, #tpu.memory_space<vmem>> -> memref<128xi32, #tpu.memory_space<vmem>>
      %dma_start3A_297 = arith.constant 0 : i32
      %dma_start3A_298 = arith.constant 0 : i32
      %dma_start3A_299 = tpu.memref_slice %arg3[%dma_start3A_297, %dma_start3A_298] : memref<10000x64xbf16, #tpu.memory_space<hbm>> -> memref<10000x64xbf16, #tpu.memory_space<hbm>>
      tpu.enqueue_indirect_dma source(%dma_start3A_299 : memref<10000x64xbf16, #tpu.memory_space<hbm>>) target(%arg16 : memref<128x64xbf16, #tpu.memory_space<vmem>>) offsets(%dma_start3A_296 : memref<128xi32, #tpu.memory_space<vmem>>) semaphore(%arg27 : memref<!tpu.dma_semaphore, #tpu.memory_space<semaphore_mem>>)
      %dma_wait3A_300 = arith.constant 1 : i32
      %dma_wait3A_301 = arith.constant 0 : i32
      %dma_wait3A_302 = tpu.memref_slice %arg4[%dma_wait3A_300, %dma_wait3A_301] : memref<2x320000xi32, #tpu.memory_space<hbm>> -> memref<1x128xi32, #tpu.memory_space<hbm>>
      %dma_wait3A_303 = tpu.memref_squeeze %dma_wait3A_302 : memref<1x128xi32, #tpu.memory_space<hbm>> -> memref<128xi32, #tpu.memory_space<hbm>>
      %dma_wait3A_304 = arith.constant 0 : i32
      %dma_wait3A_305 = tpu.memref_slice %arg4[%dma_wait3A_300, %dma_wait3A_304] : memref<2x320000xi32, #tpu.memory_space<hbm>> -> memref<1x128xi32, #tpu.memory_space<hbm>>
      %dma_wait3A_306 = tpu.memref_squeeze %dma_wait3A_305 : memref<1x128xi32, #tpu.memory_space<hbm>> -> memref<128xi32, #tpu.memory_space<hbm>>
      tpu.wait_dma2 semaphore(%arg36 : memref<!tpu.dma_semaphore, #tpu.memory_space<semaphore_mem>>) src(%dma_wait3A_306 : memref<128xi32, #tpu.memory_space<hbm>>) dst(%arg13 : memref<128xi32, #tpu.memory_space<vmem>>)
      %dma_wait3A_307 = arith.constant 0 : i32
      %dma_wait3A_308 = tpu.memref_slice %arg7[%dma_wait3A_307] : memref<20000xi32, #tpu.memory_space<vmem>> -> memref<128xi32, #tpu.memory_space<vmem>>
      %dma_wait3A_309 = arith.constant 0 : i32
      %dma_wait3A_310 = arith.constant 0 : i32
      %dma_wait3A_311 = tpu.memref_slice %arg3[%dma_wait3A_309, %dma_wait3A_310] : memref<10000x64xbf16, #tpu.memory_space<hbm>> -> memref<10000x64xbf16, #tpu.memory_space<hbm>>
      tpu.wait_indirect_dma semaphore(%arg30 : memref<!tpu.dma_semaphore, #tpu.memory_space<semaphore_mem>>) src(%dma_wait3A_311 : memref<10000x64xbf16, #tpu.memory_space<hbm>>) dst(%arg19 : memref<128x64xbf16, #tpu.memory_space<vmem>>)
      %dma_start3A_312 = arith.constant 0 : i32
      %dma_start3A_313 = arith.constant 0 : i32
      %dma_start3A_314 = tpu.memref_slice %arg24[%dma_start3A_312, %dma_start3A_313] : memref<10000x64xbf16, #tpu.memory_space<vmem_shared>> -> memref<10000x64xbf16, #tpu.memory_space<vmem_shared>>
      tpu.enqueue_indirect_dma source(%arg19 : memref<128x64xbf16, #tpu.memory_space<vmem>>) target(%dma_start3A_314 : memref<10000x64xbf16, #tpu.memory_space<vmem_shared>>) offsets(%arg13 : memref<128xi32, #tpu.memory_space<vmem>>) semaphore(%arg42 : memref<!tpu.dma_semaphore, #tpu.memory_space<semaphore_mem>>) {add = true}
      %dma_wait3A_315 = arith.constant 0 : i32
      %dma_wait3A_316 = arith.constant 0 : i32
      %dma_wait3A_317 = tpu.memref_slice %arg24[%dma_wait3A_315, %dma_wait3A_316] : memref<10000x64xbf16, #tpu.memory_space<vmem_shared>> -> memref<10000x64xbf16, #tpu.memory_space<vmem_shared>>
      tpu.wait_indirect_dma semaphore(%arg40 : memref<!tpu.dma_semaphore, #tpu.memory_space<semaphore_mem>>) src(%arg17 : memref<128x64xbf16, #tpu.memory_space<vmem>>) dst(%dma_wait3A_317 : memref<10000x64xbf16, #tpu.memory_space<vmem_shared>>)
      %mul3A_318 = arith.constant 20000 : i32
      %mul3A_319 = arith.muli %arg1, %mul3A_318 : i32
      %add3A_320 = arith.constant 1152 : i32
      %add3A_321 = arith.addi %mul3A_319, %add3A_320 : i32
      %dma_start3A_322 = arith.constant 1 : i32
      %dma_start3A_323 = tpu.memref_slice %arg4[%dma_start3A_322, %add3A_321] : memref<2x320000xi32, #tpu.memory_space<hbm>> -> memref<1x128xi32, #tpu.memory_space<hbm>>
      %dma_start3A_324 = tpu.memref_squeeze %dma_start3A_323 : memref<1x128xi32, #tpu.memory_space<hbm>> -> memref<128xi32, #tpu.memory_space<hbm>>
      %dma_start3A_325 = tpu.memref_slice %arg4[%dma_start3A_322, %add3A_321] : memref<2x320000xi32, #tpu.memory_space<hbm>> -> memref<1x128xi32, #tpu.memory_space<hbm>>
      %dma_start3A_326 = tpu.memref_squeeze %dma_start3A_325 : memref<1x128xi32, #tpu.memory_space<hbm>> -> memref<128xi32, #tpu.memory_space<hbm>>
      tpu.enqueue_dma source(%dma_start3A_326 : memref<128xi32, #tpu.memory_space<hbm>>) target(%arg11 : memref<128xi32, #tpu.memory_space<vmem>>) target_semaphore(%arg34 : memref<!tpu.dma_semaphore, #tpu.memory_space<semaphore_mem>>)
      %dma_start3A_327 = arith.constant 1152 : i32
      %dma_start3A_328 = tpu.memref_slice %arg7[%dma_start3A_327] : memref<20000xi32, #tpu.memory_space<vmem>> -> memref<128xi32, #tpu.memory_space<vmem>>
      %dma_start3A_329 = arith.constant 0 : i32
      %dma_start3A_330 = arith.constant 0 : i32
      %dma_start3A_331 = tpu.memref_slice %arg3[%dma_start3A_329, %dma_start3A_330] : memref<10000x64xbf16, #tpu.memory_space<hbm>> -> memref<10000x64xbf16, #tpu.memory_space<hbm>>
      tpu.enqueue_indirect_dma source(%dma_start3A_331 : memref<10000x64xbf16, #tpu.memory_space<hbm>>) target(%arg17 : memref<128x64xbf16, #tpu.memory_space<vmem>>) offsets(%dma_start3A_328 : memref<128xi32, #tpu.memory_space<vmem>>) semaphore(%arg28 : memref<!tpu.dma_semaphore, #tpu.memory_space<semaphore_mem>>)
      %scan3A_332 = arith.constant 0 : i32
      %scan3A_333 = arith.constant 1 : i32
      %scan3A_334 = arith.constant 24 : i32
      %scan3A_335 = arith.addi %scan3A_333, %scan3A_334 : i32
      %scan3A_336 = arith.constant 1 : i32
      scf.for %scan3A_495 = %scan3A_333 to %scan3A_335 step %scan3A_336  : i32 {
        %mul3A_496 = arith.constant 6 : i32
        %mul3A_497 = arith.muli %mul3A_496, %scan3A_495 : i32
        %add3A_498 = arith.constant 0 : i32
        %add3A_499 = arith.addi %mul3A_497, %add3A_498 : i32
        %dma_wait3A_500 = arith.constant 1 : i32
        %dma_wait3A_501 = arith.constant 0 : i32
        %dma_wait3A_502 = tpu.memref_slice %arg4[%dma_wait3A_500, %dma_wait3A_501] : memref<2x320000xi32, #tpu.memory_space<hbm>> -> memref<1x128xi32, #tpu.memory_space<hbm>>
        %dma_wait3A_503 = tpu.memref_squeeze %dma_wait3A_502 : memref<1x128xi32, #tpu.memory_space<hbm>> -> memref<128xi32, #tpu.memory_space<hbm>>
        %dma_wait3A_504 = arith.constant 0 : i32
        %dma_wait3A_505 = tpu.memref_slice %arg4[%dma_wait3A_500, %dma_wait3A_504] : memref<2x320000xi32, #tpu.memory_space<hbm>> -> memref<1x128xi32, #tpu.memory_space<hbm>>
        %dma_wait3A_506 = tpu.memref_squeeze %dma_wait3A_505 : memref<1x128xi32, #tpu.memory_space<hbm>> -> memref<128xi32, #tpu.memory_space<hbm>>
        tpu.wait_dma2 semaphore(%arg31 : memref<!tpu.dma_semaphore, #tpu.memory_space<semaphore_mem>>) src(%dma_wait3A_506 : memref<128xi32, #tpu.memory_space<hbm>>) dst(%arg8 : memref<128xi32, #tpu.memory_space<vmem>>)
        %dma_wait3A_507 = arith.constant 0 : i32
        %dma_wait3A_508 = tpu.memref_slice %arg7[%dma_wait3A_507] : memref<20000xi32, #tpu.memory_space<vmem>> -> memref<128xi32, #tpu.memory_space<vmem>>
        %dma_wait3A_509 = arith.constant 0 : i32
        %dma_wait3A_510 = arith.constant 0 : i32
        %dma_wait3A_511 = tpu.memref_slice %arg3[%dma_wait3A_509, %dma_wait3A_510] : memref<10000x64xbf16, #tpu.memory_space<hbm>> -> memref<10000x64xbf16, #tpu.memory_space<hbm>>
        tpu.wait_indirect_dma semaphore(%arg25 : memref<!tpu.dma_semaphore, #tpu.memory_space<semaphore_mem>>) src(%dma_wait3A_511 : memref<10000x64xbf16, #tpu.memory_space<hbm>>) dst(%arg14 : memref<128x64xbf16, #tpu.memory_space<vmem>>)
        %dma_start3A_512 = arith.constant 0 : i32
        %dma_start3A_513 = arith.constant 0 : i32
        %dma_start3A_514 = tpu.memref_slice %arg24[%dma_start3A_512, %dma_start3A_513] : memref<10000x64xbf16, #tpu.memory_space<vmem_shared>> -> memref<10000x64xbf16, #tpu.memory_space<vmem_shared>>
        tpu.enqueue_indirect_dma source(%arg14 : memref<128x64xbf16, #tpu.memory_space<vmem>>) target(%dma_start3A_514 : memref<10000x64xbf16, #tpu.memory_space<vmem_shared>>) offsets(%arg8 : memref<128xi32, #tpu.memory_space<vmem>>) semaphore(%arg37 : memref<!tpu.dma_semaphore, #tpu.memory_space<semaphore_mem>>) {add = true}
        %dma_wait3A_515 = arith.constant 0 : i32
        %dma_wait3A_516 = arith.constant 0 : i32
        %dma_wait3A_517 = tpu.memref_slice %arg24[%dma_wait3A_515, %dma_wait3A_516] : memref<10000x64xbf16, #tpu.memory_space<vmem_shared>> -> memref<10000x64xbf16, #tpu.memory_space<vmem_shared>>
        tpu.wait_indirect_dma semaphore(%arg41 : memref<!tpu.dma_semaphore, #tpu.memory_space<semaphore_mem>>) src(%arg18 : memref<128x64xbf16, #tpu.memory_space<vmem>>) dst(%dma_wait3A_517 : memref<10000x64xbf16, #tpu.memory_space<vmem_shared>>)
        %add3A_518 = arith.constant 4 : i32
        %add3A_519 = arith.addi %add3A_499, %add3A_518 : i32
        %mul3A_520 = arith.constant 20000 : i32
        %mul3A_521 = arith.muli %arg1, %mul3A_520 : i32
        %mul3A_522 = arith.constant 128 : i32
        %mul3A_523 = arith.muli %add3A_519, %mul3A_522 : i32
        %add3A_524 = arith.addi %mul3A_521, %mul3A_523 : i32
        %dma_start3A_525 = arith.constant 1 : i32
        %dma_start3A_526 = tpu.memref_slice %arg4[%dma_start3A_525, %add3A_524] : memref<2x320000xi32, #tpu.memory_space<hbm>> -> memref<1x128xi32, #tpu.memory_space<hbm>>
        %dma_start3A_527 = tpu.memref_squeeze %dma_start3A_526 : memref<1x128xi32, #tpu.memory_space<hbm>> -> memref<128xi32, #tpu.memory_space<hbm>>
        %dma_start3A_528 = tpu.memref_slice %arg4[%dma_start3A_525, %add3A_524] : memref<2x320000xi32, #tpu.memory_space<hbm>> -> memref<1x128xi32, #tpu.memory_space<hbm>>
        %dma_start3A_529 = tpu.memref_squeeze %dma_start3A_528 : memref<1x128xi32, #tpu.memory_space<hbm>> -> memref<128xi32, #tpu.memory_space<hbm>>
        tpu.enqueue_dma source(%dma_start3A_529 : memref<128xi32, #tpu.memory_space<hbm>>) target(%arg12 : memref<128xi32, #tpu.memory_space<vmem>>) target_semaphore(%arg35 : memref<!tpu.dma_semaphore, #tpu.memory_space<semaphore_mem>>)
        %mul3A_530 = arith.constant 128 : i32
        %mul3A_531 = arith.muli %add3A_519, %mul3A_530 : i32
        %dma_start3A_532 = tpu.memref_slice %arg7[%mul3A_531] : memref<20000xi32, #tpu.memory_space<vmem>> -> memref<128xi32, #tpu.memory_space<vmem>>
        %dma_start3A_533 = arith.constant 0 : i32
        %dma_start3A_534 = arith.constant 0 : i32
        %dma_start3A_535 = tpu.memref_slice %arg3[%dma_start3A_533, %dma_start3A_534] : memref<10000x64xbf16, #tpu.memory_space<hbm>> -> memref<10000x64xbf16, #tpu.memory_space<hbm>>
        tpu.enqueue_indirect_dma source(%dma_start3A_535 : memref<10000x64xbf16, #tpu.memory_space<hbm>>) target(%arg18 : memref<128x64xbf16, #tpu.memory_space<vmem>>) offsets(%dma_start3A_532 : memref<128xi32, #tpu.memory_space<vmem>>) semaphore(%arg29 : memref<!tpu.dma_semaphore, #tpu.memory_space<semaphore_mem>>)
        %mul3A_536 = arith.constant 6 : i32
        %mul3A_537 = arith.muli %mul3A_536, %scan3A_495 : i32
        %add3A_538 = arith.constant 1 : i32
        %add3A_539 = arith.addi %mul3A_537, %add3A_538 : i32
        %dma_wait3A_540 = arith.constant 1 : i32
        %dma_wait3A_541 = arith.constant 0 : i32
        %dma_wait3A_542 = tpu.memref_slice %arg4[%dma_wait3A_540, %dma_wait3A_541] : memref<2x320000xi32, #tpu.memory_space<hbm>> -> memref<1x128xi32, #tpu.memory_space<hbm>>
        %dma_wait3A_543 = tpu.memref_squeeze %dma_wait3A_542 : memref<1x128xi32, #tpu.memory_space<hbm>> -> memref<128xi32, #tpu.memory_space<hbm>>
        %dma_wait3A_544 = arith.constant 0 : i32
        %dma_wait3A_545 = tpu.memref_slice %arg4[%dma_wait3A_540, %dma_wait3A_544] : memref<2x320000xi32, #tpu.memory_space<hbm>> -> memref<1x128xi32, #tpu.memory_space<hbm>>
        %dma_wait3A_546 = tpu.memref_squeeze %dma_wait3A_545 : memref<1x128xi32, #tpu.memory_space<hbm>> -> memref<128xi32, #tpu.memory_space<hbm>>
        tpu.wait_dma2 semaphore(%arg32 : memref<!tpu.dma_semaphore, #tpu.memory_space<semaphore_mem>>) src(%dma_wait3A_546 : memref<128xi32, #tpu.memory_space<hbm>>) dst(%arg9 : memref<128xi32, #tpu.memory_space<vmem>>)
        %dma_wait3A_547 = arith.constant 0 : i32
        %dma_wait3A_548 = tpu.memref_slice %arg7[%dma_wait3A_547] : memref<20000xi32, #tpu.memory_space<vmem>> -> memref<128xi32, #tpu.memory_space<vmem>>
        %dma_wait3A_549 = arith.constant 0 : i32
        %dma_wait3A_550 = arith.constant 0 : i32
        %dma_wait3A_551 = tpu.memref_slice %arg3[%dma_wait3A_549, %dma_wait3A_550] : memref<10000x64xbf16, #tpu.memory_space<hbm>> -> memref<10000x64xbf16, #tpu.memory_space<hbm>>
        tpu.wait_indirect_dma semaphore(%arg26 : memref<!tpu.dma_semaphore, #tpu.memory_space<semaphore_mem>>) src(%dma_wait3A_551 : memref<10000x64xbf16, #tpu.memory_space<hbm>>) dst(%arg15 : memref<128x64xbf16, #tpu.memory_space<vmem>>)
        %dma_start3A_552 = arith.constant 0 : i32
        %dma_start3A_553 = arith.constant 0 : i32
        %dma_start3A_554 = tpu.memref_slice %arg24[%dma_start3A_552, %dma_start3A_553] : memref<10000x64xbf16, #tpu.memory_space<vmem_shared>> -> memref<10000x64xbf16, #tpu.memory_space<vmem_shared>>
        tpu.enqueue_indirect_dma source(%arg15 : memref<128x64xbf16, #tpu.memory_space<vmem>>) target(%dma_start3A_554 : memref<10000x64xbf16, #tpu.memory_space<vmem_shared>>) offsets(%arg9 : memref<128xi32, #tpu.memory_space<vmem>>) semaphore(%arg38 : memref<!tpu.dma_semaphore, #tpu.memory_space<semaphore_mem>>) {add = true}
        %dma_wait3A_555 = arith.constant 0 : i32
        %dma_wait3A_556 = arith.constant 0 : i32
        %dma_wait3A_557 = tpu.memref_slice %arg24[%dma_wait3A_555, %dma_wait3A_556] : memref<10000x64xbf16, #tpu.memory_space<vmem_shared>> -> memref<10000x64xbf16, #tpu.memory_space<vmem_shared>>
        tpu.wait_indirect_dma semaphore(%arg42 : memref<!tpu.dma_semaphore, #tpu.memory_space<semaphore_mem>>) src(%arg19 : memref<128x64xbf16, #tpu.memory_space<vmem>>) dst(%dma_wait3A_557 : memref<10000x64xbf16, #tpu.memory_space<vmem_shared>>)
        %add3A_558 = arith.constant 4 : i32
        %add3A_559 = arith.addi %add3A_539, %add3A_558 : i32
        %mul3A_560 = arith.constant 20000 : i32
        %mul3A_561 = arith.muli %arg1, %mul3A_560 : i32
        %mul3A_562 = arith.constant 128 : i32
        %mul3A_563 = arith.muli %add3A_559, %mul3A_562 : i32
        %add3A_564 = arith.addi %mul3A_561, %mul3A_563 : i32
        %dma_start3A_565 = arith.constant 1 : i32
        %dma_start3A_566 = tpu.memref_slice %arg4[%dma_start3A_565, %add3A_564] : memref<2x320000xi32, #tpu.memory_space<hbm>> -> memref<1x128xi32, #tpu.memory_space<hbm>>
        %dma_start3A_567 = tpu.memref_squeeze %dma_start3A_566 : memref<1x128xi32, #tpu.memory_space<hbm>> -> memref<128xi32, #tpu.memory_space<hbm>>
        %dma_start3A_568 = tpu.memref_slice %arg4[%dma_start3A_565, %add3A_564] : memref<2x320000xi32, #tpu.memory_space<hbm>> -> memref<1x128xi32, #tpu.memory_space<hbm>>
        %dma_start3A_569 = tpu.memref_squeeze %dma_start3A_568 : memref<1x128xi32, #tpu.memory_space<hbm>> -> memref<128xi32, #tpu.memory_space<hbm>>
        tpu.enqueue_dma source(%dma_start3A_569 : memref<128xi32, #tpu.memory_space<hbm>>) target(%arg13 : memref<128xi32, #tpu.memory_space<vmem>>) target_semaphore(%arg36 : memref<!tpu.dma_semaphore, #tpu.memory_space<semaphore_mem>>)
        %mul3A_570 = arith.constant 128 : i32
        %mul3A_571 = arith.muli %add3A_559, %mul3A_570 : i32
        %dma_start3A_572 = tpu.memref_slice %arg7[%mul3A_571] : memref<20000xi32, #tpu.memory_space<vmem>> -> memref<128xi32, #tpu.memory_space<vmem>>
        %dma_start3A_573 = arith.constant 0 : i32
        %dma_start3A_574 = arith.constant 0 : i32
        %dma_start3A_575 = tpu.memref_slice %arg3[%dma_start3A_573, %dma_start3A_574] : memref<10000x64xbf16, #tpu.memory_space<hbm>> -> memref<10000x64xbf16, #tpu.memory_space<hbm>>
        tpu.enqueue_indirect_dma source(%dma_start3A_575 : memref<10000x64xbf16, #tpu.memory_space<hbm>>) target(%arg19 : memref<128x64xbf16, #tpu.memory_space<vmem>>) offsets(%dma_start3A_572 : memref<128xi32, #tpu.memory_space<vmem>>) semaphore(%arg30 : memref<!tpu.dma_semaphore, #tpu.memory_space<semaphore_mem>>)
        %mul3A_576 = arith.constant 6 : i32
        %mul3A_577 = arith.muli %mul3A_576, %scan3A_495 : i32
        %add3A_578 = arith.constant 2 : i32
        %add3A_579 = arith.addi %mul3A_577, %add3A_578 : i32
        %dma_wait3A_580 = arith.constant 1 : i32
        %dma_wait3A_581 = arith.constant 0 : i32
        %dma_wait3A_582 = tpu.memref_slice %arg4[%dma_wait3A_580, %dma_wait3A_581] : memref<2x320000xi32, #tpu.memory_space<hbm>> -> memref<1x128xi32, #tpu.memory_space<hbm>>
        %dma_wait3A_583 = tpu.memref_squeeze %dma_wait3A_582 : memref<1x128xi32, #tpu.memory_space<hbm>> -> memref<128xi32, #tpu.memory_space<hbm>>
        %dma_wait3A_584 = arith.constant 0 : i32
        %dma_wait3A_585 = tpu.memref_slice %arg4[%dma_wait3A_580, %dma_wait3A_584] : memref<2x320000xi32, #tpu.memory_space<hbm>> -> memref<1x128xi32, #tpu.memory_space<hbm>>
        %dma_wait3A_586 = tpu.memref_squeeze %dma_wait3A_585 : memref<1x128xi32, #tpu.memory_space<hbm>> -> memref<128xi32, #tpu.memory_space<hbm>>
        tpu.wait_dma2 semaphore(%arg33 : memref<!tpu.dma_semaphore, #tpu.memory_space<semaphore_mem>>) src(%dma_wait3A_586 : memref<128xi32, #tpu.memory_space<hbm>>) dst(%arg10 : memref<128xi32, #tpu.memory_space<vmem>>)
        %dma_wait3A_587 = arith.constant 0 : i32
        %dma_wait3A_588 = tpu.memref_slice %arg7[%dma_wait3A_587] : memref<20000xi32, #tpu.memory_space<vmem>> -> memref<128xi32, #tpu.memory_space<vmem>>
        %dma_wait3A_589 = arith.constant 0 : i32
        %dma_wait3A_590 = arith.constant 0 : i32
        %dma_wait3A_591 = tpu.memref_slice %arg3[%dma_wait3A_589, %dma_wait3A_590] : memref<10000x64xbf16, #tpu.memory_space<hbm>> -> memref<10000x64xbf16, #tpu.memory_space<hbm>>
        tpu.wait_indirect_dma semaphore(%arg27 : memref<!tpu.dma_semaphore, #tpu.memory_space<semaphore_mem>>) src(%dma_wait3A_591 : memref<10000x64xbf16, #tpu.memory_space<hbm>>) dst(%arg16 : memref<128x64xbf16, #tpu.memory_space<vmem>>)
        %dma_start3A_592 = arith.constant 0 : i32
        %dma_start3A_593 = arith.constant 0 : i32
        %dma_start3A_594 = tpu.memref_slice %arg24[%dma_start3A_592, %dma_start3A_593] : memref<10000x64xbf16, #tpu.memory_space<vmem_shared>> -> memref<10000x64xbf16, #tpu.memory_space<vmem_shared>>
        tpu.enqueue_indirect_dma source(%arg16 : memref<128x64xbf16, #tpu.memory_space<vmem>>) target(%dma_start3A_594 : memref<10000x64xbf16, #tpu.memory_space<vmem_shared>>) offsets(%arg10 : memref<128xi32, #tpu.memory_space<vmem>>) semaphore(%arg39 : memref<!tpu.dma_semaphore, #tpu.memory_space<semaphore_mem>>) {add = true}
        %dma_wait3A_595 = arith.constant 0 : i32
        %dma_wait3A_596 = arith.constant 0 : i32
        %dma_wait3A_597 = tpu.memref_slice %arg24[%dma_wait3A_595, %dma_wait3A_596] : memref<10000x64xbf16, #tpu.memory_space<vmem_shared>> -> memref<10000x64xbf16, #tpu.memory_space<vmem_shared>>
        tpu.wait_indirect_dma semaphore(%arg37 : memref<!tpu.dma_semaphore, #tpu.memory_space<semaphore_mem>>) src(%arg14 : memref<128x64xbf16, #tpu.memory_space<vmem>>) dst(%dma_wait3A_597 : memref<10000x64xbf16, #tpu.memory_space<vmem_shared>>)
        %add3A_598 = arith.constant 4 : i32
        %add3A_599 = arith.addi %add3A_579, %add3A_598 : i32
        %mul3A_600 = arith.constant 20000 : i32
        %mul3A_601 = arith.muli %arg1, %mul3A_600 : i32
        %mul3A_602 = arith.constant 128 : i32
        %mul3A_603 = arith.muli %add3A_599, %mul3A_602 : i32
        %add3A_604 = arith.addi %mul3A_601, %mul3A_603 : i32
        %dma_start3A_605 = arith.constant 1 : i32
        %dma_start3A_606 = tpu.memref_slice %arg4[%dma_start3A_605, %add3A_604] : memref<2x320000xi32, #tpu.memory_space<hbm>> -> memref<1x128xi32, #tpu.memory_space<hbm>>
        %dma_start3A_607 = tpu.memref_squeeze %dma_start3A_606 : memref<1x128xi32, #tpu.memory_space<hbm>> -> memref<128xi32, #tpu.memory_space<hbm>>
        %dma_start3A_608 = tpu.memref_slice %arg4[%dma_start3A_605, %add3A_604] : memref<2x320000xi32, #tpu.memory_space<hbm>> -> memref<1x128xi32, #tpu.memory_space<hbm>>
        %dma_start3A_609 = tpu.memref_squeeze %dma_start3A_608 : memref<1x128xi32, #tpu.memory_space<hbm>> -> memref<128xi32, #tpu.memory_space<hbm>>
        tpu.enqueue_dma source(%dma_start3A_609 : memref<128xi32, #tpu.memory_space<hbm>>) target(%arg8 : memref<128xi32, #tpu.memory_space<vmem>>) target_semaphore(%arg31 : memref<!tpu.dma_semaphore, #tpu.memory_space<semaphore_mem>>)
        %mul3A_610 = arith.constant 128 : i32
        %mul3A_611 = arith.muli %add3A_599, %mul3A_610 : i32
        %dma_start3A_612 = tpu.memref_slice %arg7[%mul3A_611] : memref<20000xi32, #tpu.memory_space<vmem>> -> memref<128xi32, #tpu.memory_space<vmem>>
        %dma_start3A_613 = arith.constant 0 : i32
        %dma_start3A_614 = arith.constant 0 : i32
        %dma_start3A_615 = tpu.memref_slice %arg3[%dma_start3A_613, %dma_start3A_614] : memref<10000x64xbf16, #tpu.memory_space<hbm>> -> memref<10000x64xbf16, #tpu.memory_space<hbm>>
        tpu.enqueue_indirect_dma source(%dma_start3A_615 : memref<10000x64xbf16, #tpu.memory_space<hbm>>) target(%arg14 : memref<128x64xbf16, #tpu.memory_space<vmem>>) offsets(%dma_start3A_612 : memref<128xi32, #tpu.memory_space<vmem>>) semaphore(%arg25 : memref<!tpu.dma_semaphore, #tpu.memory_space<semaphore_mem>>)
        %mul3A_616 = arith.constant 6 : i32
        %mul3A_617 = arith.muli %mul3A_616, %scan3A_495 : i32
        %add3A_618 = arith.constant 3 : i32
        %add3A_619 = arith.addi %mul3A_617, %add3A_618 : i32
        %dma_wait3A_620 = arith.constant 1 : i32
        %dma_wait3A_621 = arith.constant 0 : i32
        %dma_wait3A_622 = tpu.memref_slice %arg4[%dma_wait3A_620, %dma_wait3A_621] : memref<2x320000xi32, #tpu.memory_space<hbm>> -> memref<1x128xi32, #tpu.memory_space<hbm>>
        %dma_wait3A_623 = tpu.memref_squeeze %dma_wait3A_622 : memref<1x128xi32, #tpu.memory_space<hbm>> -> memref<128xi32, #tpu.memory_space<hbm>>
        %dma_wait3A_624 = arith.constant 0 : i32
        %dma_wait3A_625 = tpu.memref_slice %arg4[%dma_wait3A_620, %dma_wait3A_624] : memref<2x320000xi32, #tpu.memory_space<hbm>> -> memref<1x128xi32, #tpu.memory_space<hbm>>
        %dma_wait3A_626 = tpu.memref_squeeze %dma_wait3A_625 : memref<1x128xi32, #tpu.memory_space<hbm>> -> memref<128xi32, #tpu.memory_space<hbm>>
        tpu.wait_dma2 semaphore(%arg34 : memref<!tpu.dma_semaphore, #tpu.memory_space<semaphore_mem>>) src(%dma_wait3A_626 : memref<128xi32, #tpu.memory_space<hbm>>) dst(%arg11 : memref<128xi32, #tpu.memory_space<vmem>>)
        %dma_wait3A_627 = arith.constant 0 : i32
        %dma_wait3A_628 = tpu.memref_slice %arg7[%dma_wait3A_627] : memref<20000xi32, #tpu.memory_space<vmem>> -> memref<128xi32, #tpu.memory_space<vmem>>
        %dma_wait3A_629 = arith.constant 0 : i32
        %dma_wait3A_630 = arith.constant 0 : i32
        %dma_wait3A_631 = tpu.memref_slice %arg3[%dma_wait3A_629, %dma_wait3A_630] : memref<10000x64xbf16, #tpu.memory_space<hbm>> -> memref<10000x64xbf16, #tpu.memory_space<hbm>>
        tpu.wait_indirect_dma semaphore(%arg28 : memref<!tpu.dma_semaphore, #tpu.memory_space<semaphore_mem>>) src(%dma_wait3A_631 : memref<10000x64xbf16, #tpu.memory_space<hbm>>) dst(%arg17 : memref<128x64xbf16, #tpu.memory_space<vmem>>)
        %dma_start3A_632 = arith.constant 0 : i32
        %dma_start3A_633 = arith.constant 0 : i32
        %dma_start3A_634 = tpu.memref_slice %arg24[%dma_start3A_632, %dma_start3A_633] : memref<10000x64xbf16, #tpu.memory_space<vmem_shared>> -> memref<10000x64xbf16, #tpu.memory_space<vmem_shared>>
        tpu.enqueue_indirect_dma source(%arg17 : memref<128x64xbf16, #tpu.memory_space<vmem>>) target(%dma_start3A_634 : memref<10000x64xbf16, #tpu.memory_space<vmem_shared>>) offsets(%arg11 : memref<128xi32, #tpu.memory_space<vmem>>) semaphore(%arg40 : memref<!tpu.dma_semaphore, #tpu.memory_space<semaphore_mem>>) {add = true}
        %dma_wait3A_635 = arith.constant 0 : i32
        %dma_wait3A_636 = arith.constant 0 : i32
        %dma_wait3A_637 = tpu.memref_slice %arg24[%dma_wait3A_635, %dma_wait3A_636] : memref<10000x64xbf16, #tpu.memory_space<vmem_shared>> -> memref<10000x64xbf16, #tpu.memory_space<vmem_shared>>
        tpu.wait_indirect_dma semaphore(%arg38 : memref<!tpu.dma_semaphore, #tpu.memory_space<semaphore_mem>>) src(%arg15 : memref<128x64xbf16, #tpu.memory_space<vmem>>) dst(%dma_wait3A_637 : memref<10000x64xbf16, #tpu.memory_space<vmem_shared>>)
        %add3A_638 = arith.constant 4 : i32
        %add3A_639 = arith.addi %add3A_619, %add3A_638 : i32
        %mul3A_640 = arith.constant 20000 : i32
        %mul3A_641 = arith.muli %arg1, %mul3A_640 : i32
        %mul3A_642 = arith.constant 128 : i32
        %mul3A_643 = arith.muli %add3A_639, %mul3A_642 : i32
        %add3A_644 = arith.addi %mul3A_641, %mul3A_643 : i32
        %dma_start3A_645 = arith.constant 1 : i32
        %dma_start3A_646 = tpu.memref_slice %arg4[%dma_start3A_645, %add3A_644] : memref<2x320000xi32, #tpu.memory_space<hbm>> -> memref<1x128xi32, #tpu.memory_space<hbm>>
        %dma_start3A_647 = tpu.memref_squeeze %dma_start3A_646 : memref<1x128xi32, #tpu.memory_space<hbm>> -> memref<128xi32, #tpu.memory_space<hbm>>
        %dma_start3A_648 = tpu.memref_slice %arg4[%dma_start3A_645, %add3A_644] : memref<2x320000xi32, #tpu.memory_space<hbm>> -> memref<1x128xi32, #tpu.memory_space<hbm>>
        %dma_start3A_649 = tpu.memref_squeeze %dma_start3A_648 : memref<1x128xi32, #tpu.memory_space<hbm>> -> memref<128xi32, #tpu.memory_space<hbm>>
        tpu.enqueue_dma source(%dma_start3A_649 : memref<128xi32, #tpu.memory_space<hbm>>) target(%arg9 : memref<128xi32, #tpu.memory_space<vmem>>) target_semaphore(%arg32 : memref<!tpu.dma_semaphore, #tpu.memory_space<semaphore_mem>>)
        %mul3A_650 = arith.constant 128 : i32
        %mul3A_651 = arith.muli %add3A_639, %mul3A_650 : i32
        %dma_start3A_652 = tpu.memref_slice %arg7[%mul3A_651] : memref<20000xi32, #tpu.memory_space<vmem>> -> memref<128xi32, #tpu.memory_space<vmem>>
        %dma_start3A_653 = arith.constant 0 : i32
        %dma_start3A_654 = arith.constant 0 : i32
        %dma_start3A_655 = tpu.memref_slice %arg3[%dma_start3A_653, %dma_start3A_654] : memref<10000x64xbf16, #tpu.memory_space<hbm>> -> memref<10000x64xbf16, #tpu.memory_space<hbm>>
        tpu.enqueue_indirect_dma source(%dma_start3A_655 : memref<10000x64xbf16, #tpu.memory_space<hbm>>) target(%arg15 : memref<128x64xbf16, #tpu.memory_space<vmem>>) offsets(%dma_start3A_652 : memref<128xi32, #tpu.memory_space<vmem>>) semaphore(%arg26 : memref<!tpu.dma_semaphore, #tpu.memory_space<semaphore_mem>>)
        %mul3A_656 = arith.constant 6 : i32
        %mul3A_657 = arith.muli %mul3A_656, %scan3A_495 : i32
        %add3A_658 = arith.constant 4 : i32
        %add3A_659 = arith.addi %mul3A_657, %add3A_658 : i32
        %dma_wait3A_660 = arith.constant 1 : i32
        %dma_wait3A_661 = arith.constant 0 : i32
        %dma_wait3A_662 = tpu.memref_slice %arg4[%dma_wait3A_660, %dma_wait3A_661] : memref<2x320000xi32, #tpu.memory_space<hbm>> -> memref<1x128xi32, #tpu.memory_space<hbm>>
        %dma_wait3A_663 = tpu.memref_squeeze %dma_wait3A_662 : memref<1x128xi32, #tpu.memory_space<hbm>> -> memref<128xi32, #tpu.memory_space<hbm>>
        %dma_wait3A_664 = arith.constant 0 : i32
        %dma_wait3A_665 = tpu.memref_slice %arg4[%dma_wait3A_660, %dma_wait3A_664] : memref<2x320000xi32, #tpu.memory_space<hbm>> -> memref<1x128xi32, #tpu.memory_space<hbm>>
        %dma_wait3A_666 = tpu.memref_squeeze %dma_wait3A_665 : memref<1x128xi32, #tpu.memory_space<hbm>> -> memref<128xi32, #tpu.memory_space<hbm>>
        tpu.wait_dma2 semaphore(%arg35 : memref<!tpu.dma_semaphore, #tpu.memory_space<semaphore_mem>>) src(%dma_wait3A_666 : memref<128xi32, #tpu.memory_space<hbm>>) dst(%arg12 : memref<128xi32, #tpu.memory_space<vmem>>)
        %dma_wait3A_667 = arith.constant 0 : i32
        %dma_wait3A_668 = tpu.memref_slice %arg7[%dma_wait3A_667] : memref<20000xi32, #tpu.memory_space<vmem>> -> memref<128xi32, #tpu.memory_space<vmem>>
        %dma_wait3A_669 = arith.constant 0 : i32
        %dma_wait3A_670 = arith.constant 0 : i32
        %dma_wait3A_671 = tpu.memref_slice %arg3[%dma_wait3A_669, %dma_wait3A_670] : memref<10000x64xbf16, #tpu.memory_space<hbm>> -> memref<10000x64xbf16, #tpu.memory_space<hbm>>
        tpu.wait_indirect_dma semaphore(%arg29 : memref<!tpu.dma_semaphore, #tpu.memory_space<semaphore_mem>>) src(%dma_wait3A_671 : memref<10000x64xbf16, #tpu.memory_space<hbm>>) dst(%arg18 : memref<128x64xbf16, #tpu.memory_space<vmem>>)
        %dma_start3A_672 = arith.constant 0 : i32
        %dma_start3A_673 = arith.constant 0 : i32
        %dma_start3A_674 = tpu.memref_slice %arg24[%dma_start3A_672, %dma_start3A_673] : memref<10000x64xbf16, #tpu.memory_space<vmem_shared>> -> memref<10000x64xbf16, #tpu.memory_space<vmem_shared>>
        tpu.enqueue_indirect_dma source(%arg18 : memref<128x64xbf16, #tpu.memory_space<vmem>>) target(%dma_start3A_674 : memref<10000x64xbf16, #tpu.memory_space<vmem_shared>>) offsets(%arg12 : memref<128xi32, #tpu.memory_space<vmem>>) semaphore(%arg41 : memref<!tpu.dma_semaphore, #tpu.memory_space<semaphore_mem>>) {add = true}
        %dma_wait3A_675 = arith.constant 0 : i32
        %dma_wait3A_676 = arith.constant 0 : i32
        %dma_wait3A_677 = tpu.memref_slice %arg24[%dma_wait3A_675, %dma_wait3A_676] : memref<10000x64xbf16, #tpu.memory_space<vmem_shared>> -> memref<10000x64xbf16, #tpu.memory_space<vmem_shared>>
        tpu.wait_indirect_dma semaphore(%arg39 : memref<!tpu.dma_semaphore, #tpu.memory_space<semaphore_mem>>) src(%arg16 : memref<128x64xbf16, #tpu.memory_space<vmem>>) dst(%dma_wait3A_677 : memref<10000x64xbf16, #tpu.memory_space<vmem_shared>>)
        %add3A_678 = arith.constant 4 : i32
        %add3A_679 = arith.addi %add3A_659, %add3A_678 : i32
        %mul3A_680 = arith.constant 20000 : i32
        %mul3A_681 = arith.muli %arg1, %mul3A_680 : i32
        %mul3A_682 = arith.constant 128 : i32
        %mul3A_683 = arith.muli %add3A_679, %mul3A_682 : i32
        %add3A_684 = arith.addi %mul3A_681, %mul3A_683 : i32
        %dma_start3A_685 = arith.constant 1 : i32
        %dma_start3A_686 = tpu.memref_slice %arg4[%dma_start3A_685, %add3A_684] : memref<2x320000xi32, #tpu.memory_space<hbm>> -> memref<1x128xi32, #tpu.memory_space<hbm>>
        %dma_start3A_687 = tpu.memref_squeeze %dma_start3A_686 : memref<1x128xi32, #tpu.memory_space<hbm>> -> memref<128xi32, #tpu.memory_space<hbm>>
        %dma_start3A_688 = tpu.memref_slice %arg4[%dma_start3A_685, %add3A_684] : memref<2x320000xi32, #tpu.memory_space<hbm>> -> memref<1x128xi32, #tpu.memory_space<hbm>>
        %dma_start3A_689 = tpu.memref_squeeze %dma_start3A_688 : memref<1x128xi32, #tpu.memory_space<hbm>> -> memref<128xi32, #tpu.memory_space<hbm>>
        tpu.enqueue_dma source(%dma_start3A_689 : memref<128xi32, #tpu.memory_space<hbm>>) target(%arg10 : memref<128xi32, #tpu.memory_space<vmem>>) target_semaphore(%arg33 : memref<!tpu.dma_semaphore, #tpu.memory_space<semaphore_mem>>)
        %mul3A_690 = arith.constant 128 : i32
        %mul3A_691 = arith.muli %add3A_679, %mul3A_690 : i32
        %dma_start3A_692 = tpu.memref_slice %arg7[%mul3A_691] : memref<20000xi32, #tpu.memory_space<vmem>> -> memref<128xi32, #tpu.memory_space<vmem>>
        %dma_start3A_693 = arith.constant 0 : i32
        %dma_start3A_694 = arith.constant 0 : i32
        %dma_start3A_695 = tpu.memref_slice %arg3[%dma_start3A_693, %dma_start3A_694] : memref<10000x64xbf16, #tpu.memory_space<hbm>> -> memref<10000x64xbf16, #tpu.memory_space<hbm>>
        tpu.enqueue_indirect_dma source(%dma_start3A_695 : memref<10000x64xbf16, #tpu.memory_space<hbm>>) target(%arg16 : memref<128x64xbf16, #tpu.memory_space<vmem>>) offsets(%dma_start3A_692 : memref<128xi32, #tpu.memory_space<vmem>>) semaphore(%arg27 : memref<!tpu.dma_semaphore, #tpu.memory_space<semaphore_mem>>)
        %mul3A_696 = arith.constant 6 : i32
        %mul3A_697 = arith.muli %mul3A_696, %scan3A_495 : i32
        %add3A_698 = arith.constant 5 : i32
        %add3A_699 = arith.addi %mul3A_697, %add3A_698 : i32
        %dma_wait3A_700 = arith.constant 1 : i32
        %dma_wait3A_701 = arith.constant 0 : i32
        %dma_wait3A_702 = tpu.memref_slice %arg4[%dma_wait3A_700, %dma_wait3A_701] : memref<2x320000xi32, #tpu.memory_space<hbm>> -> memref<1x128xi32, #tpu.memory_space<hbm>>
        %dma_wait3A_703 = tpu.memref_squeeze %dma_wait3A_702 : memref<1x128xi32, #tpu.memory_space<hbm>> -> memref<128xi32, #tpu.memory_space<hbm>>
        %dma_wait3A_704 = arith.constant 0 : i32
        %dma_wait3A_705 = tpu.memref_slice %arg4[%dma_wait3A_700, %dma_wait3A_704] : memref<2x320000xi32, #tpu.memory_space<hbm>> -> memref<1x128xi32, #tpu.memory_space<hbm>>
        %dma_wait3A_706 = tpu.memref_squeeze %dma_wait3A_705 : memref<1x128xi32, #tpu.memory_space<hbm>> -> memref<128xi32, #tpu.memory_space<hbm>>
        tpu.wait_dma2 semaphore(%arg36 : memref<!tpu.dma_semaphore, #tpu.memory_space<semaphore_mem>>) src(%dma_wait3A_706 : memref<128xi32, #tpu.memory_space<hbm>>) dst(%arg13 : memref<128xi32, #tpu.memory_space<vmem>>)
        %dma_wait3A_707 = arith.constant 0 : i32
        %dma_wait3A_708 = tpu.memref_slice %arg7[%dma_wait3A_707] : memref<20000xi32, #tpu.memory_space<vmem>> -> memref<128xi32, #tpu.memory_space<vmem>>
        %dma_wait3A_709 = arith.constant 0 : i32
        %dma_wait3A_710 = arith.constant 0 : i32
        %dma_wait3A_711 = tpu.memref_slice %arg3[%dma_wait3A_709, %dma_wait3A_710] : memref<10000x64xbf16, #tpu.memory_space<hbm>> -> memref<10000x64xbf16, #tpu.memory_space<hbm>>
        tpu.wait_indirect_dma semaphore(%arg30 : memref<!tpu.dma_semaphore, #tpu.memory_space<semaphore_mem>>) src(%dma_wait3A_711 : memref<10000x64xbf16, #tpu.memory_space<hbm>>) dst(%arg19 : memref<128x64xbf16, #tpu.memory_space<vmem>>)
        %dma_start3A_712 = arith.constant 0 : i32
        %dma_start3A_713 = arith.constant 0 : i32
        %dma_start3A_714 = tpu.memref_slice %arg24[%dma_start3A_712, %dma_start3A_713] : memref<10000x64xbf16, #tpu.memory_space<vmem_shared>> -> memref<10000x64xbf16, #tpu.memory_space<vmem_shared>>
        tpu.enqueue_indirect_dma source(%arg19 : memref<128x64xbf16, #tpu.memory_space<vmem>>) target(%dma_start3A_714 : memref<10000x64xbf16, #tpu.memory_space<vmem_shared>>) offsets(%arg13 : memref<128xi32, #tpu.memory_space<vmem>>) semaphore(%arg42 : memref<!tpu.dma_semaphore, #tpu.memory_space<semaphore_mem>>) {add = true}
        %dma_wait3A_715 = arith.constant 0 : i32
        %dma_wait3A_716 = arith.constant 0 : i32
        %dma_wait3A_717 = tpu.memref_slice %arg24[%dma_wait3A_715, %dma_wait3A_716] : memref<10000x64xbf16, #tpu.memory_space<vmem_shared>> -> memref<10000x64xbf16, #tpu.memory_space<vmem_shared>>
        tpu.wait_indirect_dma semaphore(%arg40 : memref<!tpu.dma_semaphore, #tpu.memory_space<semaphore_mem>>) src(%arg17 : memref<128x64xbf16, #tpu.memory_space<vmem>>) dst(%dma_wait3A_717 : memref<10000x64xbf16, #tpu.memory_space<vmem_shared>>)
        %add3A_718 = arith.constant 4 : i32
        %add3A_719 = arith.addi %add3A_699, %add3A_718 : i32
        %mul3A_720 = arith.constant 20000 : i32
        %mul3A_721 = arith.muli %arg1, %mul3A_720 : i32
        %mul3A_722 = arith.constant 128 : i32
        %mul3A_723 = arith.muli %add3A_719, %mul3A_722 : i32
        %add3A_724 = arith.addi %mul3A_721, %mul3A_723 : i32
        %dma_start3A_725 = arith.constant 1 : i32
        %dma_start3A_726 = tpu.memref_slice %arg4[%dma_start3A_725, %add3A_724] : memref<2x320000xi32, #tpu.memory_space<hbm>> -> memref<1x128xi32, #tpu.memory_space<hbm>>
        %dma_start3A_727 = tpu.memref_squeeze %dma_start3A_726 : memref<1x128xi32, #tpu.memory_space<hbm>> -> memref<128xi32, #tpu.memory_space<hbm>>
        %dma_start3A_728 = tpu.memref_slice %arg4[%dma_start3A_725, %add3A_724] : memref<2x320000xi32, #tpu.memory_space<hbm>> -> memref<1x128xi32, #tpu.memory_space<hbm>>
        %dma_start3A_729 = tpu.memref_squeeze %dma_start3A_728 : memref<1x128xi32, #tpu.memory_space<hbm>> -> memref<128xi32, #tpu.memory_space<hbm>>
        tpu.enqueue_dma source(%dma_start3A_729 : memref<128xi32, #tpu.memory_space<hbm>>) target(%arg11 : memref<128xi32, #tpu.memory_space<vmem>>) target_semaphore(%arg34 : memref<!tpu.dma_semaphore, #tpu.memory_space<semaphore_mem>>)
        %mul3A_730 = arith.constant 128 : i32
        %mul3A_731 = arith.muli %add3A_719, %mul3A_730 : i32
        %dma_start3A_732 = tpu.memref_slice %arg7[%mul3A_731] : memref<20000xi32, #tpu.memory_space<vmem>> -> memref<128xi32, #tpu.memory_space<vmem>>
        %dma_start3A_733 = arith.constant 0 : i32
        %dma_start3A_734 = arith.constant 0 : i32
        %dma_start3A_735 = tpu.memref_slice %arg3[%dma_start3A_733, %dma_start3A_734] : memref<10000x64xbf16, #tpu.memory_space<hbm>> -> memref<10000x64xbf16, #tpu.memory_space<hbm>>
        tpu.enqueue_indirect_dma source(%dma_start3A_735 : memref<10000x64xbf16, #tpu.memory_space<hbm>>) target(%arg17 : memref<128x64xbf16, #tpu.memory_space<vmem>>) offsets(%dma_start3A_732 : memref<128xi32, #tpu.memory_space<vmem>>) semaphore(%arg28 : memref<!tpu.dma_semaphore, #tpu.memory_space<semaphore_mem>>)
      }
      %scan3A_337 = arith.constant 24 : i32
      %dma_wait3A_338 = arith.constant 1 : i32
      %dma_wait3A_339 = arith.constant 0 : i32
      %dma_wait3A_340 = tpu.memref_slice %arg4[%dma_wait3A_338, %dma_wait3A_339] : memref<2x320000xi32, #tpu.memory_space<hbm>> -> memref<1x128xi32, #tpu.memory_space<hbm>>
      %dma_wait3A_341 = tpu.memref_squeeze %dma_wait3A_340 : memref<1x128xi32, #tpu.memory_space<hbm>> -> memref<128xi32, #tpu.memory_space<hbm>>
      %dma_wait3A_342 = arith.constant 0 : i32
      %dma_wait3A_343 = tpu.memref_slice %arg4[%dma_wait3A_338, %dma_wait3A_342] : memref<2x320000xi32, #tpu.memory_space<hbm>> -> memref<1x128xi32, #tpu.memory_space<hbm>>
      %dma_wait3A_344 = tpu.memref_squeeze %dma_wait3A_343 : memref<1x128xi32, #tpu.memory_space<hbm>> -> memref<128xi32, #tpu.memory_space<hbm>>
      tpu.wait_dma2 semaphore(%arg31 : memref<!tpu.dma_semaphore, #tpu.memory_space<semaphore_mem>>) src(%dma_wait3A_344 : memref<128xi32, #tpu.memory_space<hbm>>) dst(%arg8 : memref<128xi32, #tpu.memory_space<vmem>>)
      %dma_wait3A_345 = arith.constant 0 : i32
      %dma_wait3A_346 = tpu.memref_slice %arg7[%dma_wait3A_345] : memref<20000xi32, #tpu.memory_space<vmem>> -> memref<128xi32, #tpu.memory_space<vmem>>
      %dma_wait3A_347 = arith.constant 0 : i32
      %dma_wait3A_348 = arith.constant 0 : i32
      %dma_wait3A_349 = tpu.memref_slice %arg3[%dma_wait3A_347, %dma_wait3A_348] : memref<10000x64xbf16, #tpu.memory_space<hbm>> -> memref<10000x64xbf16, #tpu.memory_space<hbm>>
      tpu.wait_indirect_dma semaphore(%arg25 : memref<!tpu.dma_semaphore, #tpu.memory_space<semaphore_mem>>) src(%dma_wait3A_349 : memref<10000x64xbf16, #tpu.memory_space<hbm>>) dst(%arg14 : memref<128x64xbf16, #tpu.memory_space<vmem>>)
      %dma_start3A_350 = arith.constant 0 : i32
      %dma_start3A_351 = arith.constant 0 : i32
      %dma_start3A_352 = tpu.memref_slice %arg24[%dma_start3A_350, %dma_start3A_351] : memref<10000x64xbf16, #tpu.memory_space<vmem_shared>> -> memref<10000x64xbf16, #tpu.memory_space<vmem_shared>>
      tpu.enqueue_indirect_dma source(%arg14 : memref<128x64xbf16, #tpu.memory_space<vmem>>) target(%dma_start3A_352 : memref<10000x64xbf16, #tpu.memory_space<vmem_shared>>) offsets(%arg8 : memref<128xi32, #tpu.memory_space<vmem>>) semaphore(%arg37 : memref<!tpu.dma_semaphore, #tpu.memory_space<semaphore_mem>>) {add = true}
      %dma_wait3A_353 = arith.constant 0 : i32
      %dma_wait3A_354 = arith.constant 0 : i32
      %dma_wait3A_355 = tpu.memref_slice %arg24[%dma_wait3A_353, %dma_wait3A_354] : memref<10000x64xbf16, #tpu.memory_space<vmem_shared>> -> memref<10000x64xbf16, #tpu.memory_space<vmem_shared>>
      tpu.wait_indirect_dma semaphore(%arg41 : memref<!tpu.dma_semaphore, #tpu.memory_space<semaphore_mem>>) src(%arg18 : memref<128x64xbf16, #tpu.memory_space<vmem>>) dst(%dma_wait3A_355 : memref<10000x64xbf16, #tpu.memory_space<vmem_shared>>)
      %mul3A_356 = arith.constant 20000 : i32
      %mul3A_357 = arith.muli %arg1, %mul3A_356 : i32
      %add3A_358 = arith.constant 19712 : i32
      %add3A_359 = arith.addi %mul3A_357, %add3A_358 : i32
      %dma_start3A_360 = arith.constant 1 : i32
      %dma_start3A_361 = tpu.memref_slice %arg4[%dma_start3A_360, %add3A_359] : memref<2x320000xi32, #tpu.memory_space<hbm>> -> memref<1x128xi32, #tpu.memory_space<hbm>>
      %dma_start3A_362 = tpu.memref_squeeze %dma_start3A_361 : memref<1x128xi32, #tpu.memory_space<hbm>> -> memref<128xi32, #tpu.memory_space<hbm>>
      %dma_start3A_363 = tpu.memref_slice %arg4[%dma_start3A_360, %add3A_359] : memref<2x320000xi32, #tpu.memory_space<hbm>> -> memref<1x128xi32, #tpu.memory_space<hbm>>
      %dma_start3A_364 = tpu.memref_squeeze %dma_start3A_363 : memref<1x128xi32, #tpu.memory_space<hbm>> -> memref<128xi32, #tpu.memory_space<hbm>>
      tpu.enqueue_dma source(%dma_start3A_364 : memref<128xi32, #tpu.memory_space<hbm>>) target(%arg12 : memref<128xi32, #tpu.memory_space<vmem>>) target_semaphore(%arg35 : memref<!tpu.dma_semaphore, #tpu.memory_space<semaphore_mem>>)
      %dma_start3A_365 = arith.constant 19712 : i32
      %dma_start3A_366 = tpu.memref_slice %arg7[%dma_start3A_365] : memref<20000xi32, #tpu.memory_space<vmem>> -> memref<128xi32, #tpu.memory_space<vmem>>
      %dma_start3A_367 = arith.constant 0 : i32
      %dma_start3A_368 = arith.constant 0 : i32
      %dma_start3A_369 = tpu.memref_slice %arg3[%dma_start3A_367, %dma_start3A_368] : memref<10000x64xbf16, #tpu.memory_space<hbm>> -> memref<10000x64xbf16, #tpu.memory_space<hbm>>
      tpu.enqueue_indirect_dma source(%dma_start3A_369 : memref<10000x64xbf16, #tpu.memory_space<hbm>>) target(%arg18 : memref<128x64xbf16, #tpu.memory_space<vmem>>) offsets(%dma_start3A_366 : memref<128xi32, #tpu.memory_space<vmem>>) semaphore(%arg29 : memref<!tpu.dma_semaphore, #tpu.memory_space<semaphore_mem>>)
      %dma_wait3A_370 = arith.constant 1 : i32
      %dma_wait3A_371 = arith.constant 0 : i32
      %dma_wait3A_372 = tpu.memref_slice %arg4[%dma_wait3A_370, %dma_wait3A_371] : memref<2x320000xi32, #tpu.memory_space<hbm>> -> memref<1x128xi32, #tpu.memory_space<hbm>>
      %dma_wait3A_373 = tpu.memref_squeeze %dma_wait3A_372 : memref<1x128xi32, #tpu.memory_space<hbm>> -> memref<128xi32, #tpu.memory_space<hbm>>
      %dma_wait3A_374 = arith.constant 0 : i32
      %dma_wait3A_375 = tpu.memref_slice %arg4[%dma_wait3A_370, %dma_wait3A_374] : memref<2x320000xi32, #tpu.memory_space<hbm>> -> memref<1x128xi32, #tpu.memory_space<hbm>>
      %dma_wait3A_376 = tpu.memref_squeeze %dma_wait3A_375 : memref<1x128xi32, #tpu.memory_space<hbm>> -> memref<128xi32, #tpu.memory_space<hbm>>
      tpu.wait_dma2 semaphore(%arg32 : memref<!tpu.dma_semaphore, #tpu.memory_space<semaphore_mem>>) src(%dma_wait3A_376 : memref<128xi32, #tpu.memory_space<hbm>>) dst(%arg9 : memref<128xi32, #tpu.memory_space<vmem>>)
      %dma_wait3A_377 = arith.constant 0 : i32
      %dma_wait3A_378 = tpu.memref_slice %arg7[%dma_wait3A_377] : memref<20000xi32, #tpu.memory_space<vmem>> -> memref<128xi32, #tpu.memory_space<vmem>>
      %dma_wait3A_379 = arith.constant 0 : i32
      %dma_wait3A_380 = arith.constant 0 : i32
      %dma_wait3A_381 = tpu.memref_slice %arg3[%dma_wait3A_379, %dma_wait3A_380] : memref<10000x64xbf16, #tpu.memory_space<hbm>> -> memref<10000x64xbf16, #tpu.memory_space<hbm>>
      tpu.wait_indirect_dma semaphore(%arg26 : memref<!tpu.dma_semaphore, #tpu.memory_space<semaphore_mem>>) src(%dma_wait3A_381 : memref<10000x64xbf16, #tpu.memory_space<hbm>>) dst(%arg15 : memref<128x64xbf16, #tpu.memory_space<vmem>>)
      %dma_start3A_382 = arith.constant 0 : i32
      %dma_start3A_383 = arith.constant 0 : i32
      %dma_start3A_384 = tpu.memref_slice %arg24[%dma_start3A_382, %dma_start3A_383] : memref<10000x64xbf16, #tpu.memory_space<vmem_shared>> -> memref<10000x64xbf16, #tpu.memory_space<vmem_shared>>
      tpu.enqueue_indirect_dma source(%arg15 : memref<128x64xbf16, #tpu.memory_space<vmem>>) target(%dma_start3A_384 : memref<10000x64xbf16, #tpu.memory_space<vmem_shared>>) offsets(%arg9 : memref<128xi32, #tpu.memory_space<vmem>>) semaphore(%arg38 : memref<!tpu.dma_semaphore, #tpu.memory_space<semaphore_mem>>) {add = true}
      %dma_wait3A_385 = arith.constant 0 : i32
      %dma_wait3A_386 = arith.constant 0 : i32
      %dma_wait3A_387 = tpu.memref_slice %arg24[%dma_wait3A_385, %dma_wait3A_386] : memref<10000x64xbf16, #tpu.memory_space<vmem_shared>> -> memref<10000x64xbf16, #tpu.memory_space<vmem_shared>>
      tpu.wait_indirect_dma semaphore(%arg42 : memref<!tpu.dma_semaphore, #tpu.memory_space<semaphore_mem>>) src(%arg19 : memref<128x64xbf16, #tpu.memory_space<vmem>>) dst(%dma_wait3A_387 : memref<10000x64xbf16, #tpu.memory_space<vmem_shared>>)
      %mul3A_388 = arith.constant 20000 : i32
      %mul3A_389 = arith.muli %arg1, %mul3A_388 : i32
      %add3A_390 = arith.constant 19840 : i32
      %add3A_391 = arith.addi %mul3A_389, %add3A_390 : i32
      %dma_start3A_392 = arith.constant 1 : i32
      %dma_start3A_393 = tpu.memref_slice %arg4[%dma_start3A_392, %add3A_391] : memref<2x320000xi32, #tpu.memory_space<hbm>> -> memref<1x128xi32, #tpu.memory_space<hbm>>
      %dma_start3A_394 = tpu.memref_squeeze %dma_start3A_393 : memref<1x128xi32, #tpu.memory_space<hbm>> -> memref<128xi32, #tpu.memory_space<hbm>>
      %dma_start3A_395 = tpu.memref_slice %arg4[%dma_start3A_392, %add3A_391] : memref<2x320000xi32, #tpu.memory_space<hbm>> -> memref<1x128xi32, #tpu.memory_space<hbm>>
      %dma_start3A_396 = tpu.memref_squeeze %dma_start3A_395 : memref<1x128xi32, #tpu.memory_space<hbm>> -> memref<128xi32, #tpu.memory_space<hbm>>
      tpu.enqueue_dma source(%dma_start3A_396 : memref<128xi32, #tpu.memory_space<hbm>>) target(%arg13 : memref<128xi32, #tpu.memory_space<vmem>>) target_semaphore(%arg36 : memref<!tpu.dma_semaphore, #tpu.memory_space<semaphore_mem>>)
      %dma_start3A_397 = arith.constant 19840 : i32
      %dma_start3A_398 = tpu.memref_slice %arg7[%dma_start3A_397] : memref<20000xi32, #tpu.memory_space<vmem>> -> memref<128xi32, #tpu.memory_space<vmem>>
      %dma_start3A_399 = arith.constant 0 : i32
      %dma_start3A_400 = arith.constant 0 : i32
      %dma_start3A_401 = tpu.memref_slice %arg3[%dma_start3A_399, %dma_start3A_400] : memref<10000x64xbf16, #tpu.memory_space<hbm>> -> memref<10000x64xbf16, #tpu.memory_space<hbm>>
      tpu.enqueue_indirect_dma source(%dma_start3A_401 : memref<10000x64xbf16, #tpu.memory_space<hbm>>) target(%arg19 : memref<128x64xbf16, #tpu.memory_space<vmem>>) offsets(%dma_start3A_398 : memref<128xi32, #tpu.memory_space<vmem>>) semaphore(%arg30 : memref<!tpu.dma_semaphore, #tpu.memory_space<semaphore_mem>>)
      %dma_wait3A_402 = arith.constant 1 : i32
      %dma_wait3A_403 = arith.constant 0 : i32
      %dma_wait3A_404 = tpu.memref_slice %arg4[%dma_wait3A_402, %dma_wait3A_403] : memref<2x320000xi32, #tpu.memory_space<hbm>> -> memref<1x128xi32, #tpu.memory_space<hbm>>
      %dma_wait3A_405 = tpu.memref_squeeze %dma_wait3A_404 : memref<1x128xi32, #tpu.memory_space<hbm>> -> memref<128xi32, #tpu.memory_space<hbm>>
      %dma_wait3A_406 = arith.constant 0 : i32
      %dma_wait3A_407 = tpu.memref_slice %arg4[%dma_wait3A_402, %dma_wait3A_406] : memref<2x320000xi32, #tpu.memory_space<hbm>> -> memref<1x128xi32, #tpu.memory_space<hbm>>
      %dma_wait3A_408 = tpu.memref_squeeze %dma_wait3A_407 : memref<1x128xi32, #tpu.memory_space<hbm>> -> memref<128xi32, #tpu.memory_space<hbm>>
      tpu.wait_dma2 semaphore(%arg33 : memref<!tpu.dma_semaphore, #tpu.memory_space<semaphore_mem>>) src(%dma_wait3A_408 : memref<128xi32, #tpu.memory_space<hbm>>) dst(%arg10 : memref<128xi32, #tpu.memory_space<vmem>>)
      %dma_wait3A_409 = arith.constant 0 : i32
      %dma_wait3A_410 = tpu.memref_slice %arg7[%dma_wait3A_409] : memref<20000xi32, #tpu.memory_space<vmem>> -> memref<128xi32, #tpu.memory_space<vmem>>
      %dma_wait3A_411 = arith.constant 0 : i32
      %dma_wait3A_412 = arith.constant 0 : i32
      %dma_wait3A_413 = tpu.memref_slice %arg3[%dma_wait3A_411, %dma_wait3A_412] : memref<10000x64xbf16, #tpu.memory_space<hbm>> -> memref<10000x64xbf16, #tpu.memory_space<hbm>>
      tpu.wait_indirect_dma semaphore(%arg27 : memref<!tpu.dma_semaphore, #tpu.memory_space<semaphore_mem>>) src(%dma_wait3A_413 : memref<10000x64xbf16, #tpu.memory_space<hbm>>) dst(%arg16 : memref<128x64xbf16, #tpu.memory_space<vmem>>)
      %dma_start3A_414 = arith.constant 0 : i32
      %dma_start3A_415 = arith.constant 0 : i32
      %dma_start3A_416 = tpu.memref_slice %arg24[%dma_start3A_414, %dma_start3A_415] : memref<10000x64xbf16, #tpu.memory_space<vmem_shared>> -> memref<10000x64xbf16, #tpu.memory_space<vmem_shared>>
      tpu.enqueue_indirect_dma source(%arg16 : memref<128x64xbf16, #tpu.memory_space<vmem>>) target(%dma_start3A_416 : memref<10000x64xbf16, #tpu.memory_space<vmem_shared>>) offsets(%arg10 : memref<128xi32, #tpu.memory_space<vmem>>) semaphore(%arg39 : memref<!tpu.dma_semaphore, #tpu.memory_space<semaphore_mem>>) {add = true}
      %dma_wait3A_417 = arith.constant 1 : i32
      %dma_wait3A_418 = arith.constant 0 : i32
      %dma_wait3A_419 = tpu.memref_slice %arg4[%dma_wait3A_417, %dma_wait3A_418] : memref<2x320000xi32, #tpu.memory_space<hbm>> -> memref<1x128xi32, #tpu.memory_space<hbm>>
      %dma_wait3A_420 = tpu.memref_squeeze %dma_wait3A_419 : memref<1x128xi32, #tpu.memory_space<hbm>> -> memref<128xi32, #tpu.memory_space<hbm>>
      %dma_wait3A_421 = arith.constant 0 : i32
      %dma_wait3A_422 = tpu.memref_slice %arg4[%dma_wait3A_417, %dma_wait3A_421] : memref<2x320000xi32, #tpu.memory_space<hbm>> -> memref<1x128xi32, #tpu.memory_space<hbm>>
      %dma_wait3A_423 = tpu.memref_squeeze %dma_wait3A_422 : memref<1x128xi32, #tpu.memory_space<hbm>> -> memref<128xi32, #tpu.memory_space<hbm>>
      tpu.wait_dma2 semaphore(%arg34 : memref<!tpu.dma_semaphore, #tpu.memory_space<semaphore_mem>>) src(%dma_wait3A_423 : memref<128xi32, #tpu.memory_space<hbm>>) dst(%arg11 : memref<128xi32, #tpu.memory_space<vmem>>)
      %dma_wait3A_424 = arith.constant 0 : i32
      %dma_wait3A_425 = tpu.memref_slice %arg7[%dma_wait3A_424] : memref<20000xi32, #tpu.memory_space<vmem>> -> memref<128xi32, #tpu.memory_space<vmem>>
      %dma_wait3A_426 = arith.constant 0 : i32
      %dma_wait3A_427 = arith.constant 0 : i32
      %dma_wait3A_428 = tpu.memref_slice %arg3[%dma_wait3A_426, %dma_wait3A_427] : memref<10000x64xbf16, #tpu.memory_space<hbm>> -> memref<10000x64xbf16, #tpu.memory_space<hbm>>
      tpu.wait_indirect_dma semaphore(%arg28 : memref<!tpu.dma_semaphore, #tpu.memory_space<semaphore_mem>>) src(%dma_wait3A_428 : memref<10000x64xbf16, #tpu.memory_space<hbm>>) dst(%arg17 : memref<128x64xbf16, #tpu.memory_space<vmem>>)
      %dma_start3A_429 = arith.constant 0 : i32
      %dma_start3A_430 = arith.constant 0 : i32
      %dma_start3A_431 = tpu.memref_slice %arg24[%dma_start3A_429, %dma_start3A_430] : memref<10000x64xbf16, #tpu.memory_space<vmem_shared>> -> memref<10000x64xbf16, #tpu.memory_space<vmem_shared>>
      tpu.enqueue_indirect_dma source(%arg17 : memref<128x64xbf16, #tpu.memory_space<vmem>>) target(%dma_start3A_431 : memref<10000x64xbf16, #tpu.memory_space<vmem_shared>>) offsets(%arg11 : memref<128xi32, #tpu.memory_space<vmem>>) semaphore(%arg40 : memref<!tpu.dma_semaphore, #tpu.memory_space<semaphore_mem>>) {add = true}
      %dma_wait3A_432 = arith.constant 1 : i32
      %dma_wait3A_433 = arith.constant 0 : i32
      %dma_wait3A_434 = tpu.memref_slice %arg4[%dma_wait3A_432, %dma_wait3A_433] : memref<2x320000xi32, #tpu.memory_space<hbm>> -> memref<1x128xi32, #tpu.memory_space<hbm>>
      %dma_wait3A_435 = tpu.memref_squeeze %dma_wait3A_434 : memref<1x128xi32, #tpu.memory_space<hbm>> -> memref<128xi32, #tpu.memory_space<hbm>>
      %dma_wait3A_436 = arith.constant 0 : i32
      %dma_wait3A_437 = tpu.memref_slice %arg4[%dma_wait3A_432, %dma_wait3A_436] : memref<2x320000xi32, #tpu.memory_space<hbm>> -> memref<1x128xi32, #tpu.memory_space<hbm>>
      %dma_wait3A_438 = tpu.memref_squeeze %dma_wait3A_437 : memref<1x128xi32, #tpu.memory_space<hbm>> -> memref<128xi32, #tpu.memory_space<hbm>>
      tpu.wait_dma2 semaphore(%arg35 : memref<!tpu.dma_semaphore, #tpu.memory_space<semaphore_mem>>) src(%dma_wait3A_438 : memref<128xi32, #tpu.memory_space<hbm>>) dst(%arg12 : memref<128xi32, #tpu.memory_space<vmem>>)
      %dma_wait3A_439 = arith.constant 0 : i32
      %dma_wait3A_440 = tpu.memref_slice %arg7[%dma_wait3A_439] : memref<20000xi32, #tpu.memory_space<vmem>> -> memref<128xi32, #tpu.memory_space<vmem>>
      %dma_wait3A_441 = arith.constant 0 : i32
      %dma_wait3A_442 = arith.constant 0 : i32
      %dma_wait3A_443 = tpu.memref_slice %arg3[%dma_wait3A_441, %dma_wait3A_442] : memref<10000x64xbf16, #tpu.memory_space<hbm>> -> memref<10000x64xbf16, #tpu.memory_space<hbm>>
      tpu.wait_indirect_dma semaphore(%arg29 : memref<!tpu.dma_semaphore, #tpu.memory_space<semaphore_mem>>) src(%dma_wait3A_443 : memref<10000x64xbf16, #tpu.memory_space<hbm>>) dst(%arg18 : memref<128x64xbf16, #tpu.memory_space<vmem>>)
      %dma_start3A_444 = arith.constant 0 : i32
      %dma_start3A_445 = arith.constant 0 : i32
      %dma_start3A_446 = tpu.memref_slice %arg24[%dma_start3A_444, %dma_start3A_445] : memref<10000x64xbf16, #tpu.memory_space<vmem_shared>> -> memref<10000x64xbf16, #tpu.memory_space<vmem_shared>>
      tpu.enqueue_indirect_dma source(%arg18 : memref<128x64xbf16, #tpu.memory_space<vmem>>) target(%dma_start3A_446 : memref<10000x64xbf16, #tpu.memory_space<vmem_shared>>) offsets(%arg12 : memref<128xi32, #tpu.memory_space<vmem>>) semaphore(%arg41 : memref<!tpu.dma_semaphore, #tpu.memory_space<semaphore_mem>>) {add = true}
      %dma_wait3A_447 = arith.constant 1 : i32
      %dma_wait3A_448 = arith.constant 0 : i32
      %dma_wait3A_449 = tpu.memref_slice %arg4[%dma_wait3A_447, %dma_wait3A_448] : memref<2x320000xi32, #tpu.memory_space<hbm>> -> memref<1x128xi32, #tpu.memory_space<hbm>>
      %dma_wait3A_450 = tpu.memref_squeeze %dma_wait3A_449 : memref<1x128xi32, #tpu.memory_space<hbm>> -> memref<128xi32, #tpu.memory_space<hbm>>
      %dma_wait3A_451 = arith.constant 0 : i32
      %dma_wait3A_452 = tpu.memref_slice %arg4[%dma_wait3A_447, %dma_wait3A_451] : memref<2x320000xi32, #tpu.memory_space<hbm>> -> memref<1x128xi32, #tpu.memory_space<hbm>>
      %dma_wait3A_453 = tpu.memref_squeeze %dma_wait3A_452 : memref<1x128xi32, #tpu.memory_space<hbm>> -> memref<128xi32, #tpu.memory_space<hbm>>
      tpu.wait_dma2 semaphore(%arg36 : memref<!tpu.dma_semaphore, #tpu.memory_space<semaphore_mem>>) src(%dma_wait3A_453 : memref<128xi32, #tpu.memory_space<hbm>>) dst(%arg13 : memref<128xi32, #tpu.memory_space<vmem>>)
      %dma_wait3A_454 = arith.constant 0 : i32
      %dma_wait3A_455 = tpu.memref_slice %arg7[%dma_wait3A_454] : memref<20000xi32, #tpu.memory_space<vmem>> -> memref<128xi32, #tpu.memory_space<vmem>>
      %dma_wait3A_456 = arith.constant 0 : i32
      %dma_wait3A_457 = arith.constant 0 : i32
      %dma_wait3A_458 = tpu.memref_slice %arg3[%dma_wait3A_456, %dma_wait3A_457] : memref<10000x64xbf16, #tpu.memory_space<hbm>> -> memref<10000x64xbf16, #tpu.memory_space<hbm>>
      tpu.wait_indirect_dma semaphore(%arg30 : memref<!tpu.dma_semaphore, #tpu.memory_space<semaphore_mem>>) src(%dma_wait3A_458 : memref<10000x64xbf16, #tpu.memory_space<hbm>>) dst(%arg19 : memref<128x64xbf16, #tpu.memory_space<vmem>>)
      %dma_start3A_459 = arith.constant 0 : i32
      %dma_start3A_460 = arith.constant 0 : i32
      %dma_start3A_461 = tpu.memref_slice %arg24[%dma_start3A_459, %dma_start3A_460] : memref<10000x64xbf16, #tpu.memory_space<vmem_shared>> -> memref<10000x64xbf16, #tpu.memory_space<vmem_shared>>
      tpu.enqueue_indirect_dma source(%arg19 : memref<128x64xbf16, #tpu.memory_space<vmem>>) target(%dma_start3A_461 : memref<10000x64xbf16, #tpu.memory_space<vmem_shared>>) offsets(%arg13 : memref<128xi32, #tpu.memory_space<vmem>>) semaphore(%arg42 : memref<!tpu.dma_semaphore, #tpu.memory_space<semaphore_mem>>) {add = true}
      %dma_wait3A_462 = arith.constant 0 : i32
      %dma_wait3A_463 = arith.constant 0 : i32
      %dma_wait3A_464 = tpu.memref_slice %arg24[%dma_wait3A_462, %dma_wait3A_463] : memref<10000x64xbf16, #tpu.memory_space<vmem_shared>> -> memref<10000x64xbf16, #tpu.memory_space<vmem_shared>>
      tpu.wait_indirect_dma semaphore(%arg37 : memref<!tpu.dma_semaphore, #tpu.memory_space<semaphore_mem>>) src(%arg14 : memref<128x64xbf16, #tpu.memory_space<vmem>>) dst(%dma_wait3A_464 : memref<10000x64xbf16, #tpu.memory_space<vmem_shared>>)
      %dma_wait3A_465 = arith.constant 0 : i32
      %dma_wait3A_466 = arith.constant 0 : i32
      %dma_wait3A_467 = tpu.memref_slice %arg24[%dma_wait3A_465, %dma_wait3A_466] : memref<10000x64xbf16, #tpu.memory_space<vmem_shared>> -> memref<10000x64xbf16, #tpu.memory_space<vmem_shared>>
      tpu.wait_indirect_dma semaphore(%arg38 : memref<!tpu.dma_semaphore, #tpu.memory_space<semaphore_mem>>) src(%arg15 : memref<128x64xbf16, #tpu.memory_space<vmem>>) dst(%dma_wait3A_467 : memref<10000x64xbf16, #tpu.memory_space<vmem_shared>>)
      %dma_wait3A_468 = arith.constant 0 : i32
      %dma_wait3A_469 = arith.constant 0 : i32
      %dma_wait3A_470 = tpu.memref_slice %arg24[%dma_wait3A_468, %dma_wait3A_469] : memref<10000x64xbf16, #tpu.memory_space<vmem_shared>> -> memref<10000x64xbf16, #tpu.memory_space<vmem_shared>>
      tpu.wait_indirect_dma semaphore(%arg39 : memref<!tpu.dma_semaphore, #tpu.memory_space<semaphore_mem>>) src(%arg16 : memref<128x64xbf16, #tpu.memory_space<vmem>>) dst(%dma_wait3A_470 : memref<10000x64xbf16, #tpu.memory_space<vmem_shared>>)
      %dma_wait3A_471 = arith.constant 0 : i32
      %dma_wait3A_472 = arith.constant 0 : i32
      %dma_wait3A_473 = tpu.memref_slice %arg24[%dma_wait3A_471, %dma_wait3A_472] : memref<10000x64xbf16, #tpu.memory_space<vmem_shared>> -> memref<10000x64xbf16, #tpu.memory_space<vmem_shared>>
      tpu.wait_indirect_dma semaphore(%arg40 : memref<!tpu.dma_semaphore, #tpu.memory_space<semaphore_mem>>) src(%arg17 : memref<128x64xbf16, #tpu.memory_space<vmem>>) dst(%dma_wait3A_473 : memref<10000x64xbf16, #tpu.memory_space<vmem_shared>>)
      %dma_wait3A_474 = arith.constant 0 : i32
      %dma_wait3A_475 = arith.constant 0 : i32
      %dma_wait3A_476 = tpu.memref_slice %arg24[%dma_wait3A_474, %dma_wait3A_475] : memref<10000x64xbf16, #tpu.memory_space<vmem_shared>> -> memref<10000x64xbf16, #tpu.memory_space<vmem_shared>>
      tpu.wait_indirect_dma semaphore(%arg41 : memref<!tpu.dma_semaphore, #tpu.memory_space<semaphore_mem>>) src(%arg18 : memref<128x64xbf16, #tpu.memory_space<vmem>>) dst(%dma_wait3A_476 : memref<10000x64xbf16, #tpu.memory_space<vmem_shared>>)
      %dma_wait3A_477 = arith.constant 0 : i32
      %dma_wait3A_478 = arith.constant 0 : i32
      %dma_wait3A_479 = tpu.memref_slice %arg24[%dma_wait3A_477, %dma_wait3A_478] : memref<10000x64xbf16, #tpu.memory_space<vmem_shared>> -> memref<10000x64xbf16, #tpu.memory_space<vmem_shared>>
      tpu.wait_indirect_dma semaphore(%arg42 : memref<!tpu.dma_semaphore, #tpu.memory_space<semaphore_mem>>) src(%arg19 : memref<128x64xbf16, #tpu.memory_space<vmem>>) dst(%dma_wait3A_479 : memref<10000x64xbf16, #tpu.memory_space<vmem_shared>>)
      %mul3A_480 = arith.constant 20000 : i32
      %mul3A_481 = arith.muli %arg1, %mul3A_480 : i32
      %add3A_482 = arith.constant 19968 : i32
      %add3A_483 = arith.addi %mul3A_481, %add3A_482 : i32
      %run_scoped3A_484 = arith.constant 1 : i32
      "tpu.region"() ({
        %run_scoped3A_495 = tpu.sem_alloc : memref<!tpu.dma_semaphore, #tpu.memory_space<semaphore_mem>>
        %dma_start3A_496 = tpu.memref_slice %arg4[%run_scoped3A_484, %add3A_483] : memref<2x320000xi32, #tpu.memory_space<hbm>> -> memref<1x32xi32, #tpu.memory_space<hbm>>
        %dma_start3A_497 = tpu.memref_squeeze %dma_start3A_496 : memref<1x32xi32, #tpu.memory_space<hbm>> -> memref<32xi32, #tpu.memory_space<hbm>>
        %dma_start3A_498 = tpu.memref_slice %arg4[%run_scoped3A_484, %add3A_483] : memref<2x320000xi32, #tpu.memory_space<hbm>> -> memref<1x32xi32, #tpu.memory_space<hbm>>
        %dma_start3A_499 = tpu.memref_squeeze %dma_start3A_498 : memref<1x32xi32, #tpu.memory_space<hbm>> -> memref<32xi32, #tpu.memory_space<hbm>>
        tpu.enqueue_dma source(%dma_start3A_499 : memref<32xi32, #tpu.memory_space<hbm>>) target(%arg20 : memref<32xi32, #tpu.memory_space<vmem>>) target_semaphore(%run_scoped3A_495 : memref<!tpu.dma_semaphore, #tpu.memory_space<semaphore_mem>>)
        %dma_wait3A_500 = tpu.memref_slice %arg4[%run_scoped3A_484, %add3A_483] : memref<2x320000xi32, #tpu.memory_space<hbm>> -> memref<1x32xi32, #tpu.memory_space<hbm>>
        %dma_wait3A_501 = tpu.memref_squeeze %dma_wait3A_500 : memref<1x32xi32, #tpu.memory_space<hbm>> -> memref<32xi32, #tpu.memory_space<hbm>>
        %dma_wait3A_502 = tpu.memref_slice %arg4[%run_scoped3A_484, %add3A_483] : memref<2x320000xi32, #tpu.memory_space<hbm>> -> memref<1x32xi32, #tpu.memory_space<hbm>>
        %dma_wait3A_503 = tpu.memref_squeeze %dma_wait3A_502 : memref<1x32xi32, #tpu.memory_space<hbm>> -> memref<32xi32, #tpu.memory_space<hbm>>
        tpu.wait_dma2 semaphore(%run_scoped3A_495 : memref<!tpu.dma_semaphore, #tpu.memory_space<semaphore_mem>>) src(%dma_wait3A_503 : memref<32xi32, #tpu.memory_space<hbm>>) dst(%arg20 : memref<32xi32, #tpu.memory_space<vmem>>)
        tpu.yield
      }) : () -> ()
      %dma_start3A_485 = arith.constant 19968 : i32
      %dma_start3A_486 = tpu.memref_slice %arg7[%dma_start3A_485] : memref<20000xi32, #tpu.memory_space<vmem>> -> memref<32xi32, #tpu.memory_space<vmem>>
      %dma_start3A_487 = arith.constant 0 : i32
      %dma_start3A_488 = arith.constant 0 : i32
      %dma_start3A_489 = tpu.memref_slice %arg3[%dma_start3A_487, %dma_start3A_488] : memref<10000x64xbf16, #tpu.memory_space<hbm>> -> memref<10000x64xbf16, #tpu.memory_space<hbm>>
      tpu.enqueue_indirect_dma source(%dma_start3A_489 : memref<10000x64xbf16, #tpu.memory_space<hbm>>) target(%arg21 : memref<32x64xbf16, #tpu.memory_space<vmem>>) offsets(%dma_start3A_486 : memref<32xi32, #tpu.memory_space<vmem>>) semaphore(%arg25 : memref<!tpu.dma_semaphore, #tpu.memory_space<semaphore_mem>>)
      %dma_wait3A_490 = arith.constant 19968 : i32
      %dma_wait3A_491 = tpu.memref_slice %arg7[%dma_wait3A_490] : memref<20000xi32, #tpu.memory_space<vmem>> -> memref<32xi32, #tpu.memory_space<vmem>>
      %dma_wait3A_492 = arith.constant 0 : i32
      %dma_wait3A_493 = arith.constant 0 : i32
      %dma_wait3A_494 = tpu.memref_slice %arg3[%dma_wait3A_492, %dma_wait3A_493] : memref<10000x64xbf16, #tpu.memory_space<hbm>> -> memref<10000x64xbf16, #tpu.memory_space<hbm>>
      tpu.wait_indirect_dma semaphore(%arg25 : memref<!tpu.dma_semaphore, #tpu.memory_space<semaphore_mem>>) src(%dma_wait3A_494 : memref<10000x64xbf16, #tpu.memory_space<hbm>>) dst(%arg21 : memref<32x64xbf16, #tpu.memory_space<vmem>>)
      "tpu.region"() ({
        %run_scoped3A_495 = tpu.sem_alloc : memref<!tpu.dma_semaphore, #tpu.memory_space<semaphore_mem>>
        %dma_start3A_496 = arith.constant 0 : i32
        %dma_start3A_497 = arith.constant 0 : i32
        %dma_start3A_498 = tpu.memref_slice %arg24[%dma_start3A_496, %dma_start3A_497] : memref<10000x64xbf16, #tpu.memory_space<vmem_shared>> -> memref<10000x64xbf16, #tpu.memory_space<vmem_shared>>
        tpu.enqueue_indirect_dma source(%arg21 : memref<32x64xbf16, #tpu.memory_space<vmem>>) target(%dma_start3A_498 : memref<10000x64xbf16, #tpu.memory_space<vmem_shared>>) offsets(%arg20 : memref<32xi32, #tpu.memory_space<vmem>>) semaphore(%run_scoped3A_495 : memref<!tpu.dma_semaphore, #tpu.memory_space<semaphore_mem>>) {add = true}
        %dma_wait3A_499 = arith.constant 0 : i32
        %dma_wait3A_500 = arith.constant 0 : i32
        %dma_wait3A_501 = tpu.memref_slice %arg24[%dma_wait3A_499, %dma_wait3A_500] : memref<10000x64xbf16, #tpu.memory_space<vmem_shared>> -> memref<10000x64xbf16, #tpu.memory_space<vmem_shared>>
        tpu.wait_indirect_dma semaphore(%run_scoped3A_495 : memref<!tpu.dma_semaphore, #tpu.memory_space<semaphore_mem>>) src(%arg21 : memref<32x64xbf16, #tpu.memory_space<vmem>>) dst(%dma_wait3A_501 : memref<10000x64xbf16, #tpu.memory_space<vmem_shared>>)
        tpu.yield
      }) : () -> ()
    } else {
    }
    %barrier3A_80 = arith.constant 0 : index
    tpu.barrier barrier_id(%barrier3A_80)
    %mul3A_81 = arith.constant 624 : i32
    %mul3A_82 = arith.muli %arg1, %mul3A_81 : i32
    %mul3A_83 = arith.constant 64 : i32
    %mul3A_84 = arith.muli %arg0, %mul3A_83 : i32
    "tpu.region"() ({
      %run_scoped3A = tpu.sem_alloc : memref<!tpu.dma_semaphore, #tpu.memory_space<semaphore_mem>>
      %dma_start3A = tpu.memref_slice %arg6[%mul3A_82, %mul3A_84] : memref<10000x128xbf16, #tpu.memory_space<hbm>> -> memref<624x64xbf16, #tpu.memory_space<hbm>>
      %dma_start3A_90 = arith.constant 0 : i32
      %dma_start3A_91 = tpu.memref_slice %arg24[%mul3A_82, %dma_start3A_90] : memref<10000x64xbf16, #tpu.memory_space<vmem_shared>> -> memref<624x64xbf16, #tpu.memory_space<vmem_shared>>
      tpu.enqueue_dma source(%dma_start3A_91 : memref<624x64xbf16, #tpu.memory_space<vmem_shared>>) target(%dma_start3A : memref<624x64xbf16, #tpu.memory_space<hbm>>) target_semaphore(%run_scoped3A : memref<!tpu.dma_semaphore, #tpu.memory_space<semaphore_mem>>)
      %dma_wait3A = tpu.memref_slice %arg6[%mul3A_82, %mul3A_84] : memref<10000x128xbf16, #tpu.memory_space<hbm>> -> memref<624x64xbf16, #tpu.memory_space<hbm>>
      %dma_wait3A_92 = arith.constant 0 : i32
      %dma_wait3A_93 = tpu.memref_slice %arg24[%mul3A_82, %dma_wait3A_92] : memref<10000x64xbf16, #tpu.memory_space<vmem_shared>> -> memref<624x64xbf16, #tpu.memory_space<vmem_shared>>
      tpu.wait_dma2 semaphore(%run_scoped3A : memref<!tpu.dma_semaphore, #tpu.memory_space<semaphore_mem>>) src(%dma_wait3A_93 : memref<624x64xbf16, #tpu.memory_space<vmem_shared>>) dst(%dma_wait3A : memref<624x64xbf16, #tpu.memory_space<hbm>>)
      tpu.yield
    }) : () -> ()
    %eq3A_85 = arith.constant 15 : i32
    %eq3A_86 = arith.cmpi eq, %arg1, %eq3A_85 : i32
    %convert_element_type3A_87 = arith.extui %eq3A_86 : i1 to i32
    %cond3A_88 = arith.constant 0 : i32
    %cond3A_89 = arith.cmpi ne, %convert_element_type3A_87, %cond3A_88 : i32
    scf.if %cond3A_89 {
      %mul3A_90 = arith.constant 64 : i32
      %mul3A_91 = arith.muli %arg0, %mul3A_90 : i32
      "tpu.region"() ({
        %run_scoped3A = tpu.sem_alloc : memref<!tpu.dma_semaphore, #tpu.memory_space<semaphore_mem>>
        %dma_start3A = arith.constant 9984 : i32
        %dma_start3A_92 = tpu.memref_slice %arg6[%dma_start3A, %mul3A_91] : memref<10000x128xbf16, #tpu.memory_space<hbm>> -> memref<16x64xbf16, #tpu.memory_space<hbm>>
        %dma_start3A_93 = arith.constant 9984 : i32
        %dma_start3A_94 = arith.constant 0 : i32
        %dma_start3A_95 = tpu.memref_slice %arg24[%dma_start3A_93, %dma_start3A_94] : memref<10000x64xbf16, #tpu.memory_space<vmem_shared>> -> memref<16x64xbf16, #tpu.memory_space<vmem_shared>>
        tpu.enqueue_dma source(%dma_start3A_95 : memref<16x64xbf16, #tpu.memory_space<vmem_shared>>) target(%dma_start3A_92 : memref<16x64xbf16, #tpu.memory_space<hbm>>) target_semaphore(%run_scoped3A : memref<!tpu.dma_semaphore, #tpu.memory_space<semaphore_mem>>)
        %dma_wait3A = arith.constant 9984 : i32
        %dma_wait3A_96 = tpu.memref_slice %arg6[%dma_wait3A, %mul3A_91] : memref<10000x128xbf16, #tpu.memory_space<hbm>> -> memref<16x64xbf16, #tpu.memory_space<hbm>>
        %dma_wait3A_97 = arith.constant 9984 : i32
        %dma_wait3A_98 = arith.constant 0 : i32
        %dma_wait3A_99 = tpu.memref_slice %arg24[%dma_wait3A_97, %dma_wait3A_98] : memref<10000x64xbf16, #tpu.memory_space<vmem_shared>> -> memref<16x64xbf16, #tpu.memory_space<vmem_shared>>
        tpu.wait_dma2 semaphore(%run_scoped3A : memref<!tpu.dma_semaphore, #tpu.memory_space<semaphore_mem>>) src(%dma_wait3A_99 : memref<16x64xbf16, #tpu.memory_space<vmem_shared>>) dst(%dma_wait3A_96 : memref<16x64xbf16, #tpu.memory_space<hbm>>)
        tpu.yield
      }) : () -> ()
    } else {
    }
    return
  }
}

module attributes {stable_mosaic.version = 14 : i64} {
  func.func @_mm_body(%arg0: i32, %arg1: memref<1000x128xf32, #tpu.memory_space<vmem>>, %arg2: memref<128x128xf32, #tpu.memory_space<vmem>>, %arg3: memref<1000x64xbf16, #tpu.memory_space<vmem>>, %arg4: memref<1000x64xbf16, #tpu.memory_space<vmem>>) attributes {dimension_semantics = [#tpu.dimension_semantics<arbitrary>], iteration_bounds = array<i64: 10>, scalar_prefetch = 0 : i64, scratch_operands = 0 : i64, tpu.core_type = #tpu.core_type<tc>, window_params = [{transform_indices = @transform_0, window_bounds = array<i64: 1000, 128>}, {pipeline_mode = #tpu.pipeline_mode<synchronous>, transform_indices = @transform_1, window_bounds = array<i64: 128, 128>}, {transform_indices = @transform_2, window_bounds = array<i64: 1000, 64>}, {transform_indices = @transform_3, window_bounds = array<i64: 1000, 64>}]} {
    %get3A = arith.constant 0 : index
    %get3A_0 = arith.constant 0 : index
    %get3A_1 = vector.load %arg1[%get3A, %get3A_0] : memref<1000x128xf32, #tpu.memory_space<vmem>>, vector<1000x128xf32>
    %get3A_2 = arith.constant 0 : index
    %get3A_3 = arith.constant 0 : index
    %get3A_4 = vector.load %arg2[%get3A_2, %get3A_3] : memref<128x128xf32, #tpu.memory_space<vmem>>, vector<128x128xf32>
    %dot_general3A = arith.constant dense<0.000000e+00> : vector<1000x128xf32>
    %dot_general3A_5 = tpu.matmul %get3A_1, %get3A_4, %dot_general3A {dimension_numbers = #tpu.dot_dimension_numbers<[1], [0], [0], [1], [0, 0, 1, 1], [], []>, transpose_lhs_hint = false} : vector<1000x128xf32>, vector<128x128xf32>, vector<1000x128xf32> -> vector<1000x128xf32>
    %slice3A = vector.extract_strided_slice %dot_general3A_5 {offsets = [0, 0], sizes = [1000, 64], strides = [1, 1]} : vector<1000x128xf32> to vector<1000x64xf32>
    %convert_element_type3A = arith.truncf %slice3A : vector<1000x64xf32> to vector<1000x64xbf16>
    %swap3A = arith.constant 0 : index
    %swap3A_6 = arith.constant 0 : index
    %swap3A_7 = vector.load %arg3[%swap3A, %swap3A_6] : memref<1000x64xbf16, #tpu.memory_space<vmem>>, vector<1000x64xbf16>
    tpu.vector_store %arg3[%swap3A, %swap3A_6], %convert_element_type3A {strides = array<i32>} : memref<1000x64xbf16, #tpu.memory_space<vmem>>, vector<1000x64xbf16>,
    %slice3A_8 = vector.extract_strided_slice %dot_general3A_5 {offsets = [0, 64], sizes = [1000, 64], strides = [1, 1]} : vector<1000x128xf32> to vector<1000x64xf32>
    %convert_element_type3A_9 = arith.truncf %slice3A_8 : vector<1000x64xf32> to vector<1000x64xbf16>
    %swap3A_10 = arith.constant 0 : index
    %swap3A_11 = arith.constant 0 : index
    %swap3A_12 = vector.load %arg4[%swap3A_10, %swap3A_11] : memref<1000x64xbf16, #tpu.memory_space<vmem>>, vector<1000x64xbf16>
    tpu.vector_store %arg4[%swap3A_10, %swap3A_11], %convert_element_type3A_9 {strides = array<i32>} : memref<1000x64xbf16, #tpu.memory_space<vmem>>, vector<1000x64xbf16>,
    return
  }
  func.func @transform_0(%arg0: i32) -> (i32, i32) {
    %c0_i32 = arith.constant 0 : i32
    %c0_i32_0 = arith.constant 0 : i32
    return %arg0, %c0_i32 : i32, i32
  }
  func.func @transform_1(%arg0: i32) -> (i32, i32) {
    %c0_i32 = arith.constant 0 : i32
    %c0_i32_0 = arith.constant 0 : i32
    %c0_i32_1 = arith.constant 0 : i32
    return %c0_i32, %c0_i32_0 : i32, i32
  }
  func.func @transform_2(%arg0: i32) -> (i32, i32) {
    %c0_i32 = arith.constant 0 : i32
    %c0_i32_0 = arith.constant 0 : i32
    return %arg0, %c0_i32 : i32, i32
  }
  func.func @transform_3(%arg0: i32) -> (i32, i32) {
    %c0_i32 = arith.constant 0 : i32
    %c0_i32_0 = arith.constant 0 : i32
    return %arg0, %c0_i32 : i32, i32
  }
}

</mosaic_0001>

<sc_bundles>
// kernel: kernel.4.cloned.1.call-start
scs
__scs_entry_jumppad:
0x0: {  	(pc) =	sbr.rel $0x88, $3  }
0x1: {  	(tag) =	ssettag $0x0;
	lr =	simm.s32 $0x1  }
0x2: {  	[smem:$0x3F9D] =	sst lr;
	_ =	strace $0xD0000000  }
0x3: {  	_ = 	snop  }
0x4: {  	_ = 	snop  }
0x5: {  	_ = 	snop  }
0x6: {  	_ = 	snop  }
0x7: {  	_ = 	snop  }
__scs_overlays_trampoline_lowered:
0x8: {  	[smem:$0x3FAC] =	sst s0  }
0x9: {  	[smem:$0x3FAD] =	sst s1  }
0xa: {  	[smem:$0x3FAE] =	sst s2  }
0xb: {  	[smem:$0x3FAF] =	sst s3  }
0xc: {  	[smem:$0x3FB0] =	sst s4  }
0xd: {  	[smem:$0x3FB1] =	sst s5  }
0xe: {  	[smem:$0x3FB2] =	sst s6  }
0xf: {  	[smem:$0x3FB3] =	sst s7  }
0x10: {  	[smem:$0x3FB4] =	sst s8  }
0x11: {  	[smem:$0x3FB5] =	sst s9;
	s0 =	simm.s32 @!p0 $0x0  }
0x12: {  	s1 =	sld [smem:$0x3F9B];
	s0 =	simm.s32 @p0 $0x1  }
0x13: {  	[smem:$0x3FB6] =	sst s0;
	s0 =	simm.s32 @!p1 $0x0  }
0x14: {  	s2 =	sld [smem:$0x3F9A];
	s0 =	simm.s32 @p1 $0x1  }
0x15: {  	[smem:$0x3FB7] =	sst s0;
	s0 =	simm.s32 @!p2 $0x0  }
0x16: {  	s3 =	sld [smem:$0x3FDB];
	s0 =	simm.s32 @p2 $0x1  }
0x17: {  	s4 =	simm.s32 $0x1BF5;
	[smem:$0x3FB9] =	sst s0  }
0x18: {  	s0 =	sld [smem:$0x3F9C];
	_ =	swait.ge [sflag:s4], $0x0  }
0x19: {  	s7 =	sld [smem:$0x3F9D]  }
0x1a: {  	s8 =	sadd.s32 $0xFFFFE003, lr  }
0x1b: {  	s9 =	sadd.s32 $0xFFFFFEF7, lr;
	s5 =	simm.s32 $0xFFFFFFFF;
	p2 =	slt.u32 s8, $0xFFFFF086  }
0x1c: {  	p1 =	slt.u32 s9, $0xF7A;
	s5 =	simm.s32 @!p2 $0x0  }
0x1d: {  	s5 =	simm.s32 @p1 $0x1;
	p0 =	seq.s32 s7, s2  }
0x1e: {  	s7 =	smul.u32 @!p0 $0xF7A, s2;
	p2 =	seq.s32 @!p0 s5, $0x0  }
0x1f: {  	s9 =	smul.u32 $0xF7A, s1;
	s8 =	simm.s32 @!p0 $0x1BF5;
	p2 =	por !p2, p0  }
0x20: {  	[sflag:s8] =	ssyncset.s32 @!p0 $0xFFFFF086;
	s6 =	sadd.s32 @!p0 s3, s7;
	s7 =	simm.s32 @!p0 $0x108  }
0x21: {  	s3 =	sadd.s32 s3, s9;
	s6 =	sadd.s32 @!p0 $0x88, s6;
	s7 =	simm.s32 @p2 $0x1082  }
0x22: {  	[simem:s7], [sflag:s8] =	dma.local @!p0 [hbm:s6], $0xF7A  }
0x23: {  	s9 =	sor.u32 $0xD0000000, s2;
	s6 =	simm.s32 $0x108;
	_ =	swait.ge @!p0 [sflag:s8], $0x0  }
0x24: {  	s3 =	sadd.s32 $0x88, s3;
	s6 =	simm.s32 @!p1 $0x1082;
	[sflag:s4] =	ssyncset.s32 $0xFFFFF086  }
0x25: {  	[simem:s6], [sflag:s4] =	dma.local [hbm:s3], $0xF7A  }
0x26: {  	[smem:$0x3F9D] =	sst s1;
	(tag) =	ssettag s2;
	_ =	strace s9  }
0x27: {  	s1 =	sld [smem:$0x3FAD]  }
0x28: {  	s2 =	sld [smem:$0x3FAE]  }
0x29: {  	s4 =	sld [smem:$0x3FB0]  }
0x2a: {  	p0 =	seq.s32 s5, $0x0;
	s5 =	sld [smem:$0x3FB1]  }
0x2b: {  	s6 =	sld [smem:$0x3FB2]  }
0x2c: {  	s7 =	sld [smem:$0x3FB3]  }
0x2d: {  	s3 =	simm.s32 $0x108;
	s8 =	sld [smem:$0x3FB4]  }
0x2e: {  	s3 =	simm.s32 @!p0 $0x1082;
	s9 =	sld [smem:$0x3FB5]  }
0x2f: {  	lr =	sadd.s32 s0, s3;
	s0 =	sld [smem:$0x3FAC]  }
0x30: {  	s3 =	sld [smem:$0x3FAF]  }
0x31: {  	[smem:$0x3FB8] =	sst s10  }
0x32: {  	s10 =	sld [smem:$0x3FB6];
	_ =	sdelay $0x3  }
0x33: {  	p0 =	seq.s32 s10, $0x1;
	s10 =	sld [smem:$0x3FB8];
	_ =	sdelay $0x3  }
0x34: {  	[smem:$0x3FB8] =	sst s10  }
0x35: {  	s10 =	sld [smem:$0x3FB7];
	_ =	sdelay $0x3  }
0x36: {  	p1 =	seq.s32 s10, $0x1;
	s10 =	sld [smem:$0x3FB8];
	_ =	sdelay $0x3  }
0x37: {  	[smem:$0x3FB8] =	sst s10  }
0x38: {  	s10 =	sld [smem:$0x3FB9]  }
0x39: {  	_ = 	snop;
	(pc) =	sbr.ind lr, $3  }
0x3a: {  	_ = 	snop  }
0x3b: {  	_ = 	snop  }
0x3c: {  	p2 =	seq.s32 s10, $0x1;
	s10 =	sld [smem:$0x3FB8]  }
0x3d: {  	_ =	shalt  }
0x3e: {  	_ =	shalt  }
0x3f: {  	_ =	shalt  }
0x40: {  	_ =	shalt  }
0x41: {  	_ =	shalt  }
0x42: {  	_ =	shalt  }
0x43: {  	_ =	shalt  }
0x44: {  	_ =	shalt  }
0x45: {  	_ =	shalt  }
0x46: {  	_ =	shalt  }
0x47: {  	_ =	shalt  }
0x48: {  	_ =	shalt  }
0x49: {  	_ =	shalt  }
0x4a: {  	_ =	shalt  }
0x4b: {  	_ =	shalt  }
0x4c: {  	_ =	shalt  }
0x4d: {  	_ =	shalt  }
0x4e: {  	_ =	shalt  }
0x4f: {  	_ =	shalt  }
0x50: {  	_ =	shalt  }
0x51: {  	_ =	shalt  }
0x52: {  	_ =	shalt  }
0x53: {  	_ =	shalt  }
0x54: {  	_ =	shalt  }
0x55: {  	_ =	shalt  }
0x56: {  	_ =	shalt  }
0x57: {  	_ =	shalt  }
0x58: {  	_ =	shalt  }
0x59: {  	_ =	shalt  }
0x5a: {  	_ =	shalt  }
0x5b: {  	_ =	shalt  }
0x5c: {  	_ =	shalt  }
0x5d: {  	_ =	shalt  }
0x5e: {  	_ =	shalt  }
0x5f: {  	_ =	shalt  }
0x60: {  	_ =	shalt  }
0x61: {  	_ =	shalt  }
0x62: {  	_ =	shalt  }
0x63: {  	_ =	shalt  }
0x64: {  	_ =	shalt  }
0x65: {  	_ =	shalt  }
0x66: {  	_ =	shalt  }
0x67: {  	_ =	shalt  }
0x68: {  	_ =	shalt  }
0x69: {  	_ =	shalt  }
0x6a: {  	_ =	shalt  }
0x6b: {  	_ =	shalt  }
0x6c: {  	_ =	shalt  }
0x6d: {  	_ =	shalt  }
0x6e: {  	_ =	shalt  }
0x6f: {  	_ =	shalt  }
0x70: {  	_ =	shalt  }
0x71: {  	_ =	shalt  }
0x72: {  	_ =	shalt  }
0x73: {  	_ =	shalt  }
0x74: {  	_ =	shalt  }
0x75: {  	_ =	shalt  }
0x76: {  	_ =	shalt  }
0x77: {  	_ =	shalt  }
0x78: {  	_ =	shalt  }
0x79: {  	_ =	shalt  }
0x7a: {  	_ =	shalt  }
0x7b: {  	_ =	shalt  }
0x7c: {  	_ =	shalt  }
0x7d: {  	_ =	shalt  }
0x7e: {  	_ =	shalt  }
0x7f: {  	_ =	shalt  }
0x80: {  	_ =	shalt  }
0x81: {  	_ =	shalt  }
0x82: {  	_ =	shalt  }
0x83: {  	_ =	shalt  }
0x84: {  	_ =	shalt  }
0x85: {  	_ =	shalt  }
0x86: {  	_ =	shalt  }
0x87: {  	_ =	shalt  }
.Lfunc_end0:
.L_simem_size_0:
called_computation_lowered:
.L_overlay_start_0:
0x88: {  	s2 =	sld [smem:$0x3FD9]  }
0x89: {  	s3 =	sld [smem:$0x3FFE];
	_ =	sdelay $0x1  }
0x8a: {  	s1 =	srdreg.scid  }
0x8b: {  	s0 =	sand.u32 $0x1, s1  }
0x8c: {  	s17 =	sshll.u32 s0, $0xA;
	s2 =	sadd.s32 s3, s2  }
0x8d: {  	s2 =	sadd.s32 s2, s17  }
0x8e: {  	[smem:$0x3FC4] =	sst s2  }
0x8f: {  	_ = 	snop  }
0x90: {  	s2 =	sld [smem:$0x3FD0];
	(tm) =	ssettm $0x1  }
0x91: {  	s18 =	sld [smem:$0x3FFB];
	_ =	sdelay $0x3  }
0x92: {  	_ =	strace s18  }
0x93: {  	s3 =	sld [smem:$0x3FFC];
	_ =	sdelay $0x3  }
0x94: {  	_ =	strace s3  }
0x95: {  	s3 =	sld [smem:$0x3FFD];
	_ =	sdelay $0x3  }
0x96: {  	_ =	strace s3  }
0x97: {  	_ =	strace $0x8FFFFFFF  }
0x98: {  	s19 =	sld [smem:$0x3FDB];
	_ =	sdelay $0x1  }
0x99: {  	s4 =	simm.s32 $_scs_section_size  }
0x9a: {  	s5 =	simm.s32 $_size__tile_overlayer_lowered;
	s6 =	simm.s32 $_tile_overlayer_lowered  }
0x9b: {  	s22 =	simm.s32 $0x1BFF;
	s21 =	sshll.u32 s6, $0x1;
	s3 =	sadd.s32 s4, s19  }
0x9c: {  	s7 =	simm.s32 $0x0;
	s20 =	sshll.u32 s5, $0x1;
	s5 =	sadd.s32 s21, s3  }
0x9d: {  	[timem:s7], [sflag:s22] =	dma.local [hbm:s5], s20  }
0x9e: {  	_ =	swait.ge [sflag:s22], s20  }
0x9f: {  	s4 =	ssub.s32 $0x0, s20;
	[sflag:s22] =	ssyncset.done $0x0  }
0xa0: {  	[sflag:s22] =	ssyncadd.s32 s4;
	_ =	sdelay $0x1  }
0xa1: {  	s23 =	simm.s32 $0x1B8B  }
0xa2: {  	_ =	swait.ge [sflag:s23], $0x1  }
0xa3: {  	[sflag:s23] =	ssyncset.done $0x0  }
0xa4: {  	s25 =	simm.s32 $0x1B8E;
	s24 =	sld [smem:$0x3FFE];
	[sflag:s23] =	ssyncadd.s32 $0xFFFFFFFF  }
0xa5: {  	s26 =	simm.s32 $execute0_lowered;
	[smem:$0x3FD2] =	sst s25  }
0xa6: {  	s5 =	sshll.u32 s26, $0x1;
	_ =	strace $0x80000046;
	[dreg:$0x1] =	wrdreg $0xFFFFFFFF  }
0xa7: {  	s28 =	simm.s32 $_size_execute0_lowered;
	s3 =	sadd.s32 s3, s5;
	[dreg:$0x0] =	wrdreg $0x0  }
0xa8: {  	s5 =	sshll.u32 s28, $0x1;
	[dreg:$0x2] =	wrdreg s3  }
0xa9: {  	[dreg:$0x3] =	wrdreg s5  }
0xaa: {  	[dreg:$0x4] =	wrdreg $0xC0  }
0xab: {  	_ =	task [dreg:s7], $0x5FFFF  }
0xac: {  	[dreg:$0x1] =	wrdreg $0xFFFFFFFF  }
0xad: {  	[dreg:$0x0] =	wrdreg $0x60  }
0xae: {  	[dreg:$0x2] =	wrdreg s24  }
0xaf: {  	[dreg:$0x3] =	wrdreg s2  }
0xb0: {  	[dreg:$0x4] =	wrdreg $0xBB600  }
0xb1: {  	[dreg:$0x5] =	wrdreg $0x9  }
0xb2: {  	_ =	task.clear_ibuf [dreg:s7], $0x6FFFF;
	_ =	strace $0x90000046  }
0xb3: {  	s29 =	simm.s32 $0x9;
	_ =	strace $0x80000048  }
0xb4: {  	_ =	swait.ge [sflag:s29], $0x1  }
0xb5: {  	[sflag:s29] =	ssyncadd.s32 $0xFFFFFFFF  }
0xb6: {  	_ =	strace $0x90000048  }
0xb7: {  	_ =	sfence  }
0xb8: {  	s30 =	sld [smem:$0x0];
	_ =	sdelay $0x2  }
0xb9: {  	s31 =	sshll.u32 s1, $0xD;
	s1 =	sshrl.u32 s1, $0x2  }
0xba: {  	s3 =	sand.u32 $0x4000, s31;
	s1 =	sadd.s32 s1, s30  }
0xbb: {  	s0 =	sor.u32 s3, s0;
	s1 =	sshll.u32 s1, $0x11  }
0xbc: {  	s0 =	sor.u32 s1, s0  }
0xbd: {  	s0 =	sadd.s32 $0x8F2B, s0  }
0xbe: {  	[sflag:s0] =	ssyncadd.remote.s32 $0x1  }
0xbf: {  	_ =	sfence.sel $0xFFFF  }
0xc0: {  	[dreg:$0x0] =	wrdreg $0xFFFFFFFF;
	(pc) =	sbr.abs _section_cstart, $3  }
0xc1: {  	[dreg:$0x1] =	wrdreg $0xFFFFFFFF  }
0xc2: {  	_ =	task.clear_ibuf [dreg:s7], $0x2FFFF;
	_ =	strace $0x9FFFFFFF  }
0xc3: {  	(tm) =	ssettm $0x7FFFFFFF  }
tec
execute0_lowered:
.L_overlay_start_1:
0x0: {  	(tag) =	ssettag $0x1  }
0x1: {  	s0 =	rddreg [dreg:$0x0]  }
0x2: {  	s2 =	rddreg [dreg:$0x1];
	s5 =	srdreg.scid  }
0x3: {  	s3 =	simm.s32 $0x0;
	s13 =	stileid.u32;
	s6 =	sand.u32 $0x1, s5  }
0x4: {  	[smem:$0x7FF] =	sst s3;
	s7 =	smul.u32 $0x13800, s13;
	s8 =	sshll.u32 s6, $0x2  }
0x5: {  	s1 =	rddreg [dreg:$0x2];
	_ =	strace $0x80000047;
	s10 =	sadd.s32 s8, s0  }
0x6: {  	s24 =	sshll.u32 s6, $0x6;
	s12 =	sshrl.u32 s7, $0x2;
	s10 =	sadd.s32 $0x14600, s10  }
0x7: {  	s7 =	sor.u32 s24, s7;
	s25 =	sadd.s32 s12, s1;
	[dreg:$0x6] =	wrdreg s10  }
0x8: {  	s24 =	sshrl.u32 s7, $0x4;
	s7 =	sadd.s32 $0x4E000, s1;
	[dreg:$0x5] =	wrdreg s25  }
0x9: {  	s26 =	sadd.s32 $0x600, s25;
	[dreg:$0x15] =	wrdreg s7  }
0xa: {  	s12 =	sadd.s32 $0xC00, s25;
	[dreg:$0x7] =	wrdreg s26  }
0xb: {  	s14 =	sadd.s32 $0x1200, s25;
	[dreg:$0x8] =	wrdreg s12  }
0xc: {  	s15 =	sadd.s32 $0x1800, s25;
	[dreg:$0x9] =	wrdreg s14  }
0xd: {  	s16 =	sadd.s32 $0x1E00, s25;
	[dreg:$0xa] =	wrdreg s15  }
0xe: {  	s4 =	sadd.s32 $0xA00, s0;
	s17 =	sadd.s32 $0x2400, s25;
	[dreg:$0xb] =	wrdreg s16  }
0xf: {  	s5 =	sadd.s32 $0xA800, s0;
	s18 =	sadd.s32 $0x2A00, s25;
	[dreg:$0xc] =	wrdreg s17  }
0x10: {  	s23 =	smul.u32 $0x4E20, s13;
	s19 =	sadd.s32 $0x3000, s25;
	[dreg:$0xd] =	wrdreg s18  }
0x11: {  	s9 =	ssub.s32 $0x2, s6;
	s20 =	sadd.s32 $0x3600, s25;
	[dreg:$0xe] =	wrdreg s19  }
0x12: {  	p0 =	seq.s32 s6, $0x1;
	s21 =	sadd.s32 $0x3C00, s25;
	[dreg:$0xf] =	wrdreg s20  }
0x13: {  	s0 =	sadd.s32 $0x14800, s0;
	s22 =	sadd.s32 $0x4200, s25;
	[dreg:$0x10] =	wrdreg s21  }
0x14: {  	s11 =	sshrl.u32 s9, $0x1;
	s6 =	sadd.s32 s0, s24;
	[dreg:$0x11] =	wrdreg s22  }
0x15: {  	s0 =	sadd.s32 s8, s0;
	s8 =	sadd.s32 $0x4800, s25;
	[dreg:$0x12] =	wrdreg s6  }
0x16: {  	s9 =	ssub.s32 s9, s11;
	[dreg:$0x13] =	wrdreg s8;
	s0 =	sadd.s32 $0x13800, s0  }
0x17: {  	s10 =	sshrl.u32 s23, $0x3;
	s12 =	smax.u32 s9, $0x1;
	[dreg:$0x16] =	wrdreg s0  }
0x18: {  	p1 =	sne.s32 s13, $0xF;
	s11 =	sadd.s32 s2, s10;
	[dreg:$0x17] =	wrdreg s12  }
0x19: {  	s26 =	smul.u32 $0x9C4, s13;
	s13 =	sadd.s32 $0x9C40, s11;
	[dreg:$0x14] =	wrdreg s11  }
0x1a: {  	s14 =	sadd.s32 $0x9C50, s11;
	[dreg:$0x18] =	wrdreg s13  }
0x1b: {  	s15 =	sadd.s32 $0x9C60, s11;
	[dreg:$0x19] =	wrdreg s14  }
0x1c: {  	s16 =	sadd.s32 $0x9C70, s11;
	[dreg:$0x1a] =	wrdreg s15  }
0x1d: {  	s30 =	simm.s32 $0x13;
	s17 =	sadd.s32 $0x9C80, s11;
	[dreg:$0x1b] =	wrdreg s16  }
0x1e: {  	s31 =	simm.s32 $0x4E20;
	s18 =	sadd.s32 $0x9C90, s11;
	[dreg:$0x1c] =	wrdreg s17  }
0x1f: {  	s28 =	simm.s32 $0x6120;
	s19 =	sadd.s32 $0x9CA0, s11;
	[dreg:$0x1d] =	wrdreg s18  }
0x20: {  	s29 =	simm.s32 $0x4F20;
	s20 =	sadd.s32 $0x9CB0, s11;
	[dreg:$0x1e] =	wrdreg s19  }
0x21: {  	s8 =	simm.s32 $0x4EA0;
	s21 =	sadd.s32 $0x9CC0, s11;
	[dreg:$0x1f] =	wrdreg s20  }
0x22: {  	s6 =	simm.s32 $0x4;
	s22 =	sadd.s32 $0x9CD0, s11;
	[smem:$0x7F9] =	sst s21  }
0x23: {  	s23 =	sadd.s32 $0xA5E0, s11;
	s24 =	sadd.s32 $0xA5F0, s11;
	[smem:$0x7FA] =	sst s22  }
.Ltmp0:
0x24: {  	s12 =	simm.s32 $0x3;
	[smem:$0x7FB] =	sst s23;
	(pc) =	sbr.rel .LBB2_1-.Ltmp0, $4  }
0x25: {  	s2 =	sadd.s32 s26, s2;
	[smem:$0x7FC] =	sst s24;
	s26 =	sadd.s32 $0xA600, s11  }
0x26: {  	s16 =	simm.s32 $0x80;
	s11 =	simm.s32 $0x9;
	s21 =	simm.s32 $0xD  }
0x27: {  	s23 =	simm.s32 $0xA;
	s14 =	simm.s32 $0xE;
	[smem:$0x7FD] =	sst s26  }
0x28: {  	s13 =	simm.s32 $0xB;
	s19 =	simm.s32 $0x0;
	[dreg:$0x4] =	wrdreg s2  }
.LBB2_7:
0x29: {  	[tilespmem:s11], [sflag:$0x4] =	stream.indirect.gather [hbm4b:s5+s16], $0x20, s20, s16, $0xb8;
	[tilespmem:$0x10980] =	vst v63  }
0x2a: {  	s20 =	smov.u32 s5  }
0x2b: {  	s25 =	simm.s32 $0x8120;
	s11 =	simm.s32 $0x9;
	s12 =	simm.s32 $0x3  }
0x2c: {  	s21 =	simm.s32 $0xD;
	s23 =	simm.s32 $0xA;
	s6 =	simm.s32 $0x4  }
0x2d: {  	s14 =	simm.s32 $0xE;
	s13 =	simm.s32 $0xB;
	s19 =	sld [smem:$0x7F8]  }
.LBB2_8:
0x2e: {  	_ =	swait.ge [sflag:s30], $0x80  }
0x2f: {  	[sflag:s30] =	ssyncset.done $0x0  }
0x30: {  	s0 =	simm.s32 $0x1;
	[sflag:s30] =	ssyncadd.s32 $0xFFFFFF80  }
0x31: {  	_ =	swait.ge [sflag:s0], $0x1000  }
0x32: {  	s7 =	simm.s32 $0x4E20;
	[sflag:s0] =	ssyncset.done $0x0  }
0x33: {  	s8 =	simm.s32 $0x5120;
	s17 =	simm.s32 $0x11;
	[sflag:s0] =	ssyncadd.s32 $0xFFFFF000  }
0x34: {  	[spmem:s1] =	stream.indirect.scatter.add.bf16 [tilespmem:s8], [sflag:$0xD], $0x20, s7, s16, $0xb8;
	[tilespmem:$0x10980] =	vst v63  }
0x35: {  	_ =	swait.ge [sflag:s17], $0x1000  }
0x36: {  	s24 =	sld [smem:$0x7FB]  }
0x37: {  	[sflag:s17] =	ssyncset.done $0x0  }
0x38: {  	s2 =	simm.s32 $0x5020;
	[sflag:s17] =	ssyncadd.s32 $0xFFFFF000  }
0x39: {  	[tilespmem:s2], [sflag:$0xB] =	stream.linear.gather [hbm4b:s24+s3], $0x80, $0x38;
	[tilespmem:$0x10980] =	vst v63  }
0x3a: {  	s26 =	simm.s32 $0x9120;
	s22 =	simm.s32 $0x4D00;
	s9 =	simm.s32 $0x8  }
0x3b: {  	[tilespmem:s26], [sflag:$0x5] =	stream.indirect.gather [hbm4b:s20+s16], $0x20, s22, s16, $0xb8;
	[tilespmem:$0x10980] =	vst v63  }
0x3c: {  	_ =	swait.ge [sflag:s9], $0x80  }
0x3d: {  	[sflag:s9] =	ssyncset.done $0x0  }
0x3e: {  	s24 =	simm.s32 $0x2;
	[sflag:s9] =	ssyncadd.s32 $0xFFFFFF80  }
0x3f: {  	_ =	swait.ge [sflag:s24], $0x1000  }
0x40: {  	s28 =	simm.s32 $0x6120;
	[sflag:s24] =	ssyncset.done $0x0  }
0x41: {  	s18 =	simm.s32 $0x12;
	s8 =	simm.s32 $0x4EA0;
	[sflag:s24] =	ssyncadd.s32 $0xFFFFF000  }
0x42: {  	[spmem:s1] =	stream.indirect.scatter.add.bf16 [tilespmem:s28], [sflag:$0xE], $0x20, s8, s16, $0xb8;
	[tilespmem:$0x10980] =	vst v63  }
0x43: {  	_ =	swait.ge [sflag:s18], $0x1000  }
0x44: {  	s0 =	sld [smem:$0x7FC]  }
0x45: {  	[sflag:s18] =	ssyncset.done $0x0  }
0x46: {  	s10 =	simm.s32 $0x50A0;
	[sflag:s18] =	ssyncadd.s32 $0xFFFFF000  }
0x47: {  	[tilespmem:s10], [sflag:$0xC] =	stream.linear.gather [hbm4b:s0+s3], $0x80, $0x38;
	[tilespmem:$0x10980] =	vst v63  }
0x48: {  	s15 =	simm.s32 $0x4D80;
	s7 =	simm.s32 $0xA120  }
0x49: {  	[tilespmem:s7], [sflag:$0x6] =	stream.indirect.gather [hbm4b:s20+s16], $0x20, s15, s16, $0xb8;
	[tilespmem:$0x10980] =	vst v63  }
0x4a: {  	_ =	swait.ge [sflag:s11], $0x80  }
0x4b: {  	[sflag:s11] =	ssyncset.done $0x0  }
0x4c: {  	[sflag:s11] =	ssyncadd.s32 $0xFFFFFF80  }
0x4d: {  	_ =	swait.ge [sflag:s12], $0x1000  }
0x4e: {  	[sflag:s12] =	ssyncset.done $0x0  }
0x4f: {  	s29 =	simm.s32 $0x4F20;
	s22 =	simm.s32 $0x7120;
	[sflag:s12] =	ssyncadd.s32 $0xFFFFF000  }
0x50: {  	[spmem:s1] =	stream.indirect.scatter.add.bf16 [tilespmem:s22], [sflag:$0xF], $0x20, s29, s16, $0xb8;
	[tilespmem:$0x10980] =	vst v63  }
0x51: {  	_ =	swait.ge [sflag:s23], $0x80  }
0x52: {  	[sflag:s23] =	ssyncset.done $0x0  }
0x53: {  	[sflag:s23] =	ssyncadd.s32 $0xFFFFFF80  }
0x54: {  	_ =	swait.ge [sflag:s6], $0x1000  }
0x55: {  	[sflag:s6] =	ssyncset.done $0x0  }
0x56: {  	s24 =	simm.s32 $0x4FA0;
	[sflag:s6] =	ssyncadd.s32 $0xFFFFF000  }
0x57: {  	[spmem:s1] =	stream.indirect.scatter.add.bf16 [tilespmem:s25], [sflag:$0x10], $0x20, s24, s16, $0xb8;
	[tilespmem:$0x10980] =	vst v63  }
0x58: {  	_ =	swait.ge [sflag:s13], $0x80  }
0x59: {  	[sflag:s13] =	ssyncset.done $0x0  }
0x5a: {  	s22 =	simm.s32 $0x5;
	[sflag:s13] =	ssyncadd.s32 $0xFFFFFF80  }
0x5b: {  	_ =	swait.ge [sflag:s22], $0x1000  }
0x5c: {  	[sflag:s22] =	ssyncset.done $0x0  }
0x5d: {  	[sflag:s22] =	ssyncadd.s32 $0xFFFFF000  }
0x5e: {  	[spmem:s1] =	stream.indirect.scatter.add.bf16 [tilespmem:s26], [sflag:$0x11], $0x20, s2, s16, $0xb8;
	[tilespmem:$0x10980] =	vst v63  }
0x5f: {  	s26 =	simm.s32 $0xC  }
0x60: {  	_ =	swait.ge [sflag:s26], $0x80  }
0x61: {  	[sflag:s26] =	ssyncset.done $0x0  }
0x62: {  	s7 =	simm.s32 $0x6;
	[sflag:s26] =	ssyncadd.s32 $0xFFFFFF80  }
0x63: {  	_ =	swait.ge [sflag:s7], $0x1000  }
0x64: {  	[sflag:s7] =	ssyncset.done $0x0  }
0x65: {  	s25 =	simm.s32 $0xA120;
	[sflag:s7] =	ssyncadd.s32 $0xFFFFF000  }
0x66: {  	[spmem:s1] =	stream.indirect.scatter.add.bf16 [tilespmem:s25], [sflag:$0x12], $0x20, s10, s16, $0xb8;
	[tilespmem:$0x10980] =	vst v63  }
0x67: {  	_ =	swait.ge [sflag:s21], $0x1000  }
0x68: {  	[sflag:s21] =	ssyncset.done $0x0  }
0x69: {  	[sflag:s21] =	ssyncadd.s32 $0xFFFFF000  }
0x6a: {  	_ =	swait.ge [sflag:s14], $0x1000  }
0x6b: {  	[sflag:s14] =	ssyncset.done $0x0  }
0x6c: {  	s10 =	simm.s32 $0xF;
	[sflag:s14] =	ssyncadd.s32 $0xFFFFF000  }
0x6d: {  	_ =	swait.ge [sflag:s10], $0x1000  }
0x6e: {  	[sflag:s10] =	ssyncset.done $0x0  }
0x6f: {  	s15 =	simm.s32 $0x10;
	[sflag:s10] =	ssyncadd.s32 $0xFFFFF000  }
0x70: {  	_ =	swait.ge [sflag:s15], $0x1000  }
0x71: {  	[sflag:s15] =	ssyncset.done $0x0  }
0x72: {  	[sflag:s15] =	ssyncadd.s32 $0xFFFFF000  }
0x73: {  	_ =	swait.ge [sflag:s17], $0x1000  }
0x74: {  	[sflag:s17] =	ssyncset.done $0x0  }
0x75: {  	[sflag:s17] =	ssyncadd.s32 $0xFFFFF000  }
0x76: {  	_ =	swait.ge [sflag:s18], $0x1000  }
0x77: {  	[sflag:s18] =	ssyncset.done $0x0  }
0x78: {  	[sflag:s18] =	ssyncadd.s32 $0xFFFFF000;
	s18 =	sld [smem:$0x7FD];
	_ =	sdelay $0x1  }
0x79: {  	s30 =	simm.s32 $0x13;
	s22 =	simm.s32 $0xB120  }
0x7a: {  	[tilespmem:s22], [sflag:$0x13] =	stream.linear.gather [hbm4b:s18+s3], $0x20, $0x38;
	[tilespmem:$0x10980] =	vst v63  }
0x7b: {  	_ =	swait.ge [sflag:s30], $0x20  }
0x7c: {  	s0 =	simm.s32 $0x1;
	s26 =	simm.s32 $0x4E00;
	[sflag:s30] =	ssyncset.done $0x0  }
0x7d: {  	s7 =	simm.s32 $0xB140;
	s25 =	simm.s32 $0x20;
	[sflag:s30] =	ssyncadd.s32 $0xFFFFFFE0  }
0x7e: {  	[tilespmem:s7], [sflag:$0x1] =	stream.indirect.gather [hbm4b:s20+s25], $0x20, s26, s25, $0xb8;
	[tilespmem:$0x10980] =	vst v63  }
0x7f: {  	_ =	swait.ge [sflag:s0], $0x400  }
0x80: {  	[sflag:s0] =	ssyncset.done $0x0  }
0x81: {  	[sflag:s0] =	ssyncadd.s32 $0xFFFFFC00  }
0x82: {  	[spmem:s1] =	stream.indirect.scatter.add.bf16 [tilespmem:s7], [sflag:$0x13], $0x20, s22, s25, $0xb8;
	[tilespmem:$0x10980] =	vst v63  }
0x83: {  	_ =	swait.ge [sflag:s30], $0x400  }
0x84: {  	[sflag:s30] =	ssyncset.done $0x0  }
0x85: {  	[sflag:s30] =	ssyncadd.s32 $0xFFFFFC00  }
0x86: {  	s17 =	stileid.u32;
	[bflag:$0x0] =	sbarrier.arrive $0xFFFF  }
0x87: {  	s20 =	sshll.u32 s17, $0x6;
	s25 =	rddreg [dreg:$0x5]  }
0x88: {  	s20 =	sor.u32 $0x1C13, s20;
	s22 =	rddreg [dreg:$0x12];
	s18 =	sshrl.u32 s25, $0x3  }
0x89: {  	[hbm:s22@s9], [sflag:s20] =	dma.strided [spmem:s18@s6], $0x9C0, s0, $0x4   }
0x8a: {  	_ =	swait.ge [sflag:s30], $0x9C0  }
0x8b: {  	s26 =	simm.s32 @!p1 $0x8;
	s7 =	rddreg [dreg:$0x15]  }
0x8c: {  	s0 =	simm.s32 @!p1 $0x1;
	[sflag:s30] =	ssyncset.done $0x0;
	s31 =	rddreg [dreg:$0x16]  }
0x8d: {  	[sflag:s30] =	ssyncadd.s32 $0xFFFFF640;
	s24 =	sshrl.u32 @!p1 s7, $0x3;
	s30 =	simm.s32 @!p1 $0x4  }
0x8e: {  	[hbm:s31@s26], [sflag:s20] =	dma.strided @!p1 [spmem:s24@s30], $0x40, s0, $0x4   }
0x8f: {  	s20 =	simm.s32 @!p1 $0x13  }
0x90: {  	_ =	swait.ge @!p1 [sflag:s20], $0x40  }
0x91: {  	s19 =	sadd.s32 $0x1, s19;
	s26 =	rddreg [dreg:$0x17]  }
0x92: {  	p2 =	sne.s32 s19, s26  }
.Ltmp1:
0x93: {  	_ = 	snop;
	(pc) =	sbr.rel @!p2 .LBB2_9-.Ltmp1, $3  }
0x94: {  	_ =	sdelay $0x1  }
0x95: {  	[sflag:s20] =	ssyncset.done @!p1 $0x0  }
0x96: {  	s31 =	simm.s32 $0x4E20;
	s30 =	simm.s32 $0x13;
	[sflag:s20] =	ssyncadd.s32 @!p1 $0xFFFFFFC0  }
.LBB2_1:
0x97: {  	[smem:$0x7F8] =	sst s19  }
0x98: {  	s24 =	rddreg [dreg:$0x6];
	s26 =	simm.s32 $0xB540  }
0x99: {  	[tilespmem:s26], [sflag:$0x13] =	stream.linear.gather [hbm4b:s24+s3], $0x20, $0x38;
	[tilespmem:$0x10980] =	vst v63  }
0x9a: {  	_ =	swait.ge [sflag:s30], $0x20  }
0x9b: {  	[sflag:s30] =	ssyncset.done $0x0  }
0x9c: {  	[sflag:s30] =	ssyncadd.s32 $0xFFFFFFE0  }
0x9d: {  	v0 =	vld [tilespmem:$0xB540];
	_ =	sdelay $0x4  }
0x9e: {  	[tilespmem:$0xB560] =	vst v0  }
0x9f: {  	[tilespmem:$0xB580] =	vst v0  }
0xa0: {  	[tilespmem:$0xB5A0] =	vst v0  }
0xa1: {  	[tilespmem:$0xB5C0] =	vst v0  }
0xa2: {  	[tilespmem:$0xB5E0] =	vst v0  }
0xa3: {  	[tilespmem:$0xB600] =	vst v0  }
0xa4: {  	[tilespmem:$0xB620] =	vst v0  }
0xa5: {  	[tilespmem:$0xB640] =	vst v0  }
0xa6: {  	[tilespmem:$0xB660] =	vst v0  }
0xa7: {  	[tilespmem:$0xB680] =	vst v0  }
0xa8: {  	[tilespmem:$0xB6A0] =	vst v0  }
0xa9: {  	[tilespmem:$0xB6C0] =	vst v0  }
0xaa: {  	[tilespmem:$0xB6E0] =	vst v0  }
0xab: {  	[tilespmem:$0xB700] =	vst v0  }
0xac: {  	[tilespmem:$0xB720] =	vst v0  }
0xad: {  	[tilespmem:$0xB740] =	vst v0  }
0xae: {  	[tilespmem:$0xB760] =	vst v0  }
0xaf: {  	[tilespmem:$0xB780] =	vst v0  }
0xb0: {  	[tilespmem:$0xB7A0] =	vst v0  }
0xb1: {  	[tilespmem:$0xB7C0] =	vst v0  }
0xb2: {  	[tilespmem:$0xB7E0] =	vst v0  }
0xb3: {  	[tilespmem:$0xB800] =	vst v0  }
0xb4: {  	[tilespmem:$0xB820] =	vst v0  }
0xb5: {  	[tilespmem:$0xB840] =	vst v0  }
0xb6: {  	[tilespmem:$0xB860] =	vst v0  }
0xb7: {  	[tilespmem:$0xB880] =	vst v0  }
0xb8: {  	[tilespmem:$0xB8A0] =	vst v0  }
0xb9: {  	[tilespmem:$0xB8C0] =	vst v0  }
0xba: {  	[tilespmem:$0xB8E0] =	vst v0  }
0xbb: {  	[tilespmem:$0xB900] =	vst v0  }
0xbc: {  	[tilespmem:$0xB920] =	vst v0  }
0xbd: {  	[tilespmem:$0xB940] =	vst v0  }
0xbe: {  	[tilespmem:$0xB960] =	vst v0  }
0xbf: {  	[tilespmem:$0xB980] =	vst v0  }
0xc0: {  	[tilespmem:$0xB9A0] =	vst v0  }
0xc1: {  	[tilespmem:$0xB9C0] =	vst v0  }
0xc2: {  	[tilespmem:$0xB9E0] =	vst v0  }
0xc3: {  	[tilespmem:$0xBA00] =	vst v0  }
0xc4: {  	[tilespmem:$0xBA20] =	vst v0  }
0xc5: {  	[tilespmem:$0xBA40] =	vst v0  }
0xc6: {  	[tilespmem:$0xBA60] =	vst v0  }
0xc7: {  	[tilespmem:$0xBA80] =	vst v0  }
0xc8: {  	[tilespmem:$0xBAA0] =	vst v0  }
0xc9: {  	v1 =	vld [tilespmem:$0xB550];
	[tilespmem:$0xBAC0] =	vst v0  }
0xca: {  	[tilespmem:$0xBAE0] =	vst v0  }
0xcb: {  	[tilespmem:$0xBB00] =	vst v0  }
0xcc: {  	[tilespmem:$0xBB20] =	vst v0  }
0xcd: {  	[tilespmem:$0xBB40] =	vst v0  }
0xce: {  	[tilespmem:$0xB570] =	vst v1  }
0xcf: {  	[tilespmem:$0xB590] =	vst v1  }
0xd0: {  	[tilespmem:$0xB5B0] =	vst v1  }
0xd1: {  	[tilespmem:$0xB5D0] =	vst v1  }
0xd2: {  	[tilespmem:$0xB5F0] =	vst v1  }
0xd3: {  	[tilespmem:$0xB610] =	vst v1  }
0xd4: {  	[tilespmem:$0xB630] =	vst v1  }
0xd5: {  	[tilespmem:$0xB650] =	vst v1  }
0xd6: {  	[tilespmem:$0xB670] =	vst v1  }
0xd7: {  	[tilespmem:$0xB690] =	vst v1  }
0xd8: {  	[tilespmem:$0xB6B0] =	vst v1  }
0xd9: {  	[tilespmem:$0xB6D0] =	vst v1  }
0xda: {  	[tilespmem:$0xB6F0] =	vst v1  }
0xdb: {  	[tilespmem:$0xB710] =	vst v1  }
0xdc: {  	[tilespmem:$0xB730] =	vst v1  }
0xdd: {  	[tilespmem:$0xB750] =	vst v1  }
0xde: {  	[tilespmem:$0xB770] =	vst v1  }
0xdf: {  	[tilespmem:$0xB790] =	vst v1  }
0xe0: {  	[tilespmem:$0xB7B0] =	vst v1  }
0xe1: {  	[tilespmem:$0xB7D0] =	vst v1  }
0xe2: {  	[tilespmem:$0xB7F0] =	vst v1  }
0xe3: {  	[tilespmem:$0xB810] =	vst v1  }
0xe4: {  	[tilespmem:$0xB830] =	vst v1  }
0xe5: {  	[tilespmem:$0xB850] =	vst v1  }
0xe6: {  	[tilespmem:$0xB870] =	vst v1  }
0xe7: {  	[tilespmem:$0xB890] =	vst v1  }
0xe8: {  	[tilespmem:$0xB8B0] =	vst v1  }
0xe9: {  	[tilespmem:$0xB8D0] =	vst v1  }
0xea: {  	[tilespmem:$0xB8F0] =	vst v1  }
0xeb: {  	[tilespmem:$0xB910] =	vst v1  }
0xec: {  	[tilespmem:$0xB930] =	vst v1  }
0xed: {  	[tilespmem:$0xB950] =	vst v1  }
0xee: {  	[tilespmem:$0xB970] =	vst v1  }
0xef: {  	[tilespmem:$0xB990] =	vst v1  }
0xf0: {  	[tilespmem:$0xB9B0] =	vst v1  }
0xf1: {  	[tilespmem:$0xB9D0] =	vst v1  }
0xf2: {  	[tilespmem:$0xB9F0] =	vst v1  }
0xf3: {  	[tilespmem:$0xBA10] =	vst v1  }
0xf4: {  	[tilespmem:$0xBA30] =	vst v1  }
0xf5: {  	[tilespmem:$0xBA50] =	vst v1  }
0xf6: {  	[tilespmem:$0xBA70] =	vst v1  }
0xf7: {  	[tilespmem:$0xBA90] =	vst v1  }
0xf8: {  	[tilespmem:$0xBAB0] =	vst v1  }
0xf9: {  	[tilespmem:$0xBAD0] =	vst v1  }
0xfa: {  	[tilespmem:$0xBAF0] =	vst v1  }
0xfb: {  	[tilespmem:$0xBB10] =	vst v1  }
0xfc: {  	[tilespmem:$0xBB30] =	vst v1  }
0xfd: {  	s24 =	simm.s32 $0xB560;
	[tilespmem:$0xBB50] =	vst v1  }
0xfe: {  	[spmem:s25] =	stream.linear.scatter [tilespmem:s24], [sflag:$0x13], $0x600, $0x38;
	[tilespmem:$0x10980] =	vst v63  }
0xff: {  	_ =	swait.ge [sflag:s30], $0x600  }
0x100: {  	[sflag:s30] =	ssyncset.done $0x0  }
0x101: {  	s20 =	rddreg [dreg:$0x7];
	[sflag:s30] =	ssyncadd.s32 $0xFFFFFA00  }
0x102: {  	[spmem:s20] =	stream.linear.scatter [tilespmem:s24], [sflag:$0x13], $0x600, $0x38;
	[tilespmem:$0x10980] =	vst v63  }
0x103: {  	_ =	swait.ge [sflag:s30], $0x600  }
0x104: {  	[sflag:s30] =	ssyncset.done $0x0  }
0x105: {  	s26 =	rddreg [dreg:$0x8];
	[sflag:s30] =	ssyncadd.s32 $0xFFFFFA00  }
0x106: {  	[spmem:s26] =	stream.linear.scatter [tilespmem:s24], [sflag:$0x13], $0x600, $0x38;
	[tilespmem:$0x10980] =	vst v63  }
0x107: {  	_ =	swait.ge [sflag:s30], $0x600  }
0x108: {  	[sflag:s30] =	ssyncset.done $0x0  }
0x109: {  	s0 =	rddreg [dreg:$0x9];
	[sflag:s30] =	ssyncadd.s32 $0xFFFFFA00  }
0x10a: {  	[spmem:s0] =	stream.linear.scatter [tilespmem:s24], [sflag:$0x13], $0x600, $0x38;
	[tilespmem:$0x10980] =	vst v63  }
0x10b: {  	_ =	swait.ge [sflag:s30], $0x600  }
0x10c: {  	[sflag:s30] =	ssyncset.done $0x0  }
0x10d: {  	s2 =	rddreg [dreg:$0xa];
	[sflag:s30] =	ssyncadd.s32 $0xFFFFFA00  }
0x10e: {  	[spmem:s2] =	stream.linear.scatter [tilespmem:s24], [sflag:$0x13], $0x600, $0x38;
	[tilespmem:$0x10980] =	vst v63  }
0x10f: {  	_ =	swait.ge [sflag:s30], $0x600  }
0x110: {  	[sflag:s30] =	ssyncset.done $0x0  }
0x111: {  	s9 =	rddreg [dreg:$0xb];
	[sflag:s30] =	ssyncadd.s32 $0xFFFFFA00  }
0x112: {  	[spmem:s9] =	stream.linear.scatter [tilespmem:s24], [sflag:$0x13], $0x600, $0x38;
	[tilespmem:$0x10980] =	vst v63  }
0x113: {  	_ =	swait.ge [sflag:s30], $0x600  }
0x114: {  	[sflag:s30] =	ssyncset.done $0x0  }
0x115: {  	s10 =	rddreg [dreg:$0xc];
	[sflag:s30] =	ssyncadd.s32 $0xFFFFFA00  }
0x116: {  	[spmem:s10] =	stream.linear.scatter [tilespmem:s24], [sflag:$0x13], $0x600, $0x38;
	[tilespmem:$0x10980] =	vst v63  }
0x117: {  	_ =	swait.ge [sflag:s30], $0x600  }
0x118: {  	[sflag:s30] =	ssyncset.done $0x0  }
0x119: {  	s15 =	rddreg [dreg:$0xd];
	[sflag:s30] =	ssyncadd.s32 $0xFFFFFA00  }
0x11a: {  	[spmem:s15] =	stream.linear.scatter [tilespmem:s24], [sflag:$0x13], $0x600, $0x38;
	[tilespmem:$0x10980] =	vst v63  }
0x11b: {  	_ =	swait.ge [sflag:s30], $0x600  }
0x11c: {  	[sflag:s30] =	ssyncset.done $0x0  }
0x11d: {  	s17 =	rddreg [dreg:$0xe];
	[sflag:s30] =	ssyncadd.s32 $0xFFFFFA00  }
0x11e: {  	[spmem:s17] =	stream.linear.scatter [tilespmem:s24], [sflag:$0x13], $0x600, $0x38;
	[tilespmem:$0x10980] =	vst v63  }
0x11f: {  	_ =	swait.ge [sflag:s30], $0x600  }
0x120: {  	[sflag:s30] =	ssyncset.done $0x0  }
0x121: {  	s18 =	rddreg [dreg:$0xf];
	[sflag:s30] =	ssyncadd.s32 $0xFFFFFA00  }
0x122: {  	[spmem:s18] =	stream.linear.scatter [tilespmem:s24], [sflag:$0x13], $0x600, $0x38;
	[tilespmem:$0x10980] =	vst v63  }
0x123: {  	_ =	swait.ge [sflag:s30], $0x600  }
0x124: {  	[sflag:s30] =	ssyncset.done $0x0  }
0x125: {  	s19 =	rddreg [dreg:$0x10];
	[sflag:s30] =	ssyncadd.s32 $0xFFFFFA00  }
0x126: {  	[spmem:s19] =	stream.linear.scatter [tilespmem:s24], [sflag:$0x13], $0x600, $0x38;
	[tilespmem:$0x10980] =	vst v63  }
0x127: {  	_ =	swait.ge [sflag:s30], $0x600  }
0x128: {  	[sflag:s30] =	ssyncset.done $0x0  }
0x129: {  	s22 =	rddreg [dreg:$0x11];
	[sflag:s30] =	ssyncadd.s32 $0xFFFFFA00  }
0x12a: {  	[spmem:s22] =	stream.linear.scatter [tilespmem:s24], [sflag:$0x13], $0x600, $0x38;
	[tilespmem:$0x10980] =	vst v63  }
0x12b: {  	_ =	swait.ge [sflag:s30], $0x600  }
0x12c: {  	[sflag:s30] =	ssyncset.done $0x0  }
0x12d: {  	s25 =	rddreg [dreg:$0x13];
	[sflag:s30] =	ssyncadd.s32 $0xFFFFFA00  }
0x12e: {  	[spmem:s25] =	stream.linear.scatter [tilespmem:s24], [sflag:$0x13], $0x600, $0x38;
	[tilespmem:$0x10980] =	vst v63  }
0x12f: {  	_ =	swait.ge [sflag:s30], $0x600  }
0x130: {  	[sflag:s30] =	ssyncset.done $0x0  }
0x131: {  	s20 =	simm.s32 @!p1 $0xB560;
	[sflag:s30] =	ssyncadd.s32 $0xFFFFFA00  }
0x132: {  	[spmem:s7] =	stream.linear.scatter @!p1 [tilespmem:s20], [sflag:$0x13], $0x200, $0x38;
	[tilespmem:$0x10980] =	vst v63  }
0x133: {  	s20 =	simm.s32 @!p1 $0x13  }
0x134: {  	_ =	swait.ge @!p1 [sflag:s20], $0x200  }
0x135: {  	[sflag:s20] =	ssyncset.done @!p1 $0x0  }
0x136: {  	[sflag:s20] =	ssyncadd.s32 @!p1 $0xFFFFFE00  }
0x137: {  	[bflag:$0x0] =	sbarrier.arrive $0xFFFF  }
0x138: {  	s26 =	rddreg [dreg:$0x14]  }
0x139: {  	[tilespmem:s3], [sflag:$0x13] =	stream.linear.gather [hbm4b:s26+s3], $0x4E20, $0x38;
	[tilespmem:$0x10980] =	vst v63  }
.Ltmp2:
0x13a: {  	_ = 	snop;
	(pc) =	sbr.rel @!p0 .LBB2_2-.Ltmp2, $4  }
0x13b: {  	_ =	swait.ge [sflag:s30], $0x4E20  }
0x13c: {  	[sflag:s30] =	ssyncset.done $0x0  }
0x13d: {  	s20 =	simm.s32 $0x0;
	[sflag:s30] =	ssyncadd.s32 $0xFFFFB1E0;
	s30 =	rddreg [dreg:$0x18]  }
0x13e: {  	[tilespmem:s31], [sflag:$0x7] =	stream.linear.gather [hbm4b:s30+s3], $0x80, $0x38;
	[tilespmem:$0x10980] =	vst v63  }
0x13f: {  	s6 =	simm.s32 $0x5120  }
0x140: {  	[tilespmem:s6], [sflag:$0x1] =	stream.indirect.gather [hbm4b:s5+s16], $0x20, s20, s16, $0xb8;
	[tilespmem:$0x10980] =	vst v63  }
0x141: {  	s24 =	rddreg [dreg:$0x19]  }
0x142: {  	[tilespmem:s8], [sflag:$0x8] =	stream.linear.gather [hbm4b:s24+s20], $0x80, $0x38;
	[tilespmem:$0x10980] =	vst v63  }
0x143: {  	_ = 	snop  }
0x144: {  	[tilespmem:s28], [sflag:$0x2] =	stream.indirect.gather [hbm4b:s5+s16], $0x20, s16, s16, $0xb8;
	[tilespmem:$0x10980] =	vst v63  }
0x145: {  	s12 =	rddreg [dreg:$0x1a]  }
0x146: {  	[tilespmem:s29], [sflag:$0x9] =	stream.linear.gather [hbm4b:s12+s20], $0x80, $0x38;
	[tilespmem:$0x10980] =	vst v63  }
0x147: {  	s0 =	simm.s32 $0x100;
	s12 =	simm.s32 $0x7120  }
0x148: {  	[tilespmem:s12], [sflag:$0x3] =	stream.indirect.gather [hbm4b:s5+s16], $0x20, s0, s16, $0xb8;
	[tilespmem:$0x10980] =	vst v63  }
0x149: {  	s13 =	rddreg [dreg:$0x1b];
	s14 =	simm.s32 $0x4FA0  }
0x14a: {  	[tilespmem:s14], [sflag:$0xA] =	stream.linear.gather [hbm4b:s13+s20], $0x80, $0x38;
	[tilespmem:$0x10980] =	vst v63  }
0x14b: {  	s15 =	simm.s32 $0x180;
	s26 =	simm.s32 $0x8120;
	s30 =	simm.s32 $0x7  }
0x14c: {  	[tilespmem:s26], [sflag:$0x4] =	stream.indirect.gather [hbm4b:s5+s16], $0x20, s15, s16, $0xb8;
	[tilespmem:$0x10980] =	vst v63  }
0x14d: {  	_ =	swait.ge [sflag:s30], $0x80  }
0x14e: {  	[sflag:s30] =	ssyncset.done $0x0  }
0x14f: {  	s2 =	simm.s32 $0x1;
	[sflag:s30] =	ssyncadd.s32 $0xFFFFFF80  }
0x150: {  	_ =	swait.ge [sflag:s2], $0x1000  }
0x151: {  	[sflag:s2] =	ssyncset.done $0x0  }
0x152: {  	[sflag:s2] =	ssyncadd.s32 $0xFFFFF000  }
0x153: {  	[spmem:s1] =	stream.indirect.scatter.add.bf16 [tilespmem:s6], [sflag:$0xD], $0x20, s31, s16, $0xb8;
	[tilespmem:$0x10980] =	vst v63  }
0x154: {  	s18 =	simm.s32 $0x5020;
	s17 =	rddreg [dreg:$0x1c]  }
0x155: {  	[tilespmem:s18], [sflag:$0xB] =	stream.linear.gather [hbm4b:s17+s20], $0x80, $0x38;
	[tilespmem:$0x10980] =	vst v63  }
0x156: {  	s19 =	simm.s32 $0x200;
	s23 =	simm.s32 $0x9120;
	s6 =	simm.s32 $0x8  }
0x157: {  	[tilespmem:s23], [sflag:$0x5] =	stream.indirect.gather [hbm4b:s5+s16], $0x20, s19, s16, $0xb8;
	[tilespmem:$0x10980] =	vst v63  }
0x158: {  	_ =	swait.ge [sflag:s6], $0x80  }
0x159: {  	[sflag:s6] =	ssyncset.done $0x0  }
0x15a: {  	s9 =	simm.s32 $0x2;
	[sflag:s6] =	ssyncadd.s32 $0xFFFFFF80  }
0x15b: {  	_ =	swait.ge [sflag:s9], $0x1000  }
0x15c: {  	[sflag:s9] =	ssyncset.done $0x0  }
0x15d: {  	[sflag:s9] =	ssyncadd.s32 $0xFFFFF000  }
0x15e: {  	[spmem:s1] =	stream.indirect.scatter.add.bf16 [tilespmem:s28], [sflag:$0xE], $0x20, s8, s16, $0xb8;
	[tilespmem:$0x10980] =	vst v63  }
0x15f: {  	s22 =	simm.s32 $0x50A0;
	s21 =	rddreg [dreg:$0x1d]  }
0x160: {  	[tilespmem:s22], [sflag:$0xC] =	stream.linear.gather [hbm4b:s21+s20], $0x80, $0x38;
	[tilespmem:$0x10980] =	vst v63  }
0x161: {  	s24 =	simm.s32 $0x280;
	s15 =	simm.s32 $0xA120;
	s8 =	simm.s32 $0x9  }
0x162: {  	[tilespmem:s15], [sflag:$0x6] =	stream.indirect.gather [hbm4b:s5+s16], $0x20, s24, s16, $0xb8;
	[tilespmem:$0x10980] =	vst v63  }
0x163: {  	_ =	swait.ge [sflag:s8], $0x80  }
0x164: {  	[sflag:s8] =	ssyncset.done $0x0  }
0x165: {  	s28 =	simm.s32 $0x3;
	[sflag:s8] =	ssyncadd.s32 $0xFFFFFF80  }
0x166: {  	_ =	swait.ge [sflag:s28], $0x1000  }
0x167: {  	[sflag:s28] =	ssyncset.done $0x0  }
0x168: {  	s29 =	simm.s32 $0xD;
	s13 =	simm.s32 $0x4F20;
	[sflag:s28] =	ssyncadd.s32 $0xFFFFF000  }
0x169: {  	[spmem:s1] =	stream.indirect.scatter.add.bf16 [tilespmem:s12], [sflag:$0xF], $0x20, s13, s16, $0xb8;
	[tilespmem:$0x10980] =	vst v63  }
0x16a: {  	_ =	swait.ge [sflag:s29], $0x1000  }
0x16b: {  	[sflag:s29] =	ssyncset.done $0x0  }
0x16c: {  	s15 =	rddreg [dreg:$0x1e];
	[sflag:s29] =	ssyncadd.s32 $0xFFFFF000  }
0x16d: {  	[tilespmem:s31], [sflag:$0x7] =	stream.linear.gather [hbm4b:s15+s20], $0x80, $0x38;
	[tilespmem:$0x10980] =	vst v63  }
0x16e: {  	s7 =	simm.s32 $0xA;
	s14 =	simm.s32 $0x5120;
	s24 =	simm.s32 $0x300  }
0x16f: {  	[tilespmem:s14], [sflag:$0x1] =	stream.indirect.gather [hbm4b:s5+s16], $0x20, s24, s16, $0xb8;
	[tilespmem:$0x10980] =	vst v63  }
0x170: {  	_ =	swait.ge [sflag:s7], $0x80  }
0x171: {  	[sflag:s7] =	ssyncset.done $0x0  }
0x172: {  	s10 =	simm.s32 $0x4;
	[sflag:s7] =	ssyncadd.s32 $0xFFFFFF80  }
0x173: {  	_ =	swait.ge [sflag:s10], $0x1000  }
0x174: {  	[sflag:s10] =	ssyncset.done $0x0  }
0x175: {  	s11 =	simm.s32 $0x4FA0;
	s25 =	simm.s32 $0xE;
	[sflag:s10] =	ssyncadd.s32 $0xFFFFF000  }
0x176: {  	[spmem:s1] =	stream.indirect.scatter.add.bf16 [tilespmem:s26], [sflag:$0x10], $0x20, s11, s16, $0xb8;
	[tilespmem:$0x10980] =	vst v63  }
0x177: {  	_ =	swait.ge [sflag:s25], $0x1000  }
0x178: {  	[sflag:s25] =	ssyncset.done $0x0  }
0x179: {  	s22 =	simm.s32 $0x4EA0;
	s0 =	rddreg [dreg:$0x1f];
	[sflag:s25] =	ssyncadd.s32 $0xFFFFF000  }
0x17a: {  	[tilespmem:s22], [sflag:$0x8] =	stream.linear.gather [hbm4b:s0+s20], $0x80, $0x38;
	[tilespmem:$0x10980] =	vst v63  }
0x17b: {  	s18 =	simm.s32 $0x6120;
	s21 =	simm.s32 $0xB;
	s15 =	simm.s32 $0x380  }
0x17c: {  	[tilespmem:s18], [sflag:$0x2] =	stream.indirect.gather [hbm4b:s5+s16], $0x20, s15, s16, $0xb8;
	[tilespmem:$0x10980] =	vst v63  }
0x17d: {  	_ =	swait.ge [sflag:s21], $0x80  }
0x17e: {  	[sflag:s21] =	ssyncset.done $0x0  }
0x17f: {  	s22 =	simm.s32 $0x5;
	[sflag:s21] =	ssyncadd.s32 $0xFFFFFF80  }
0x180: {  	_ =	swait.ge [sflag:s22], $0x1000  }
0x181: {  	[sflag:s22] =	ssyncset.done $0x0  }
0x182: {  	s17 =	simm.s32 $0x5020;
	s15 =	simm.s32 $0xF;
	[sflag:s22] =	ssyncadd.s32 $0xFFFFF000  }
0x183: {  	[spmem:s1] =	stream.indirect.scatter.add.bf16 [tilespmem:s23], [sflag:$0x11], $0x20, s17, s16, $0xb8;
	[tilespmem:$0x10980] =	vst v63  }
0x184: {  	_ =	swait.ge [sflag:s15], $0x1000  }
0x185: {  	s17 =	sld [smem:$0x7F9]  }
0x186: {  	[sflag:s15] =	ssyncset.done $0x0  }
0x187: {  	[sflag:s15] =	ssyncadd.s32 $0xFFFFF000  }
0x188: {  	[tilespmem:s13], [sflag:$0x9] =	stream.linear.gather [hbm4b:s17+s20], $0x80, $0x38;
	[tilespmem:$0x10980] =	vst v63  }
0x189: {  	s18 =	simm.s32 $0x400;
	s17 =	simm.s32 $0xC  }
0x18a: {  	[tilespmem:s12], [sflag:$0x3] =	stream.indirect.gather [hbm4b:s5+s16], $0x20, s18, s16, $0xb8;
	[tilespmem:$0x10980] =	vst v63  }
0x18b: {  	_ =	swait.ge [sflag:s17], $0x80  }
0x18c: {  	[sflag:s17] =	ssyncset.done $0x0  }
0x18d: {  	s18 =	simm.s32 $0x6;
	[sflag:s17] =	ssyncadd.s32 $0xFFFFFF80  }
0x18e: {  	_ =	swait.ge [sflag:s18], $0x1000  }
0x18f: {  	[sflag:s18] =	ssyncset.done $0x0  }
0x190: {  	s19 =	simm.s32 $0xA120;
	s24 =	simm.s32 $0x50A0;
	[sflag:s18] =	ssyncadd.s32 $0xFFFFF000  }
0x191: {  	[spmem:s1] =	stream.indirect.scatter.add.bf16 [tilespmem:s19], [sflag:$0x12], $0x20, s24, s16, $0xb8;
	[tilespmem:$0x10980] =	vst v63  }
0x192: {  	s19 =	simm.s32 $0x10  }
0x193: {  	_ =	swait.ge [sflag:s19], $0x1000  }
0x194: {  	s0 =	sld [smem:$0x7FA]  }
0x195: {  	[sflag:s19] =	ssyncset.done $0x0  }
0x196: {  	s11 =	simm.s32 $0x4FA0;
	[sflag:s19] =	ssyncadd.s32 $0xFFFFF000  }
0x197: {  	[tilespmem:s11], [sflag:$0xA] =	stream.linear.gather [hbm4b:s0+s20], $0x80, $0x38;
	[tilespmem:$0x10980] =	vst v63  }
0x198: {  	s24 =	simm.s32 $0x480  }
0x199: {  	[tilespmem:s26], [sflag:$0x4] =	stream.indirect.gather [hbm4b:s5+s16], $0x20, s24, s16, $0xb8;
	[tilespmem:$0x10980] =	vst v63  }
0x19a: {  	_ =	swait.ge [sflag:s30], $0x80  }
0x19b: {  	[sflag:s30] =	ssyncset.done $0x0  }
0x19c: {  	[sflag:s30] =	ssyncadd.s32 $0xFFFFFF80  }
0x19d: {  	_ =	swait.ge [sflag:s2], $0x1000  }
0x19e: {  	[sflag:s2] =	ssyncset.done $0x0  }
0x19f: {  	[sflag:s2] =	ssyncadd.s32 $0xFFFFF000;
	s2 =	simm.s32 $0x11  }
0x1a0: {  	[spmem:s1] =	stream.indirect.scatter.add.bf16 [tilespmem:s14], [sflag:$0xD], $0x20, s31, s16, $0xb8;
	[tilespmem:$0x10980] =	vst v63  }
0x1a1: {  	_ =	swait.ge [sflag:s2], $0x1000  }
0x1a2: {  	s11 =	rddreg [dreg:$0x4]  }
0x1a3: {  	[sflag:s2] =	ssyncset.done $0x0;
	s20 =	sadd.s32 $0x0, s11  }
0x1a4: {  	s0 =	simm.s32 $0x5020;
	[sflag:s2] =	ssyncadd.s32 $0xFFFFF000;
	s24 =	sadd.s32 $0x9CE0, s20  }
0x1a5: {  	[tilespmem:s0], [sflag:$0xB] =	stream.linear.gather [hbm4b:s24+s3], $0x80, $0x38;
	[tilespmem:$0x10980] =	vst v63  }
0x1a6: {  	s0 =	simm.s32 $0x500  }
0x1a7: {  	[tilespmem:s23], [sflag:$0x5] =	stream.indirect.gather [hbm4b:s5+s16], $0x20, s0, s16, $0xb8;
	[tilespmem:$0x10980] =	vst v63  }
0x1a8: {  	_ =	swait.ge [sflag:s6], $0x80  }
0x1a9: {  	[sflag:s6] =	ssyncset.done $0x0  }
0x1aa: {  	[sflag:s6] =	ssyncadd.s32 $0xFFFFFF80  }
0x1ab: {  	_ =	swait.ge [sflag:s9], $0x1000  }
0x1ac: {  	[sflag:s9] =	ssyncset.done $0x0  }
0x1ad: {  	s24 =	simm.s32 $0x4EA0;
	[sflag:s9] =	ssyncadd.s32 $0xFFFFF000;
	s9 =	simm.s32 $0x6120  }
0x1ae: {  	[spmem:s1] =	stream.indirect.scatter.add.bf16 [tilespmem:s9], [sflag:$0xE], $0x20, s24, s16, $0xb8;
	[tilespmem:$0x10980] =	vst v63  }
0x1af: {  	s9 =	simm.s32 $0x12  }
0x1b0: {  	_ =	swait.ge [sflag:s9], $0x1000  }
0x1b1: {  	[sflag:s9] =	ssyncset.done $0x0  }
0x1b2: {  	s0 =	sadd.s32 $0x9CF0, s20;
	s6 =	simm.s32 $0x50A0;
	[sflag:s9] =	ssyncadd.s32 $0xFFFFF000  }
0x1b3: {  	[tilespmem:s6], [sflag:$0xC] =	stream.linear.gather [hbm4b:s0+s3], $0x80, $0x38;
	[tilespmem:$0x10980] =	vst v63  }
0x1b4: {  	s6 =	simm.s32 $0x580;
	s0 =	simm.s32 $0xA120  }
0x1b5: {  	[tilespmem:s0], [sflag:$0x6] =	stream.indirect.gather [hbm4b:s5+s16], $0x20, s6, s16, $0xb8;
	[tilespmem:$0x10980] =	vst v63  }
0x1b6: {  	_ =	swait.ge [sflag:s8], $0x80  }
0x1b7: {  	[sflag:s8] =	ssyncset.done $0x0  }
0x1b8: {  	[sflag:s8] =	ssyncadd.s32 $0xFFFFFF80  }
0x1b9: {  	_ =	swait.ge [sflag:s28], $0x1000  }
0x1ba: {  	[sflag:s28] =	ssyncset.done $0x0  }
0x1bb: {  	[sflag:s28] =	ssyncadd.s32 $0xFFFFF000  }
0x1bc: {  	[spmem:s1] =	stream.indirect.scatter.add.bf16 [tilespmem:s12], [sflag:$0xF], $0x20, s13, s16, $0xb8;
	[tilespmem:$0x10980] =	vst v63  }
0x1bd: {  	_ =	swait.ge [sflag:s29], $0x1000  }
0x1be: {  	[sflag:s29] =	ssyncset.done $0x0  }
0x1bf: {  	s8 =	sadd.s32 $0x9D00, s20;
	[sflag:s29] =	ssyncadd.s32 $0xFFFFF000  }
0x1c0: {  	[tilespmem:s31], [sflag:$0x7] =	stream.linear.gather [hbm4b:s8+s3], $0x80, $0x38;
	[tilespmem:$0x10980] =	vst v63  }
0x1c1: {  	s6 =	simm.s32 $0x600  }
0x1c2: {  	[tilespmem:s14], [sflag:$0x1] =	stream.indirect.gather [hbm4b:s5+s16], $0x20, s6, s16, $0xb8;
	[tilespmem:$0x10980] =	vst v63  }
0x1c3: {  	_ =	swait.ge [sflag:s7], $0x80  }
0x1c4: {  	[sflag:s7] =	ssyncset.done $0x0  }
0x1c5: {  	[sflag:s7] =	ssyncadd.s32 $0xFFFFFF80  }
0x1c6: {  	_ =	swait.ge [sflag:s10], $0x1000  }
0x1c7: {  	[sflag:s10] =	ssyncset.done $0x0  }
0x1c8: {  	s6 =	simm.s32 $0x4FA0;
	[sflag:s10] =	ssyncadd.s32 $0xFFFFF000  }
0x1c9: {  	[spmem:s1] =	stream.indirect.scatter.add.bf16 [tilespmem:s26], [sflag:$0x10], $0x20, s6, s16, $0xb8;
	[tilespmem:$0x10980] =	vst v63  }
0x1ca: {  	_ =	swait.ge [sflag:s25], $0x1000  }
0x1cb: {  	[sflag:s25] =	ssyncset.done $0x0  }
0x1cc: {  	s8 =	simm.s32 $0x4EA0;
	s7 =	sadd.s32 $0x9D10, s20;
	[sflag:s25] =	ssyncadd.s32 $0xFFFFF000  }
0x1cd: {  	[tilespmem:s8], [sflag:$0x8] =	stream.linear.gather [hbm4b:s7+s3], $0x80, $0x38;
	[tilespmem:$0x10980] =	vst v63  }
0x1ce: {  	s14 =	simm.s32 $0x6120;
	s10 =	simm.s32 $0x680  }
0x1cf: {  	[tilespmem:s14], [sflag:$0x2] =	stream.indirect.gather [hbm4b:s5+s16], $0x20, s10, s16, $0xb8;
	[tilespmem:$0x10980] =	vst v63  }
0x1d0: {  	_ =	swait.ge [sflag:s21], $0x80  }
0x1d1: {  	[sflag:s21] =	ssyncset.done $0x0  }
0x1d2: {  	[sflag:s21] =	ssyncadd.s32 $0xFFFFFF80  }
0x1d3: {  	_ =	swait.ge [sflag:s22], $0x1000  }
0x1d4: {  	[sflag:s22] =	ssyncset.done $0x0  }
0x1d5: {  	s21 =	simm.s32 $0x5020;
	[sflag:s22] =	ssyncadd.s32 $0xFFFFF000  }
0x1d6: {  	[spmem:s1] =	stream.indirect.scatter.add.bf16 [tilespmem:s23], [sflag:$0x11], $0x20, s21, s16, $0xb8;
	[tilespmem:$0x10980] =	vst v63  }
0x1d7: {  	_ =	swait.ge [sflag:s15], $0x1000  }
0x1d8: {  	[sflag:s15] =	ssyncset.done $0x0  }
0x1d9: {  	s23 =	sadd.s32 $0x9D20, s20;
	[sflag:s15] =	ssyncadd.s32 $0xFFFFF000  }
0x1da: {  	[tilespmem:s13], [sflag:$0x9] =	stream.linear.gather [hbm4b:s23+s3], $0x80, $0x38;
	[tilespmem:$0x10980] =	vst v63  }
0x1db: {  	s25 =	simm.s32 $0x700  }
0x1dc: {  	[tilespmem:s12], [sflag:$0x3] =	stream.indirect.gather [hbm4b:s5+s16], $0x20, s25, s16, $0xb8;
	[tilespmem:$0x10980] =	vst v63  }
0x1dd: {  	_ =	swait.ge [sflag:s17], $0x80  }
0x1de: {  	[sflag:s17] =	ssyncset.done $0x0  }
0x1df: {  	[sflag:s17] =	ssyncadd.s32 $0xFFFFFF80  }
0x1e0: {  	_ =	swait.ge [sflag:s18], $0x1000  }
0x1e1: {  	[sflag:s18] =	ssyncset.done $0x0  }
0x1e2: {  	s24 =	simm.s32 $0x60;
	s26 =	simm.s32 $0x50A0;
	[sflag:s18] =	ssyncadd.s32 $0xFFFFF000  }
0x1e3: {  	[spmem:s1] =	stream.indirect.scatter.add.bf16 [tilespmem:s0], [sflag:$0x12], $0x20, s26, s16, $0xb8;
	[tilespmem:$0x10980] =	vst v63  }
0x1e4: {  	s28 =	simm.s32 $0x4EA0;
	s29 =	simm.s32 $0x6120;
	_ =	swait.ge [sflag:s19], $0x1000  }
0x1e5: {  	s31 =	smov.u32 s11;
	s8 =	simm.s32 $0x5120;
	[sflag:s19] =	ssyncset.done $0x0  }
0x1e6: {  	s7 =	simm.s32 $0x4E20;
	s20 =	sadd.s32 $0x9D30, s20;
	[sflag:s19] =	ssyncadd.s32 $0xFFFFF000  }
0x1e7: {  	[tilespmem:s6], [sflag:$0xA] =	stream.linear.gather [hbm4b:s20+s3], $0x80, $0x38;
	[tilespmem:$0x10980] =	vst v63  }
0x1e8: {  	s25 =	simm.s32 $0xA80;
	s0 =	simm.s32 $0x4F20;
	s20 =	simm.s32 $0x780  }
.LBB2_6:
0x1e9: {  	s10 =	simm.s32 $0x8120  }
0x1ea: {  	[tilespmem:s10], [sflag:$0x4] =	stream.indirect.gather [hbm4b:s5+s16], $0x20, s20, s16, $0xb8;
	[tilespmem:$0x10980] =	vst v63  }
0x1eb: {  	s26 =	smov.u32 s24;
	s20 =	smov.u32 s25  }
0x1ec: {  	p2 =	sne.s32 s24, $0x8A0;
	s24 =	sadd.s32 $0x60, s24;
	_ =	swait.ge [sflag:s30], $0x80  }
0x1ed: {  	[sflag:s30] =	ssyncset.done $0x0  }
0x1ee: {  	s6 =	simm.s32 $0x1;
	[sflag:s30] =	ssyncadd.s32 $0xFFFFFF80  }
0x1ef: {  	_ =	swait.ge [sflag:s6], $0x1000  }
0x1f0: {  	[sflag:s6] =	ssyncset.done $0x0  }
0x1f1: {  	[sflag:s6] =	ssyncadd.s32 $0xFFFFF000  }
0x1f2: {  	[spmem:s1] =	stream.indirect.scatter.add.bf16 [tilespmem:s8], [sflag:$0xD], $0x20, s7, s16, $0xb8;
	[tilespmem:$0x10980] =	vst v63  }
0x1f3: {  	_ =	swait.ge [sflag:s2], $0x1000  }
0x1f4: {  	s26 =	sadd.s32 s26, s31;
	[sflag:s2] =	ssyncset.done $0x0  }
0x1f5: {  	s23 =	simm.s32 $0x5020;
	s30 =	sadd.s32 $0x9CE0, s26;
	[sflag:s2] =	ssyncadd.s32 $0xFFFFF000  }
0x1f6: {  	[tilespmem:s23], [sflag:$0xB] =	stream.linear.gather [hbm4b:s30+s3], $0x80, $0x38;
	[tilespmem:$0x10980] =	vst v63  }
0x1f7: {  	s11 =	simm.s32 $0x8;
	s6 =	simm.s32 $0x9120;
	s30 =	sadd.s32 $0xFFFFFD80, s25  }
0x1f8: {  	[tilespmem:s6], [sflag:$0x5] =	stream.indirect.gather [hbm4b:s5+s16], $0x20, s30, s16, $0xb8;
	[tilespmem:$0x10980] =	vst v63  }
0x1f9: {  	_ =	swait.ge [sflag:s11], $0x80  }
0x1fa: {  	[sflag:s11] =	ssyncset.done $0x0  }
0x1fb: {  	[sflag:s11] =	ssyncadd.s32 $0xFFFFFF80;
	s11 =	simm.s32 $0x2  }
0x1fc: {  	_ =	swait.ge [sflag:s11], $0x1000  }
0x1fd: {  	[sflag:s11] =	ssyncset.done $0x0  }
0x1fe: {  	[sflag:s11] =	ssyncadd.s32 $0xFFFFF000  }
0x1ff: {  	[spmem:s1] =	stream.indirect.scatter.add.bf16 [tilespmem:s29], [sflag:$0xE], $0x20, s28, s16, $0xb8;
	[tilespmem:$0x10980] =	vst v63  }
0x200: {  	_ =	swait.ge [sflag:s9], $0x1000  }
0x201: {  	[sflag:s9] =	ssyncset.done $0x0  }
0x202: {  	s13 =	simm.s32 $0x50A0;
	s30 =	sadd.s32 $0x9CF0, s26;
	[sflag:s9] =	ssyncadd.s32 $0xFFFFF000  }
0x203: {  	[tilespmem:s13], [sflag:$0xC] =	stream.linear.gather [hbm4b:s30+s3], $0x80, $0x38;
	[tilespmem:$0x10980] =	vst v63  }
0x204: {  	s21 =	simm.s32 $0xA120;
	s11 =	simm.s32 $0x9;
	s30 =	sadd.s32 $0xFFFFFE00, s25  }
0x205: {  	[tilespmem:s21], [sflag:$0x6] =	stream.indirect.gather [hbm4b:s5+s16], $0x20, s30, s16, $0xb8;
	[tilespmem:$0x10980] =	vst v63  }
0x206: {  	_ =	swait.ge [sflag:s11], $0x80  }
0x207: {  	[sflag:s11] =	ssyncset.done $0x0  }
0x208: {  	[sflag:s11] =	ssyncadd.s32 $0xFFFFFF80;
	s11 =	simm.s32 $0x3  }
0x209: {  	_ =	swait.ge [sflag:s11], $0x1000  }
0x20a: {  	[sflag:s11] =	ssyncset.done $0x0  }
0x20b: {  	s12 =	simm.s32 $0x7120;
	[sflag:s11] =	ssyncadd.s32 $0xFFFFF000;
	s11 =	simm.s32 $0xD  }
0x20c: {  	[spmem:s1] =	stream.indirect.scatter.add.bf16 [tilespmem:s12], [sflag:$0xF], $0x20, s0, s16, $0xb8;
	[tilespmem:$0x10980] =	vst v63  }
0x20d: {  	_ =	swait.ge [sflag:s11], $0x1000  }
0x20e: {  	[sflag:s11] =	ssyncset.done $0x0  }
0x20f: {  	s30 =	sadd.s32 $0x9D00, s26;
	[sflag:s11] =	ssyncadd.s32 $0xFFFFF000  }
0x210: {  	[tilespmem:s7], [sflag:$0x7] =	stream.linear.gather [hbm4b:s30+s3], $0x80, $0x38;
	[tilespmem:$0x10980] =	vst v63  }
0x211: {  	s11 =	simm.s32 $0xA;
	s30 =	sadd.s32 $0xFFFFFE80, s25  }
0x212: {  	[tilespmem:s8], [sflag:$0x1] =	stream.indirect.gather [hbm4b:s5+s16], $0x20, s30, s16, $0xb8;
	[tilespmem:$0x10980] =	vst v63  }
0x213: {  	_ =	swait.ge [sflag:s11], $0x80  }
0x214: {  	[sflag:s11] =	ssyncset.done $0x0  }
0x215: {  	[sflag:s11] =	ssyncadd.s32 $0xFFFFFF80;
	s11 =	simm.s32 $0x4  }
0x216: {  	_ =	swait.ge [sflag:s11], $0x1000  }
0x217: {  	[sflag:s11] =	ssyncset.done $0x0  }
0x218: {  	s14 =	simm.s32 $0x4FA0;
	[sflag:s11] =	ssyncadd.s32 $0xFFFFF000  }
0x219: {  	[spmem:s1] =	stream.indirect.scatter.add.bf16 [tilespmem:s10], [sflag:$0x10], $0x20, s14, s16, $0xb8;
	[tilespmem:$0x10980] =	vst v63  }
0x21a: {  	s11 =	simm.s32 $0x8120;
	s10 =	simm.s32 $0xE  }
0x21b: {  	_ =	swait.ge [sflag:s10], $0x1000  }
0x21c: {  	[sflag:s10] =	ssyncset.done $0x0  }
0x21d: {  	s30 =	sadd.s32 $0x9D10, s26;
	[sflag:s10] =	ssyncadd.s32 $0xFFFFF000  }
0x21e: {  	[tilespmem:s28], [sflag:$0x8] =	stream.linear.gather [hbm4b:s30+s3], $0x80, $0x38;
	[tilespmem:$0x10980] =	vst v63  }
0x21f: {  	s10 =	simm.s32 $0xB;
	s30 =	sadd.s32 $0xFFFFFF00, s25  }
0x220: {  	[tilespmem:s29], [sflag:$0x2] =	stream.indirect.gather [hbm4b:s5+s16], $0x20, s30, s16, $0xb8;
	[tilespmem:$0x10980] =	vst v63  }
0x221: {  	_ =	swait.ge [sflag:s10], $0x80  }
0x222: {  	[sflag:s10] =	ssyncset.done $0x0  }
0x223: {  	[sflag:s10] =	ssyncadd.s32 $0xFFFFFF80  }
0x224: {  	_ =	swait.ge [sflag:s22], $0x1000  }
0x225: {  	[sflag:s22] =	ssyncset.done $0x0  }
0x226: {  	[sflag:s22] =	ssyncadd.s32 $0xFFFFF000  }
0x227: {  	[spmem:s1] =	stream.indirect.scatter.add.bf16 [tilespmem:s6], [sflag:$0x11], $0x20, s23, s16, $0xb8;
	[tilespmem:$0x10980] =	vst v63  }
0x228: {  	_ =	swait.ge [sflag:s15], $0x1000  }
0x229: {  	[sflag:s15] =	ssyncset.done $0x0  }
0x22a: {  	s30 =	sadd.s32 $0x9D20, s26;
	[sflag:s15] =	ssyncadd.s32 $0xFFFFF000  }
0x22b: {  	[tilespmem:s0], [sflag:$0x9] =	stream.linear.gather [hbm4b:s30+s3], $0x80, $0x38;
	[tilespmem:$0x10980] =	vst v63  }
0x22c: {  	s30 =	sadd.s32 $0xFFFFFF80, s25  }
0x22d: {  	[tilespmem:s12], [sflag:$0x3] =	stream.indirect.gather [hbm4b:s5+s16], $0x20, s30, s16, $0xb8;
	[tilespmem:$0x10980] =	vst v63  }
0x22e: {  	s30 =	simm.s32 $0x7  }
0x22f: {  	_ =	swait.ge [sflag:s17], $0x80  }
0x230: {  	[sflag:s17] =	ssyncset.done $0x0  }
0x231: {  	[sflag:s17] =	ssyncadd.s32 $0xFFFFFF80  }
0x232: {  	_ =	swait.ge [sflag:s18], $0x1000  }
0x233: {  	[sflag:s18] =	ssyncset.done $0x0  }
0x234: {  	[sflag:s18] =	ssyncadd.s32 $0xFFFFF000  }
0x235: {  	[spmem:s1] =	stream.indirect.scatter.add.bf16 [tilespmem:s21], [sflag:$0x12], $0x20, s13, s16, $0xb8;
	[tilespmem:$0x10980] =	vst v63  }
.Ltmp3:
0x236: {  	_ =	swait.ge [sflag:s19], $0x1000;
	(pc) =	sbr.rel @p2 .LBB2_6-.Ltmp3, $4  }
0x237: {  	[sflag:s19] =	ssyncset.done $0x0  }
0x238: {  	s26 =	sadd.s32 $0x9D30, s26;
	[sflag:s19] =	ssyncadd.s32 $0xFFFFF000  }
0x239: {  	[tilespmem:s14], [sflag:$0xA] =	stream.linear.gather [hbm4b:s26+s3], $0x80, $0x38;
	[tilespmem:$0x10980] =	vst v63  }
0x23a: {  	s25 =	sadd.s32 $0x300, s25  }
.Ltmp4:
0x23b: {  	_ = 	snop;
	(pc) =	sbr.rel .LBB2_7-.Ltmp4, $1  }
0x23c: {  	_ =	sdelay $0x3  }
.LBB2_2:
0x23d: {  	s22 =	simm.s32 $0x5120  }
0x23e: {  	[tilespmem:s22], [sflag:$0x1] =	stream.indirect.gather [hbm4b:s4+s16], $0x20, s20, s16, $0xb8;
	[tilespmem:$0x10980] =	vst v63  }
0x23f: {  	s24 =	rddreg [dreg:$0x19]  }
0x240: {  	[tilespmem:s8], [sflag:$0x8] =	stream.linear.gather [hbm4b:s24+s20], $0x80, $0x38;
	[tilespmem:$0x10980] =	vst v63  }
0x241: {  	_ = 	snop  }
0x242: {  	[tilespmem:s28], [sflag:$0x2] =	stream.indirect.gather [hbm4b:s4+s16], $0x20, s16, s16, $0xb8;
	[tilespmem:$0x10980] =	vst v63  }
0x243: {  	s7 =	rddreg [dreg:$0x1a]  }
0x244: {  	[tilespmem:s29], [sflag:$0x9] =	stream.linear.gather [hbm4b:s7+s20], $0x80, $0x38;
	[tilespmem:$0x10980] =	vst v63  }
0x245: {  	s0 =	simm.s32 $0x100;
	s2 =	simm.s32 $0x7120  }
0x246: {  	[tilespmem:s2], [sflag:$0x3] =	stream.indirect.gather [hbm4b:s4+s16], $0x20, s0, s16, $0xb8;
	[tilespmem:$0x10980] =	vst v63  }
0x247: {  	s9 =	rddreg [dreg:$0x1b];
	s10 =	simm.s32 $0x4FA0  }
0x248: {  	[tilespmem:s10], [sflag:$0xA] =	stream.linear.gather [hbm4b:s9+s20], $0x80, $0x38;
	[tilespmem:$0x10980] =	vst v63  }
0x249: {  	s15 =	simm.s32 $0x180;
	s18 =	simm.s32 $0x8120;
	s30 =	simm.s32 $0x7  }
0x24a: {  	[tilespmem:s18], [sflag:$0x4] =	stream.indirect.gather [hbm4b:s4+s16], $0x20, s15, s16, $0xb8;
	[tilespmem:$0x10980] =	vst v63  }
0x24b: {  	_ =	swait.ge [sflag:s30], $0x80  }
0x24c: {  	[sflag:s30] =	ssyncset.done $0x0  }
0x24d: {  	s2 =	simm.s32 $0x1;
	[sflag:s30] =	ssyncadd.s32 $0xFFFFFF80  }
0x24e: {  	_ =	swait.ge [sflag:s2], $0x1000  }
0x24f: {  	[sflag:s2] =	ssyncset.done $0x0  }
0x250: {  	[sflag:s2] =	ssyncadd.s32 $0xFFFFF000  }
0x251: {  	[spmem:s1] =	stream.indirect.scatter.add.bf16 [tilespmem:s22], [sflag:$0xD], $0x20, s31, s16, $0xb8;
	[tilespmem:$0x10980] =	vst v63  }
0x252: {  	s25 =	simm.s32 $0x5020;
	s19 =	rddreg [dreg:$0x1c]  }
0x253: {  	[tilespmem:s25], [sflag:$0xB] =	stream.linear.gather [hbm4b:s19+s20], $0x80, $0x38;
	[tilespmem:$0x10980] =	vst v63  }
0x254: {  	s26 =	simm.s32 $0x200;
	s7 =	simm.s32 $0x9120;
	s9 =	simm.s32 $0x8  }
0x255: {  	[tilespmem:s7], [sflag:$0x5] =	stream.indirect.gather [hbm4b:s4+s16], $0x20, s26, s16, $0xb8;
	[tilespmem:$0x10980] =	vst v63  }
0x256: {  	_ =	swait.ge [sflag:s9], $0x80  }
0x257: {  	[sflag:s9] =	ssyncset.done $0x0  }
0x258: {  	s25 =	simm.s32 $0x2;
	[sflag:s9] =	ssyncadd.s32 $0xFFFFFF80  }
0x259: {  	s15 =	rddreg [dreg:$0x4];
	_ =	swait.ge [sflag:s25], $0x1000  }
0x25a: {  	[sflag:s25] =	ssyncset.done $0x0  }
0x25b: {  	[sflag:s25] =	ssyncadd.s32 $0xFFFFF000  }
0x25c: {  	[spmem:s1] =	stream.indirect.scatter.add.bf16 [tilespmem:s28], [sflag:$0xE], $0x20, s8, s16, $0xb8;
	[tilespmem:$0x10980] =	vst v63  }
0x25d: {  	s7 =	simm.s32 $0x50A0;
	s0 =	rddreg [dreg:$0x1d]  }
0x25e: {  	[tilespmem:s7], [sflag:$0xC] =	stream.linear.gather [hbm4b:s0+s20], $0x80, $0x38;
	[tilespmem:$0x10980] =	vst v63  }
0x25f: {  	s24 =	simm.s32 $0x280;
	s26 =	simm.s32 $0xA120  }
0x260: {  	[tilespmem:s26], [sflag:$0x6] =	stream.indirect.gather [hbm4b:s4+s16], $0x20, s24, s16, $0xb8;
	[tilespmem:$0x10980] =	vst v63  }
0x261: {  	_ =	swait.ge [sflag:s11], $0x80  }
0x262: {  	[sflag:s11] =	ssyncset.done $0x0  }
0x263: {  	[sflag:s11] =	ssyncadd.s32 $0xFFFFFF80  }
0x264: {  	_ =	swait.ge [sflag:s12], $0x1000  }
0x265: {  	[sflag:s12] =	ssyncset.done $0x0  }
0x266: {  	s17 =	simm.s32 $0x7120;
	[sflag:s12] =	ssyncadd.s32 $0xFFFFF000  }
0x267: {  	[spmem:s1] =	stream.indirect.scatter.add.bf16 [tilespmem:s17], [sflag:$0xF], $0x20, s29, s16, $0xb8;
	[tilespmem:$0x10980] =	vst v63  }
0x268: {  	_ =	swait.ge [sflag:s21], $0x1000  }
0x269: {  	[sflag:s21] =	ssyncset.done $0x0  }
0x26a: {  	s0 =	rddreg [dreg:$0x1e];
	[sflag:s21] =	ssyncadd.s32 $0xFFFFF000  }
0x26b: {  	[tilespmem:s31], [sflag:$0x7] =	stream.linear.gather [hbm4b:s0+s20], $0x80, $0x38;
	[tilespmem:$0x10980] =	vst v63  }
0x26c: {  	s7 =	simm.s32 $0x300  }
0x26d: {  	[tilespmem:s22], [sflag:$0x1] =	stream.indirect.gather [hbm4b:s4+s16], $0x20, s7, s16, $0xb8;
	[tilespmem:$0x10980] =	vst v63  }
0x26e: {  	_ =	swait.ge [sflag:s23], $0x80  }
0x26f: {  	[sflag:s23] =	ssyncset.done $0x0  }
0x270: {  	[sflag:s23] =	ssyncadd.s32 $0xFFFFFF80  }
0x271: {  	_ =	swait.ge [sflag:s6], $0x1000  }
0x272: {  	[sflag:s6] =	ssyncset.done $0x0  }
0x273: {  	s10 =	simm.s32 $0x4FA0;
	s18 =	simm.s32 $0x8120;
	[sflag:s6] =	ssyncadd.s32 $0xFFFFF000  }
0x274: {  	[spmem:s1] =	stream.indirect.scatter.add.bf16 [tilespmem:s18], [sflag:$0x10], $0x20, s10, s16, $0xb8;
	[tilespmem:$0x10980] =	vst v63  }
0x275: {  	_ =	swait.ge [sflag:s14], $0x1000  }
0x276: {  	[sflag:s14] =	ssyncset.done $0x0  }
0x277: {  	s10 =	rddreg [dreg:$0x1f];
	[sflag:s14] =	ssyncadd.s32 $0xFFFFF000  }
0x278: {  	[tilespmem:s8], [sflag:$0x8] =	stream.linear.gather [hbm4b:s10+s20], $0x80, $0x38;
	[tilespmem:$0x10980] =	vst v63  }
0x279: {  	s18 =	simm.s32 $0x380  }
0x27a: {  	[tilespmem:s28], [sflag:$0x2] =	stream.indirect.gather [hbm4b:s4+s16], $0x20, s18, s16, $0xb8;
	[tilespmem:$0x10980] =	vst v63  }
0x27b: {  	_ =	swait.ge [sflag:s13], $0x80  }
0x27c: {  	[sflag:s13] =	ssyncset.done $0x0  }
0x27d: {  	s7 =	simm.s32 $0x5;
	[sflag:s13] =	ssyncadd.s32 $0xFFFFFF80  }
0x27e: {  	_ =	swait.ge [sflag:s7], $0x1000  }
0x27f: {  	s19 =	simm.s32 $0x9120;
	[sflag:s7] =	ssyncset.done $0x0  }
0x280: {  	s24 =	simm.s32 $0x5020;
	s10 =	simm.s32 $0xF;
	[sflag:s7] =	ssyncadd.s32 $0xFFFFF000  }
0x281: {  	[spmem:s1] =	stream.indirect.scatter.add.bf16 [tilespmem:s19], [sflag:$0x11], $0x20, s24, s16, $0xb8;
	[tilespmem:$0x10980] =	vst v63  }
0x282: {  	_ =	swait.ge [sflag:s10], $0x1000  }
0x283: {  	s0 =	sld [smem:$0x7F9]  }
0x284: {  	[sflag:s10] =	ssyncset.done $0x0  }
0x285: {  	[sflag:s10] =	ssyncadd.s32 $0xFFFFF000  }
0x286: {  	[tilespmem:s29], [sflag:$0x9] =	stream.linear.gather [hbm4b:s0+s20], $0x80, $0x38;
	[tilespmem:$0x10980] =	vst v63  }
0x287: {  	s17 =	simm.s32 $0x7120;
	s18 =	simm.s32 $0x400  }
0x288: {  	[tilespmem:s17], [sflag:$0x3] =	stream.indirect.gather [hbm4b:s4+s16], $0x20, s18, s16, $0xb8;
	[tilespmem:$0x10980] =	vst v63  }
0x289: {  	s17 =	simm.s32 $0xC  }
0x28a: {  	_ =	swait.ge [sflag:s17], $0x80  }
0x28b: {  	[sflag:s17] =	ssyncset.done $0x0  }
0x28c: {  	s18 =	simm.s32 $0x6;
	[sflag:s17] =	ssyncadd.s32 $0xFFFFFF80  }
0x28d: {  	_ =	swait.ge [sflag:s18], $0x1000  }
0x28e: {  	[sflag:s18] =	ssyncset.done $0x0  }
0x28f: {  	s19 =	simm.s32 $0x50A0;
	s24 =	simm.s32 $0xA120;
	[sflag:s18] =	ssyncadd.s32 $0xFFFFF000  }
0x290: {  	[spmem:s1] =	stream.indirect.scatter.add.bf16 [tilespmem:s24], [sflag:$0x12], $0x20, s19, s16, $0xb8;
	[tilespmem:$0x10980] =	vst v63  }
0x291: {  	s19 =	simm.s32 $0x10  }
0x292: {  	_ =	swait.ge [sflag:s19], $0x1000  }
0x293: {  	s0 =	sld [smem:$0x7FA]  }
0x294: {  	[sflag:s19] =	ssyncset.done $0x0  }
0x295: {  	s26 =	simm.s32 $0x4FA0;
	[sflag:s19] =	ssyncadd.s32 $0xFFFFF000  }
0x296: {  	[tilespmem:s26], [sflag:$0xA] =	stream.linear.gather [hbm4b:s0+s20], $0x80, $0x38;
	[tilespmem:$0x10980] =	vst v63  }
0x297: {  	s24 =	simm.s32 $0x480;
	s26 =	simm.s32 $0x8120  }
0x298: {  	[tilespmem:s26], [sflag:$0x4] =	stream.indirect.gather [hbm4b:s4+s16], $0x20, s24, s16, $0xb8;
	[tilespmem:$0x10980] =	vst v63  }
0x299: {  	_ =	swait.ge [sflag:s30], $0x80  }
0x29a: {  	[sflag:s30] =	ssyncset.done $0x0  }
0x29b: {  	[sflag:s30] =	ssyncadd.s32 $0xFFFFFF80  }
0x29c: {  	_ =	swait.ge [sflag:s2], $0x1000  }
0x29d: {  	[sflag:s2] =	ssyncset.done $0x0  }
0x29e: {  	[sflag:s2] =	ssyncadd.s32 $0xFFFFF000;
	s2 =	simm.s32 $0x11  }
0x29f: {  	[spmem:s1] =	stream.indirect.scatter.add.bf16 [tilespmem:s22], [sflag:$0xD], $0x20, s31, s16, $0xb8;
	[tilespmem:$0x10980] =	vst v63  }
0x2a0: {  	_ =	swait.ge [sflag:s2], $0x1000  }
0x2a1: {  	s20 =	sadd.s32 $0x0, s15;
	[sflag:s2] =	ssyncset.done $0x0  }
0x2a2: {  	s15 =	sadd.s32 $0x9CE0, s20;
	s26 =	simm.s32 $0x5020;
	[sflag:s2] =	ssyncadd.s32 $0xFFFFF000  }
0x2a3: {  	[tilespmem:s26], [sflag:$0xB] =	stream.linear.gather [hbm4b:s15+s3], $0x80, $0x38;
	[tilespmem:$0x10980] =	vst v63  }
0x2a4: {  	s0 =	simm.s32 $0x500;
	s15 =	simm.s32 $0x9120  }
0x2a5: {  	[tilespmem:s15], [sflag:$0x5] =	stream.indirect.gather [hbm4b:s4+s16], $0x20, s0, s16, $0xb8;
	[tilespmem:$0x10980] =	vst v63  }
0x2a6: {  	_ =	swait.ge [sflag:s9], $0x80  }
0x2a7: {  	[sflag:s9] =	ssyncset.done $0x0  }
0x2a8: {  	[sflag:s9] =	ssyncadd.s32 $0xFFFFFF80  }
0x2a9: {  	_ =	swait.ge [sflag:s25], $0x1000  }
0x2aa: {  	[sflag:s25] =	ssyncset.done $0x0  }
0x2ab: {  	s9 =	simm.s32 $0x12;
	[sflag:s25] =	ssyncadd.s32 $0xFFFFF000  }
0x2ac: {  	[spmem:s1] =	stream.indirect.scatter.add.bf16 [tilespmem:s28], [sflag:$0xE], $0x20, s8, s16, $0xb8;
	[tilespmem:$0x10980] =	vst v63  }
0x2ad: {  	_ =	swait.ge [sflag:s9], $0x1000  }
0x2ae: {  	[sflag:s9] =	ssyncset.done $0x0  }
0x2af: {  	s15 =	sadd.s32 $0x9CF0, s20;
	s25 =	simm.s32 $0x50A0;
	[sflag:s9] =	ssyncadd.s32 $0xFFFFF000  }
0x2b0: {  	[tilespmem:s25], [sflag:$0xC] =	stream.linear.gather [hbm4b:s15+s3], $0x80, $0x38;
	[tilespmem:$0x10980] =	vst v63  }
0x2b1: {  	s0 =	simm.s32 $0x580;
	s15 =	simm.s32 $0xA120  }
0x2b2: {  	[tilespmem:s15], [sflag:$0x6] =	stream.indirect.gather [hbm4b:s4+s16], $0x20, s0, s16, $0xb8;
	[tilespmem:$0x10980] =	vst v63  }
0x2b3: {  	_ =	swait.ge [sflag:s11], $0x80  }
0x2b4: {  	[sflag:s11] =	ssyncset.done $0x0  }
0x2b5: {  	[sflag:s11] =	ssyncadd.s32 $0xFFFFFF80  }
0x2b6: {  	_ =	swait.ge [sflag:s12], $0x1000  }
0x2b7: {  	[sflag:s12] =	ssyncset.done $0x0  }
0x2b8: {  	s11 =	simm.s32 $0x7120;
	[sflag:s12] =	ssyncadd.s32 $0xFFFFF000  }
0x2b9: {  	[spmem:s1] =	stream.indirect.scatter.add.bf16 [tilespmem:s11], [sflag:$0xF], $0x20, s29, s16, $0xb8;
	[tilespmem:$0x10980] =	vst v63  }
0x2ba: {  	_ =	swait.ge [sflag:s21], $0x1000  }
0x2bb: {  	[sflag:s21] =	ssyncset.done $0x0  }
0x2bc: {  	[sflag:s21] =	ssyncadd.s32 $0xFFFFF000;
	s21 =	sadd.s32 $0x9D00, s20  }
0x2bd: {  	[tilespmem:s31], [sflag:$0x7] =	stream.linear.gather [hbm4b:s21+s3], $0x80, $0x38;
	[tilespmem:$0x10980] =	vst v63  }
0x2be: {  	s0 =	simm.s32 $0x600  }
0x2bf: {  	[tilespmem:s22], [sflag:$0x1] =	stream.indirect.gather [hbm4b:s4+s16], $0x20, s0, s16, $0xb8;
	[tilespmem:$0x10980] =	vst v63  }
0x2c0: {  	_ =	swait.ge [sflag:s23], $0x80  }
0x2c1: {  	[sflag:s23] =	ssyncset.done $0x0  }
0x2c2: {  	[sflag:s23] =	ssyncadd.s32 $0xFFFFFF80  }
0x2c3: {  	_ =	swait.ge [sflag:s6], $0x1000  }
0x2c4: {  	[sflag:s6] =	ssyncset.done $0x0  }
0x2c5: {  	s12 =	simm.s32 $0x4FA0;
	s21 =	simm.s32 $0x8120;
	[sflag:s6] =	ssyncadd.s32 $0xFFFFF000  }
0x2c6: {  	[spmem:s1] =	stream.indirect.scatter.add.bf16 [tilespmem:s21], [sflag:$0x10], $0x20, s12, s16, $0xb8;
	[tilespmem:$0x10980] =	vst v63  }
0x2c7: {  	_ =	swait.ge [sflag:s14], $0x1000  }
0x2c8: {  	[sflag:s14] =	ssyncset.done $0x0  }
0x2c9: {  	s22 =	sadd.s32 $0x9D10, s20;
	[sflag:s14] =	ssyncadd.s32 $0xFFFFF000  }
0x2ca: {  	[tilespmem:s8], [sflag:$0x8] =	stream.linear.gather [hbm4b:s22+s3], $0x80, $0x38;
	[tilespmem:$0x10980] =	vst v63  }
0x2cb: {  	s23 =	simm.s32 $0x680  }
0x2cc: {  	[tilespmem:s28], [sflag:$0x2] =	stream.indirect.gather [hbm4b:s4+s16], $0x20, s23, s16, $0xb8;
	[tilespmem:$0x10980] =	vst v63  }
0x2cd: {  	_ =	swait.ge [sflag:s13], $0x80  }
0x2ce: {  	[sflag:s13] =	ssyncset.done $0x0  }
0x2cf: {  	[sflag:s13] =	ssyncadd.s32 $0xFFFFFF80  }
0x2d0: {  	_ =	swait.ge [sflag:s7], $0x1000  }
0x2d1: {  	[sflag:s7] =	ssyncset.done $0x0  }
0x2d2: {  	s24 =	simm.s32 $0x9120;
	s26 =	simm.s32 $0x5020;
	[sflag:s7] =	ssyncadd.s32 $0xFFFFF000  }
0x2d3: {  	[spmem:s1] =	stream.indirect.scatter.add.bf16 [tilespmem:s24], [sflag:$0x11], $0x20, s26, s16, $0xb8;
	[tilespmem:$0x10980] =	vst v63  }
0x2d4: {  	_ =	swait.ge [sflag:s10], $0x1000  }
0x2d5: {  	[sflag:s10] =	ssyncset.done $0x0  }
0x2d6: {  	s28 =	sadd.s32 $0x9D20, s20;
	[sflag:s10] =	ssyncadd.s32 $0xFFFFF000  }
0x2d7: {  	[tilespmem:s29], [sflag:$0x9] =	stream.linear.gather [hbm4b:s28+s3], $0x80, $0x38;
	[tilespmem:$0x10980] =	vst v63  }
0x2d8: {  	s31 =	simm.s32 $0x700  }
0x2d9: {  	[tilespmem:s11], [sflag:$0x3] =	stream.indirect.gather [hbm4b:s4+s16], $0x20, s31, s16, $0xb8;
	[tilespmem:$0x10980] =	vst v63  }
0x2da: {  	_ =	swait.ge [sflag:s17], $0x80  }
0x2db: {  	[sflag:s17] =	ssyncset.done $0x0  }
0x2dc: {  	[sflag:s17] =	ssyncadd.s32 $0xFFFFFF80  }
0x2dd: {  	_ =	swait.ge [sflag:s18], $0x1000  }
0x2de: {  	s25 =	simm.s32 $0x50A0;
	s15 =	simm.s32 $0xA120;
	[sflag:s18] =	ssyncset.done $0x0  }
0x2df: {  	s6 =	simm.s32 $0xA;
	s21 =	simm.s32 $0x3;
	[sflag:s18] =	ssyncadd.s32 $0xFFFFF000  }
0x2e0: {  	[spmem:s1] =	stream.indirect.scatter.add.bf16 [tilespmem:s15], [sflag:$0x12], $0x20, s25, s16, $0xb8;
	[tilespmem:$0x10980] =	vst v63  }
0x2e1: {  	s14 =	simm.s32 $0x4;
	s22 =	simm.s32 $0xB;
	_ =	swait.ge [sflag:s19], $0x1000  }
0x2e2: {  	s20 =	sadd.s32 $0x9D30, s20;
	s23 =	simm.s32 $0xD;
	[sflag:s19] =	ssyncset.done $0x0  }
0x2e3: {  	s13 =	simm.s32 $0xE;
	s24 =	simm.s32 $0x60;
	[sflag:s19] =	ssyncadd.s32 $0xFFFFF000  }
0x2e4: {  	[tilespmem:s12], [sflag:$0xA] =	stream.linear.gather [hbm4b:s20+s3], $0x80, $0x38;
	[tilespmem:$0x10980] =	vst v63  }
0x2e5: {  	s25 =	simm.s32 $0xA80;
	s20 =	simm.s32 $0x780;
	s12 =	simm.s32 $0x9  }
.LBB2_3:
0x2e6: {  	s10 =	simm.s32 $0x8120  }
0x2e7: {  	[tilespmem:s10], [sflag:$0x4] =	stream.indirect.gather [hbm4b:s4+s16], $0x20, s20, s16, $0xb8;
	[tilespmem:$0x10980] =	vst v63  }
0x2e8: {  	_ =	swait.ge [sflag:s30], $0x80  }
0x2e9: {  	[sflag:s30] =	ssyncset.done $0x0  }
0x2ea: {  	s0 =	simm.s32 $0x1;
	[sflag:s30] =	ssyncadd.s32 $0xFFFFFF80  }
0x2eb: {  	_ =	swait.ge [sflag:s0], $0x1000  }
0x2ec: {  	[sflag:s0] =	ssyncset.done $0x0  }
0x2ed: {  	s11 =	simm.s32 $0x5120;
	s19 =	simm.s32 $0x4E20;
	[sflag:s0] =	ssyncadd.s32 $0xFFFFF000  }
0x2ee: {  	[spmem:s1] =	stream.indirect.scatter.add.bf16 [tilespmem:s11], [sflag:$0xD], $0x20, s19, s16, $0xb8;
	[tilespmem:$0x10980] =	vst v63  }
0x2ef: {  	_ =	swait.ge [sflag:s2], $0x1000  }
0x2f0: {  	s26 =	smov.u32 s24;
	s17 =	rddreg [dreg:$0x4]  }
0x2f1: {  	[sflag:s2] =	ssyncset.done $0x0;
	s26 =	sadd.s32 s26, s17  }
0x2f2: {  	s7 =	simm.s32 $0x5020;
	[sflag:s2] =	ssyncadd.s32 $0xFFFFF000;
	s30 =	sadd.s32 $0x9CE0, s26  }
0x2f3: {  	[tilespmem:s7], [sflag:$0xB] =	stream.linear.gather [hbm4b:s30+s3], $0x80, $0x38;
	[tilespmem:$0x10980] =	vst v63  }
0x2f4: {  	s28 =	simm.s32 $0x9120;
	s18 =	simm.s32 $0x8;
	s30 =	sadd.s32 $0xFFFFFD80, s25  }
0x2f5: {  	[tilespmem:s28], [sflag:$0x5] =	stream.indirect.gather [hbm4b:s4+s16], $0x20, s30, s16, $0xb8;
	[tilespmem:$0x10980] =	vst v63  }
0x2f6: {  	_ =	swait.ge [sflag:s18], $0x80  }
0x2f7: {  	[sflag:s18] =	ssyncset.done $0x0  }
0x2f8: {  	s29 =	simm.s32 $0x2;
	[sflag:s18] =	ssyncadd.s32 $0xFFFFFF80  }
0x2f9: {  	_ =	swait.ge [sflag:s29], $0x1000  }
0x2fa: {  	[sflag:s29] =	ssyncset.done $0x0  }
0x2fb: {  	s31 =	simm.s32 $0x6120;
	s18 =	simm.s32 $0x4EA0;
	[sflag:s29] =	ssyncadd.s32 $0xFFFFF000  }
0x2fc: {  	[spmem:s1] =	stream.indirect.scatter.add.bf16 [tilespmem:s31], [sflag:$0xE], $0x20, s18, s16, $0xb8;
	[tilespmem:$0x10980] =	vst v63  }
0x2fd: {  	_ =	swait.ge [sflag:s9], $0x1000  }
0x2fe: {  	[sflag:s9] =	ssyncset.done $0x0  }
0x2ff: {  	s8 =	simm.s32 $0x50A0;
	s30 =	sadd.s32 $0x9CF0, s26;
	[sflag:s9] =	ssyncadd.s32 $0xFFFFF000  }
0x300: {  	[tilespmem:s8], [sflag:$0xC] =	stream.linear.gather [hbm4b:s30+s3], $0x80, $0x38;
	[tilespmem:$0x10980] =	vst v63  }
0x301: {  	s29 =	simm.s32 $0xA120;
	s30 =	sadd.s32 $0xFFFFFE00, s25  }
0x302: {  	[tilespmem:s29], [sflag:$0x6] =	stream.indirect.gather [hbm4b:s4+s16], $0x20, s30, s16, $0xb8;
	[tilespmem:$0x10980] =	vst v63  }
0x303: {  	_ =	swait.ge [sflag:s12], $0x80  }
0x304: {  	[sflag:s12] =	ssyncset.done $0x0  }
0x305: {  	[sflag:s12] =	ssyncadd.s32 $0xFFFFFF80  }
0x306: {  	_ =	swait.ge [sflag:s21], $0x1000  }
0x307: {  	[sflag:s21] =	ssyncset.done $0x0  }
0x308: {  	s15 =	simm.s32 $0x7120;
	s17 =	simm.s32 $0x4F20;
	[sflag:s21] =	ssyncadd.s32 $0xFFFFF000  }
0x309: {  	[spmem:s1] =	stream.indirect.scatter.add.bf16 [tilespmem:s15], [sflag:$0xF], $0x20, s17, s16, $0xb8;
	[tilespmem:$0x10980] =	vst v63  }
0x30a: {  	_ =	swait.ge [sflag:s23], $0x1000  }
0x30b: {  	[sflag:s23] =	ssyncset.done $0x0  }
0x30c: {  	s30 =	sadd.s32 $0x9D00, s26;
	[sflag:s23] =	ssyncadd.s32 $0xFFFFF000  }
0x30d: {  	[tilespmem:s19], [sflag:$0x7] =	stream.linear.gather [hbm4b:s30+s3], $0x80, $0x38;
	[tilespmem:$0x10980] =	vst v63  }
0x30e: {  	s30 =	sadd.s32 $0xFFFFFE80, s25  }
0x30f: {  	[tilespmem:s11], [sflag:$0x1] =	stream.indirect.gather [hbm4b:s4+s16], $0x20, s30, s16, $0xb8;
	[tilespmem:$0x10980] =	vst v63  }
0x310: {  	_ =	swait.ge [sflag:s6], $0x80  }
0x311: {  	[sflag:s6] =	ssyncset.done $0x0  }
0x312: {  	[sflag:s6] =	ssyncadd.s32 $0xFFFFFF80  }
0x313: {  	_ =	swait.ge [sflag:s14], $0x1000  }
0x314: {  	[sflag:s14] =	ssyncset.done $0x0  }
0x315: {  	s0 =	simm.s32 $0x4FA0;
	[sflag:s14] =	ssyncadd.s32 $0xFFFFF000  }
0x316: {  	[spmem:s1] =	stream.indirect.scatter.add.bf16 [tilespmem:s10], [sflag:$0x10], $0x20, s0, s16, $0xb8;
	[tilespmem:$0x10980] =	vst v63  }
0x317: {  	_ =	swait.ge [sflag:s13], $0x1000  }
0x318: {  	[sflag:s13] =	ssyncset.done $0x0  }
0x319: {  	s30 =	sadd.s32 $0x9D10, s26;
	[sflag:s13] =	ssyncadd.s32 $0xFFFFF000  }
0x31a: {  	[tilespmem:s18], [sflag:$0x8] =	stream.linear.gather [hbm4b:s30+s3], $0x80, $0x38;
	[tilespmem:$0x10980] =	vst v63  }
0x31b: {  	s30 =	sadd.s32 $0xFFFFFF00, s25  }
0x31c: {  	[tilespmem:s31], [sflag:$0x2] =	stream.indirect.gather [hbm4b:s4+s16], $0x20, s30, s16, $0xb8;
	[tilespmem:$0x10980] =	vst v63  }
0x31d: {  	_ =	swait.ge [sflag:s22], $0x80  }
0x31e: {  	[sflag:s22] =	ssyncset.done $0x0  }
0x31f: {  	s31 =	simm.s32 $0x5;
	[sflag:s22] =	ssyncadd.s32 $0xFFFFFF80  }
0x320: {  	_ =	swait.ge [sflag:s31], $0x1000  }
0x321: {  	[sflag:s31] =	ssyncset.done $0x0  }
0x322: {  	s18 =	simm.s32 $0xF;
	[sflag:s31] =	ssyncadd.s32 $0xFFFFF000  }
0x323: {  	[spmem:s1] =	stream.indirect.scatter.add.bf16 [tilespmem:s28], [sflag:$0x11], $0x20, s7, s16, $0xb8;
	[tilespmem:$0x10980] =	vst v63  }
0x324: {  	_ =	swait.ge [sflag:s18], $0x1000  }
0x325: {  	[sflag:s18] =	ssyncset.done $0x0  }
0x326: {  	s30 =	sadd.s32 $0x9D20, s26;
	[sflag:s18] =	ssyncadd.s32 $0xFFFFF000  }
0x327: {  	[tilespmem:s17], [sflag:$0x9] =	stream.linear.gather [hbm4b:s30+s3], $0x80, $0x38;
	[tilespmem:$0x10980] =	vst v63  }
0x328: {  	s19 =	simm.s32 $0xC;
	s30 =	sadd.s32 $0xFFFFFF80, s25  }
0x329: {  	[tilespmem:s15], [sflag:$0x3] =	stream.indirect.gather [hbm4b:s4+s16], $0x20, s30, s16, $0xb8;
	[tilespmem:$0x10980] =	vst v63  }
0x32a: {  	_ =	swait.ge [sflag:s19], $0x80  }
0x32b: {  	[sflag:s19] =	ssyncset.done $0x0  }
0x32c: {  	s28 =	simm.s32 $0x6;
	[sflag:s19] =	ssyncadd.s32 $0xFFFFFF80  }
0x32d: {  	_ =	swait.ge [sflag:s28], $0x1000  }
0x32e: {  	[sflag:s28] =	ssyncset.done $0x0  }
0x32f: {  	p2 =	seq.s32 s24, $0x8A0;
	[sflag:s28] =	ssyncadd.s32 $0xFFFFF000  }
0x330: {  	[spmem:s1] =	stream.indirect.scatter.add.bf16 [tilespmem:s29], [sflag:$0x12], $0x20, s8, s16, $0xb8;
	[tilespmem:$0x10980] =	vst v63  }
.Ltmp5:
0x331: {  	s31 =	simm.s32 $0x10;
	(pc) =	sbr.rel @!p2 .LBB2_3-.Ltmp5, $4  }
0x332: {  	s24 =	sadd.s32 $0x60, s24;
	s20 =	smov.u32 s25;
	_ =	swait.ge [sflag:s31], $0x1000  }
0x333: {  	s11 =	simm.s32 $0x8120;
	s26 =	sadd.s32 $0x9D30, s26;
	[sflag:s31] =	ssyncset.done $0x0  }
0x334: {  	s25 =	sadd.s32 $0x300, s25;
	s30 =	simm.s32 $0x7;
	[sflag:s31] =	ssyncadd.s32 $0xFFFFF000  }
0x335: {  	[tilespmem:s0], [sflag:$0xA] =	stream.linear.gather [hbm4b:s26+s3], $0x80, $0x38;
	[tilespmem:$0x10980] =	vst v63  }
0x336: {  	[tilespmem:s11], [sflag:$0x4] =	stream.indirect.gather [hbm4b:s4+s16], $0x20, s20, s16, $0xb8;
	[tilespmem:$0x10980] =	vst v63  }
.Ltmp6:
0x337: {  	_ = 	snop;
	(pc) =	sbr.rel .LBB2_8-.Ltmp6, $4  }
0x338: {  	s20 =	smov.u32 s4  }
0x339: {  	s25 =	simm.s32 $0x8120;
	s19 =	sld [smem:$0x7F8];
	s11 =	simm.s32 $0x9  }
0x33a: {  	s12 =	simm.s32 $0x3;
	s21 =	simm.s32 $0xD;
	s23 =	simm.s32 $0xA  }
0x33b: {  	s6 =	simm.s32 $0x4;
	s14 =	simm.s32 $0xE;
	s13 =	simm.s32 $0xB  }
.LBB2_9:
0x33c: {  	_ =	sfence.sel $0x180000  }
0x33d: {  	[bflag:$0x0] =	sbarrier.arrive $0xFFFF  }
0x33e: {  	_ =	strace $0x90000047  }
0x33f: {  	s0 =	stileid.u32;
	[bflag:$0x2] =	sbarrier.arrive $0xFFFF  }
0x340: {  	p0 =	sne.s32 s0, $0x0;
	s0 =	rddreg [dreg:$0x3]  }
0x341: {  	s0 =	sadd.s32 @!p0 $0x100000, s0  }
0x342: {  	[sflag:s0] =	ssyncadd.tile.s32 @!p0 $0x1;
	_ =	shalt  }
.Lfunc_end2:
_tile_overlayer_lowered:
.L_overlay_start_2:
0x343: {  	(tag) =	ssettag $0x2  }
0x344: {  	s0 =	rddreg [dreg:$0x0];
	s2 =	stileid.u32  }
0x345: {  	s1 =	rddreg [dreg:$0x1];
	p0 =	sne.s32 s2, $0x0  }
0x346: {  	s3 =	rddreg [dreg:$0x2];
	[bflag:$0x3] =	sbarrier.arrive $0xFFFF;
	s2 =	simm.s32 @!p0 $0x1C13  }
0x347: {  	[timem:s3], [sflag:s2] =	dma.local @!p0 [hbm:s0], s1  }
0x348: {  	s0 =	simm.s32 @!p0 $0x13  }
0x349: {  	_ =	swait.ge @!p0 [sflag:s0], s1  }
0x34a: {  	s1 =	ssub.s32 @!p0 $0x0, s1;
	[sflag:s0] =	ssyncset.done @!p0 $0x0  }
0x34b: {  	[sflag:s0] =	ssyncadd.s32 @!p0 s1  }
0x34c: {  	[bflag:$0x3] =	sbarrier.arrive $0xFFFF  }
0x34d: {  	_ =	shalt  }

</sc_bundles>
